<compile_context>
chip_gen: v7x
topology: tpu7x:2x2x1
jax: 0.10.2.dev20260603
libtpu: 0.0.44.dev20260713+nightly
codegen_flags: <defaults>
</compile_context>

<pallas_src>
import jax
import jax.numpy as jnp
from jax.experimental import pallas as pl

CONF_THRES = 0.25
IOU_THRES = 0.45
MAX_NMS = 1000
MAX_DET = 300
MAX_WH = 4096.0

_N = 1024
_R = 512
_ROWS = 4000
_RPAD = 4096
_NR = 5
_MPAD = 5120


def _filter_body(conf_ref, cls_ref, bx_ref, by_ref, bw_ref, bh_ref,
                 scores_ref, ocls_ref, ox_ref, oy_ref, ow_ref, oh_ref):
    pad = jnp.full((_RPAD - _ROWS,), -2.0)
    zpad = jnp.zeros((_RPAD - _ROWS,))
    for b in range(conf_ref.shape[0]):
        for r in range(_NR):
            sl = pl.ds(r * _ROWS, _ROWS)
            confv = conf_ref[b, sl]
            scores_ref[b, r, :_ROWS] = jnp.where(confv > CONF_THRES,
                                                 confv, -1.0)
            scores_ref[b, r, _ROWS:] = pad
            ocls_ref[b, r, :_ROWS] = cls_ref[b, sl]
            ocls_ref[b, r, _ROWS:] = zpad
            ox_ref[b, r, :_ROWS] = bx_ref[b, sl]
            ox_ref[b, r, _ROWS:] = zpad
            oy_ref[b, r, :_ROWS] = by_ref[b, sl]
            oy_ref[b, r, _ROWS:] = zpad
            ow_ref[b, r, :_ROWS] = bw_ref[b, sl]
            ow_ref[b, r, _ROWS:] = zpad
            oh_ref[b, r, :_ROWS] = bh_ref[b, sl]
            oh_ref[b, r, _ROWS:] = zpad


def _filter_chunk(conf, cls_id, bx, by, bw, bh):
    B, N = conf.shape
    ispec = pl.BlockSpec((B, N), lambda: (0, 0))
    ospec = pl.BlockSpec((B, _NR, _RPAD), lambda: (0, 0, 0))
    shp = jax.ShapeDtypeStruct((B, _NR, _RPAD), jnp.float32)
    return pl.pallas_call(
        _filter_body,
        grid=(),
        in_specs=[ispec] * 6,
        out_specs=[ospec] * 6,
        out_shape=[shp] * 6,
    )(conf, cls_id, bx, by, bw, bh)


def _nms_body(d_ref, out_ref):
    d = d_ref[0]

    sub = jax.lax.broadcasted_iota(jnp.int32, (_N, _N), 0)
    lan = jax.lax.broadcasted_iota(jnp.int32, (_N, _N), 1)
    eq = sub == lan

    def to_col(r):
        return jnp.sum(jnp.where(eq, r, 0.0), axis=1, keepdims=True)

    xr, yr, wr, hr = d[0:1, :], d[1:2, :], d[2:3, :], d[3:4, :]
    scr, clr = d[4:5, :], d[5:6, :]
    offr = clr * MAX_WH
    rx1 = (xr - wr / 2.0) + offr
    ry1 = (yr - hr / 2.0) + offr
    rx2 = (xr + wr / 2.0) + offr
    ry2 = (yr + hr / 2.0) + offr
    area_r = (rx2 - rx1) * (ry2 - ry1)

    xc, yc, wc, hc = to_col(xr), to_col(yr), to_col(wr), to_col(hr)
    scc, clc = to_col(scr), to_col(clr)
    offc = clc * MAX_WH
    cx1 = (xc - wc / 2.0) + offc
    cy1 = (yc - hc / 2.0) + offc
    cx2 = (xc + wc / 2.0) + offc
    cy2 = (yc + hc / 2.0) + offc
    area_c = (cx2 - cx1) * (cy2 - cy1)

    iw = jnp.clip(jnp.minimum(cx2, rx2) - jnp.maximum(cx1, rx1), 0.0, None)
    ih = jnp.clip(jnp.minimum(cy2, ry2) - jnp.maximum(cy1, ry1), 0.0, None)
    inter = iw * ih
    iou = inter / (area_c + area_r - inter + 1e-9)

    lower = sub < lan
    Mf = jnp.where(lower & (iou > IOU_THRES), 1.0, 0.0)

    alive = jnp.where(scr > CONF_THRES, 1.0, 0.0)

    def cond(carry):
        _, changed = carry
        return changed

    def body(carry):
        S, _ = carry
        supp = jnp.dot(S, Mf, preferred_element_type=jnp.float32)
        S_new = alive * jnp.where(supp < 0.5, 1.0, 0.0)
        return S_new, jnp.any(S_new != S)

    keep, _ = jax.lax.while_loop(cond, body, (alive, jnp.bool_(True)))

    LTf = jnp.where(lower, 1.0, 0.0)
    rank = jnp.dot(keep, LTf, preferred_element_type=jnp.float32)

    rsub = jax.lax.broadcasted_iota(jnp.int32, (_R, _N), 0)
    PT = jnp.where((rank.astype(jnp.int32) == rsub) & (keep > 0.5), 1.0, 0.0)

    zc = jnp.zeros_like(xc)
    Dcol = jnp.concatenate(
        [xc - wc / 2.0, yc - hc / 2.0, xc + wc / 2.0, yc + hc / 2.0,
         scc, clc, zc, zc], axis=1)

    out_ref[0] = jnp.dot(PT, Dcol, preferred_element_type=jnp.float32)


def _run_nms(d):
    B = d.shape[0]
    return pl.pallas_call(
        _nms_body,
        grid=(B,),
        in_specs=[pl.BlockSpec((1, 6, _N), lambda b: (b, 0, 0))],
        out_specs=pl.BlockSpec((1, _R, 8), lambda b: (b, 0, 0)),
        out_shape=jax.ShapeDtypeStruct((B, _R, 8), jnp.float32),
    )(d)


def kernel(x):
    pred = x[0]
    B, N, _ = pred.shape

    obj = pred[..., 4]
    cls_conf = pred[..., 5:] * obj[..., None]
    conf = jnp.max(cls_conf, axis=-1)
    cls_id = jnp.argmax(cls_conf, axis=-1).astype(jnp.float32)
    bx, by, bw, bh = (pred[..., 0], pred[..., 1],
                      pred[..., 2], pred[..., 3])

    scores, cm0, xm0, ym0, wm0, hm0 = _filter_chunk(
        conf, cls_id, bx, by, bw, bh)

    v1, li = jax.lax.top_k(scores, MAX_NMS)
    g1 = li + (jnp.arange(_NR, dtype=li.dtype) * _RPAD)[None, :, None]
    mpad = _MPAD - _NR * MAX_NMS
    vm = jnp.pad(v1.reshape(B, _NR * MAX_NMS), ((0, 0), (0, mpad)),
                 constant_values=-2.0)
    gm = jnp.pad(g1.reshape(B, _NR * MAX_NMS), ((0, 0), (0, mpad)))

    sc, i2 = jax.lax.top_k(vm, MAX_NMS)
    idx = jnp.take_along_axis(gm, i2, axis=1)
    csel, xs, ys, ws, hs = [
        jnp.take_along_axis(a.reshape(B, _NR * _RPAD), idx, axis=1)
        for a in (cm0, xm0, ym0, wm0, hm0)]

    pad = _N - MAX_NMS
    sc = jnp.pad(sc, ((0, 0), (0, pad)), constant_values=-1.0)
    csel, xs, ys, ws, hs = [jnp.pad(a, ((0, 0), (0, pad)))
                            for a in (csel, xs, ys, ws, hs)]
    d = jnp.stack([xs, ys, ws, hs, sc, csel], axis=1)

    out = _run_nms(d)
    return out[:, :MAX_DET, :6]

# --- scband reference (transcript-rebuilt; emitter-appended) ---
"""Pipeline reference for scband-nms-export-15728170238048 (READ-ONLY COPY).

The authoritative reference and input builder live on the scoring server;
editing this copy changes nothing except your own understanding.
"""

import jax, jax.numpy as jnp
import numpy as np

CONF_THRES = 0.25
IOU_THRES = 0.45
MAX_NMS = 1000
MAX_DET = 300
MAX_WH = 4096.0


def xywh2xyxy(x):
    xy = x[..., :2]
    wh = x[..., 2:4]
    return jnp.concatenate([xy - wh / 2.0, xy + wh / 2.0], axis=-1)


def box_iou(b1, b2):
    area1 = (b1[:, 2] - b1[:, 0]) * (b1[:, 3] - b1[:, 1])
    area2 = (b2[:, 2] - b2[:, 0]) * (b2[:, 3] - b2[:, 1])
    lt = jnp.maximum(b1[:, None, :2], b2[None, :, :2])
    rb = jnp.minimum(b1[:, None, 2:4], b2[None, :, 2:4])
    wh = jnp.clip(rb - lt, 0.0, None)
    inter = wh[..., 0] * wh[..., 1]
    return inter / (area1[:, None] + area2[None, :] - inter + 1e-9)


def _nms_image(box_i, scores_i, cls_i):
    # pre-NMS top-k by confidence (export-friendly, fixed shapes)
    sc, idx = jax.lax.top_k(scores_i, MAX_NMS)
    b = box_i[idx]
    c = cls_i[idx]
    # per-class offset trick so NMS is done per class
    ob = b + c[:, None] * MAX_WH
    iou = box_iou(ob, ob)
    n = MAX_NMS
    keep0 = sc > CONF_THRES

    def body(i, keep):
        mask = (jnp.arange(n) < i) & keep & (iou[:, i] > IOU_THRES)
        return keep.at[i].set(keep[i] & jnp.logical_not(jnp.any(mask)))

    keep = jax.lax.fori_loop(0, n, body, keep0)
    # stable argsort: kept boxes first, already in descending score order
    sel = jnp.argsort(jnp.logical_not(keep))[:MAX_DET]
    ok = keep[sel][:, None]
    det = jnp.concatenate([b[sel], sc[sel][:, None], c[sel][:, None]], axis=1)
    return jnp.where(ok, det, 0.0)


def _forward(x):
    pred = x[0]  # [B, N, 5+nc]
    box = xywh2xyxy(pred[..., :4])
    obj = pred[..., 4:5]
    cls_conf = pred[..., 5:] * obj  # conf = obj_conf * cls_conf
    conf = jnp.max(cls_conf, axis=-1)
    cls_id = jnp.argmax(cls_conf, axis=-1).astype(jnp.float32)
    scores = jnp.where(conf > CONF_THRES, conf, -1.0)
    return jax.vmap(_nms_image)(box, scores, cls_id)


def setup_inputs(seed: int = 0):
    key = jax.random.key(seed)
    x = jax.random.uniform(key, (1, 4, 20000, 85), dtype=jnp.float32)
    return {"x": x}


def reference(x):
    return _forward(x)

if __name__ == "__main__":
    import jax
    _d = setup_inputs()
    print(jax.jit(kernel)(*tuple(_d.values())))

</pallas_src>

<mosaic_0001>
module attributes {stable_mosaic.version = 14 : i64} {
  func.func @_filter_body(%arg0: memref<4x20000xf32, #tpu.memory_space<vmem>>, %arg1: memref<4x20000xf32, #tpu.memory_space<vmem>>, %arg2: memref<4x20000xf32, #tpu.memory_space<vmem>>, %arg3: memref<4x20000xf32, #tpu.memory_space<vmem>>, %arg4: memref<4x20000xf32, #tpu.memory_space<vmem>>, %arg5: memref<4x20000xf32, #tpu.memory_space<vmem>>, %arg6: memref<4x5x4096xf32, #tpu.memory_space<vmem>>, %arg7: memref<4x5x4096xf32, #tpu.memory_space<vmem>>, %arg8: memref<4x5x4096xf32, #tpu.memory_space<vmem>>, %arg9: memref<4x5x4096xf32, #tpu.memory_space<vmem>>, %arg10: memref<4x5x4096xf32, #tpu.memory_space<vmem>>, %arg11: memref<4x5x4096xf32, #tpu.memory_space<vmem>>) attributes {dimension_semantics = [], scalar_prefetch = 0 : i64, scratch_operands = 0 : i64, tpu.core_type = #tpu.core_type<tc>} {
    %broadcast_in_dim3A = arith.constant -2.000000e+00 : f32
    %broadcast_in_dim3A_0 = vector.broadcast %broadcast_in_dim3A : f32 to vector<96xf32>
    %broadcast_in_dim3A_1 = arith.constant 0.000000e+00 : f32
    %broadcast_in_dim3A_2 = vector.broadcast %broadcast_in_dim3A_1 : f32 to vector<96xf32>
    %get3A = arith.constant 0 : index
    %get3A_3 = arith.constant 0 : index
    %get3A_4 = vector.load %arg0[%get3A, %get3A_3] : memref<4x20000xf32, #tpu.memory_space<vmem>>, vector<1x4000xf32>
    %get3A_5 = vector.shape_cast %get3A_4 : vector<1x4000xf32> to vector<4000xf32>
    %gt3A = arith.constant 2.500000e-01 : f32
    %gt3A_6 = vector.broadcast %gt3A : f32 to vector<4000xf32>
    %gt3A_7 = arith.cmpf ogt, %get3A_5, %gt3A_6 : vector<4000xf32>
    %jit3A = arith.constant -1.000000e+00 : f32
    %broadcast_in_dim3A_8 = vector.broadcast %jit3A : f32 to vector<4000xf32>
    %select_n3A = arith.select %gt3A_7, %get3A_5, %broadcast_in_dim3A_8 : vector<4000xi1>, vector<4000xf32>
    %swap3A = arith.constant 0 : index
    %swap3A_9 = arith.constant 0 : index
    %swap3A_10 = arith.constant 0 : index
    %swap3A_11 = vector.load %arg6[%swap3A, %swap3A_9, %swap3A_10] : memref<4x5x4096xf32, #tpu.memory_space<vmem>>, vector<1x1x4000xf32>
    %swap3A_12 = vector.shape_cast %swap3A_11 : vector<1x1x4000xf32> to vector<4000xf32>
    %swap3A_13 = vector.shape_cast %select_n3A : vector<4000xf32> to vector<1x1x4000xf32>
    tpu.vector_store %arg6[%swap3A, %swap3A_9, %swap3A_10], %swap3A_13 {strides = array<i32>} : memref<4x5x4096xf32, #tpu.memory_space<vmem>>, vector<1x1x4000xf32>,
    %swap3A_14 = arith.constant 0 : index
    %swap3A_15 = arith.constant 0 : index
    %swap3A_16 = arith.constant 4000 : index
    %swap3A_17 = vector.load %arg6[%swap3A_14, %swap3A_15, %swap3A_16] : memref<4x5x4096xf32, #tpu.memory_space<vmem>>, vector<1x1x96xf32>
    %swap3A_18 = vector.shape_cast %swap3A_17 : vector<1x1x96xf32> to vector<96xf32>
    %swap3A_19 = vector.shape_cast %broadcast_in_dim3A_0 : vector<96xf32> to vector<1x1x96xf32>
    tpu.vector_store %arg6[%swap3A_14, %swap3A_15, %swap3A_16], %swap3A_19 {strides = array<i32>} : memref<4x5x4096xf32, #tpu.memory_space<vmem>>, vector<1x1x96xf32>,
    %get3A_20 = arith.constant 0 : index
    %get3A_21 = arith.constant 0 : index
    %get3A_22 = vector.load %arg1[%get3A_20, %get3A_21] : memref<4x20000xf32, #tpu.memory_space<vmem>>, vector<1x4000xf32>
    %get3A_23 = vector.shape_cast %get3A_22 : vector<1x4000xf32> to vector<4000xf32>
    %swap3A_24 = arith.constant 0 : index
    %swap3A_25 = arith.constant 0 : index
    %swap3A_26 = arith.constant 0 : index
    %swap3A_27 = vector.load %arg7[%swap3A_24, %swap3A_25, %swap3A_26] : memref<4x5x4096xf32, #tpu.memory_space<vmem>>, vector<1x1x4000xf32>
    %swap3A_28 = vector.shape_cast %swap3A_27 : vector<1x1x4000xf32> to vector<4000xf32>
    %swap3A_29 = vector.shape_cast %get3A_23 : vector<4000xf32> to vector<1x1x4000xf32>
    tpu.vector_store %arg7[%swap3A_24, %swap3A_25, %swap3A_26], %swap3A_29 {strides = array<i32>} : memref<4x5x4096xf32, #tpu.memory_space<vmem>>, vector<1x1x4000xf32>,
    %swap3A_30 = arith.constant 0 : index
    %swap3A_31 = arith.constant 0 : index
    %swap3A_32 = arith.constant 4000 : index
    %swap3A_33 = vector.load %arg7[%swap3A_30, %swap3A_31, %swap3A_32] : memref<4x5x4096xf32, #tpu.memory_space<vmem>>, vector<1x1x96xf32>
    %swap3A_34 = vector.shape_cast %swap3A_33 : vector<1x1x96xf32> to vector<96xf32>
    %swap3A_35 = vector.shape_cast %broadcast_in_dim3A_2 : vector<96xf32> to vector<1x1x96xf32>
    tpu.vector_store %arg7[%swap3A_30, %swap3A_31, %swap3A_32], %swap3A_35 {strides = array<i32>} : memref<4x5x4096xf32, #tpu.memory_space<vmem>>, vector<1x1x96xf32>,
    %get3A_36 = arith.constant 0 : index
    %get3A_37 = arith.constant 0 : index
    %get3A_38 = vector.load %arg2[%get3A_36, %get3A_37] : memref<4x20000xf32, #tpu.memory_space<vmem>>, vector<1x4000xf32>
    %get3A_39 = vector.shape_cast %get3A_38 : vector<1x4000xf32> to vector<4000xf32>
    %swap3A_40 = arith.constant 0 : index
    %swap3A_41 = arith.constant 0 : index
    %swap3A_42 = arith.constant 0 : index
    %swap3A_43 = vector.load %arg8[%swap3A_40, %swap3A_41, %swap3A_42] : memref<4x5x4096xf32, #tpu.memory_space<vmem>>, vector<1x1x4000xf32>
    %swap3A_44 = vector.shape_cast %swap3A_43 : vector<1x1x4000xf32> to vector<4000xf32>
    %swap3A_45 = vector.shape_cast %get3A_39 : vector<4000xf32> to vector<1x1x4000xf32>
    tpu.vector_store %arg8[%swap3A_40, %swap3A_41, %swap3A_42], %swap3A_45 {strides = array<i32>} : memref<4x5x4096xf32, #tpu.memory_space<vmem>>, vector<1x1x4000xf32>,
    %swap3A_46 = arith.constant 0 : index
    %swap3A_47 = arith.constant 0 : index
    %swap3A_48 = arith.constant 4000 : index
    %swap3A_49 = vector.load %arg8[%swap3A_46, %swap3A_47, %swap3A_48] : memref<4x5x4096xf32, #tpu.memory_space<vmem>>, vector<1x1x96xf32>
    %swap3A_50 = vector.shape_cast %swap3A_49 : vector<1x1x96xf32> to vector<96xf32>
    %swap3A_51 = vector.shape_cast %broadcast_in_dim3A_2 : vector<96xf32> to vector<1x1x96xf32>
    tpu.vector_store %arg8[%swap3A_46, %swap3A_47, %swap3A_48], %swap3A_51 {strides = array<i32>} : memref<4x5x4096xf32, #tpu.memory_space<vmem>>, vector<1x1x96xf32>,
    %get3A_52 = arith.constant 0 : index
    %get3A_53 = arith.constant 0 : index
    %get3A_54 = vector.load %arg3[%get3A_52, %get3A_53] : memref<4x20000xf32, #tpu.memory_space<vmem>>, vector<1x4000xf32>
    %get3A_55 = vector.shape_cast %get3A_54 : vector<1x4000xf32> to vector<4000xf32>
    %swap3A_56 = arith.constant 0 : index
    %swap3A_57 = arith.constant 0 : index
    %swap3A_58 = arith.constant 0 : index
    %swap3A_59 = vector.load %arg9[%swap3A_56, %swap3A_57, %swap3A_58] : memref<4x5x4096xf32, #tpu.memory_space<vmem>>, vector<1x1x4000xf32>
    %swap3A_60 = vector.shape_cast %swap3A_59 : vector<1x1x4000xf32> to vector<4000xf32>
    %swap3A_61 = vector.shape_cast %get3A_55 : vector<4000xf32> to vector<1x1x4000xf32>
    tpu.vector_store %arg9[%swap3A_56, %swap3A_57, %swap3A_58], %swap3A_61 {strides = array<i32>} : memref<4x5x4096xf32, #tpu.memory_space<vmem>>, vector<1x1x4000xf32>,
    %swap3A_62 = arith.constant 0 : index
    %swap3A_63 = arith.constant 0 : index
    %swap3A_64 = arith.constant 4000 : index
    %swap3A_65 = vector.load %arg9[%swap3A_62, %swap3A_63, %swap3A_64] : memref<4x5x4096xf32, #tpu.memory_space<vmem>>, vector<1x1x96xf32>
    %swap3A_66 = vector.shape_cast %swap3A_65 : vector<1x1x96xf32> to vector<96xf32>
    %swap3A_67 = vector.shape_cast %broadcast_in_dim3A_2 : vector<96xf32> to vector<1x1x96xf32>
    tpu.vector_store %arg9[%swap3A_62, %swap3A_63, %swap3A_64], %swap3A_67 {strides = array<i32>} : memref<4x5x4096xf32, #tpu.memory_space<vmem>>, vector<1x1x96xf32>,
    %get3A_68 = arith.constant 0 : index
    %get3A_69 = arith.constant 0 : index
    %get3A_70 = vector.load %arg4[%get3A_68, %get3A_69] : memref<4x20000xf32, #tpu.memory_space<vmem>>, vector<1x4000xf32>
    %get3A_71 = vector.shape_cast %get3A_70 : vector<1x4000xf32> to vector<4000xf32>
    %swap3A_72 = arith.constant 0 : index
    %swap3A_73 = arith.constant 0 : index
    %swap3A_74 = arith.constant 0 : index
    %swap3A_75 = vector.load %arg10[%swap3A_72, %swap3A_73, %swap3A_74] : memref<4x5x4096xf32, #tpu.memory_space<vmem>>, vector<1x1x4000xf32>
    %swap3A_76 = vector.shape_cast %swap3A_75 : vector<1x1x4000xf32> to vector<4000xf32>
    %swap3A_77 = vector.shape_cast %get3A_71 : vector<4000xf32> to vector<1x1x4000xf32>
    tpu.vector_store %arg10[%swap3A_72, %swap3A_73, %swap3A_74], %swap3A_77 {strides = array<i32>} : memref<4x5x4096xf32, #tpu.memory_space<vmem>>, vector<1x1x4000xf32>,
    %swap3A_78 = arith.constant 0 : index
    %swap3A_79 = arith.constant 0 : index
    %swap3A_80 = arith.constant 4000 : index
    %swap3A_81 = vector.load %arg10[%swap3A_78, %swap3A_79, %swap3A_80] : memref<4x5x4096xf32, #tpu.memory_space<vmem>>, vector<1x1x96xf32>
    %swap3A_82 = vector.shape_cast %swap3A_81 : vector<1x1x96xf32> to vector<96xf32>
    %swap3A_83 = vector.shape_cast %broadcast_in_dim3A_2 : vector<96xf32> to vector<1x1x96xf32>
    tpu.vector_store %arg10[%swap3A_78, %swap3A_79, %swap3A_80], %swap3A_83 {strides = array<i32>} : memref<4x5x4096xf32, #tpu.memory_space<vmem>>, vector<1x1x96xf32>,
    %get3A_84 = arith.constant 0 : index
    %get3A_85 = arith.constant 0 : index
    %get3A_86 = vector.load %arg5[%get3A_84, %get3A_85] : memref<4x20000xf32, #tpu.memory_space<vmem>>, vector<1x4000xf32>
    %get3A_87 = vector.shape_cast %get3A_86 : vector<1x4000xf32> to vector<4000xf32>
    %swap3A_88 = arith.constant 0 : index
    %swap3A_89 = arith.constant 0 : index
    %swap3A_90 = arith.constant 0 : index
    %swap3A_91 = vector.load %arg11[%swap3A_88, %swap3A_89, %swap3A_90] : memref<4x5x4096xf32, #tpu.memory_space<vmem>>, vector<1x1x4000xf32>
    %swap3A_92 = vector.shape_cast %swap3A_91 : vector<1x1x4000xf32> to vector<4000xf32>
    %swap3A_93 = vector.shape_cast %get3A_87 : vector<4000xf32> to vector<1x1x4000xf32>
    tpu.vector_store %arg11[%swap3A_88, %swap3A_89, %swap3A_90], %swap3A_93 {strides = array<i32>} : memref<4x5x4096xf32, #tpu.memory_space<vmem>>, vector<1x1x4000xf32>,
    %swap3A_94 = arith.constant 0 : index
    %swap3A_95 = arith.constant 0 : index
    %swap3A_96 = arith.constant 4000 : index
    %swap3A_97 = vector.load %arg11[%swap3A_94, %swap3A_95, %swap3A_96] : memref<4x5x4096xf32, #tpu.memory_space<vmem>>, vector<1x1x96xf32>
    %swap3A_98 = vector.shape_cast %swap3A_97 : vector<1x1x96xf32> to vector<96xf32>
    %swap3A_99 = vector.shape_cast %broadcast_in_dim3A_2 : vector<96xf32> to vector<1x1x96xf32>
    tpu.vector_store %arg11[%swap3A_94, %swap3A_95, %swap3A_96], %swap3A_99 {strides = array<i32>} : memref<4x5x4096xf32, #tpu.memory_space<vmem>>, vector<1x1x96xf32>,
    %get3A_100 = arith.constant 0 : index
    %get3A_101 = arith.constant 4000 : index
    %get3A_102 = vector.load %arg0[%get3A_100, %get3A_101] : memref<4x20000xf32, #tpu.memory_space<vmem>>, vector<1x4000xf32>
    %get3A_103 = vector.shape_cast %get3A_102 : vector<1x4000xf32> to vector<4000xf32>
    %gt3A_104 = arith.constant 2.500000e-01 : f32
    %gt3A_105 = vector.broadcast %gt3A_104 : f32 to vector<4000xf32>
    %gt3A_106 = arith.cmpf ogt, %get3A_103, %gt3A_105 : vector<4000xf32>
    %jit3A_107 = arith.constant -1.000000e+00 : f32
    %broadcast_in_dim3A_108 = vector.broadcast %jit3A_107 : f32 to vector<4000xf32>
    %select_n3A_109 = arith.select %gt3A_106, %get3A_103, %broadcast_in_dim3A_108 : vector<4000xi1>, vector<4000xf32>
    %swap3A_110 = arith.constant 0 : index
    %swap3A_111 = arith.constant 1 : index
    %swap3A_112 = arith.constant 0 : index
    %swap3A_113 = vector.load %arg6[%swap3A_110, %swap3A_111, %swap3A_112] : memref<4x5x4096xf32, #tpu.memory_space<vmem>>, vector<1x1x4000xf32>
    %swap3A_114 = vector.shape_cast %swap3A_113 : vector<1x1x4000xf32> to vector<4000xf32>
    %swap3A_115 = vector.shape_cast %select_n3A_109 : vector<4000xf32> to vector<1x1x4000xf32>
    tpu.vector_store %arg6[%swap3A_110, %swap3A_111, %swap3A_112], %swap3A_115 {strides = array<i32>} : memref<4x5x4096xf32, #tpu.memory_space<vmem>>, vector<1x1x4000xf32>,
    %swap3A_116 = arith.constant 0 : index
    %swap3A_117 = arith.constant 1 : index
    %swap3A_118 = arith.constant 4000 : index
    %swap3A_119 = vector.load %arg6[%swap3A_116, %swap3A_117, %swap3A_118] : memref<4x5x4096xf32, #tpu.memory_space<vmem>>, vector<1x1x96xf32>
    %swap3A_120 = vector.shape_cast %swap3A_119 : vector<1x1x96xf32> to vector<96xf32>
    %swap3A_121 = vector.shape_cast %broadcast_in_dim3A_0 : vector<96xf32> to vector<1x1x96xf32>
    tpu.vector_store %arg6[%swap3A_116, %swap3A_117, %swap3A_118], %swap3A_121 {strides = array<i32>} : memref<4x5x4096xf32, #tpu.memory_space<vmem>>, vector<1x1x96xf32>,
    %get3A_122 = arith.constant 0 : index
    %get3A_123 = arith.constant 4000 : index
    %get3A_124 = vector.load %arg1[%get3A_122, %get3A_123] : memref<4x20000xf32, #tpu.memory_space<vmem>>, vector<1x4000xf32>
    %get3A_125 = vector.shape_cast %get3A_124 : vector<1x4000xf32> to vector<4000xf32>
    %swap3A_126 = arith.constant 0 : index
    %swap3A_127 = arith.constant 1 : index
    %swap3A_128 = arith.constant 0 : index
    %swap3A_129 = vector.load %arg7[%swap3A_126, %swap3A_127, %swap3A_128] : memref<4x5x4096xf32, #tpu.memory_space<vmem>>, vector<1x1x4000xf32>
    %swap3A_130 = vector.shape_cast %swap3A_129 : vector<1x1x4000xf32> to vector<4000xf32>
    %swap3A_131 = vector.shape_cast %get3A_125 : vector<4000xf32> to vector<1x1x4000xf32>
    tpu.vector_store %arg7[%swap3A_126, %swap3A_127, %swap3A_128], %swap3A_131 {strides = array<i32>} : memref<4x5x4096xf32, #tpu.memory_space<vmem>>, vector<1x1x4000xf32>,
    %swap3A_132 = arith.constant 0 : index
    %swap3A_133 = arith.constant 1 : index
    %swap3A_134 = arith.constant 4000 : index
    %swap3A_135 = vector.load %arg7[%swap3A_132, %swap3A_133, %swap3A_134] : memref<4x5x4096xf32, #tpu.memory_space<vmem>>, vector<1x1x96xf32>
    %swap3A_136 = vector.shape_cast %swap3A_135 : vector<1x1x96xf32> to vector<96xf32>
    %swap3A_137 = vector.shape_cast %broadcast_in_dim3A_2 : vector<96xf32> to vector<1x1x96xf32>
    tpu.vector_store %arg7[%swap3A_132, %swap3A_133, %swap3A_134], %swap3A_137 {strides = array<i32>} : memref<4x5x4096xf32, #tpu.memory_space<vmem>>, vector<1x1x96xf32>,
    %get3A_138 = arith.constant 0 : index
    %get3A_139 = arith.constant 4000 : index
    %get3A_140 = vector.load %arg2[%get3A_138, %get3A_139] : memref<4x20000xf32, #tpu.memory_space<vmem>>, vector<1x4000xf32>
    %get3A_141 = vector.shape_cast %get3A_140 : vector<1x4000xf32> to vector<4000xf32>
    %swap3A_142 = arith.constant 0 : index
    %swap3A_143 = arith.constant 1 : index
    %swap3A_144 = arith.constant 0 : index
    %swap3A_145 = vector.load %arg8[%swap3A_142, %swap3A_143, %swap3A_144] : memref<4x5x4096xf32, #tpu.memory_space<vmem>>, vector<1x1x4000xf32>
    %swap3A_146 = vector.shape_cast %swap3A_145 : vector<1x1x4000xf32> to vector<4000xf32>
    %swap3A_147 = vector.shape_cast %get3A_141 : vector<4000xf32> to vector<1x1x4000xf32>
    tpu.vector_store %arg8[%swap3A_142, %swap3A_143, %swap3A_144], %swap3A_147 {strides = array<i32>} : memref<4x5x4096xf32, #tpu.memory_space<vmem>>, vector<1x1x4000xf32>,
    %swap3A_148 = arith.constant 0 : index
    %swap3A_149 = arith.constant 1 : index
    %swap3A_150 = arith.constant 4000 : index
    %swap3A_151 = vector.load %arg8[%swap3A_148, %swap3A_149, %swap3A_150] : memref<4x5x4096xf32, #tpu.memory_space<vmem>>, vector<1x1x96xf32>
    %swap3A_152 = vector.shape_cast %swap3A_151 : vector<1x1x96xf32> to vector<96xf32>
    %swap3A_153 = vector.shape_cast %broadcast_in_dim3A_2 : vector<96xf32> to vector<1x1x96xf32>
    tpu.vector_store %arg8[%swap3A_148, %swap3A_149, %swap3A_150], %swap3A_153 {strides = array<i32>} : memref<4x5x4096xf32, #tpu.memory_space<vmem>>, vector<1x1x96xf32>,
    %get3A_154 = arith.constant 0 : index
    %get3A_155 = arith.constant 4000 : index
    %get3A_156 = vector.load %arg3[%get3A_154, %get3A_155] : memref<4x20000xf32, #tpu.memory_space<vmem>>, vector<1x4000xf32>
    %get3A_157 = vector.shape_cast %get3A_156 : vector<1x4000xf32> to vector<4000xf32>
    %swap3A_158 = arith.constant 0 : index
    %swap3A_159 = arith.constant 1 : index
    %swap3A_160 = arith.constant 0 : index
    %swap3A_161 = vector.load %arg9[%swap3A_158, %swap3A_159, %swap3A_160] : memref<4x5x4096xf32, #tpu.memory_space<vmem>>, vector<1x1x4000xf32>
    %swap3A_162 = vector.shape_cast %swap3A_161 : vector<1x1x4000xf32> to vector<4000xf32>
    %swap3A_163 = vector.shape_cast %get3A_157 : vector<4000xf32> to vector<1x1x4000xf32>
    tpu.vector_store %arg9[%swap3A_158, %swap3A_159, %swap3A_160], %swap3A_163 {strides = array<i32>} : memref<4x5x4096xf32, #tpu.memory_space<vmem>>, vector<1x1x4000xf32>,
    %swap3A_164 = arith.constant 0 : index
    %swap3A_165 = arith.constant 1 : index
    %swap3A_166 = arith.constant 4000 : index
    %swap3A_167 = vector.load %arg9[%swap3A_164, %swap3A_165, %swap3A_166] : memref<4x5x4096xf32, #tpu.memory_space<vmem>>, vector<1x1x96xf32>
    %swap3A_168 = vector.shape_cast %swap3A_167 : vector<1x1x96xf32> to vector<96xf32>
    %swap3A_169 = vector.shape_cast %broadcast_in_dim3A_2 : vector<96xf32> to vector<1x1x96xf32>
    tpu.vector_store %arg9[%swap3A_164, %swap3A_165, %swap3A_166], %swap3A_169 {strides = array<i32>} : memref<4x5x4096xf32, #tpu.memory_space<vmem>>, vector<1x1x96xf32>,
    %get3A_170 = arith.constant 0 : index
    %get3A_171 = arith.constant 4000 : index
    %get3A_172 = vector.load %arg4[%get3A_170, %get3A_171] : memref<4x20000xf32, #tpu.memory_space<vmem>>, vector<1x4000xf32>
    %get3A_173 = vector.shape_cast %get3A_172 : vector<1x4000xf32> to vector<4000xf32>
    %swap3A_174 = arith.constant 0 : index
    %swap3A_175 = arith.constant 1 : index
    %swap3A_176 = arith.constant 0 : index
    %swap3A_177 = vector.load %arg10[%swap3A_174, %swap3A_175, %swap3A_176] : memref<4x5x4096xf32, #tpu.memory_space<vmem>>, vector<1x1x4000xf32>
    %swap3A_178 = vector.shape_cast %swap3A_177 : vector<1x1x4000xf32> to vector<4000xf32>
    %swap3A_179 = vector.shape_cast %get3A_173 : vector<4000xf32> to vector<1x1x4000xf32>
    tpu.vector_store %arg10[%swap3A_174, %swap3A_175, %swap3A_176], %swap3A_179 {strides = array<i32>} : memref<4x5x4096xf32, #tpu.memory_space<vmem>>, vector<1x1x4000xf32>,
    %swap3A_180 = arith.constant 0 : index
    %swap3A_181 = arith.constant 1 : index
    %swap3A_182 = arith.constant 4000 : index
    %swap3A_183 = vector.load %arg10[%swap3A_180, %swap3A_181, %swap3A_182] : memref<4x5x4096xf32, #tpu.memory_space<vmem>>, vector<1x1x96xf32>
    %swap3A_184 = vector.shape_cast %swap3A_183 : vector<1x1x96xf32> to vector<96xf32>
    %swap3A_185 = vector.shape_cast %broadcast_in_dim3A_2 : vector<96xf32> to vector<1x1x96xf32>
    tpu.vector_store %arg10[%swap3A_180, %swap3A_181, %swap3A_182], %swap3A_185 {strides = array<i32>} : memref<4x5x4096xf32, #tpu.memory_space<vmem>>, vector<1x1x96xf32>,
    %get3A_186 = arith.constant 0 : index
    %get3A_187 = arith.constant 4000 : index
    %get3A_188 = vector.load %arg5[%get3A_186, %get3A_187] : memref<4x20000xf32, #tpu.memory_space<vmem>>, vector<1x4000xf32>
    %get3A_189 = vector.shape_cast %get3A_188 : vector<1x4000xf32> to vector<4000xf32>
    %swap3A_190 = arith.constant 0 : index
    %swap3A_191 = arith.constant 1 : index
    %swap3A_192 = arith.constant 0 : index
    %swap3A_193 = vector.load %arg11[%swap3A_190, %swap3A_191, %swap3A_192] : memref<4x5x4096xf32, #tpu.memory_space<vmem>>, vector<1x1x4000xf32>
    %swap3A_194 = vector.shape_cast %swap3A_193 : vector<1x1x4000xf32> to vector<4000xf32>
    %swap3A_195 = vector.shape_cast %get3A_189 : vector<4000xf32> to vector<1x1x4000xf32>
    tpu.vector_store %arg11[%swap3A_190, %swap3A_191, %swap3A_192], %swap3A_195 {strides = array<i32>} : memref<4x5x4096xf32, #tpu.memory_space<vmem>>, vector<1x1x4000xf32>,
    %swap3A_196 = arith.constant 0 : index
    %swap3A_197 = arith.constant 1 : index
    %swap3A_198 = arith.constant 4000 : index
    %swap3A_199 = vector.load %arg11[%swap3A_196, %swap3A_197, %swap3A_198] : memref<4x5x4096xf32, #tpu.memory_space<vmem>>, vector<1x1x96xf32>
    %swap3A_200 = vector.shape_cast %swap3A_199 : vector<1x1x96xf32> to vector<96xf32>
    %swap3A_201 = vector.shape_cast %broadcast_in_dim3A_2 : vector<96xf32> to vector<1x1x96xf32>
    tpu.vector_store %arg11[%swap3A_196, %swap3A_197, %swap3A_198], %swap3A_201 {strides = array<i32>} : memref<4x5x4096xf32, #tpu.memory_space<vmem>>, vector<1x1x96xf32>,
    %get3A_202 = arith.constant 0 : index
    %get3A_203 = arith.constant 8000 : index
    %get3A_204 = vector.load %arg0[%get3A_202, %get3A_203] : memref<4x20000xf32, #tpu.memory_space<vmem>>, vector<1x4000xf32>
    %get3A_205 = vector.shape_cast %get3A_204 : vector<1x4000xf32> to vector<4000xf32>
    %gt3A_206 = arith.constant 2.500000e-01 : f32
    %gt3A_207 = vector.broadcast %gt3A_206 : f32 to vector<4000xf32>
    %gt3A_208 = arith.cmpf ogt, %get3A_205, %gt3A_207 : vector<4000xf32>
    %jit3A_209 = arith.constant -1.000000e+00 : f32
    %broadcast_in_dim3A_210 = vector.broadcast %jit3A_209 : f32 to vector<4000xf32>
    %select_n3A_211 = arith.select %gt3A_208, %get3A_205, %broadcast_in_dim3A_210 : vector<4000xi1>, vector<4000xf32>
    %swap3A_212 = arith.constant 0 : index
    %swap3A_213 = arith.constant 2 : index
    %swap3A_214 = arith.constant 0 : index
    %swap3A_215 = vector.load %arg6[%swap3A_212, %swap3A_213, %swap3A_214] : memref<4x5x4096xf32, #tpu.memory_space<vmem>>, vector<1x1x4000xf32>
    %swap3A_216 = vector.shape_cast %swap3A_215 : vector<1x1x4000xf32> to vector<4000xf32>
    %swap3A_217 = vector.shape_cast %select_n3A_211 : vector<4000xf32> to vector<1x1x4000xf32>
    tpu.vector_store %arg6[%swap3A_212, %swap3A_213, %swap3A_214], %swap3A_217 {strides = array<i32>} : memref<4x5x4096xf32, #tpu.memory_space<vmem>>, vector<1x1x4000xf32>,
    %swap3A_218 = arith.constant 0 : index
    %swap3A_219 = arith.constant 2 : index
    %swap3A_220 = arith.constant 4000 : index
    %swap3A_221 = vector.load %arg6[%swap3A_218, %swap3A_219, %swap3A_220] : memref<4x5x4096xf32, #tpu.memory_space<vmem>>, vector<1x1x96xf32>
    %swap3A_222 = vector.shape_cast %swap3A_221 : vector<1x1x96xf32> to vector<96xf32>
    %swap3A_223 = vector.shape_cast %broadcast_in_dim3A_0 : vector<96xf32> to vector<1x1x96xf32>
    tpu.vector_store %arg6[%swap3A_218, %swap3A_219, %swap3A_220], %swap3A_223 {strides = array<i32>} : memref<4x5x4096xf32, #tpu.memory_space<vmem>>, vector<1x1x96xf32>,
    %get3A_224 = arith.constant 0 : index
    %get3A_225 = arith.constant 8000 : index
    %get3A_226 = vector.load %arg1[%get3A_224, %get3A_225] : memref<4x20000xf32, #tpu.memory_space<vmem>>, vector<1x4000xf32>
    %get3A_227 = vector.shape_cast %get3A_226 : vector<1x4000xf32> to vector<4000xf32>
    %swap3A_228 = arith.constant 0 : index
    %swap3A_229 = arith.constant 2 : index
    %swap3A_230 = arith.constant 0 : index
    %swap3A_231 = vector.load %arg7[%swap3A_228, %swap3A_229, %swap3A_230] : memref<4x5x4096xf32, #tpu.memory_space<vmem>>, vector<1x1x4000xf32>
    %swap3A_232 = vector.shape_cast %swap3A_231 : vector<1x1x4000xf32> to vector<4000xf32>
    %swap3A_233 = vector.shape_cast %get3A_227 : vector<4000xf32> to vector<1x1x4000xf32>
    tpu.vector_store %arg7[%swap3A_228, %swap3A_229, %swap3A_230], %swap3A_233 {strides = array<i32>} : memref<4x5x4096xf32, #tpu.memory_space<vmem>>, vector<1x1x4000xf32>,
    %swap3A_234 = arith.constant 0 : index
    %swap3A_235 = arith.constant 2 : index
    %swap3A_236 = arith.constant 4000 : index
    %swap3A_237 = vector.load %arg7[%swap3A_234, %swap3A_235, %swap3A_236] : memref<4x5x4096xf32, #tpu.memory_space<vmem>>, vector<1x1x96xf32>
    %swap3A_238 = vector.shape_cast %swap3A_237 : vector<1x1x96xf32> to vector<96xf32>
    %swap3A_239 = vector.shape_cast %broadcast_in_dim3A_2 : vector<96xf32> to vector<1x1x96xf32>
    tpu.vector_store %arg7[%swap3A_234, %swap3A_235, %swap3A_236], %swap3A_239 {strides = array<i32>} : memref<4x5x4096xf32, #tpu.memory_space<vmem>>, vector<1x1x96xf32>,
    %get3A_240 = arith.constant 0 : index
    %get3A_241 = arith.constant 8000 : index
    %get3A_242 = vector.load %arg2[%get3A_240, %get3A_241] : memref<4x20000xf32, #tpu.memory_space<vmem>>, vector<1x4000xf32>
    %get3A_243 = vector.shape_cast %get3A_242 : vector<1x4000xf32> to vector<4000xf32>
    %swap3A_244 = arith.constant 0 : index
    %swap3A_245 = arith.constant 2 : index
    %swap3A_246 = arith.constant 0 : index
    %swap3A_247 = vector.load %arg8[%swap3A_244, %swap3A_245, %swap3A_246] : memref<4x5x4096xf32, #tpu.memory_space<vmem>>, vector<1x1x4000xf32>
    %swap3A_248 = vector.shape_cast %swap3A_247 : vector<1x1x4000xf32> to vector<4000xf32>
    %swap3A_249 = vector.shape_cast %get3A_243 : vector<4000xf32> to vector<1x1x4000xf32>
    tpu.vector_store %arg8[%swap3A_244, %swap3A_245, %swap3A_246], %swap3A_249 {strides = array<i32>} : memref<4x5x4096xf32, #tpu.memory_space<vmem>>, vector<1x1x4000xf32>,
    %swap3A_250 = arith.constant 0 : index
    %swap3A_251 = arith.constant 2 : index
    %swap3A_252 = arith.constant 4000 : index
    %swap3A_253 = vector.load %arg8[%swap3A_250, %swap3A_251, %swap3A_252] : memref<4x5x4096xf32, #tpu.memory_space<vmem>>, vector<1x1x96xf32>
    %swap3A_254 = vector.shape_cast %swap3A_253 : vector<1x1x96xf32> to vector<96xf32>
    %swap3A_255 = vector.shape_cast %broadcast_in_dim3A_2 : vector<96xf32> to vector<1x1x96xf32>
    tpu.vector_store %arg8[%swap3A_250, %swap3A_251, %swap3A_252], %swap3A_255 {strides = array<i32>} : memref<4x5x4096xf32, #tpu.memory_space<vmem>>, vector<1x1x96xf32>,
    %get3A_256 = arith.constant 0 : index
    %get3A_257 = arith.constant 8000 : index
    %get3A_258 = vector.load %arg3[%get3A_256, %get3A_257] : memref<4x20000xf32, #tpu.memory_space<vmem>>, vector<1x4000xf32>
    %get3A_259 = vector.shape_cast %get3A_258 : vector<1x4000xf32> to vector<4000xf32>
    %swap3A_260 = arith.constant 0 : index
    %swap3A_261 = arith.constant 2 : index
    %swap3A_262 = arith.constant 0 : index
    %swap3A_263 = vector.load %arg9[%swap3A_260, %swap3A_261, %swap3A_262] : memref<4x5x4096xf32, #tpu.memory_space<vmem>>, vector<1x1x4000xf32>
    %swap3A_264 = vector.shape_cast %swap3A_263 : vector<1x1x4000xf32> to vector<4000xf32>
    %swap3A_265 = vector.shape_cast %get3A_259 : vector<4000xf32> to vector<1x1x4000xf32>
    tpu.vector_store %arg9[%swap3A_260, %swap3A_261, %swap3A_262], %swap3A_265 {strides = array<i32>} : memref<4x5x4096xf32, #tpu.memory_space<vmem>>, vector<1x1x4000xf32>,
    %swap3A_266 = arith.constant 0 : index
    %swap3A_267 = arith.constant 2 : index
    %swap3A_268 = arith.constant 4000 : index
    %swap3A_269 = vector.load %arg9[%swap3A_266, %swap3A_267, %swap3A_268] : memref<4x5x4096xf32, #tpu.memory_space<vmem>>, vector<1x1x96xf32>
    %swap3A_270 = vector.shape_cast %swap3A_269 : vector<1x1x96xf32> to vector<96xf32>
    %swap3A_271 = vector.shape_cast %broadcast_in_dim3A_2 : vector<96xf32> to vector<1x1x96xf32>
    tpu.vector_store %arg9[%swap3A_266, %swap3A_267, %swap3A_268], %swap3A_271 {strides = array<i32>} : memref<4x5x4096xf32, #tpu.memory_space<vmem>>, vector<1x1x96xf32>,
    %get3A_272 = arith.constant 0 : index
    %get3A_273 = arith.constant 8000 : index
    %get3A_274 = vector.load %arg4[%get3A_272, %get3A_273] : memref<4x20000xf32, #tpu.memory_space<vmem>>, vector<1x4000xf32>
    %get3A_275 = vector.shape_cast %get3A_274 : vector<1x4000xf32> to vector<4000xf32>
    %swap3A_276 = arith.constant 0 : index
    %swap3A_277 = arith.constant 2 : index
    %swap3A_278 = arith.constant 0 : index
    %swap3A_279 = vector.load %arg10[%swap3A_276, %swap3A_277, %swap3A_278] : memref<4x5x4096xf32, #tpu.memory_space<vmem>>, vector<1x1x4000xf32>
    %swap3A_280 = vector.shape_cast %swap3A_279 : vector<1x1x4000xf32> to vector<4000xf32>
    %swap3A_281 = vector.shape_cast %get3A_275 : vector<4000xf32> to vector<1x1x4000xf32>
    tpu.vector_store %arg10[%swap3A_276, %swap3A_277, %swap3A_278], %swap3A_281 {strides = array<i32>} : memref<4x5x4096xf32, #tpu.memory_space<vmem>>, vector<1x1x4000xf32>,
    %swap3A_282 = arith.constant 0 : index
    %swap3A_283 = arith.constant 2 : index
    %swap3A_284 = arith.constant 4000 : index
    %swap3A_285 = vector.load %arg10[%swap3A_282, %swap3A_283, %swap3A_284] : memref<4x5x4096xf32, #tpu.memory_space<vmem>>, vector<1x1x96xf32>
    %swap3A_286 = vector.shape_cast %swap3A_285 : vector<1x1x96xf32> to vector<96xf32>
    %swap3A_287 = vector.shape_cast %broadcast_in_dim3A_2 : vector<96xf32> to vector<1x1x96xf32>
    tpu.vector_store %arg10[%swap3A_282, %swap3A_283, %swap3A_284], %swap3A_287 {strides = array<i32>} : memref<4x5x4096xf32, #tpu.memory_space<vmem>>, vector<1x1x96xf32>,
    %get3A_288 = arith.constant 0 : index
    %get3A_289 = arith.constant 8000 : index
    %get3A_290 = vector.load %arg5[%get3A_288, %get3A_289] : memref<4x20000xf32, #tpu.memory_space<vmem>>, vector<1x4000xf32>
    %get3A_291 = vector.shape_cast %get3A_290 : vector<1x4000xf32> to vector<4000xf32>
    %swap3A_292 = arith.constant 0 : index
    %swap3A_293 = arith.constant 2 : index
    %swap3A_294 = arith.constant 0 : index
    %swap3A_295 = vector.load %arg11[%swap3A_292, %swap3A_293, %swap3A_294] : memref<4x5x4096xf32, #tpu.memory_space<vmem>>, vector<1x1x4000xf32>
    %swap3A_296 = vector.shape_cast %swap3A_295 : vector<1x1x4000xf32> to vector<4000xf32>
    %swap3A_297 = vector.shape_cast %get3A_291 : vector<4000xf32> to vector<1x1x4000xf32>
    tpu.vector_store %arg11[%swap3A_292, %swap3A_293, %swap3A_294], %swap3A_297 {strides = array<i32>} : memref<4x5x4096xf32, #tpu.memory_space<vmem>>, vector<1x1x4000xf32>,
    %swap3A_298 = arith.constant 0 : index
    %swap3A_299 = arith.constant 2 : index
    %swap3A_300 = arith.constant 4000 : index
    %swap3A_301 = vector.load %arg11[%swap3A_298, %swap3A_299, %swap3A_300] : memref<4x5x4096xf32, #tpu.memory_space<vmem>>, vector<1x1x96xf32>
    %swap3A_302 = vector.shape_cast %swap3A_301 : vector<1x1x96xf32> to vector<96xf32>
    %swap3A_303 = vector.shape_cast %broadcast_in_dim3A_2 : vector<96xf32> to vector<1x1x96xf32>
    tpu.vector_store %arg11[%swap3A_298, %swap3A_299, %swap3A_300], %swap3A_303 {strides = array<i32>} : memref<4x5x4096xf32, #tpu.memory_space<vmem>>, vector<1x1x96xf32>,
    %get3A_304 = arith.constant 0 : index
    %get3A_305 = arith.constant 12000 : index
    %get3A_306 = vector.load %arg0[%get3A_304, %get3A_305] : memref<4x20000xf32, #tpu.memory_space<vmem>>, vector<1x4000xf32>
    %get3A_307 = vector.shape_cast %get3A_306 : vector<1x4000xf32> to vector<4000xf32>
    %gt3A_308 = arith.constant 2.500000e-01 : f32
    %gt3A_309 = vector.broadcast %gt3A_308 : f32 to vector<4000xf32>
    %gt3A_310 = arith.cmpf ogt, %get3A_307, %gt3A_309 : vector<4000xf32>
    %jit3A_311 = arith.constant -1.000000e+00 : f32
    %broadcast_in_dim3A_312 = vector.broadcast %jit3A_311 : f32 to vector<4000xf32>
    %select_n3A_313 = arith.select %gt3A_310, %get3A_307, %broadcast_in_dim3A_312 : vector<4000xi1>, vector<4000xf32>
    %swap3A_314 = arith.constant 0 : index
    %swap3A_315 = arith.constant 3 : index
    %swap3A_316 = arith.constant 0 : index
    %swap3A_317 = vector.load %arg6[%swap3A_314, %swap3A_315, %swap3A_316] : memref<4x5x4096xf32, #tpu.memory_space<vmem>>, vector<1x1x4000xf32>
    %swap3A_318 = vector.shape_cast %swap3A_317 : vector<1x1x4000xf32> to vector<4000xf32>
    %swap3A_319 = vector.shape_cast %select_n3A_313 : vector<4000xf32> to vector<1x1x4000xf32>
    tpu.vector_store %arg6[%swap3A_314, %swap3A_315, %swap3A_316], %swap3A_319 {strides = array<i32>} : memref<4x5x4096xf32, #tpu.memory_space<vmem>>, vector<1x1x4000xf32>,
    %swap3A_320 = arith.constant 0 : index
    %swap3A_321 = arith.constant 3 : index
    %swap3A_322 = arith.constant 4000 : index
    %swap3A_323 = vector.load %arg6[%swap3A_320, %swap3A_321, %swap3A_322] : memref<4x5x4096xf32, #tpu.memory_space<vmem>>, vector<1x1x96xf32>
    %swap3A_324 = vector.shape_cast %swap3A_323 : vector<1x1x96xf32> to vector<96xf32>
    %swap3A_325 = vector.shape_cast %broadcast_in_dim3A_0 : vector<96xf32> to vector<1x1x96xf32>
    tpu.vector_store %arg6[%swap3A_320, %swap3A_321, %swap3A_322], %swap3A_325 {strides = array<i32>} : memref<4x5x4096xf32, #tpu.memory_space<vmem>>, vector<1x1x96xf32>,
    %get3A_326 = arith.constant 0 : index
    %get3A_327 = arith.constant 12000 : index
    %get3A_328 = vector.load %arg1[%get3A_326, %get3A_327] : memref<4x20000xf32, #tpu.memory_space<vmem>>, vector<1x4000xf32>
    %get3A_329 = vector.shape_cast %get3A_328 : vector<1x4000xf32> to vector<4000xf32>
    %swap3A_330 = arith.constant 0 : index
    %swap3A_331 = arith.constant 3 : index
    %swap3A_332 = arith.constant 0 : index
    %swap3A_333 = vector.load %arg7[%swap3A_330, %swap3A_331, %swap3A_332] : memref<4x5x4096xf32, #tpu.memory_space<vmem>>, vector<1x1x4000xf32>
    %swap3A_334 = vector.shape_cast %swap3A_333 : vector<1x1x4000xf32> to vector<4000xf32>
    %swap3A_335 = vector.shape_cast %get3A_329 : vector<4000xf32> to vector<1x1x4000xf32>
    tpu.vector_store %arg7[%swap3A_330, %swap3A_331, %swap3A_332], %swap3A_335 {strides = array<i32>} : memref<4x5x4096xf32, #tpu.memory_space<vmem>>, vector<1x1x4000xf32>,
    %swap3A_336 = arith.constant 0 : index
    %swap3A_337 = arith.constant 3 : index
    %swap3A_338 = arith.constant 4000 : index
    %swap3A_339 = vector.load %arg7[%swap3A_336, %swap3A_337, %swap3A_338] : memref<4x5x4096xf32, #tpu.memory_space<vmem>>, vector<1x1x96xf32>
    %swap3A_340 = vector.shape_cast %swap3A_339 : vector<1x1x96xf32> to vector<96xf32>
    %swap3A_341 = vector.shape_cast %broadcast_in_dim3A_2 : vector<96xf32> to vector<1x1x96xf32>
    tpu.vector_store %arg7[%swap3A_336, %swap3A_337, %swap3A_338], %swap3A_341 {strides = array<i32>} : memref<4x5x4096xf32, #tpu.memory_space<vmem>>, vector<1x1x96xf32>,
    %get3A_342 = arith.constant 0 : index
    %get3A_343 = arith.constant 12000 : index
    %get3A_344 = vector.load %arg2[%get3A_342, %get3A_343] : memref<4x20000xf32, #tpu.memory_space<vmem>>, vector<1x4000xf32>
    %get3A_345 = vector.shape_cast %get3A_344 : vector<1x4000xf32> to vector<4000xf32>
    %swap3A_346 = arith.constant 0 : index
    %swap3A_347 = arith.constant 3 : index
    %swap3A_348 = arith.constant 0 : index
    %swap3A_349 = vector.load %arg8[%swap3A_346, %swap3A_347, %swap3A_348] : memref<4x5x4096xf32, #tpu.memory_space<vmem>>, vector<1x1x4000xf32>
    %swap3A_350 = vector.shape_cast %swap3A_349 : vector<1x1x4000xf32> to vector<4000xf32>
    %swap3A_351 = vector.shape_cast %get3A_345 : vector<4000xf32> to vector<1x1x4000xf32>
    tpu.vector_store %arg8[%swap3A_346, %swap3A_347, %swap3A_348], %swap3A_351 {strides = array<i32>} : memref<4x5x4096xf32, #tpu.memory_space<vmem>>, vector<1x1x4000xf32>,
    %swap3A_352 = arith.constant 0 : index
    %swap3A_353 = arith.constant 3 : index
    %swap3A_354 = arith.constant 4000 : index
    %swap3A_355 = vector.load %arg8[%swap3A_352, %swap3A_353, %swap3A_354] : memref<4x5x4096xf32, #tpu.memory_space<vmem>>, vector<1x1x96xf32>
    %swap3A_356 = vector.shape_cast %swap3A_355 : vector<1x1x96xf32> to vector<96xf32>
    %swap3A_357 = vector.shape_cast %broadcast_in_dim3A_2 : vector<96xf32> to vector<1x1x96xf32>
    tpu.vector_store %arg8[%swap3A_352, %swap3A_353, %swap3A_354], %swap3A_357 {strides = array<i32>} : memref<4x5x4096xf32, #tpu.memory_space<vmem>>, vector<1x1x96xf32>,
    %get3A_358 = arith.constant 0 : index
    %get3A_359 = arith.constant 12000 : index
    %get3A_360 = vector.load %arg3[%get3A_358, %get3A_359] : memref<4x20000xf32, #tpu.memory_space<vmem>>, vector<1x4000xf32>
    %get3A_361 = vector.shape_cast %get3A_360 : vector<1x4000xf32> to vector<4000xf32>
    %swap3A_362 = arith.constant 0 : index
    %swap3A_363 = arith.constant 3 : index
    %swap3A_364 = arith.constant 0 : index
    %swap3A_365 = vector.load %arg9[%swap3A_362, %swap3A_363, %swap3A_364] : memref<4x5x4096xf32, #tpu.memory_space<vmem>>, vector<1x1x4000xf32>
    %swap3A_366 = vector.shape_cast %swap3A_365 : vector<1x1x4000xf32> to vector<4000xf32>
    %swap3A_367 = vector.shape_cast %get3A_361 : vector<4000xf32> to vector<1x1x4000xf32>
    tpu.vector_store %arg9[%swap3A_362, %swap3A_363, %swap3A_364], %swap3A_367 {strides = array<i32>} : memref<4x5x4096xf32, #tpu.memory_space<vmem>>, vector<1x1x4000xf32>,
    %swap3A_368 = arith.constant 0 : index
    %swap3A_369 = arith.constant 3 : index
    %swap3A_370 = arith.constant 4000 : index
    %swap3A_371 = vector.load %arg9[%swap3A_368, %swap3A_369, %swap3A_370] : memref<4x5x4096xf32, #tpu.memory_space<vmem>>, vector<1x1x96xf32>
    %swap3A_372 = vector.shape_cast %swap3A_371 : vector<1x1x96xf32> to vector<96xf32>
    %swap3A_373 = vector.shape_cast %broadcast_in_dim3A_2 : vector<96xf32> to vector<1x1x96xf32>
    tpu.vector_store %arg9[%swap3A_368, %swap3A_369, %swap3A_370], %swap3A_373 {strides = array<i32>} : memref<4x5x4096xf32, #tpu.memory_space<vmem>>, vector<1x1x96xf32>,
    %get3A_374 = arith.constant 0 : index
    %get3A_375 = arith.constant 12000 : index
    %get3A_376 = vector.load %arg4[%get3A_374, %get3A_375] : memref<4x20000xf32, #tpu.memory_space<vmem>>, vector<1x4000xf32>
    %get3A_377 = vector.shape_cast %get3A_376 : vector<1x4000xf32> to vector<4000xf32>
    %swap3A_378 = arith.constant 0 : index
    %swap3A_379 = arith.constant 3 : index
    %swap3A_380 = arith.constant 0 : index
    %swap3A_381 = vector.load %arg10[%swap3A_378, %swap3A_379, %swap3A_380] : memref<4x5x4096xf32, #tpu.memory_space<vmem>>, vector<1x1x4000xf32>
    %swap3A_382 = vector.shape_cast %swap3A_381 : vector<1x1x4000xf32> to vector<4000xf32>
    %swap3A_383 = vector.shape_cast %get3A_377 : vector<4000xf32> to vector<1x1x4000xf32>
    tpu.vector_store %arg10[%swap3A_378, %swap3A_379, %swap3A_380], %swap3A_383 {strides = array<i32>} : memref<4x5x4096xf32, #tpu.memory_space<vmem>>, vector<1x1x4000xf32>,
    %swap3A_384 = arith.constant 0 : index
    %swap3A_385 = arith.constant 3 : index
    %swap3A_386 = arith.constant 4000 : index
    %swap3A_387 = vector.load %arg10[%swap3A_384, %swap3A_385, %swap3A_386] : memref<4x5x4096xf32, #tpu.memory_space<vmem>>, vector<1x1x96xf32>
    %swap3A_388 = vector.shape_cast %swap3A_387 : vector<1x1x96xf32> to vector<96xf32>
    %swap3A_389 = vector.shape_cast %broadcast_in_dim3A_2 : vector<96xf32> to vector<1x1x96xf32>
    tpu.vector_store %arg10[%swap3A_384, %swap3A_385, %swap3A_386], %swap3A_389 {strides = array<i32>} : memref<4x5x4096xf32, #tpu.memory_space<vmem>>, vector<1x1x96xf32>,
    %get3A_390 = arith.constant 0 : index
    %get3A_391 = arith.constant 12000 : index
    %get3A_392 = vector.load %arg5[%get3A_390, %get3A_391] : memref<4x20000xf32, #tpu.memory_space<vmem>>, vector<1x4000xf32>
    %get3A_393 = vector.shape_cast %get3A_392 : vector<1x4000xf32> to vector<4000xf32>
    %swap3A_394 = arith.constant 0 : index
    %swap3A_395 = arith.constant 3 : index
    %swap3A_396 = arith.constant 0 : index
    %swap3A_397 = vector.load %arg11[%swap3A_394, %swap3A_395, %swap3A_396] : memref<4x5x4096xf32, #tpu.memory_space<vmem>>, vector<1x1x4000xf32>
    %swap3A_398 = vector.shape_cast %swap3A_397 : vector<1x1x4000xf32> to vector<4000xf32>
    %swap3A_399 = vector.shape_cast %get3A_393 : vector<4000xf32> to vector<1x1x4000xf32>
    tpu.vector_store %arg11[%swap3A_394, %swap3A_395, %swap3A_396], %swap3A_399 {strides = array<i32>} : memref<4x5x4096xf32, #tpu.memory_space<vmem>>, vector<1x1x4000xf32>,
    %swap3A_400 = arith.constant 0 : index
    %swap3A_401 = arith.constant 3 : index
    %swap3A_402 = arith.constant 4000 : index
    %swap3A_403 = vector.load %arg11[%swap3A_400, %swap3A_401, %swap3A_402] : memref<4x5x4096xf32, #tpu.memory_space<vmem>>, vector<1x1x96xf32>
    %swap3A_404 = vector.shape_cast %swap3A_403 : vector<1x1x96xf32> to vector<96xf32>
    %swap3A_405 = vector.shape_cast %broadcast_in_dim3A_2 : vector<96xf32> to vector<1x1x96xf32>
    tpu.vector_store %arg11[%swap3A_400, %swap3A_401, %swap3A_402], %swap3A_405 {strides = array<i32>} : memref<4x5x4096xf32, #tpu.memory_space<vmem>>, vector<1x1x96xf32>,
    %get3A_406 = arith.constant 0 : index
    %get3A_407 = arith.constant 16000 : index
    %get3A_408 = vector.load %arg0[%get3A_406, %get3A_407] : memref<4x20000xf32, #tpu.memory_space<vmem>>, vector<1x4000xf32>
    %get3A_409 = vector.shape_cast %get3A_408 : vector<1x4000xf32> to vector<4000xf32>
    %gt3A_410 = arith.constant 2.500000e-01 : f32
    %gt3A_411 = vector.broadcast %gt3A_410 : f32 to vector<4000xf32>
    %gt3A_412 = arith.cmpf ogt, %get3A_409, %gt3A_411 : vector<4000xf32>
    %jit3A_413 = arith.constant -1.000000e+00 : f32
    %broadcast_in_dim3A_414 = vector.broadcast %jit3A_413 : f32 to vector<4000xf32>
    %select_n3A_415 = arith.select %gt3A_412, %get3A_409, %broadcast_in_dim3A_414 : vector<4000xi1>, vector<4000xf32>
    %swap3A_416 = arith.constant 0 : index
    %swap3A_417 = arith.constant 4 : index
    %swap3A_418 = arith.constant 0 : index
    %swap3A_419 = vector.load %arg6[%swap3A_416, %swap3A_417, %swap3A_418] : memref<4x5x4096xf32, #tpu.memory_space<vmem>>, vector<1x1x4000xf32>
    %swap3A_420 = vector.shape_cast %swap3A_419 : vector<1x1x4000xf32> to vector<4000xf32>
    %swap3A_421 = vector.shape_cast %select_n3A_415 : vector<4000xf32> to vector<1x1x4000xf32>
    tpu.vector_store %arg6[%swap3A_416, %swap3A_417, %swap3A_418], %swap3A_421 {strides = array<i32>} : memref<4x5x4096xf32, #tpu.memory_space<vmem>>, vector<1x1x4000xf32>,
    %swap3A_422 = arith.constant 0 : index
    %swap3A_423 = arith.constant 4 : index
    %swap3A_424 = arith.constant 4000 : index
    %swap3A_425 = vector.load %arg6[%swap3A_422, %swap3A_423, %swap3A_424] : memref<4x5x4096xf32, #tpu.memory_space<vmem>>, vector<1x1x96xf32>
    %swap3A_426 = vector.shape_cast %swap3A_425 : vector<1x1x96xf32> to vector<96xf32>
    %swap3A_427 = vector.shape_cast %broadcast_in_dim3A_0 : vector<96xf32> to vector<1x1x96xf32>
    tpu.vector_store %arg6[%swap3A_422, %swap3A_423, %swap3A_424], %swap3A_427 {strides = array<i32>} : memref<4x5x4096xf32, #tpu.memory_space<vmem>>, vector<1x1x96xf32>,
    %get3A_428 = arith.constant 0 : index
    %get3A_429 = arith.constant 16000 : index
    %get3A_430 = vector.load %arg1[%get3A_428, %get3A_429] : memref<4x20000xf32, #tpu.memory_space<vmem>>, vector<1x4000xf32>
    %get3A_431 = vector.shape_cast %get3A_430 : vector<1x4000xf32> to vector<4000xf32>
    %swap3A_432 = arith.constant 0 : index
    %swap3A_433 = arith.constant 4 : index
    %swap3A_434 = arith.constant 0 : index
    %swap3A_435 = vector.load %arg7[%swap3A_432, %swap3A_433, %swap3A_434] : memref<4x5x4096xf32, #tpu.memory_space<vmem>>, vector<1x1x4000xf32>
    %swap3A_436 = vector.shape_cast %swap3A_435 : vector<1x1x4000xf32> to vector<4000xf32>
    %swap3A_437 = vector.shape_cast %get3A_431 : vector<4000xf32> to vector<1x1x4000xf32>
    tpu.vector_store %arg7[%swap3A_432, %swap3A_433, %swap3A_434], %swap3A_437 {strides = array<i32>} : memref<4x5x4096xf32, #tpu.memory_space<vmem>>, vector<1x1x4000xf32>,
    %swap3A_438 = arith.constant 0 : index
    %swap3A_439 = arith.constant 4 : index
    %swap3A_440 = arith.constant 4000 : index
    %swap3A_441 = vector.load %arg7[%swap3A_438, %swap3A_439, %swap3A_440] : memref<4x5x4096xf32, #tpu.memory_space<vmem>>, vector<1x1x96xf32>
    %swap3A_442 = vector.shape_cast %swap3A_441 : vector<1x1x96xf32> to vector<96xf32>
    %swap3A_443 = vector.shape_cast %broadcast_in_dim3A_2 : vector<96xf32> to vector<1x1x96xf32>
    tpu.vector_store %arg7[%swap3A_438, %swap3A_439, %swap3A_440], %swap3A_443 {strides = array<i32>} : memref<4x5x4096xf32, #tpu.memory_space<vmem>>, vector<1x1x96xf32>,
    %get3A_444 = arith.constant 0 : index
    %get3A_445 = arith.constant 16000 : index
    %get3A_446 = vector.load %arg2[%get3A_444, %get3A_445] : memref<4x20000xf32, #tpu.memory_space<vmem>>, vector<1x4000xf32>
    %get3A_447 = vector.shape_cast %get3A_446 : vector<1x4000xf32> to vector<4000xf32>
    %swap3A_448 = arith.constant 0 : index
    %swap3A_449 = arith.constant 4 : index
    %swap3A_450 = arith.constant 0 : index
    %swap3A_451 = vector.load %arg8[%swap3A_448, %swap3A_449, %swap3A_450] : memref<4x5x4096xf32, #tpu.memory_space<vmem>>, vector<1x1x4000xf32>
    %swap3A_452 = vector.shape_cast %swap3A_451 : vector<1x1x4000xf32> to vector<4000xf32>
    %swap3A_453 = vector.shape_cast %get3A_447 : vector<4000xf32> to vector<1x1x4000xf32>
    tpu.vector_store %arg8[%swap3A_448, %swap3A_449, %swap3A_450], %swap3A_453 {strides = array<i32>} : memref<4x5x4096xf32, #tpu.memory_space<vmem>>, vector<1x1x4000xf32>,
    %swap3A_454 = arith.constant 0 : index
    %swap3A_455 = arith.constant 4 : index
    %swap3A_456 = arith.constant 4000 : index
    %swap3A_457 = vector.load %arg8[%swap3A_454, %swap3A_455, %swap3A_456] : memref<4x5x4096xf32, #tpu.memory_space<vmem>>, vector<1x1x96xf32>
    %swap3A_458 = vector.shape_cast %swap3A_457 : vector<1x1x96xf32> to vector<96xf32>
    %swap3A_459 = vector.shape_cast %broadcast_in_dim3A_2 : vector<96xf32> to vector<1x1x96xf32>
    tpu.vector_store %arg8[%swap3A_454, %swap3A_455, %swap3A_456], %swap3A_459 {strides = array<i32>} : memref<4x5x4096xf32, #tpu.memory_space<vmem>>, vector<1x1x96xf32>,
    %get3A_460 = arith.constant 0 : index
    %get3A_461 = arith.constant 16000 : index
    %get3A_462 = vector.load %arg3[%get3A_460, %get3A_461] : memref<4x20000xf32, #tpu.memory_space<vmem>>, vector<1x4000xf32>
    %get3A_463 = vector.shape_cast %get3A_462 : vector<1x4000xf32> to vector<4000xf32>
    %swap3A_464 = arith.constant 0 : index
    %swap3A_465 = arith.constant 4 : index
    %swap3A_466 = arith.constant 0 : index
    %swap3A_467 = vector.load %arg9[%swap3A_464, %swap3A_465, %swap3A_466] : memref<4x5x4096xf32, #tpu.memory_space<vmem>>, vector<1x1x4000xf32>
    %swap3A_468 = vector.shape_cast %swap3A_467 : vector<1x1x4000xf32> to vector<4000xf32>
    %swap3A_469 = vector.shape_cast %get3A_463 : vector<4000xf32> to vector<1x1x4000xf32>
    tpu.vector_store %arg9[%swap3A_464, %swap3A_465, %swap3A_466], %swap3A_469 {strides = array<i32>} : memref<4x5x4096xf32, #tpu.memory_space<vmem>>, vector<1x1x4000xf32>,
    %swap3A_470 = arith.constant 0 : index
    %swap3A_471 = arith.constant 4 : index
    %swap3A_472 = arith.constant 4000 : index
    %swap3A_473 = vector.load %arg9[%swap3A_470, %swap3A_471, %swap3A_472] : memref<4x5x4096xf32, #tpu.memory_space<vmem>>, vector<1x1x96xf32>
    %swap3A_474 = vector.shape_cast %swap3A_473 : vector<1x1x96xf32> to vector<96xf32>
    %swap3A_475 = vector.shape_cast %broadcast_in_dim3A_2 : vector<96xf32> to vector<1x1x96xf32>
    tpu.vector_store %arg9[%swap3A_470, %swap3A_471, %swap3A_472], %swap3A_475 {strides = array<i32>} : memref<4x5x4096xf32, #tpu.memory_space<vmem>>, vector<1x1x96xf32>,
    %get3A_476 = arith.constant 0 : index
    %get3A_477 = arith.constant 16000 : index
    %get3A_478 = vector.load %arg4[%get3A_476, %get3A_477] : memref<4x20000xf32, #tpu.memory_space<vmem>>, vector<1x4000xf32>
    %get3A_479 = vector.shape_cast %get3A_478 : vector<1x4000xf32> to vector<4000xf32>
    %swap3A_480 = arith.constant 0 : index
    %swap3A_481 = arith.constant 4 : index
    %swap3A_482 = arith.constant 0 : index
    %swap3A_483 = vector.load %arg10[%swap3A_480, %swap3A_481, %swap3A_482] : memref<4x5x4096xf32, #tpu.memory_space<vmem>>, vector<1x1x4000xf32>
    %swap3A_484 = vector.shape_cast %swap3A_483 : vector<1x1x4000xf32> to vector<4000xf32>
    %swap3A_485 = vector.shape_cast %get3A_479 : vector<4000xf32> to vector<1x1x4000xf32>
    tpu.vector_store %arg10[%swap3A_480, %swap3A_481, %swap3A_482], %swap3A_485 {strides = array<i32>} : memref<4x5x4096xf32, #tpu.memory_space<vmem>>, vector<1x1x4000xf32>,
    %swap3A_486 = arith.constant 0 : index
    %swap3A_487 = arith.constant 4 : index
    %swap3A_488 = arith.constant 4000 : index
    %swap3A_489 = vector.load %arg10[%swap3A_486, %swap3A_487, %swap3A_488] : memref<4x5x4096xf32, #tpu.memory_space<vmem>>, vector<1x1x96xf32>
    %swap3A_490 = vector.shape_cast %swap3A_489 : vector<1x1x96xf32> to vector<96xf32>
    %swap3A_491 = vector.shape_cast %broadcast_in_dim3A_2 : vector<96xf32> to vector<1x1x96xf32>
    tpu.vector_store %arg10[%swap3A_486, %swap3A_487, %swap3A_488], %swap3A_491 {strides = array<i32>} : memref<4x5x4096xf32, #tpu.memory_space<vmem>>, vector<1x1x96xf32>,
    %get3A_492 = arith.constant 0 : index
    %get3A_493 = arith.constant 16000 : index
    %get3A_494 = vector.load %arg5[%get3A_492, %get3A_493] : memref<4x20000xf32, #tpu.memory_space<vmem>>, vector<1x4000xf32>
    %get3A_495 = vector.shape_cast %get3A_494 : vector<1x4000xf32> to vector<4000xf32>
    %swap3A_496 = arith.constant 0 : index
    %swap3A_497 = arith.constant 4 : index
    %swap3A_498 = arith.constant 0 : index
    %swap3A_499 = vector.load %arg11[%swap3A_496, %swap3A_497, %swap3A_498] : memref<4x5x4096xf32, #tpu.memory_space<vmem>>, vector<1x1x4000xf32>
    %swap3A_500 = vector.shape_cast %swap3A_499 : vector<1x1x4000xf32> to vector<4000xf32>
    %swap3A_501 = vector.shape_cast %get3A_495 : vector<4000xf32> to vector<1x1x4000xf32>
    tpu.vector_store %arg11[%swap3A_496, %swap3A_497, %swap3A_498], %swap3A_501 {strides = array<i32>} : memref<4x5x4096xf32, #tpu.memory_space<vmem>>, vector<1x1x4000xf32>,
    %swap3A_502 = arith.constant 0 : index
    %swap3A_503 = arith.constant 4 : index
    %swap3A_504 = arith.constant 4000 : index
    %swap3A_505 = vector.load %arg11[%swap3A_502, %swap3A_503, %swap3A_504] : memref<4x5x4096xf32, #tpu.memory_space<vmem>>, vector<1x1x96xf32>
    %swap3A_506 = vector.shape_cast %swap3A_505 : vector<1x1x96xf32> to vector<96xf32>
    %swap3A_507 = vector.shape_cast %broadcast_in_dim3A_2 : vector<96xf32> to vector<1x1x96xf32>
    tpu.vector_store %arg11[%swap3A_502, %swap3A_503, %swap3A_504], %swap3A_507 {strides = array<i32>} : memref<4x5x4096xf32, #tpu.memory_space<vmem>>, vector<1x1x96xf32>,
    %get3A_508 = arith.constant 1 : index
    %get3A_509 = arith.constant 0 : index
    %get3A_510 = vector.load %arg0[%get3A_508, %get3A_509] : memref<4x20000xf32, #tpu.memory_space<vmem>>, vector<1x4000xf32>
    %get3A_511 = vector.shape_cast %get3A_510 : vector<1x4000xf32> to vector<4000xf32>
    %gt3A_512 = arith.constant 2.500000e-01 : f32
    %gt3A_513 = vector.broadcast %gt3A_512 : f32 to vector<4000xf32>
    %gt3A_514 = arith.cmpf ogt, %get3A_511, %gt3A_513 : vector<4000xf32>
    %jit3A_515 = arith.constant -1.000000e+00 : f32
    %broadcast_in_dim3A_516 = vector.broadcast %jit3A_515 : f32 to vector<4000xf32>
    %select_n3A_517 = arith.select %gt3A_514, %get3A_511, %broadcast_in_dim3A_516 : vector<4000xi1>, vector<4000xf32>
    %swap3A_518 = arith.constant 1 : index
    %swap3A_519 = arith.constant 0 : index
    %swap3A_520 = arith.constant 0 : index
    %swap3A_521 = vector.load %arg6[%swap3A_518, %swap3A_519, %swap3A_520] : memref<4x5x4096xf32, #tpu.memory_space<vmem>>, vector<1x1x4000xf32>
    %swap3A_522 = vector.shape_cast %swap3A_521 : vector<1x1x4000xf32> to vector<4000xf32>
    %swap3A_523 = vector.shape_cast %select_n3A_517 : vector<4000xf32> to vector<1x1x4000xf32>
    tpu.vector_store %arg6[%swap3A_518, %swap3A_519, %swap3A_520], %swap3A_523 {strides = array<i32>} : memref<4x5x4096xf32, #tpu.memory_space<vmem>>, vector<1x1x4000xf32>,
    %swap3A_524 = arith.constant 1 : index
    %swap3A_525 = arith.constant 0 : index
    %swap3A_526 = arith.constant 4000 : index
    %swap3A_527 = vector.load %arg6[%swap3A_524, %swap3A_525, %swap3A_526] : memref<4x5x4096xf32, #tpu.memory_space<vmem>>, vector<1x1x96xf32>
    %swap3A_528 = vector.shape_cast %swap3A_527 : vector<1x1x96xf32> to vector<96xf32>
    %swap3A_529 = vector.shape_cast %broadcast_in_dim3A_0 : vector<96xf32> to vector<1x1x96xf32>
    tpu.vector_store %arg6[%swap3A_524, %swap3A_525, %swap3A_526], %swap3A_529 {strides = array<i32>} : memref<4x5x4096xf32, #tpu.memory_space<vmem>>, vector<1x1x96xf32>,
    %get3A_530 = arith.constant 1 : index
    %get3A_531 = arith.constant 0 : index
    %get3A_532 = vector.load %arg1[%get3A_530, %get3A_531] : memref<4x20000xf32, #tpu.memory_space<vmem>>, vector<1x4000xf32>
    %get3A_533 = vector.shape_cast %get3A_532 : vector<1x4000xf32> to vector<4000xf32>
    %swap3A_534 = arith.constant 1 : index
    %swap3A_535 = arith.constant 0 : index
    %swap3A_536 = arith.constant 0 : index
    %swap3A_537 = vector.load %arg7[%swap3A_534, %swap3A_535, %swap3A_536] : memref<4x5x4096xf32, #tpu.memory_space<vmem>>, vector<1x1x4000xf32>
    %swap3A_538 = vector.shape_cast %swap3A_537 : vector<1x1x4000xf32> to vector<4000xf32>
    %swap3A_539 = vector.shape_cast %get3A_533 : vector<4000xf32> to vector<1x1x4000xf32>
    tpu.vector_store %arg7[%swap3A_534, %swap3A_535, %swap3A_536], %swap3A_539 {strides = array<i32>} : memref<4x5x4096xf32, #tpu.memory_space<vmem>>, vector<1x1x4000xf32>,
    %swap3A_540 = arith.constant 1 : index
    %swap3A_541 = arith.constant 0 : index
    %swap3A_542 = arith.constant 4000 : index
    %swap3A_543 = vector.load %arg7[%swap3A_540, %swap3A_541, %swap3A_542] : memref<4x5x4096xf32, #tpu.memory_space<vmem>>, vector<1x1x96xf32>
    %swap3A_544 = vector.shape_cast %swap3A_543 : vector<1x1x96xf32> to vector<96xf32>
    %swap3A_545 = vector.shape_cast %broadcast_in_dim3A_2 : vector<96xf32> to vector<1x1x96xf32>
    tpu.vector_store %arg7[%swap3A_540, %swap3A_541, %swap3A_542], %swap3A_545 {strides = array<i32>} : memref<4x5x4096xf32, #tpu.memory_space<vmem>>, vector<1x1x96xf32>,
    %get3A_546 = arith.constant 1 : index
    %get3A_547 = arith.constant 0 : index
    %get3A_548 = vector.load %arg2[%get3A_546, %get3A_547] : memref<4x20000xf32, #tpu.memory_space<vmem>>, vector<1x4000xf32>
    %get3A_549 = vector.shape_cast %get3A_548 : vector<1x4000xf32> to vector<4000xf32>
    %swap3A_550 = arith.constant 1 : index
    %swap3A_551 = arith.constant 0 : index
    %swap3A_552 = arith.constant 0 : index
    %swap3A_553 = vector.load %arg8[%swap3A_550, %swap3A_551, %swap3A_552] : memref<4x5x4096xf32, #tpu.memory_space<vmem>>, vector<1x1x4000xf32>
    %swap3A_554 = vector.shape_cast %swap3A_553 : vector<1x1x4000xf32> to vector<4000xf32>
    %swap3A_555 = vector.shape_cast %get3A_549 : vector<4000xf32> to vector<1x1x4000xf32>
    tpu.vector_store %arg8[%swap3A_550, %swap3A_551, %swap3A_552], %swap3A_555 {strides = array<i32>} : memref<4x5x4096xf32, #tpu.memory_space<vmem>>, vector<1x1x4000xf32>,
    %swap3A_556 = arith.constant 1 : index
    %swap3A_557 = arith.constant 0 : index
    %swap3A_558 = arith.constant 4000 : index
    %swap3A_559 = vector.load %arg8[%swap3A_556, %swap3A_557, %swap3A_558] : memref<4x5x4096xf32, #tpu.memory_space<vmem>>, vector<1x1x96xf32>
    %swap3A_560 = vector.shape_cast %swap3A_559 : vector<1x1x96xf32> to vector<96xf32>
    %swap3A_561 = vector.shape_cast %broadcast_in_dim3A_2 : vector<96xf32> to vector<1x1x96xf32>
    tpu.vector_store %arg8[%swap3A_556, %swap3A_557, %swap3A_558], %swap3A_561 {strides = array<i32>} : memref<4x5x4096xf32, #tpu.memory_space<vmem>>, vector<1x1x96xf32>,
    %get3A_562 = arith.constant 1 : index
    %get3A_563 = arith.constant 0 : index
    %get3A_564 = vector.load %arg3[%get3A_562, %get3A_563] : memref<4x20000xf32, #tpu.memory_space<vmem>>, vector<1x4000xf32>
    %get3A_565 = vector.shape_cast %get3A_564 : vector<1x4000xf32> to vector<4000xf32>
    %swap3A_566 = arith.constant 1 : index
    %swap3A_567 = arith.constant 0 : index
    %swap3A_568 = arith.constant 0 : index
    %swap3A_569 = vector.load %arg9[%swap3A_566, %swap3A_567, %swap3A_568] : memref<4x5x4096xf32, #tpu.memory_space<vmem>>, vector<1x1x4000xf32>
    %swap3A_570 = vector.shape_cast %swap3A_569 : vector<1x1x4000xf32> to vector<4000xf32>
    %swap3A_571 = vector.shape_cast %get3A_565 : vector<4000xf32> to vector<1x1x4000xf32>
    tpu.vector_store %arg9[%swap3A_566, %swap3A_567, %swap3A_568], %swap3A_571 {strides = array<i32>} : memref<4x5x4096xf32, #tpu.memory_space<vmem>>, vector<1x1x4000xf32>,
    %swap3A_572 = arith.constant 1 : index
    %swap3A_573 = arith.constant 0 : index
    %swap3A_574 = arith.constant 4000 : index
    %swap3A_575 = vector.load %arg9[%swap3A_572, %swap3A_573, %swap3A_574] : memref<4x5x4096xf32, #tpu.memory_space<vmem>>, vector<1x1x96xf32>
    %swap3A_576 = vector.shape_cast %swap3A_575 : vector<1x1x96xf32> to vector<96xf32>
    %swap3A_577 = vector.shape_cast %broadcast_in_dim3A_2 : vector<96xf32> to vector<1x1x96xf32>
    tpu.vector_store %arg9[%swap3A_572, %swap3A_573, %swap3A_574], %swap3A_577 {strides = array<i32>} : memref<4x5x4096xf32, #tpu.memory_space<vmem>>, vector<1x1x96xf32>,
    %get3A_578 = arith.constant 1 : index
    %get3A_579 = arith.constant 0 : index
    %get3A_580 = vector.load %arg4[%get3A_578, %get3A_579] : memref<4x20000xf32, #tpu.memory_space<vmem>>, vector<1x4000xf32>
    %get3A_581 = vector.shape_cast %get3A_580 : vector<1x4000xf32> to vector<4000xf32>
    %swap3A_582 = arith.constant 1 : index
    %swap3A_583 = arith.constant 0 : index
    %swap3A_584 = arith.constant 0 : index
    %swap3A_585 = vector.load %arg10[%swap3A_582, %swap3A_583, %swap3A_584] : memref<4x5x4096xf32, #tpu.memory_space<vmem>>, vector<1x1x4000xf32>
    %swap3A_586 = vector.shape_cast %swap3A_585 : vector<1x1x4000xf32> to vector<4000xf32>
    %swap3A_587 = vector.shape_cast %get3A_581 : vector<4000xf32> to vector<1x1x4000xf32>
    tpu.vector_store %arg10[%swap3A_582, %swap3A_583, %swap3A_584], %swap3A_587 {strides = array<i32>} : memref<4x5x4096xf32, #tpu.memory_space<vmem>>, vector<1x1x4000xf32>,
    %swap3A_588 = arith.constant 1 : index
    %swap3A_589 = arith.constant 0 : index
    %swap3A_590 = arith.constant 4000 : index
    %swap3A_591 = vector.load %arg10[%swap3A_588, %swap3A_589, %swap3A_590] : memref<4x5x4096xf32, #tpu.memory_space<vmem>>, vector<1x1x96xf32>
    %swap3A_592 = vector.shape_cast %swap3A_591 : vector<1x1x96xf32> to vector<96xf32>
    %swap3A_593 = vector.shape_cast %broadcast_in_dim3A_2 : vector<96xf32> to vector<1x1x96xf32>
    tpu.vector_store %arg10[%swap3A_588, %swap3A_589, %swap3A_590], %swap3A_593 {strides = array<i32>} : memref<4x5x4096xf32, #tpu.memory_space<vmem>>, vector<1x1x96xf32>,
    %get3A_594 = arith.constant 1 : index
    %get3A_595 = arith.constant 0 : index
    %get3A_596 = vector.load %arg5[%get3A_594, %get3A_595] : memref<4x20000xf32, #tpu.memory_space<vmem>>, vector<1x4000xf32>
    %get3A_597 = vector.shape_cast %get3A_596 : vector<1x4000xf32> to vector<4000xf32>
    %swap3A_598 = arith.constant 1 : index
    %swap3A_599 = arith.constant 0 : index
    %swap3A_600 = arith.constant 0 : index
    %swap3A_601 = vector.load %arg11[%swap3A_598, %swap3A_599, %swap3A_600] : memref<4x5x4096xf32, #tpu.memory_space<vmem>>, vector<1x1x4000xf32>
    %swap3A_602 = vector.shape_cast %swap3A_601 : vector<1x1x4000xf32> to vector<4000xf32>
    %swap3A_603 = vector.shape_cast %get3A_597 : vector<4000xf32> to vector<1x1x4000xf32>
    tpu.vector_store %arg11[%swap3A_598, %swap3A_599, %swap3A_600], %swap3A_603 {strides = array<i32>} : memref<4x5x4096xf32, #tpu.memory_space<vmem>>, vector<1x1x4000xf32>,
    %swap3A_604 = arith.constant 1 : index
    %swap3A_605 = arith.constant 0 : index
    %swap3A_606 = arith.constant 4000 : index
    %swap3A_607 = vector.load %arg11[%swap3A_604, %swap3A_605, %swap3A_606] : memref<4x5x4096xf32, #tpu.memory_space<vmem>>, vector<1x1x96xf32>
    %swap3A_608 = vector.shape_cast %swap3A_607 : vector<1x1x96xf32> to vector<96xf32>
    %swap3A_609 = vector.shape_cast %broadcast_in_dim3A_2 : vector<96xf32> to vector<1x1x96xf32>
    tpu.vector_store %arg11[%swap3A_604, %swap3A_605, %swap3A_606], %swap3A_609 {strides = array<i32>} : memref<4x5x4096xf32, #tpu.memory_space<vmem>>, vector<1x1x96xf32>,
    %get3A_610 = arith.constant 1 : index
    %get3A_611 = arith.constant 4000 : index
    %get3A_612 = vector.load %arg0[%get3A_610, %get3A_611] : memref<4x20000xf32, #tpu.memory_space<vmem>>, vector<1x4000xf32>
    %get3A_613 = vector.shape_cast %get3A_612 : vector<1x4000xf32> to vector<4000xf32>
    %gt3A_614 = arith.constant 2.500000e-01 : f32
    %gt3A_615 = vector.broadcast %gt3A_614 : f32 to vector<4000xf32>
    %gt3A_616 = arith.cmpf ogt, %get3A_613, %gt3A_615 : vector<4000xf32>
    %jit3A_617 = arith.constant -1.000000e+00 : f32
    %broadcast_in_dim3A_618 = vector.broadcast %jit3A_617 : f32 to vector<4000xf32>
    %select_n3A_619 = arith.select %gt3A_616, %get3A_613, %broadcast_in_dim3A_618 : vector<4000xi1>, vector<4000xf32>
    %swap3A_620 = arith.constant 1 : index
    %swap3A_621 = arith.constant 1 : index
    %swap3A_622 = arith.constant 0 : index
    %swap3A_623 = vector.load %arg6[%swap3A_620, %swap3A_621, %swap3A_622] : memref<4x5x4096xf32, #tpu.memory_space<vmem>>, vector<1x1x4000xf32>
    %swap3A_624 = vector.shape_cast %swap3A_623 : vector<1x1x4000xf32> to vector<4000xf32>
    %swap3A_625 = vector.shape_cast %select_n3A_619 : vector<4000xf32> to vector<1x1x4000xf32>
    tpu.vector_store %arg6[%swap3A_620, %swap3A_621, %swap3A_622], %swap3A_625 {strides = array<i32>} : memref<4x5x4096xf32, #tpu.memory_space<vmem>>, vector<1x1x4000xf32>,
    %swap3A_626 = arith.constant 1 : index
    %swap3A_627 = arith.constant 1 : index
    %swap3A_628 = arith.constant 4000 : index
    %swap3A_629 = vector.load %arg6[%swap3A_626, %swap3A_627, %swap3A_628] : memref<4x5x4096xf32, #tpu.memory_space<vmem>>, vector<1x1x96xf32>
    %swap3A_630 = vector.shape_cast %swap3A_629 : vector<1x1x96xf32> to vector<96xf32>
    %swap3A_631 = vector.shape_cast %broadcast_in_dim3A_0 : vector<96xf32> to vector<1x1x96xf32>
    tpu.vector_store %arg6[%swap3A_626, %swap3A_627, %swap3A_628], %swap3A_631 {strides = array<i32>} : memref<4x5x4096xf32, #tpu.memory_space<vmem>>, vector<1x1x96xf32>,
    %get3A_632 = arith.constant 1 : index
    %get3A_633 = arith.constant 4000 : index
    %get3A_634 = vector.load %arg1[%get3A_632, %get3A_633] : memref<4x20000xf32, #tpu.memory_space<vmem>>, vector<1x4000xf32>
    %get3A_635 = vector.shape_cast %get3A_634 : vector<1x4000xf32> to vector<4000xf32>
    %swap3A_636 = arith.constant 1 : index
    %swap3A_637 = arith.constant 1 : index
    %swap3A_638 = arith.constant 0 : index
    %swap3A_639 = vector.load %arg7[%swap3A_636, %swap3A_637, %swap3A_638] : memref<4x5x4096xf32, #tpu.memory_space<vmem>>, vector<1x1x4000xf32>
    %swap3A_640 = vector.shape_cast %swap3A_639 : vector<1x1x4000xf32> to vector<4000xf32>
    %swap3A_641 = vector.shape_cast %get3A_635 : vector<4000xf32> to vector<1x1x4000xf32>
    tpu.vector_store %arg7[%swap3A_636, %swap3A_637, %swap3A_638], %swap3A_641 {strides = array<i32>} : memref<4x5x4096xf32, #tpu.memory_space<vmem>>, vector<1x1x4000xf32>,
    %swap3A_642 = arith.constant 1 : index
    %swap3A_643 = arith.constant 1 : index
    %swap3A_644 = arith.constant 4000 : index
    %swap3A_645 = vector.load %arg7[%swap3A_642, %swap3A_643, %swap3A_644] : memref<4x5x4096xf32, #tpu.memory_space<vmem>>, vector<1x1x96xf32>
    %swap3A_646 = vector.shape_cast %swap3A_645 : vector<1x1x96xf32> to vector<96xf32>
    %swap3A_647 = vector.shape_cast %broadcast_in_dim3A_2 : vector<96xf32> to vector<1x1x96xf32>
    tpu.vector_store %arg7[%swap3A_642, %swap3A_643, %swap3A_644], %swap3A_647 {strides = array<i32>} : memref<4x5x4096xf32, #tpu.memory_space<vmem>>, vector<1x1x96xf32>,
    %get3A_648 = arith.constant 1 : index
    %get3A_649 = arith.constant 4000 : index
    %get3A_650 = vector.load %arg2[%get3A_648, %get3A_649] : memref<4x20000xf32, #tpu.memory_space<vmem>>, vector<1x4000xf32>
    %get3A_651 = vector.shape_cast %get3A_650 : vector<1x4000xf32> to vector<4000xf32>
    %swap3A_652 = arith.constant 1 : index
    %swap3A_653 = arith.constant 1 : index
    %swap3A_654 = arith.constant 0 : index
    %swap3A_655 = vector.load %arg8[%swap3A_652, %swap3A_653, %swap3A_654] : memref<4x5x4096xf32, #tpu.memory_space<vmem>>, vector<1x1x4000xf32>
    %swap3A_656 = vector.shape_cast %swap3A_655 : vector<1x1x4000xf32> to vector<4000xf32>
    %swap3A_657 = vector.shape_cast %get3A_651 : vector<4000xf32> to vector<1x1x4000xf32>
    tpu.vector_store %arg8[%swap3A_652, %swap3A_653, %swap3A_654], %swap3A_657 {strides = array<i32>} : memref<4x5x4096xf32, #tpu.memory_space<vmem>>, vector<1x1x4000xf32>,
    %swap3A_658 = arith.constant 1 : index
    %swap3A_659 = arith.constant 1 : index
    %swap3A_660 = arith.constant 4000 : index
    %swap3A_661 = vector.load %arg8[%swap3A_658, %swap3A_659, %swap3A_660] : memref<4x5x4096xf32, #tpu.memory_space<vmem>>, vector<1x1x96xf32>
    %swap3A_662 = vector.shape_cast %swap3A_661 : vector<1x1x96xf32> to vector<96xf32>
    %swap3A_663 = vector.shape_cast %broadcast_in_dim3A_2 : vector<96xf32> to vector<1x1x96xf32>
    tpu.vector_store %arg8[%swap3A_658, %swap3A_659, %swap3A_660], %swap3A_663 {strides = array<i32>} : memref<4x5x4096xf32, #tpu.memory_space<vmem>>, vector<1x1x96xf32>,
    %get3A_664 = arith.constant 1 : index
    %get3A_665 = arith.constant 4000 : index
    %get3A_666 = vector.load %arg3[%get3A_664, %get3A_665] : memref<4x20000xf32, #tpu.memory_space<vmem>>, vector<1x4000xf32>
    %get3A_667 = vector.shape_cast %get3A_666 : vector<1x4000xf32> to vector<4000xf32>
    %swap3A_668 = arith.constant 1 : index
    %swap3A_669 = arith.constant 1 : index
    %swap3A_670 = arith.constant 0 : index
    %swap3A_671 = vector.load %arg9[%swap3A_668, %swap3A_669, %swap3A_670] : memref<4x5x4096xf32, #tpu.memory_space<vmem>>, vector<1x1x4000xf32>
    %swap3A_672 = vector.shape_cast %swap3A_671 : vector<1x1x4000xf32> to vector<4000xf32>
    %swap3A_673 = vector.shape_cast %get3A_667 : vector<4000xf32> to vector<1x1x4000xf32>
    tpu.vector_store %arg9[%swap3A_668, %swap3A_669, %swap3A_670], %swap3A_673 {strides = array<i32>} : memref<4x5x4096xf32, #tpu.memory_space<vmem>>, vector<1x1x4000xf32>,
    %swap3A_674 = arith.constant 1 : index
    %swap3A_675 = arith.constant 1 : index
    %swap3A_676 = arith.constant 4000 : index
    %swap3A_677 = vector.load %arg9[%swap3A_674, %swap3A_675, %swap3A_676] : memref<4x5x4096xf32, #tpu.memory_space<vmem>>, vector<1x1x96xf32>
    %swap3A_678 = vector.shape_cast %swap3A_677 : vector<1x1x96xf32> to vector<96xf32>
    %swap3A_679 = vector.shape_cast %broadcast_in_dim3A_2 : vector<96xf32> to vector<1x1x96xf32>
    tpu.vector_store %arg9[%swap3A_674, %swap3A_675, %swap3A_676], %swap3A_679 {strides = array<i32>} : memref<4x5x4096xf32, #tpu.memory_space<vmem>>, vector<1x1x96xf32>,
    %get3A_680 = arith.constant 1 : index
    %get3A_681 = arith.constant 4000 : index
    %get3A_682 = vector.load %arg4[%get3A_680, %get3A_681] : memref<4x20000xf32, #tpu.memory_space<vmem>>, vector<1x4000xf32>
    %get3A_683 = vector.shape_cast %get3A_682 : vector<1x4000xf32> to vector<4000xf32>
    %swap3A_684 = arith.constant 1 : index
    %swap3A_685 = arith.constant 1 : index
    %swap3A_686 = arith.constant 0 : index
    %swap3A_687 = vector.load %arg10[%swap3A_684, %swap3A_685, %swap3A_686] : memref<4x5x4096xf32, #tpu.memory_space<vmem>>, vector<1x1x4000xf32>
    %swap3A_688 = vector.shape_cast %swap3A_687 : vector<1x1x4000xf32> to vector<4000xf32>
    %swap3A_689 = vector.shape_cast %get3A_683 : vector<4000xf32> to vector<1x1x4000xf32>
    tpu.vector_store %arg10[%swap3A_684, %swap3A_685, %swap3A_686], %swap3A_689 {strides = array<i32>} : memref<4x5x4096xf32, #tpu.memory_space<vmem>>, vector<1x1x4000xf32>,
    %swap3A_690 = arith.constant 1 : index
    %swap3A_691 = arith.constant 1 : index
    %swap3A_692 = arith.constant 4000 : index
    %swap3A_693 = vector.load %arg10[%swap3A_690, %swap3A_691, %swap3A_692] : memref<4x5x4096xf32, #tpu.memory_space<vmem>>, vector<1x1x96xf32>
    %swap3A_694 = vector.shape_cast %swap3A_693 : vector<1x1x96xf32> to vector<96xf32>
    %swap3A_695 = vector.shape_cast %broadcast_in_dim3A_2 : vector<96xf32> to vector<1x1x96xf32>
    tpu.vector_store %arg10[%swap3A_690, %swap3A_691, %swap3A_692], %swap3A_695 {strides = array<i32>} : memref<4x5x4096xf32, #tpu.memory_space<vmem>>, vector<1x1x96xf32>,
    %get3A_696 = arith.constant 1 : index
    %get3A_697 = arith.constant 4000 : index
    %get3A_698 = vector.load %arg5[%get3A_696, %get3A_697] : memref<4x20000xf32, #tpu.memory_space<vmem>>, vector<1x4000xf32>
    %get3A_699 = vector.shape_cast %get3A_698 : vector<1x4000xf32> to vector<4000xf32>
    %swap3A_700 = arith.constant 1 : index
    %swap3A_701 = arith.constant 1 : index
    %swap3A_702 = arith.constant 0 : index
    %swap3A_703 = vector.load %arg11[%swap3A_700, %swap3A_701, %swap3A_702] : memref<4x5x4096xf32, #tpu.memory_space<vmem>>, vector<1x1x4000xf32>
    %swap3A_704 = vector.shape_cast %swap3A_703 : vector<1x1x4000xf32> to vector<4000xf32>
    %swap3A_705 = vector.shape_cast %get3A_699 : vector<4000xf32> to vector<1x1x4000xf32>
    tpu.vector_store %arg11[%swap3A_700, %swap3A_701, %swap3A_702], %swap3A_705 {strides = array<i32>} : memref<4x5x4096xf32, #tpu.memory_space<vmem>>, vector<1x1x4000xf32>,
    %swap3A_706 = arith.constant 1 : index
    %swap3A_707 = arith.constant 1 : index
    %swap3A_708 = arith.constant 4000 : index
    %swap3A_709 = vector.load %arg11[%swap3A_706, %swap3A_707, %swap3A_708] : memref<4x5x4096xf32, #tpu.memory_space<vmem>>, vector<1x1x96xf32>
    %swap3A_710 = vector.shape_cast %swap3A_709 : vector<1x1x96xf32> to vector<96xf32>
    %swap3A_711 = vector.shape_cast %broadcast_in_dim3A_2 : vector<96xf32> to vector<1x1x96xf32>
    tpu.vector_store %arg11[%swap3A_706, %swap3A_707, %swap3A_708], %swap3A_711 {strides = array<i32>} : memref<4x5x4096xf32, #tpu.memory_space<vmem>>, vector<1x1x96xf32>,
    %get3A_712 = arith.constant 1 : index
    %get3A_713 = arith.constant 8000 : index
    %get3A_714 = vector.load %arg0[%get3A_712, %get3A_713] : memref<4x20000xf32, #tpu.memory_space<vmem>>, vector<1x4000xf32>
    %get3A_715 = vector.shape_cast %get3A_714 : vector<1x4000xf32> to vector<4000xf32>
    %gt3A_716 = arith.constant 2.500000e-01 : f32
    %gt3A_717 = vector.broadcast %gt3A_716 : f32 to vector<4000xf32>
    %gt3A_718 = arith.cmpf ogt, %get3A_715, %gt3A_717 : vector<4000xf32>
    %jit3A_719 = arith.constant -1.000000e+00 : f32
    %broadcast_in_dim3A_720 = vector.broadcast %jit3A_719 : f32 to vector<4000xf32>
    %select_n3A_721 = arith.select %gt3A_718, %get3A_715, %broadcast_in_dim3A_720 : vector<4000xi1>, vector<4000xf32>
    %swap3A_722 = arith.constant 1 : index
    %swap3A_723 = arith.constant 2 : index
    %swap3A_724 = arith.constant 0 : index
    %swap3A_725 = vector.load %arg6[%swap3A_722, %swap3A_723, %swap3A_724] : memref<4x5x4096xf32, #tpu.memory_space<vmem>>, vector<1x1x4000xf32>
    %swap3A_726 = vector.shape_cast %swap3A_725 : vector<1x1x4000xf32> to vector<4000xf32>
    %swap3A_727 = vector.shape_cast %select_n3A_721 : vector<4000xf32> to vector<1x1x4000xf32>
    tpu.vector_store %arg6[%swap3A_722, %swap3A_723, %swap3A_724], %swap3A_727 {strides = array<i32>} : memref<4x5x4096xf32, #tpu.memory_space<vmem>>, vector<1x1x4000xf32>,
    %swap3A_728 = arith.constant 1 : index
    %swap3A_729 = arith.constant 2 : index
    %swap3A_730 = arith.constant 4000 : index
    %swap3A_731 = vector.load %arg6[%swap3A_728, %swap3A_729, %swap3A_730] : memref<4x5x4096xf32, #tpu.memory_space<vmem>>, vector<1x1x96xf32>
    %swap3A_732 = vector.shape_cast %swap3A_731 : vector<1x1x96xf32> to vector<96xf32>
    %swap3A_733 = vector.shape_cast %broadcast_in_dim3A_0 : vector<96xf32> to vector<1x1x96xf32>
    tpu.vector_store %arg6[%swap3A_728, %swap3A_729, %swap3A_730], %swap3A_733 {strides = array<i32>} : memref<4x5x4096xf32, #tpu.memory_space<vmem>>, vector<1x1x96xf32>,
    %get3A_734 = arith.constant 1 : index
    %get3A_735 = arith.constant 8000 : index
    %get3A_736 = vector.load %arg1[%get3A_734, %get3A_735] : memref<4x20000xf32, #tpu.memory_space<vmem>>, vector<1x4000xf32>
    %get3A_737 = vector.shape_cast %get3A_736 : vector<1x4000xf32> to vector<4000xf32>
    %swap3A_738 = arith.constant 1 : index
    %swap3A_739 = arith.constant 2 : index
    %swap3A_740 = arith.constant 0 : index
    %swap3A_741 = vector.load %arg7[%swap3A_738, %swap3A_739, %swap3A_740] : memref<4x5x4096xf32, #tpu.memory_space<vmem>>, vector<1x1x4000xf32>
    %swap3A_742 = vector.shape_cast %swap3A_741 : vector<1x1x4000xf32> to vector<4000xf32>
    %swap3A_743 = vector.shape_cast %get3A_737 : vector<4000xf32> to vector<1x1x4000xf32>
    tpu.vector_store %arg7[%swap3A_738, %swap3A_739, %swap3A_740], %swap3A_743 {strides = array<i32>} : memref<4x5x4096xf32, #tpu.memory_space<vmem>>, vector<1x1x4000xf32>,
    %swap3A_744 = arith.constant 1 : index
    %swap3A_745 = arith.constant 2 : index
    %swap3A_746 = arith.constant 4000 : index
    %swap3A_747 = vector.load %arg7[%swap3A_744, %swap3A_745, %swap3A_746] : memref<4x5x4096xf32, #tpu.memory_space<vmem>>, vector<1x1x96xf32>
    %swap3A_748 = vector.shape_cast %swap3A_747 : vector<1x1x96xf32> to vector<96xf32>
    %swap3A_749 = vector.shape_cast %broadcast_in_dim3A_2 : vector<96xf32> to vector<1x1x96xf32>
    tpu.vector_store %arg7[%swap3A_744, %swap3A_745, %swap3A_746], %swap3A_749 {strides = array<i32>} : memref<4x5x4096xf32, #tpu.memory_space<vmem>>, vector<1x1x96xf32>,
    %get3A_750 = arith.constant 1 : index
    %get3A_751 = arith.constant 8000 : index
    %get3A_752 = vector.load %arg2[%get3A_750, %get3A_751] : memref<4x20000xf32, #tpu.memory_space<vmem>>, vector<1x4000xf32>
    %get3A_753 = vector.shape_cast %get3A_752 : vector<1x4000xf32> to vector<4000xf32>
    %swap3A_754 = arith.constant 1 : index
    %swap3A_755 = arith.constant 2 : index
    %swap3A_756 = arith.constant 0 : index
    %swap3A_757 = vector.load %arg8[%swap3A_754, %swap3A_755, %swap3A_756] : memref<4x5x4096xf32, #tpu.memory_space<vmem>>, vector<1x1x4000xf32>
    %swap3A_758 = vector.shape_cast %swap3A_757 : vector<1x1x4000xf32> to vector<4000xf32>
    %swap3A_759 = vector.shape_cast %get3A_753 : vector<4000xf32> to vector<1x1x4000xf32>
    tpu.vector_store %arg8[%swap3A_754, %swap3A_755, %swap3A_756], %swap3A_759 {strides = array<i32>} : memref<4x5x4096xf32, #tpu.memory_space<vmem>>, vector<1x1x4000xf32>,
    %swap3A_760 = arith.constant 1 : index
    %swap3A_761 = arith.constant 2 : index
    %swap3A_762 = arith.constant 4000 : index
    %swap3A_763 = vector.load %arg8[%swap3A_760, %swap3A_761, %swap3A_762] : memref<4x5x4096xf32, #tpu.memory_space<vmem>>, vector<1x1x96xf32>
    %swap3A_764 = vector.shape_cast %swap3A_763 : vector<1x1x96xf32> to vector<96xf32>
    %swap3A_765 = vector.shape_cast %broadcast_in_dim3A_2 : vector<96xf32> to vector<1x1x96xf32>
    tpu.vector_store %arg8[%swap3A_760, %swap3A_761, %swap3A_762], %swap3A_765 {strides = array<i32>} : memref<4x5x4096xf32, #tpu.memory_space<vmem>>, vector<1x1x96xf32>,
    %get3A_766 = arith.constant 1 : index
    %get3A_767 = arith.constant 8000 : index
    %get3A_768 = vector.load %arg3[%get3A_766, %get3A_767] : memref<4x20000xf32, #tpu.memory_space<vmem>>, vector<1x4000xf32>
    %get3A_769 = vector.shape_cast %get3A_768 : vector<1x4000xf32> to vector<4000xf32>
    %swap3A_770 = arith.constant 1 : index
    %swap3A_771 = arith.constant 2 : index
    %swap3A_772 = arith.constant 0 : index
    %swap3A_773 = vector.load %arg9[%swap3A_770, %swap3A_771, %swap3A_772] : memref<4x5x4096xf32, #tpu.memory_space<vmem>>, vector<1x1x4000xf32>
    %swap3A_774 = vector.shape_cast %swap3A_773 : vector<1x1x4000xf32> to vector<4000xf32>
    %swap3A_775 = vector.shape_cast %get3A_769 : vector<4000xf32> to vector<1x1x4000xf32>
    tpu.vector_store %arg9[%swap3A_770, %swap3A_771, %swap3A_772], %swap3A_775 {strides = array<i32>} : memref<4x5x4096xf32, #tpu.memory_space<vmem>>, vector<1x1x4000xf32>,
    %swap3A_776 = arith.constant 1 : index
    %swap3A_777 = arith.constant 2 : index
    %swap3A_778 = arith.constant 4000 : index
    %swap3A_779 = vector.load %arg9[%swap3A_776, %swap3A_777, %swap3A_778] : memref<4x5x4096xf32, #tpu.memory_space<vmem>>, vector<1x1x96xf32>
    %swap3A_780 = vector.shape_cast %swap3A_779 : vector<1x1x96xf32> to vector<96xf32>
    %swap3A_781 = vector.shape_cast %broadcast_in_dim3A_2 : vector<96xf32> to vector<1x1x96xf32>
    tpu.vector_store %arg9[%swap3A_776, %swap3A_777, %swap3A_778], %swap3A_781 {strides = array<i32>} : memref<4x5x4096xf32, #tpu.memory_space<vmem>>, vector<1x1x96xf32>,
    %get3A_782 = arith.constant 1 : index
    %get3A_783 = arith.constant 8000 : index
    %get3A_784 = vector.load %arg4[%get3A_782, %get3A_783] : memref<4x20000xf32, #tpu.memory_space<vmem>>, vector<1x4000xf32>
    %get3A_785 = vector.shape_cast %get3A_784 : vector<1x4000xf32> to vector<4000xf32>
    %swap3A_786 = arith.constant 1 : index
    %swap3A_787 = arith.constant 2 : index
    %swap3A_788 = arith.constant 0 : index
    %swap3A_789 = vector.load %arg10[%swap3A_786, %swap3A_787, %swap3A_788] : memref<4x5x4096xf32, #tpu.memory_space<vmem>>, vector<1x1x4000xf32>
    %swap3A_790 = vector.shape_cast %swap3A_789 : vector<1x1x4000xf32> to vector<4000xf32>
    %swap3A_791 = vector.shape_cast %get3A_785 : vector<4000xf32> to vector<1x1x4000xf32>
    tpu.vector_store %arg10[%swap3A_786, %swap3A_787, %swap3A_788], %swap3A_791 {strides = array<i32>} : memref<4x5x4096xf32, #tpu.memory_space<vmem>>, vector<1x1x4000xf32>,
    %swap3A_792 = arith.constant 1 : index
    %swap3A_793 = arith.constant 2 : index
    %swap3A_794 = arith.constant 4000 : index
    %swap3A_795 = vector.load %arg10[%swap3A_792, %swap3A_793, %swap3A_794] : memref<4x5x4096xf32, #tpu.memory_space<vmem>>, vector<1x1x96xf32>
    %swap3A_796 = vector.shape_cast %swap3A_795 : vector<1x1x96xf32> to vector<96xf32>
    %swap3A_797 = vector.shape_cast %broadcast_in_dim3A_2 : vector<96xf32> to vector<1x1x96xf32>
    tpu.vector_store %arg10[%swap3A_792, %swap3A_793, %swap3A_794], %swap3A_797 {strides = array<i32>} : memref<4x5x4096xf32, #tpu.memory_space<vmem>>, vector<1x1x96xf32>,
    %get3A_798 = arith.constant 1 : index
    %get3A_799 = arith.constant 8000 : index
    %get3A_800 = vector.load %arg5[%get3A_798, %get3A_799] : memref<4x20000xf32, #tpu.memory_space<vmem>>, vector<1x4000xf32>
    %get3A_801 = vector.shape_cast %get3A_800 : vector<1x4000xf32> to vector<4000xf32>
    %swap3A_802 = arith.constant 1 : index
    %swap3A_803 = arith.constant 2 : index
    %swap3A_804 = arith.constant 0 : index
    %swap3A_805 = vector.load %arg11[%swap3A_802, %swap3A_803, %swap3A_804] : memref<4x5x4096xf32, #tpu.memory_space<vmem>>, vector<1x1x4000xf32>
    %swap3A_806 = vector.shape_cast %swap3A_805 : vector<1x1x4000xf32> to vector<4000xf32>
    %swap3A_807 = vector.shape_cast %get3A_801 : vector<4000xf32> to vector<1x1x4000xf32>
    tpu.vector_store %arg11[%swap3A_802, %swap3A_803, %swap3A_804], %swap3A_807 {strides = array<i32>} : memref<4x5x4096xf32, #tpu.memory_space<vmem>>, vector<1x1x4000xf32>,
    %swap3A_808 = arith.constant 1 : index
    %swap3A_809 = arith.constant 2 : index
    %swap3A_810 = arith.constant 4000 : index
    %swap3A_811 = vector.load %arg11[%swap3A_808, %swap3A_809, %swap3A_810] : memref<4x5x4096xf32, #tpu.memory_space<vmem>>, vector<1x1x96xf32>
    %swap3A_812 = vector.shape_cast %swap3A_811 : vector<1x1x96xf32> to vector<96xf32>
    %swap3A_813 = vector.shape_cast %broadcast_in_dim3A_2 : vector<96xf32> to vector<1x1x96xf32>
    tpu.vector_store %arg11[%swap3A_808, %swap3A_809, %swap3A_810], %swap3A_813 {strides = array<i32>} : memref<4x5x4096xf32, #tpu.memory_space<vmem>>, vector<1x1x96xf32>,
    %get3A_814 = arith.constant 1 : index
    %get3A_815 = arith.constant 12000 : index
    %get3A_816 = vector.load %arg0[%get3A_814, %get3A_815] : memref<4x20000xf32, #tpu.memory_space<vmem>>, vector<1x4000xf32>
    %get3A_817 = vector.shape_cast %get3A_816 : vector<1x4000xf32> to vector<4000xf32>
    %gt3A_818 = arith.constant 2.500000e-01 : f32
    %gt3A_819 = vector.broadcast %gt3A_818 : f32 to vector<4000xf32>
    %gt3A_820 = arith.cmpf ogt, %get3A_817, %gt3A_819 : vector<4000xf32>
    %jit3A_821 = arith.constant -1.000000e+00 : f32
    %broadcast_in_dim3A_822 = vector.broadcast %jit3A_821 : f32 to vector<4000xf32>
    %select_n3A_823 = arith.select %gt3A_820, %get3A_817, %broadcast_in_dim3A_822 : vector<4000xi1>, vector<4000xf32>
    %swap3A_824 = arith.constant 1 : index
    %swap3A_825 = arith.constant 3 : index
    %swap3A_826 = arith.constant 0 : index
    %swap3A_827 = vector.load %arg6[%swap3A_824, %swap3A_825, %swap3A_826] : memref<4x5x4096xf32, #tpu.memory_space<vmem>>, vector<1x1x4000xf32>
    %swap3A_828 = vector.shape_cast %swap3A_827 : vector<1x1x4000xf32> to vector<4000xf32>
    %swap3A_829 = vector.shape_cast %select_n3A_823 : vector<4000xf32> to vector<1x1x4000xf32>
    tpu.vector_store %arg6[%swap3A_824, %swap3A_825, %swap3A_826], %swap3A_829 {strides = array<i32>} : memref<4x5x4096xf32, #tpu.memory_space<vmem>>, vector<1x1x4000xf32>,
    %swap3A_830 = arith.constant 1 : index
    %swap3A_831 = arith.constant 3 : index
    %swap3A_832 = arith.constant 4000 : index
    %swap3A_833 = vector.load %arg6[%swap3A_830, %swap3A_831, %swap3A_832] : memref<4x5x4096xf32, #tpu.memory_space<vmem>>, vector<1x1x96xf32>
    %swap3A_834 = vector.shape_cast %swap3A_833 : vector<1x1x96xf32> to vector<96xf32>
    %swap3A_835 = vector.shape_cast %broadcast_in_dim3A_0 : vector<96xf32> to vector<1x1x96xf32>
    tpu.vector_store %arg6[%swap3A_830, %swap3A_831, %swap3A_832], %swap3A_835 {strides = array<i32>} : memref<4x5x4096xf32, #tpu.memory_space<vmem>>, vector<1x1x96xf32>,
    %get3A_836 = arith.constant 1 : index
    %get3A_837 = arith.constant 12000 : index
    %get3A_838 = vector.load %arg1[%get3A_836, %get3A_837] : memref<4x20000xf32, #tpu.memory_space<vmem>>, vector<1x4000xf32>
    %get3A_839 = vector.shape_cast %get3A_838 : vector<1x4000xf32> to vector<4000xf32>
    %swap3A_840 = arith.constant 1 : index
    %swap3A_841 = arith.constant 3 : index
    %swap3A_842 = arith.constant 0 : index
    %swap3A_843 = vector.load %arg7[%swap3A_840, %swap3A_841, %swap3A_842] : memref<4x5x4096xf32, #tpu.memory_space<vmem>>, vector<1x1x4000xf32>
    %swap3A_844 = vector.shape_cast %swap3A_843 : vector<1x1x4000xf32> to vector<4000xf32>
    %swap3A_845 = vector.shape_cast %get3A_839 : vector<4000xf32> to vector<1x1x4000xf32>
    tpu.vector_store %arg7[%swap3A_840, %swap3A_841, %swap3A_842], %swap3A_845 {strides = array<i32>} : memref<4x5x4096xf32, #tpu.memory_space<vmem>>, vector<1x1x4000xf32>,
    %swap3A_846 = arith.constant 1 : index
    %swap3A_847 = arith.constant 3 : index
    %swap3A_848 = arith.constant 4000 : index
    %swap3A_849 = vector.load %arg7[%swap3A_846, %swap3A_847, %swap3A_848] : memref<4x5x4096xf32, #tpu.memory_space<vmem>>, vector<1x1x96xf32>
    %swap3A_850 = vector.shape_cast %swap3A_849 : vector<1x1x96xf32> to vector<96xf32>
    %swap3A_851 = vector.shape_cast %broadcast_in_dim3A_2 : vector<96xf32> to vector<1x1x96xf32>
    tpu.vector_store %arg7[%swap3A_846, %swap3A_847, %swap3A_848], %swap3A_851 {strides = array<i32>} : memref<4x5x4096xf32, #tpu.memory_space<vmem>>, vector<1x1x96xf32>,
    %get3A_852 = arith.constant 1 : index
    %get3A_853 = arith.constant 12000 : index
    %get3A_854 = vector.load %arg2[%get3A_852, %get3A_853] : memref<4x20000xf32, #tpu.memory_space<vmem>>, vector<1x4000xf32>
    %get3A_855 = vector.shape_cast %get3A_854 : vector<1x4000xf32> to vector<4000xf32>
    %swap3A_856 = arith.constant 1 : index
    %swap3A_857 = arith.constant 3 : index
    %swap3A_858 = arith.constant 0 : index
    %swap3A_859 = vector.load %arg8[%swap3A_856, %swap3A_857, %swap3A_858] : memref<4x5x4096xf32, #tpu.memory_space<vmem>>, vector<1x1x4000xf32>
    %swap3A_860 = vector.shape_cast %swap3A_859 : vector<1x1x4000xf32> to vector<4000xf32>
    %swap3A_861 = vector.shape_cast %get3A_855 : vector<4000xf32> to vector<1x1x4000xf32>
    tpu.vector_store %arg8[%swap3A_856, %swap3A_857, %swap3A_858], %swap3A_861 {strides = array<i32>} : memref<4x5x4096xf32, #tpu.memory_space<vmem>>, vector<1x1x4000xf32>,
    %swap3A_862 = arith.constant 1 : index
    %swap3A_863 = arith.constant 3 : index
    %swap3A_864 = arith.constant 4000 : index
    %swap3A_865 = vector.load %arg8[%swap3A_862, %swap3A_863, %swap3A_864] : memref<4x5x4096xf32, #tpu.memory_space<vmem>>, vector<1x1x96xf32>
    %swap3A_866 = vector.shape_cast %swap3A_865 : vector<1x1x96xf32> to vector<96xf32>
    %swap3A_867 = vector.shape_cast %broadcast_in_dim3A_2 : vector<96xf32> to vector<1x1x96xf32>
    tpu.vector_store %arg8[%swap3A_862, %swap3A_863, %swap3A_864], %swap3A_867 {strides = array<i32>} : memref<4x5x4096xf32, #tpu.memory_space<vmem>>, vector<1x1x96xf32>,
    %get3A_868 = arith.constant 1 : index
    %get3A_869 = arith.constant 12000 : index
    %get3A_870 = vector.load %arg3[%get3A_868, %get3A_869] : memref<4x20000xf32, #tpu.memory_space<vmem>>, vector<1x4000xf32>
    %get3A_871 = vector.shape_cast %get3A_870 : vector<1x4000xf32> to vector<4000xf32>
    %swap3A_872 = arith.constant 1 : index
    %swap3A_873 = arith.constant 3 : index
    %swap3A_874 = arith.constant 0 : index
    %swap3A_875 = vector.load %arg9[%swap3A_872, %swap3A_873, %swap3A_874] : memref<4x5x4096xf32, #tpu.memory_space<vmem>>, vector<1x1x4000xf32>
    %swap3A_876 = vector.shape_cast %swap3A_875 : vector<1x1x4000xf32> to vector<4000xf32>
    %swap3A_877 = vector.shape_cast %get3A_871 : vector<4000xf32> to vector<1x1x4000xf32>
    tpu.vector_store %arg9[%swap3A_872, %swap3A_873, %swap3A_874], %swap3A_877 {strides = array<i32>} : memref<4x5x4096xf32, #tpu.memory_space<vmem>>, vector<1x1x4000xf32>,
    %swap3A_878 = arith.constant 1 : index
    %swap3A_879 = arith.constant 3 : index
    %swap3A_880 = arith.constant 4000 : index
    %swap3A_881 = vector.load %arg9[%swap3A_878, %swap3A_879, %swap3A_880] : memref<4x5x4096xf32, #tpu.memory_space<vmem>>, vector<1x1x96xf32>
    %swap3A_882 = vector.shape_cast %swap3A_881 : vector<1x1x96xf32> to vector<96xf32>
    %swap3A_883 = vector.shape_cast %broadcast_in_dim3A_2 : vector<96xf32> to vector<1x1x96xf32>
    tpu.vector_store %arg9[%swap3A_878, %swap3A_879, %swap3A_880], %swap3A_883 {strides = array<i32>} : memref<4x5x4096xf32, #tpu.memory_space<vmem>>, vector<1x1x96xf32>,
    %get3A_884 = arith.constant 1 : index
    %get3A_885 = arith.constant 12000 : index
    %get3A_886 = vector.load %arg4[%get3A_884, %get3A_885] : memref<4x20000xf32, #tpu.memory_space<vmem>>, vector<1x4000xf32>
    %get3A_887 = vector.shape_cast %get3A_886 : vector<1x4000xf32> to vector<4000xf32>
    %swap3A_888 = arith.constant 1 : index
    %swap3A_889 = arith.constant 3 : index
    %swap3A_890 = arith.constant 0 : index
    %swap3A_891 = vector.load %arg10[%swap3A_888, %swap3A_889, %swap3A_890] : memref<4x5x4096xf32, #tpu.memory_space<vmem>>, vector<1x1x4000xf32>
    %swap3A_892 = vector.shape_cast %swap3A_891 : vector<1x1x4000xf32> to vector<4000xf32>
    %swap3A_893 = vector.shape_cast %get3A_887 : vector<4000xf32> to vector<1x1x4000xf32>
    tpu.vector_store %arg10[%swap3A_888, %swap3A_889, %swap3A_890], %swap3A_893 {strides = array<i32>} : memref<4x5x4096xf32, #tpu.memory_space<vmem>>, vector<1x1x4000xf32>,
    %swap3A_894 = arith.constant 1 : index
    %swap3A_895 = arith.constant 3 : index
    %swap3A_896 = arith.constant 4000 : index
    %swap3A_897 = vector.load %arg10[%swap3A_894, %swap3A_895, %swap3A_896] : memref<4x5x4096xf32, #tpu.memory_space<vmem>>, vector<1x1x96xf32>
    %swap3A_898 = vector.shape_cast %swap3A_897 : vector<1x1x96xf32> to vector<96xf32>
    %swap3A_899 = vector.shape_cast %broadcast_in_dim3A_2 : vector<96xf32> to vector<1x1x96xf32>
    tpu.vector_store %arg10[%swap3A_894, %swap3A_895, %swap3A_896], %swap3A_899 {strides = array<i32>} : memref<4x5x4096xf32, #tpu.memory_space<vmem>>, vector<1x1x96xf32>,
    %get3A_900 = arith.constant 1 : index
    %get3A_901 = arith.constant 12000 : index
    %get3A_902 = vector.load %arg5[%get3A_900, %get3A_901] : memref<4x20000xf32, #tpu.memory_space<vmem>>, vector<1x4000xf32>
    %get3A_903 = vector.shape_cast %get3A_902 : vector<1x4000xf32> to vector<4000xf32>
    %swap3A_904 = arith.constant 1 : index
    %swap3A_905 = arith.constant 3 : index
    %swap3A_906 = arith.constant 0 : index
    %swap3A_907 = vector.load %arg11[%swap3A_904, %swap3A_905, %swap3A_906] : memref<4x5x4096xf32, #tpu.memory_space<vmem>>, vector<1x1x4000xf32>
    %swap3A_908 = vector.shape_cast %swap3A_907 : vector<1x1x4000xf32> to vector<4000xf32>
    %swap3A_909 = vector.shape_cast %get3A_903 : vector<4000xf32> to vector<1x1x4000xf32>
    tpu.vector_store %arg11[%swap3A_904, %swap3A_905, %swap3A_906], %swap3A_909 {strides = array<i32>} : memref<4x5x4096xf32, #tpu.memory_space<vmem>>, vector<1x1x4000xf32>,
    %swap3A_910 = arith.constant 1 : index
    %swap3A_911 = arith.constant 3 : index
    %swap3A_912 = arith.constant 4000 : index
    %swap3A_913 = vector.load %arg11[%swap3A_910, %swap3A_911, %swap3A_912] : memref<4x5x4096xf32, #tpu.memory_space<vmem>>, vector<1x1x96xf32>
    %swap3A_914 = vector.shape_cast %swap3A_913 : vector<1x1x96xf32> to vector<96xf32>
    %swap3A_915 = vector.shape_cast %broadcast_in_dim3A_2 : vector<96xf32> to vector<1x1x96xf32>
    tpu.vector_store %arg11[%swap3A_910, %swap3A_911, %swap3A_912], %swap3A_915 {strides = array<i32>} : memref<4x5x4096xf32, #tpu.memory_space<vmem>>, vector<1x1x96xf32>,
    %get3A_916 = arith.constant 1 : index
    %get3A_917 = arith.constant 16000 : index
    %get3A_918 = vector.load %arg0[%get3A_916, %get3A_917] : memref<4x20000xf32, #tpu.memory_space<vmem>>, vector<1x4000xf32>
    %get3A_919 = vector.shape_cast %get3A_918 : vector<1x4000xf32> to vector<4000xf32>
    %gt3A_920 = arith.constant 2.500000e-01 : f32
    %gt3A_921 = vector.broadcast %gt3A_920 : f32 to vector<4000xf32>
    %gt3A_922 = arith.cmpf ogt, %get3A_919, %gt3A_921 : vector<4000xf32>
    %jit3A_923 = arith.constant -1.000000e+00 : f32
    %broadcast_in_dim3A_924 = vector.broadcast %jit3A_923 : f32 to vector<4000xf32>
    %select_n3A_925 = arith.select %gt3A_922, %get3A_919, %broadcast_in_dim3A_924 : vector<4000xi1>, vector<4000xf32>
    %swap3A_926 = arith.constant 1 : index
    %swap3A_927 = arith.constant 4 : index
    %swap3A_928 = arith.constant 0 : index
    %swap3A_929 = vector.load %arg6[%swap3A_926, %swap3A_927, %swap3A_928] : memref<4x5x4096xf32, #tpu.memory_space<vmem>>, vector<1x1x4000xf32>
    %swap3A_930 = vector.shape_cast %swap3A_929 : vector<1x1x4000xf32> to vector<4000xf32>
    %swap3A_931 = vector.shape_cast %select_n3A_925 : vector<4000xf32> to vector<1x1x4000xf32>
    tpu.vector_store %arg6[%swap3A_926, %swap3A_927, %swap3A_928], %swap3A_931 {strides = array<i32>} : memref<4x5x4096xf32, #tpu.memory_space<vmem>>, vector<1x1x4000xf32>,
    %swap3A_932 = arith.constant 1 : index
    %swap3A_933 = arith.constant 4 : index
    %swap3A_934 = arith.constant 4000 : index
    %swap3A_935 = vector.load %arg6[%swap3A_932, %swap3A_933, %swap3A_934] : memref<4x5x4096xf32, #tpu.memory_space<vmem>>, vector<1x1x96xf32>
    %swap3A_936 = vector.shape_cast %swap3A_935 : vector<1x1x96xf32> to vector<96xf32>
    %swap3A_937 = vector.shape_cast %broadcast_in_dim3A_0 : vector<96xf32> to vector<1x1x96xf32>
    tpu.vector_store %arg6[%swap3A_932, %swap3A_933, %swap3A_934], %swap3A_937 {strides = array<i32>} : memref<4x5x4096xf32, #tpu.memory_space<vmem>>, vector<1x1x96xf32>,
    %get3A_938 = arith.constant 1 : index
    %get3A_939 = arith.constant 16000 : index
    %get3A_940 = vector.load %arg1[%get3A_938, %get3A_939] : memref<4x20000xf32, #tpu.memory_space<vmem>>, vector<1x4000xf32>
    %get3A_941 = vector.shape_cast %get3A_940 : vector<1x4000xf32> to vector<4000xf32>
    %swap3A_942 = arith.constant 1 : index
    %swap3A_943 = arith.constant 4 : index
    %swap3A_944 = arith.constant 0 : index
    %swap3A_945 = vector.load %arg7[%swap3A_942, %swap3A_943, %swap3A_944] : memref<4x5x4096xf32, #tpu.memory_space<vmem>>, vector<1x1x4000xf32>
    %swap3A_946 = vector.shape_cast %swap3A_945 : vector<1x1x4000xf32> to vector<4000xf32>
    %swap3A_947 = vector.shape_cast %get3A_941 : vector<4000xf32> to vector<1x1x4000xf32>
    tpu.vector_store %arg7[%swap3A_942, %swap3A_943, %swap3A_944], %swap3A_947 {strides = array<i32>} : memref<4x5x4096xf32, #tpu.memory_space<vmem>>, vector<1x1x4000xf32>,
    %swap3A_948 = arith.constant 1 : index
    %swap3A_949 = arith.constant 4 : index
    %swap3A_950 = arith.constant 4000 : index
    %swap3A_951 = vector.load %arg7[%swap3A_948, %swap3A_949, %swap3A_950] : memref<4x5x4096xf32, #tpu.memory_space<vmem>>, vector<1x1x96xf32>
    %swap3A_952 = vector.shape_cast %swap3A_951 : vector<1x1x96xf32> to vector<96xf32>
    %swap3A_953 = vector.shape_cast %broadcast_in_dim3A_2 : vector<96xf32> to vector<1x1x96xf32>
    tpu.vector_store %arg7[%swap3A_948, %swap3A_949, %swap3A_950], %swap3A_953 {strides = array<i32>} : memref<4x5x4096xf32, #tpu.memory_space<vmem>>, vector<1x1x96xf32>,
    %get3A_954 = arith.constant 1 : index
    %get3A_955 = arith.constant 16000 : index
    %get3A_956 = vector.load %arg2[%get3A_954, %get3A_955] : memref<4x20000xf32, #tpu.memory_space<vmem>>, vector<1x4000xf32>
    %get3A_957 = vector.shape_cast %get3A_956 : vector<1x4000xf32> to vector<4000xf32>
    %swap3A_958 = arith.constant 1 : index
    %swap3A_959 = arith.constant 4 : index
    %swap3A_960 = arith.constant 0 : index
    %swap3A_961 = vector.load %arg8[%swap3A_958, %swap3A_959, %swap3A_960] : memref<4x5x4096xf32, #tpu.memory_space<vmem>>, vector<1x1x4000xf32>
    %swap3A_962 = vector.shape_cast %swap3A_961 : vector<1x1x4000xf32> to vector<4000xf32>
    %swap3A_963 = vector.shape_cast %get3A_957 : vector<4000xf32> to vector<1x1x4000xf32>
    tpu.vector_store %arg8[%swap3A_958, %swap3A_959, %swap3A_960], %swap3A_963 {strides = array<i32>} : memref<4x5x4096xf32, #tpu.memory_space<vmem>>, vector<1x1x4000xf32>,
    %swap3A_964 = arith.constant 1 : index
    %swap3A_965 = arith.constant 4 : index
    %swap3A_966 = arith.constant 4000 : index
    %swap3A_967 = vector.load %arg8[%swap3A_964, %swap3A_965, %swap3A_966] : memref<4x5x4096xf32, #tpu.memory_space<vmem>>, vector<1x1x96xf32>
    %swap3A_968 = vector.shape_cast %swap3A_967 : vector<1x1x96xf32> to vector<96xf32>
    %swap3A_969 = vector.shape_cast %broadcast_in_dim3A_2 : vector<96xf32> to vector<1x1x96xf32>
    tpu.vector_store %arg8[%swap3A_964, %swap3A_965, %swap3A_966], %swap3A_969 {strides = array<i32>} : memref<4x5x4096xf32, #tpu.memory_space<vmem>>, vector<1x1x96xf32>,
    %get3A_970 = arith.constant 1 : index
    %get3A_971 = arith.constant 16000 : index
    %get3A_972 = vector.load %arg3[%get3A_970, %get3A_971] : memref<4x20000xf32, #tpu.memory_space<vmem>>, vector<1x4000xf32>
    %get3A_973 = vector.shape_cast %get3A_972 : vector<1x4000xf32> to vector<4000xf32>
    %swap3A_974 = arith.constant 1 : index
    %swap3A_975 = arith.constant 4 : index
    %swap3A_976 = arith.constant 0 : index
    %swap3A_977 = vector.load %arg9[%swap3A_974, %swap3A_975, %swap3A_976] : memref<4x5x4096xf32, #tpu.memory_space<vmem>>, vector<1x1x4000xf32>
    %swap3A_978 = vector.shape_cast %swap3A_977 : vector<1x1x4000xf32> to vector<4000xf32>
    %swap3A_979 = vector.shape_cast %get3A_973 : vector<4000xf32> to vector<1x1x4000xf32>
    tpu.vector_store %arg9[%swap3A_974, %swap3A_975, %swap3A_976], %swap3A_979 {strides = array<i32>} : memref<4x5x4096xf32, #tpu.memory_space<vmem>>, vector<1x1x4000xf32>,
    %swap3A_980 = arith.constant 1 : index
    %swap3A_981 = arith.constant 4 : index
    %swap3A_982 = arith.constant 4000 : index
    %swap3A_983 = vector.load %arg9[%swap3A_980, %swap3A_981, %swap3A_982] : memref<4x5x4096xf32, #tpu.memory_space<vmem>>, vector<1x1x96xf32>
    %swap3A_984 = vector.shape_cast %swap3A_983 : vector<1x1x96xf32> to vector<96xf32>
    %swap3A_985 = vector.shape_cast %broadcast_in_dim3A_2 : vector<96xf32> to vector<1x1x96xf32>
    tpu.vector_store %arg9[%swap3A_980, %swap3A_981, %swap3A_982], %swap3A_985 {strides = array<i32>} : memref<4x5x4096xf32, #tpu.memory_space<vmem>>, vector<1x1x96xf32>,
    %get3A_986 = arith.constant 1 : index
    %get3A_987 = arith.constant 16000 : index
    %get3A_988 = vector.load %arg4[%get3A_986, %get3A_987] : memref<4x20000xf32, #tpu.memory_space<vmem>>, vector<1x4000xf32>
    %get3A_989 = vector.shape_cast %get3A_988 : vector<1x4000xf32> to vector<4000xf32>
    %swap3A_990 = arith.constant 1 : index
    %swap3A_991 = arith.constant 4 : index
    %swap3A_992 = arith.constant 0 : index
    %swap3A_993 = vector.load %arg10[%swap3A_990, %swap3A_991, %swap3A_992] : memref<4x5x4096xf32, #tpu.memory_space<vmem>>, vector<1x1x4000xf32>
    %swap3A_994 = vector.shape_cast %swap3A_993 : vector<1x1x4000xf32> to vector<4000xf32>
    %swap3A_995 = vector.shape_cast %get3A_989 : vector<4000xf32> to vector<1x1x4000xf32>
    tpu.vector_store %arg10[%swap3A_990, %swap3A_991, %swap3A_992], %swap3A_995 {strides = array<i32>} : memref<4x5x4096xf32, #tpu.memory_space<vmem>>, vector<1x1x4000xf32>,
    %swap3A_996 = arith.constant 1 : index
    %swap3A_997 = arith.constant 4 : index
    %swap3A_998 = arith.constant 4000 : index
    %swap3A_999 = vector.load %arg10[%swap3A_996, %swap3A_997, %swap3A_998] : memref<4x5x4096xf32, #tpu.memory_space<vmem>>, vector<1x1x96xf32>
    %swap3A_1000 = vector.shape_cast %swap3A_999 : vector<1x1x96xf32> to vector<96xf32>
    %swap3A_1001 = vector.shape_cast %broadcast_in_dim3A_2 : vector<96xf32> to vector<1x1x96xf32>
    tpu.vector_store %arg10[%swap3A_996, %swap3A_997, %swap3A_998], %swap3A_1001 {strides = array<i32>} : memref<4x5x4096xf32, #tpu.memory_space<vmem>>, vector<1x1x96xf32>,
    %get3A_1002 = arith.constant 1 : index
    %get3A_1003 = arith.constant 16000 : index
    %get3A_1004 = vector.load %arg5[%get3A_1002, %get3A_1003] : memref<4x20000xf32, #tpu.memory_space<vmem>>, vector<1x4000xf32>
    %get3A_1005 = vector.shape_cast %get3A_1004 : vector<1x4000xf32> to vector<4000xf32>
    %swap3A_1006 = arith.constant 1 : index
    %swap3A_1007 = arith.constant 4 : index
    %swap3A_1008 = arith.constant 0 : index
    %swap3A_1009 = vector.load %arg11[%swap3A_1006, %swap3A_1007, %swap3A_1008] : memref<4x5x4096xf32, #tpu.memory_space<vmem>>, vector<1x1x4000xf32>
    %swap3A_1010 = vector.shape_cast %swap3A_1009 : vector<1x1x4000xf32> to vector<4000xf32>
    %swap3A_1011 = vector.shape_cast %get3A_1005 : vector<4000xf32> to vector<1x1x4000xf32>
    tpu.vector_store %arg11[%swap3A_1006, %swap3A_1007, %swap3A_1008], %swap3A_1011 {strides = array<i32>} : memref<4x5x4096xf32, #tpu.memory_space<vmem>>, vector<1x1x4000xf32>,
    %swap3A_1012 = arith.constant 1 : index
    %swap3A_1013 = arith.constant 4 : index
    %swap3A_1014 = arith.constant 4000 : index
    %swap3A_1015 = vector.load %arg11[%swap3A_1012, %swap3A_1013, %swap3A_1014] : memref<4x5x4096xf32, #tpu.memory_space<vmem>>, vector<1x1x96xf32>
    %swap3A_1016 = vector.shape_cast %swap3A_1015 : vector<1x1x96xf32> to vector<96xf32>
    %swap3A_1017 = vector.shape_cast %broadcast_in_dim3A_2 : vector<96xf32> to vector<1x1x96xf32>
    tpu.vector_store %arg11[%swap3A_1012, %swap3A_1013, %swap3A_1014], %swap3A_1017 {strides = array<i32>} : memref<4x5x4096xf32, #tpu.memory_space<vmem>>, vector<1x1x96xf32>,
    %get3A_1018 = arith.constant 2 : index
    %get3A_1019 = arith.constant 0 : index
    %get3A_1020 = vector.load %arg0[%get3A_1018, %get3A_1019] : memref<4x20000xf32, #tpu.memory_space<vmem>>, vector<1x4000xf32>
    %get3A_1021 = vector.shape_cast %get3A_1020 : vector<1x4000xf32> to vector<4000xf32>
    %gt3A_1022 = arith.constant 2.500000e-01 : f32
    %gt3A_1023 = vector.broadcast %gt3A_1022 : f32 to vector<4000xf32>
    %gt3A_1024 = arith.cmpf ogt, %get3A_1021, %gt3A_1023 : vector<4000xf32>
    %jit3A_1025 = arith.constant -1.000000e+00 : f32
    %broadcast_in_dim3A_1026 = vector.broadcast %jit3A_1025 : f32 to vector<4000xf32>
    %select_n3A_1027 = arith.select %gt3A_1024, %get3A_1021, %broadcast_in_dim3A_1026 : vector<4000xi1>, vector<4000xf32>
    %swap3A_1028 = arith.constant 2 : index
    %swap3A_1029 = arith.constant 0 : index
    %swap3A_1030 = arith.constant 0 : index
    %swap3A_1031 = vector.load %arg6[%swap3A_1028, %swap3A_1029, %swap3A_1030] : memref<4x5x4096xf32, #tpu.memory_space<vmem>>, vector<1x1x4000xf32>
    %swap3A_1032 = vector.shape_cast %swap3A_1031 : vector<1x1x4000xf32> to vector<4000xf32>
    %swap3A_1033 = vector.shape_cast %select_n3A_1027 : vector<4000xf32> to vector<1x1x4000xf32>
    tpu.vector_store %arg6[%swap3A_1028, %swap3A_1029, %swap3A_1030], %swap3A_1033 {strides = array<i32>} : memref<4x5x4096xf32, #tpu.memory_space<vmem>>, vector<1x1x4000xf32>,
    %swap3A_1034 = arith.constant 2 : index
    %swap3A_1035 = arith.constant 0 : index
    %swap3A_1036 = arith.constant 4000 : index
    %swap3A_1037 = vector.load %arg6[%swap3A_1034, %swap3A_1035, %swap3A_1036] : memref<4x5x4096xf32, #tpu.memory_space<vmem>>, vector<1x1x96xf32>
    %swap3A_1038 = vector.shape_cast %swap3A_1037 : vector<1x1x96xf32> to vector<96xf32>
    %swap3A_1039 = vector.shape_cast %broadcast_in_dim3A_0 : vector<96xf32> to vector<1x1x96xf32>
    tpu.vector_store %arg6[%swap3A_1034, %swap3A_1035, %swap3A_1036], %swap3A_1039 {strides = array<i32>} : memref<4x5x4096xf32, #tpu.memory_space<vmem>>, vector<1x1x96xf32>,
    %get3A_1040 = arith.constant 2 : index
    %get3A_1041 = arith.constant 0 : index
    %get3A_1042 = vector.load %arg1[%get3A_1040, %get3A_1041] : memref<4x20000xf32, #tpu.memory_space<vmem>>, vector<1x4000xf32>
    %get3A_1043 = vector.shape_cast %get3A_1042 : vector<1x4000xf32> to vector<4000xf32>
    %swap3A_1044 = arith.constant 2 : index
    %swap3A_1045 = arith.constant 0 : index
    %swap3A_1046 = arith.constant 0 : index
    %swap3A_1047 = vector.load %arg7[%swap3A_1044, %swap3A_1045, %swap3A_1046] : memref<4x5x4096xf32, #tpu.memory_space<vmem>>, vector<1x1x4000xf32>
    %swap3A_1048 = vector.shape_cast %swap3A_1047 : vector<1x1x4000xf32> to vector<4000xf32>
    %swap3A_1049 = vector.shape_cast %get3A_1043 : vector<4000xf32> to vector<1x1x4000xf32>
    tpu.vector_store %arg7[%swap3A_1044, %swap3A_1045, %swap3A_1046], %swap3A_1049 {strides = array<i32>} : memref<4x5x4096xf32, #tpu.memory_space<vmem>>, vector<1x1x4000xf32>,
    %swap3A_1050 = arith.constant 2 : index
    %swap3A_1051 = arith.constant 0 : index
    %swap3A_1052 = arith.constant 4000 : index
    %swap3A_1053 = vector.load %arg7[%swap3A_1050, %swap3A_1051, %swap3A_1052] : memref<4x5x4096xf32, #tpu.memory_space<vmem>>, vector<1x1x96xf32>
    %swap3A_1054 = vector.shape_cast %swap3A_1053 : vector<1x1x96xf32> to vector<96xf32>
    %swap3A_1055 = vector.shape_cast %broadcast_in_dim3A_2 : vector<96xf32> to vector<1x1x96xf32>
    tpu.vector_store %arg7[%swap3A_1050, %swap3A_1051, %swap3A_1052], %swap3A_1055 {strides = array<i32>} : memref<4x5x4096xf32, #tpu.memory_space<vmem>>, vector<1x1x96xf32>,
    %get3A_1056 = arith.constant 2 : index
    %get3A_1057 = arith.constant 0 : index
    %get3A_1058 = vector.load %arg2[%get3A_1056, %get3A_1057] : memref<4x20000xf32, #tpu.memory_space<vmem>>, vector<1x4000xf32>
    %get3A_1059 = vector.shape_cast %get3A_1058 : vector<1x4000xf32> to vector<4000xf32>
    %swap3A_1060 = arith.constant 2 : index
    %swap3A_1061 = arith.constant 0 : index
    %swap3A_1062 = arith.constant 0 : index
    %swap3A_1063 = vector.load %arg8[%swap3A_1060, %swap3A_1061, %swap3A_1062] : memref<4x5x4096xf32, #tpu.memory_space<vmem>>, vector<1x1x4000xf32>
    %swap3A_1064 = vector.shape_cast %swap3A_1063 : vector<1x1x4000xf32> to vector<4000xf32>
    %swap3A_1065 = vector.shape_cast %get3A_1059 : vector<4000xf32> to vector<1x1x4000xf32>
    tpu.vector_store %arg8[%swap3A_1060, %swap3A_1061, %swap3A_1062], %swap3A_1065 {strides = array<i32>} : memref<4x5x4096xf32, #tpu.memory_space<vmem>>, vector<1x1x4000xf32>,
    %swap3A_1066 = arith.constant 2 : index
    %swap3A_1067 = arith.constant 0 : index
    %swap3A_1068 = arith.constant 4000 : index
    %swap3A_1069 = vector.load %arg8[%swap3A_1066, %swap3A_1067, %swap3A_1068] : memref<4x5x4096xf32, #tpu.memory_space<vmem>>, vector<1x1x96xf32>
    %swap3A_1070 = vector.shape_cast %swap3A_1069 : vector<1x1x96xf32> to vector<96xf32>
    %swap3A_1071 = vector.shape_cast %broadcast_in_dim3A_2 : vector<96xf32> to vector<1x1x96xf32>
    tpu.vector_store %arg8[%swap3A_1066, %swap3A_1067, %swap3A_1068], %swap3A_1071 {strides = array<i32>} : memref<4x5x4096xf32, #tpu.memory_space<vmem>>, vector<1x1x96xf32>,
    %get3A_1072 = arith.constant 2 : index
    %get3A_1073 = arith.constant 0 : index
    %get3A_1074 = vector.load %arg3[%get3A_1072, %get3A_1073] : memref<4x20000xf32, #tpu.memory_space<vmem>>, vector<1x4000xf32>
    %get3A_1075 = vector.shape_cast %get3A_1074 : vector<1x4000xf32> to vector<4000xf32>
    %swap3A_1076 = arith.constant 2 : index
    %swap3A_1077 = arith.constant 0 : index
    %swap3A_1078 = arith.constant 0 : index
    %swap3A_1079 = vector.load %arg9[%swap3A_1076, %swap3A_1077, %swap3A_1078] : memref<4x5x4096xf32, #tpu.memory_space<vmem>>, vector<1x1x4000xf32>
    %swap3A_1080 = vector.shape_cast %swap3A_1079 : vector<1x1x4000xf32> to vector<4000xf32>
    %swap3A_1081 = vector.shape_cast %get3A_1075 : vector<4000xf32> to vector<1x1x4000xf32>
    tpu.vector_store %arg9[%swap3A_1076, %swap3A_1077, %swap3A_1078], %swap3A_1081 {strides = array<i32>} : memref<4x5x4096xf32, #tpu.memory_space<vmem>>, vector<1x1x4000xf32>,
    %swap3A_1082 = arith.constant 2 : index
    %swap3A_1083 = arith.constant 0 : index
    %swap3A_1084 = arith.constant 4000 : index
    %swap3A_1085 = vector.load %arg9[%swap3A_1082, %swap3A_1083, %swap3A_1084] : memref<4x5x4096xf32, #tpu.memory_space<vmem>>, vector<1x1x96xf32>
    %swap3A_1086 = vector.shape_cast %swap3A_1085 : vector<1x1x96xf32> to vector<96xf32>
    %swap3A_1087 = vector.shape_cast %broadcast_in_dim3A_2 : vector<96xf32> to vector<1x1x96xf32>
    tpu.vector_store %arg9[%swap3A_1082, %swap3A_1083, %swap3A_1084], %swap3A_1087 {strides = array<i32>} : memref<4x5x4096xf32, #tpu.memory_space<vmem>>, vector<1x1x96xf32>,
    %get3A_1088 = arith.constant 2 : index
    %get3A_1089 = arith.constant 0 : index
    %get3A_1090 = vector.load %arg4[%get3A_1088, %get3A_1089] : memref<4x20000xf32, #tpu.memory_space<vmem>>, vector<1x4000xf32>
    %get3A_1091 = vector.shape_cast %get3A_1090 : vector<1x4000xf32> to vector<4000xf32>
    %swap3A_1092 = arith.constant 2 : index
    %swap3A_1093 = arith.constant 0 : index
    %swap3A_1094 = arith.constant 0 : index
    %swap3A_1095 = vector.load %arg10[%swap3A_1092, %swap3A_1093, %swap3A_1094] : memref<4x5x4096xf32, #tpu.memory_space<vmem>>, vector<1x1x4000xf32>
    %swap3A_1096 = vector.shape_cast %swap3A_1095 : vector<1x1x4000xf32> to vector<4000xf32>
    %swap3A_1097 = vector.shape_cast %get3A_1091 : vector<4000xf32> to vector<1x1x4000xf32>
    tpu.vector_store %arg10[%swap3A_1092, %swap3A_1093, %swap3A_1094], %swap3A_1097 {strides = array<i32>} : memref<4x5x4096xf32, #tpu.memory_space<vmem>>, vector<1x1x4000xf32>,
    %swap3A_1098 = arith.constant 2 : index
    %swap3A_1099 = arith.constant 0 : index
    %swap3A_1100 = arith.constant 4000 : index
    %swap3A_1101 = vector.load %arg10[%swap3A_1098, %swap3A_1099, %swap3A_1100] : memref<4x5x4096xf32, #tpu.memory_space<vmem>>, vector<1x1x96xf32>
    %swap3A_1102 = vector.shape_cast %swap3A_1101 : vector<1x1x96xf32> to vector<96xf32>
    %swap3A_1103 = vector.shape_cast %broadcast_in_dim3A_2 : vector<96xf32> to vector<1x1x96xf32>
    tpu.vector_store %arg10[%swap3A_1098, %swap3A_1099, %swap3A_1100], %swap3A_1103 {strides = array<i32>} : memref<4x5x4096xf32, #tpu.memory_space<vmem>>, vector<1x1x96xf32>,
    %get3A_1104 = arith.constant 2 : index
    %get3A_1105 = arith.constant 0 : index
    %get3A_1106 = vector.load %arg5[%get3A_1104, %get3A_1105] : memref<4x20000xf32, #tpu.memory_space<vmem>>, vector<1x4000xf32>
    %get3A_1107 = vector.shape_cast %get3A_1106 : vector<1x4000xf32> to vector<4000xf32>
    %swap3A_1108 = arith.constant 2 : index
    %swap3A_1109 = arith.constant 0 : index
    %swap3A_1110 = arith.constant 0 : index
    %swap3A_1111 = vector.load %arg11[%swap3A_1108, %swap3A_1109, %swap3A_1110] : memref<4x5x4096xf32, #tpu.memory_space<vmem>>, vector<1x1x4000xf32>
    %swap3A_1112 = vector.shape_cast %swap3A_1111 : vector<1x1x4000xf32> to vector<4000xf32>
    %swap3A_1113 = vector.shape_cast %get3A_1107 : vector<4000xf32> to vector<1x1x4000xf32>
    tpu.vector_store %arg11[%swap3A_1108, %swap3A_1109, %swap3A_1110], %swap3A_1113 {strides = array<i32>} : memref<4x5x4096xf32, #tpu.memory_space<vmem>>, vector<1x1x4000xf32>,
    %swap3A_1114 = arith.constant 2 : index
    %swap3A_1115 = arith.constant 0 : index
    %swap3A_1116 = arith.constant 4000 : index
    %swap3A_1117 = vector.load %arg11[%swap3A_1114, %swap3A_1115, %swap3A_1116] : memref<4x5x4096xf32, #tpu.memory_space<vmem>>, vector<1x1x96xf32>
    %swap3A_1118 = vector.shape_cast %swap3A_1117 : vector<1x1x96xf32> to vector<96xf32>
    %swap3A_1119 = vector.shape_cast %broadcast_in_dim3A_2 : vector<96xf32> to vector<1x1x96xf32>
    tpu.vector_store %arg11[%swap3A_1114, %swap3A_1115, %swap3A_1116], %swap3A_1119 {strides = array<i32>} : memref<4x5x4096xf32, #tpu.memory_space<vmem>>, vector<1x1x96xf32>,
    %get3A_1120 = arith.constant 2 : index
    %get3A_1121 = arith.constant 4000 : index
    %get3A_1122 = vector.load %arg0[%get3A_1120, %get3A_1121] : memref<4x20000xf32, #tpu.memory_space<vmem>>, vector<1x4000xf32>
    %get3A_1123 = vector.shape_cast %get3A_1122 : vector<1x4000xf32> to vector<4000xf32>
    %gt3A_1124 = arith.constant 2.500000e-01 : f32
    %gt3A_1125 = vector.broadcast %gt3A_1124 : f32 to vector<4000xf32>
    %gt3A_1126 = arith.cmpf ogt, %get3A_1123, %gt3A_1125 : vector<4000xf32>
    %jit3A_1127 = arith.constant -1.000000e+00 : f32
    %broadcast_in_dim3A_1128 = vector.broadcast %jit3A_1127 : f32 to vector<4000xf32>
    %select_n3A_1129 = arith.select %gt3A_1126, %get3A_1123, %broadcast_in_dim3A_1128 : vector<4000xi1>, vector<4000xf32>
    %swap3A_1130 = arith.constant 2 : index
    %swap3A_1131 = arith.constant 1 : index
    %swap3A_1132 = arith.constant 0 : index
    %swap3A_1133 = vector.load %arg6[%swap3A_1130, %swap3A_1131, %swap3A_1132] : memref<4x5x4096xf32, #tpu.memory_space<vmem>>, vector<1x1x4000xf32>
    %swap3A_1134 = vector.shape_cast %swap3A_1133 : vector<1x1x4000xf32> to vector<4000xf32>
    %swap3A_1135 = vector.shape_cast %select_n3A_1129 : vector<4000xf32> to vector<1x1x4000xf32>
    tpu.vector_store %arg6[%swap3A_1130, %swap3A_1131, %swap3A_1132], %swap3A_1135 {strides = array<i32>} : memref<4x5x4096xf32, #tpu.memory_space<vmem>>, vector<1x1x4000xf32>,
    %swap3A_1136 = arith.constant 2 : index
    %swap3A_1137 = arith.constant 1 : index
    %swap3A_1138 = arith.constant 4000 : index
    %swap3A_1139 = vector.load %arg6[%swap3A_1136, %swap3A_1137, %swap3A_1138] : memref<4x5x4096xf32, #tpu.memory_space<vmem>>, vector<1x1x96xf32>
    %swap3A_1140 = vector.shape_cast %swap3A_1139 : vector<1x1x96xf32> to vector<96xf32>
    %swap3A_1141 = vector.shape_cast %broadcast_in_dim3A_0 : vector<96xf32> to vector<1x1x96xf32>
    tpu.vector_store %arg6[%swap3A_1136, %swap3A_1137, %swap3A_1138], %swap3A_1141 {strides = array<i32>} : memref<4x5x4096xf32, #tpu.memory_space<vmem>>, vector<1x1x96xf32>,
    %get3A_1142 = arith.constant 2 : index
    %get3A_1143 = arith.constant 4000 : index
    %get3A_1144 = vector.load %arg1[%get3A_1142, %get3A_1143] : memref<4x20000xf32, #tpu.memory_space<vmem>>, vector<1x4000xf32>
    %get3A_1145 = vector.shape_cast %get3A_1144 : vector<1x4000xf32> to vector<4000xf32>
    %swap3A_1146 = arith.constant 2 : index
    %swap3A_1147 = arith.constant 1 : index
    %swap3A_1148 = arith.constant 0 : index
    %swap3A_1149 = vector.load %arg7[%swap3A_1146, %swap3A_1147, %swap3A_1148] : memref<4x5x4096xf32, #tpu.memory_space<vmem>>, vector<1x1x4000xf32>
    %swap3A_1150 = vector.shape_cast %swap3A_1149 : vector<1x1x4000xf32> to vector<4000xf32>
    %swap3A_1151 = vector.shape_cast %get3A_1145 : vector<4000xf32> to vector<1x1x4000xf32>
    tpu.vector_store %arg7[%swap3A_1146, %swap3A_1147, %swap3A_1148], %swap3A_1151 {strides = array<i32>} : memref<4x5x4096xf32, #tpu.memory_space<vmem>>, vector<1x1x4000xf32>,
    %swap3A_1152 = arith.constant 2 : index
    %swap3A_1153 = arith.constant 1 : index
    %swap3A_1154 = arith.constant 4000 : index
    %swap3A_1155 = vector.load %arg7[%swap3A_1152, %swap3A_1153, %swap3A_1154] : memref<4x5x4096xf32, #tpu.memory_space<vmem>>, vector<1x1x96xf32>
    %swap3A_1156 = vector.shape_cast %swap3A_1155 : vector<1x1x96xf32> to vector<96xf32>
    %swap3A_1157 = vector.shape_cast %broadcast_in_dim3A_2 : vector<96xf32> to vector<1x1x96xf32>
    tpu.vector_store %arg7[%swap3A_1152, %swap3A_1153, %swap3A_1154], %swap3A_1157 {strides = array<i32>} : memref<4x5x4096xf32, #tpu.memory_space<vmem>>, vector<1x1x96xf32>,
    %get3A_1158 = arith.constant 2 : index
    %get3A_1159 = arith.constant 4000 : index
    %get3A_1160 = vector.load %arg2[%get3A_1158, %get3A_1159] : memref<4x20000xf32, #tpu.memory_space<vmem>>, vector<1x4000xf32>
    %get3A_1161 = vector.shape_cast %get3A_1160 : vector<1x4000xf32> to vector<4000xf32>
    %swap3A_1162 = arith.constant 2 : index
    %swap3A_1163 = arith.constant 1 : index
    %swap3A_1164 = arith.constant 0 : index
    %swap3A_1165 = vector.load %arg8[%swap3A_1162, %swap3A_1163, %swap3A_1164] : memref<4x5x4096xf32, #tpu.memory_space<vmem>>, vector<1x1x4000xf32>
    %swap3A_1166 = vector.shape_cast %swap3A_1165 : vector<1x1x4000xf32> to vector<4000xf32>
    %swap3A_1167 = vector.shape_cast %get3A_1161 : vector<4000xf32> to vector<1x1x4000xf32>
    tpu.vector_store %arg8[%swap3A_1162, %swap3A_1163, %swap3A_1164], %swap3A_1167 {strides = array<i32>} : memref<4x5x4096xf32, #tpu.memory_space<vmem>>, vector<1x1x4000xf32>,
    %swap3A_1168 = arith.constant 2 : index
    %swap3A_1169 = arith.constant 1 : index
    %swap3A_1170 = arith.constant 4000 : index
    %swap3A_1171 = vector.load %arg8[%swap3A_1168, %swap3A_1169, %swap3A_1170] : memref<4x5x4096xf32, #tpu.memory_space<vmem>>, vector<1x1x96xf32>
    %swap3A_1172 = vector.shape_cast %swap3A_1171 : vector<1x1x96xf32> to vector<96xf32>
    %swap3A_1173 = vector.shape_cast %broadcast_in_dim3A_2 : vector<96xf32> to vector<1x1x96xf32>
    tpu.vector_store %arg8[%swap3A_1168, %swap3A_1169, %swap3A_1170], %swap3A_1173 {strides = array<i32>} : memref<4x5x4096xf32, #tpu.memory_space<vmem>>, vector<1x1x96xf32>,
    %get3A_1174 = arith.constant 2 : index
    %get3A_1175 = arith.constant 4000 : index
    %get3A_1176 = vector.load %arg3[%get3A_1174, %get3A_1175] : memref<4x20000xf32, #tpu.memory_space<vmem>>, vector<1x4000xf32>
    %get3A_1177 = vector.shape_cast %get3A_1176 : vector<1x4000xf32> to vector<4000xf32>
    %swap3A_1178 = arith.constant 2 : index
    %swap3A_1179 = arith.constant 1 : index
    %swap3A_1180 = arith.constant 0 : index
    %swap3A_1181 = vector.load %arg9[%swap3A_1178, %swap3A_1179, %swap3A_1180] : memref<4x5x4096xf32, #tpu.memory_space<vmem>>, vector<1x1x4000xf32>
    %swap3A_1182 = vector.shape_cast %swap3A_1181 : vector<1x1x4000xf32> to vector<4000xf32>
    %swap3A_1183 = vector.shape_cast %get3A_1177 : vector<4000xf32> to vector<1x1x4000xf32>
    tpu.vector_store %arg9[%swap3A_1178, %swap3A_1179, %swap3A_1180], %swap3A_1183 {strides = array<i32>} : memref<4x5x4096xf32, #tpu.memory_space<vmem>>, vector<1x1x4000xf32>,
    %swap3A_1184 = arith.constant 2 : index
    %swap3A_1185 = arith.constant 1 : index
    %swap3A_1186 = arith.constant 4000 : index
    %swap3A_1187 = vector.load %arg9[%swap3A_1184, %swap3A_1185, %swap3A_1186] : memref<4x5x4096xf32, #tpu.memory_space<vmem>>, vector<1x1x96xf32>
    %swap3A_1188 = vector.shape_cast %swap3A_1187 : vector<1x1x96xf32> to vector<96xf32>
    %swap3A_1189 = vector.shape_cast %broadcast_in_dim3A_2 : vector<96xf32> to vector<1x1x96xf32>
    tpu.vector_store %arg9[%swap3A_1184, %swap3A_1185, %swap3A_1186], %swap3A_1189 {strides = array<i32>} : memref<4x5x4096xf32, #tpu.memory_space<vmem>>, vector<1x1x96xf32>,
    %get3A_1190 = arith.constant 2 : index
    %get3A_1191 = arith.constant 4000 : index
    %get3A_1192 = vector.load %arg4[%get3A_1190, %get3A_1191] : memref<4x20000xf32, #tpu.memory_space<vmem>>, vector<1x4000xf32>
    %get3A_1193 = vector.shape_cast %get3A_1192 : vector<1x4000xf32> to vector<4000xf32>
    %swap3A_1194 = arith.constant 2 : index
    %swap3A_1195 = arith.constant 1 : index
    %swap3A_1196 = arith.constant 0 : index
    %swap3A_1197 = vector.load %arg10[%swap3A_1194, %swap3A_1195, %swap3A_1196] : memref<4x5x4096xf32, #tpu.memory_space<vmem>>, vector<1x1x4000xf32>
    %swap3A_1198 = vector.shape_cast %swap3A_1197 : vector<1x1x4000xf32> to vector<4000xf32>
    %swap3A_1199 = vector.shape_cast %get3A_1193 : vector<4000xf32> to vector<1x1x4000xf32>
    tpu.vector_store %arg10[%swap3A_1194, %swap3A_1195, %swap3A_1196], %swap3A_1199 {strides = array<i32>} : memref<4x5x4096xf32, #tpu.memory_space<vmem>>, vector<1x1x4000xf32>,
    %swap3A_1200 = arith.constant 2 : index
    %swap3A_1201 = arith.constant 1 : index
    %swap3A_1202 = arith.constant 4000 : index
    %swap3A_1203 = vector.load %arg10[%swap3A_1200, %swap3A_1201, %swap3A_1202] : memref<4x5x4096xf32, #tpu.memory_space<vmem>>, vector<1x1x96xf32>
    %swap3A_1204 = vector.shape_cast %swap3A_1203 : vector<1x1x96xf32> to vector<96xf32>
    %swap3A_1205 = vector.shape_cast %broadcast_in_dim3A_2 : vector<96xf32> to vector<1x1x96xf32>
    tpu.vector_store %arg10[%swap3A_1200, %swap3A_1201, %swap3A_1202], %swap3A_1205 {strides = array<i32>} : memref<4x5x4096xf32, #tpu.memory_space<vmem>>, vector<1x1x96xf32>,
    %get3A_1206 = arith.constant 2 : index
    %get3A_1207 = arith.constant 4000 : index
    %get3A_1208 = vector.load %arg5[%get3A_1206, %get3A_1207] : memref<4x20000xf32, #tpu.memory_space<vmem>>, vector<1x4000xf32>
    %get3A_1209 = vector.shape_cast %get3A_1208 : vector<1x4000xf32> to vector<4000xf32>
    %swap3A_1210 = arith.constant 2 : index
    %swap3A_1211 = arith.constant 1 : index
    %swap3A_1212 = arith.constant 0 : index
    %swap3A_1213 = vector.load %arg11[%swap3A_1210, %swap3A_1211, %swap3A_1212] : memref<4x5x4096xf32, #tpu.memory_space<vmem>>, vector<1x1x4000xf32>
    %swap3A_1214 = vector.shape_cast %swap3A_1213 : vector<1x1x4000xf32> to vector<4000xf32>
    %swap3A_1215 = vector.shape_cast %get3A_1209 : vector<4000xf32> to vector<1x1x4000xf32>
    tpu.vector_store %arg11[%swap3A_1210, %swap3A_1211, %swap3A_1212], %swap3A_1215 {strides = array<i32>} : memref<4x5x4096xf32, #tpu.memory_space<vmem>>, vector<1x1x4000xf32>,
    %swap3A_1216 = arith.constant 2 : index
    %swap3A_1217 = arith.constant 1 : index
    %swap3A_1218 = arith.constant 4000 : index
    %swap3A_1219 = vector.load %arg11[%swap3A_1216, %swap3A_1217, %swap3A_1218] : memref<4x5x4096xf32, #tpu.memory_space<vmem>>, vector<1x1x96xf32>
    %swap3A_1220 = vector.shape_cast %swap3A_1219 : vector<1x1x96xf32> to vector<96xf32>
    %swap3A_1221 = vector.shape_cast %broadcast_in_dim3A_2 : vector<96xf32> to vector<1x1x96xf32>
    tpu.vector_store %arg11[%swap3A_1216, %swap3A_1217, %swap3A_1218], %swap3A_1221 {strides = array<i32>} : memref<4x5x4096xf32, #tpu.memory_space<vmem>>, vector<1x1x96xf32>,
    %get3A_1222 = arith.constant 2 : index
    %get3A_1223 = arith.constant 8000 : index
    %get3A_1224 = vector.load %arg0[%get3A_1222, %get3A_1223] : memref<4x20000xf32, #tpu.memory_space<vmem>>, vector<1x4000xf32>
    %get3A_1225 = vector.shape_cast %get3A_1224 : vector<1x4000xf32> to vector<4000xf32>
    %gt3A_1226 = arith.constant 2.500000e-01 : f32
    %gt3A_1227 = vector.broadcast %gt3A_1226 : f32 to vector<4000xf32>
    %gt3A_1228 = arith.cmpf ogt, %get3A_1225, %gt3A_1227 : vector<4000xf32>
    %jit3A_1229 = arith.constant -1.000000e+00 : f32
    %broadcast_in_dim3A_1230 = vector.broadcast %jit3A_1229 : f32 to vector<4000xf32>
    %select_n3A_1231 = arith.select %gt3A_1228, %get3A_1225, %broadcast_in_dim3A_1230 : vector<4000xi1>, vector<4000xf32>
    %swap3A_1232 = arith.constant 2 : index
    %swap3A_1233 = arith.constant 2 : index
    %swap3A_1234 = arith.constant 0 : index
    %swap3A_1235 = vector.load %arg6[%swap3A_1232, %swap3A_1233, %swap3A_1234] : memref<4x5x4096xf32, #tpu.memory_space<vmem>>, vector<1x1x4000xf32>
    %swap3A_1236 = vector.shape_cast %swap3A_1235 : vector<1x1x4000xf32> to vector<4000xf32>
    %swap3A_1237 = vector.shape_cast %select_n3A_1231 : vector<4000xf32> to vector<1x1x4000xf32>
    tpu.vector_store %arg6[%swap3A_1232, %swap3A_1233, %swap3A_1234], %swap3A_1237 {strides = array<i32>} : memref<4x5x4096xf32, #tpu.memory_space<vmem>>, vector<1x1x4000xf32>,
    %swap3A_1238 = arith.constant 2 : index
    %swap3A_1239 = arith.constant 2 : index
    %swap3A_1240 = arith.constant 4000 : index
    %swap3A_1241 = vector.load %arg6[%swap3A_1238, %swap3A_1239, %swap3A_1240] : memref<4x5x4096xf32, #tpu.memory_space<vmem>>, vector<1x1x96xf32>
    %swap3A_1242 = vector.shape_cast %swap3A_1241 : vector<1x1x96xf32> to vector<96xf32>
    %swap3A_1243 = vector.shape_cast %broadcast_in_dim3A_0 : vector<96xf32> to vector<1x1x96xf32>
    tpu.vector_store %arg6[%swap3A_1238, %swap3A_1239, %swap3A_1240], %swap3A_1243 {strides = array<i32>} : memref<4x5x4096xf32, #tpu.memory_space<vmem>>, vector<1x1x96xf32>,
    %get3A_1244 = arith.constant 2 : index
    %get3A_1245 = arith.constant 8000 : index
    %get3A_1246 = vector.load %arg1[%get3A_1244, %get3A_1245] : memref<4x20000xf32, #tpu.memory_space<vmem>>, vector<1x4000xf32>
    %get3A_1247 = vector.shape_cast %get3A_1246 : vector<1x4000xf32> to vector<4000xf32>
    %swap3A_1248 = arith.constant 2 : index
    %swap3A_1249 = arith.constant 2 : index
    %swap3A_1250 = arith.constant 0 : index
    %swap3A_1251 = vector.load %arg7[%swap3A_1248, %swap3A_1249, %swap3A_1250] : memref<4x5x4096xf32, #tpu.memory_space<vmem>>, vector<1x1x4000xf32>
    %swap3A_1252 = vector.shape_cast %swap3A_1251 : vector<1x1x4000xf32> to vector<4000xf32>
    %swap3A_1253 = vector.shape_cast %get3A_1247 : vector<4000xf32> to vector<1x1x4000xf32>
    tpu.vector_store %arg7[%swap3A_1248, %swap3A_1249, %swap3A_1250], %swap3A_1253 {strides = array<i32>} : memref<4x5x4096xf32, #tpu.memory_space<vmem>>, vector<1x1x4000xf32>,
    %swap3A_1254 = arith.constant 2 : index
    %swap3A_1255 = arith.constant 2 : index
    %swap3A_1256 = arith.constant 4000 : index
    %swap3A_1257 = vector.load %arg7[%swap3A_1254, %swap3A_1255, %swap3A_1256] : memref<4x5x4096xf32, #tpu.memory_space<vmem>>, vector<1x1x96xf32>
    %swap3A_1258 = vector.shape_cast %swap3A_1257 : vector<1x1x96xf32> to vector<96xf32>
    %swap3A_1259 = vector.shape_cast %broadcast_in_dim3A_2 : vector<96xf32> to vector<1x1x96xf32>
    tpu.vector_store %arg7[%swap3A_1254, %swap3A_1255, %swap3A_1256], %swap3A_1259 {strides = array<i32>} : memref<4x5x4096xf32, #tpu.memory_space<vmem>>, vector<1x1x96xf32>,
    %get3A_1260 = arith.constant 2 : index
    %get3A_1261 = arith.constant 8000 : index
    %get3A_1262 = vector.load %arg2[%get3A_1260, %get3A_1261] : memref<4x20000xf32, #tpu.memory_space<vmem>>, vector<1x4000xf32>
    %get3A_1263 = vector.shape_cast %get3A_1262 : vector<1x4000xf32> to vector<4000xf32>
    %swap3A_1264 = arith.constant 2 : index
    %swap3A_1265 = arith.constant 2 : index
    %swap3A_1266 = arith.constant 0 : index
    %swap3A_1267 = vector.load %arg8[%swap3A_1264, %swap3A_1265, %swap3A_1266] : memref<4x5x4096xf32, #tpu.memory_space<vmem>>, vector<1x1x4000xf32>
    %swap3A_1268 = vector.shape_cast %swap3A_1267 : vector<1x1x4000xf32> to vector<4000xf32>
    %swap3A_1269 = vector.shape_cast %get3A_1263 : vector<4000xf32> to vector<1x1x4000xf32>
    tpu.vector_store %arg8[%swap3A_1264, %swap3A_1265, %swap3A_1266], %swap3A_1269 {strides = array<i32>} : memref<4x5x4096xf32, #tpu.memory_space<vmem>>, vector<1x1x4000xf32>,
    %swap3A_1270 = arith.constant 2 : index
    %swap3A_1271 = arith.constant 2 : index
    %swap3A_1272 = arith.constant 4000 : index
    %swap3A_1273 = vector.load %arg8[%swap3A_1270, %swap3A_1271, %swap3A_1272] : memref<4x5x4096xf32, #tpu.memory_space<vmem>>, vector<1x1x96xf32>
    %swap3A_1274 = vector.shape_cast %swap3A_1273 : vector<1x1x96xf32> to vector<96xf32>
    %swap3A_1275 = vector.shape_cast %broadcast_in_dim3A_2 : vector<96xf32> to vector<1x1x96xf32>
    tpu.vector_store %arg8[%swap3A_1270, %swap3A_1271, %swap3A_1272], %swap3A_1275 {strides = array<i32>} : memref<4x5x4096xf32, #tpu.memory_space<vmem>>, vector<1x1x96xf32>,
    %get3A_1276 = arith.constant 2 : index
    %get3A_1277 = arith.constant 8000 : index
    %get3A_1278 = vector.load %arg3[%get3A_1276, %get3A_1277] : memref<4x20000xf32, #tpu.memory_space<vmem>>, vector<1x4000xf32>
    %get3A_1279 = vector.shape_cast %get3A_1278 : vector<1x4000xf32> to vector<4000xf32>
    %swap3A_1280 = arith.constant 2 : index
    %swap3A_1281 = arith.constant 2 : index
    %swap3A_1282 = arith.constant 0 : index
    %swap3A_1283 = vector.load %arg9[%swap3A_1280, %swap3A_1281, %swap3A_1282] : memref<4x5x4096xf32, #tpu.memory_space<vmem>>, vector<1x1x4000xf32>
    %swap3A_1284 = vector.shape_cast %swap3A_1283 : vector<1x1x4000xf32> to vector<4000xf32>
    %swap3A_1285 = vector.shape_cast %get3A_1279 : vector<4000xf32> to vector<1x1x4000xf32>
    tpu.vector_store %arg9[%swap3A_1280, %swap3A_1281, %swap3A_1282], %swap3A_1285 {strides = array<i32>} : memref<4x5x4096xf32, #tpu.memory_space<vmem>>, vector<1x1x4000xf32>,
    %swap3A_1286 = arith.constant 2 : index
    %swap3A_1287 = arith.constant 2 : index
    %swap3A_1288 = arith.constant 4000 : index
    %swap3A_1289 = vector.load %arg9[%swap3A_1286, %swap3A_1287, %swap3A_1288] : memref<4x5x4096xf32, #tpu.memory_space<vmem>>, vector<1x1x96xf32>
    %swap3A_1290 = vector.shape_cast %swap3A_1289 : vector<1x1x96xf32> to vector<96xf32>
    %swap3A_1291 = vector.shape_cast %broadcast_in_dim3A_2 : vector<96xf32> to vector<1x1x96xf32>
    tpu.vector_store %arg9[%swap3A_1286, %swap3A_1287, %swap3A_1288], %swap3A_1291 {strides = array<i32>} : memref<4x5x4096xf32, #tpu.memory_space<vmem>>, vector<1x1x96xf32>,
    %get3A_1292 = arith.constant 2 : index
    %get3A_1293 = arith.constant 8000 : index
    %get3A_1294 = vector.load %arg4[%get3A_1292, %get3A_1293] : memref<4x20000xf32, #tpu.memory_space<vmem>>, vector<1x4000xf32>
    %get3A_1295 = vector.shape_cast %get3A_1294 : vector<1x4000xf32> to vector<4000xf32>
    %swap3A_1296 = arith.constant 2 : index
    %swap3A_1297 = arith.constant 2 : index
    %swap3A_1298 = arith.constant 0 : index
    %swap3A_1299 = vector.load %arg10[%swap3A_1296, %swap3A_1297, %swap3A_1298] : memref<4x5x4096xf32, #tpu.memory_space<vmem>>, vector<1x1x4000xf32>
    %swap3A_1300 = vector.shape_cast %swap3A_1299 : vector<1x1x4000xf32> to vector<4000xf32>
    %swap3A_1301 = vector.shape_cast %get3A_1295 : vector<4000xf32> to vector<1x1x4000xf32>
    tpu.vector_store %arg10[%swap3A_1296, %swap3A_1297, %swap3A_1298], %swap3A_1301 {strides = array<i32>} : memref<4x5x4096xf32, #tpu.memory_space<vmem>>, vector<1x1x4000xf32>,
    %swap3A_1302 = arith.constant 2 : index
    %swap3A_1303 = arith.constant 2 : index
    %swap3A_1304 = arith.constant 4000 : index
    %swap3A_1305 = vector.load %arg10[%swap3A_1302, %swap3A_1303, %swap3A_1304] : memref<4x5x4096xf32, #tpu.memory_space<vmem>>, vector<1x1x96xf32>
    %swap3A_1306 = vector.shape_cast %swap3A_1305 : vector<1x1x96xf32> to vector<96xf32>
    %swap3A_1307 = vector.shape_cast %broadcast_in_dim3A_2 : vector<96xf32> to vector<1x1x96xf32>
    tpu.vector_store %arg10[%swap3A_1302, %swap3A_1303, %swap3A_1304], %swap3A_1307 {strides = array<i32>} : memref<4x5x4096xf32, #tpu.memory_space<vmem>>, vector<1x1x96xf32>,
    %get3A_1308 = arith.constant 2 : index
    %get3A_1309 = arith.constant 8000 : index
    %get3A_1310 = vector.load %arg5[%get3A_1308, %get3A_1309] : memref<4x20000xf32, #tpu.memory_space<vmem>>, vector<1x4000xf32>
    %get3A_1311 = vector.shape_cast %get3A_1310 : vector<1x4000xf32> to vector<4000xf32>
    %swap3A_1312 = arith.constant 2 : index
    %swap3A_1313 = arith.constant 2 : index
    %swap3A_1314 = arith.constant 0 : index
    %swap3A_1315 = vector.load %arg11[%swap3A_1312, %swap3A_1313, %swap3A_1314] : memref<4x5x4096xf32, #tpu.memory_space<vmem>>, vector<1x1x4000xf32>
    %swap3A_1316 = vector.shape_cast %swap3A_1315 : vector<1x1x4000xf32> to vector<4000xf32>
    %swap3A_1317 = vector.shape_cast %get3A_1311 : vector<4000xf32> to vector<1x1x4000xf32>
    tpu.vector_store %arg11[%swap3A_1312, %swap3A_1313, %swap3A_1314], %swap3A_1317 {strides = array<i32>} : memref<4x5x4096xf32, #tpu.memory_space<vmem>>, vector<1x1x4000xf32>,
    %swap3A_1318 = arith.constant 2 : index
    %swap3A_1319 = arith.constant 2 : index
    %swap3A_1320 = arith.constant 4000 : index
    %swap3A_1321 = vector.load %arg11[%swap3A_1318, %swap3A_1319, %swap3A_1320] : memref<4x5x4096xf32, #tpu.memory_space<vmem>>, vector<1x1x96xf32>
    %swap3A_1322 = vector.shape_cast %swap3A_1321 : vector<1x1x96xf32> to vector<96xf32>
    %swap3A_1323 = vector.shape_cast %broadcast_in_dim3A_2 : vector<96xf32> to vector<1x1x96xf32>
    tpu.vector_store %arg11[%swap3A_1318, %swap3A_1319, %swap3A_1320], %swap3A_1323 {strides = array<i32>} : memref<4x5x4096xf32, #tpu.memory_space<vmem>>, vector<1x1x96xf32>,
    %get3A_1324 = arith.constant 2 : index
    %get3A_1325 = arith.constant 12000 : index
    %get3A_1326 = vector.load %arg0[%get3A_1324, %get3A_1325] : memref<4x20000xf32, #tpu.memory_space<vmem>>, vector<1x4000xf32>
    %get3A_1327 = vector.shape_cast %get3A_1326 : vector<1x4000xf32> to vector<4000xf32>
    %gt3A_1328 = arith.constant 2.500000e-01 : f32
    %gt3A_1329 = vector.broadcast %gt3A_1328 : f32 to vector<4000xf32>
    %gt3A_1330 = arith.cmpf ogt, %get3A_1327, %gt3A_1329 : vector<4000xf32>
    %jit3A_1331 = arith.constant -1.000000e+00 : f32
    %broadcast_in_dim3A_1332 = vector.broadcast %jit3A_1331 : f32 to vector<4000xf32>
    %select_n3A_1333 = arith.select %gt3A_1330, %get3A_1327, %broadcast_in_dim3A_1332 : vector<4000xi1>, vector<4000xf32>
    %swap3A_1334 = arith.constant 2 : index
    %swap3A_1335 = arith.constant 3 : index
    %swap3A_1336 = arith.constant 0 : index
    %swap3A_1337 = vector.load %arg6[%swap3A_1334, %swap3A_1335, %swap3A_1336] : memref<4x5x4096xf32, #tpu.memory_space<vmem>>, vector<1x1x4000xf32>
    %swap3A_1338 = vector.shape_cast %swap3A_1337 : vector<1x1x4000xf32> to vector<4000xf32>
    %swap3A_1339 = vector.shape_cast %select_n3A_1333 : vector<4000xf32> to vector<1x1x4000xf32>
    tpu.vector_store %arg6[%swap3A_1334, %swap3A_1335, %swap3A_1336], %swap3A_1339 {strides = array<i32>} : memref<4x5x4096xf32, #tpu.memory_space<vmem>>, vector<1x1x4000xf32>,
    %swap3A_1340 = arith.constant 2 : index
    %swap3A_1341 = arith.constant 3 : index
    %swap3A_1342 = arith.constant 4000 : index
    %swap3A_1343 = vector.load %arg6[%swap3A_1340, %swap3A_1341, %swap3A_1342] : memref<4x5x4096xf32, #tpu.memory_space<vmem>>, vector<1x1x96xf32>
    %swap3A_1344 = vector.shape_cast %swap3A_1343 : vector<1x1x96xf32> to vector<96xf32>
    %swap3A_1345 = vector.shape_cast %broadcast_in_dim3A_0 : vector<96xf32> to vector<1x1x96xf32>
    tpu.vector_store %arg6[%swap3A_1340, %swap3A_1341, %swap3A_1342], %swap3A_1345 {strides = array<i32>} : memref<4x5x4096xf32, #tpu.memory_space<vmem>>, vector<1x1x96xf32>,
    %get3A_1346 = arith.constant 2 : index
    %get3A_1347 = arith.constant 12000 : index
    %get3A_1348 = vector.load %arg1[%get3A_1346, %get3A_1347] : memref<4x20000xf32, #tpu.memory_space<vmem>>, vector<1x4000xf32>
    %get3A_1349 = vector.shape_cast %get3A_1348 : vector<1x4000xf32> to vector<4000xf32>
    %swap3A_1350 = arith.constant 2 : index
    %swap3A_1351 = arith.constant 3 : index
    %swap3A_1352 = arith.constant 0 : index
    %swap3A_1353 = vector.load %arg7[%swap3A_1350, %swap3A_1351, %swap3A_1352] : memref<4x5x4096xf32, #tpu.memory_space<vmem>>, vector<1x1x4000xf32>
    %swap3A_1354 = vector.shape_cast %swap3A_1353 : vector<1x1x4000xf32> to vector<4000xf32>
    %swap3A_1355 = vector.shape_cast %get3A_1349 : vector<4000xf32> to vector<1x1x4000xf32>
    tpu.vector_store %arg7[%swap3A_1350, %swap3A_1351, %swap3A_1352], %swap3A_1355 {strides = array<i32>} : memref<4x5x4096xf32, #tpu.memory_space<vmem>>, vector<1x1x4000xf32>,
    %swap3A_1356 = arith.constant 2 : index
    %swap3A_1357 = arith.constant 3 : index
    %swap3A_1358 = arith.constant 4000 : index
    %swap3A_1359 = vector.load %arg7[%swap3A_1356, %swap3A_1357, %swap3A_1358] : memref<4x5x4096xf32, #tpu.memory_space<vmem>>, vector<1x1x96xf32>
    %swap3A_1360 = vector.shape_cast %swap3A_1359 : vector<1x1x96xf32> to vector<96xf32>
    %swap3A_1361 = vector.shape_cast %broadcast_in_dim3A_2 : vector<96xf32> to vector<1x1x96xf32>
    tpu.vector_store %arg7[%swap3A_1356, %swap3A_1357, %swap3A_1358], %swap3A_1361 {strides = array<i32>} : memref<4x5x4096xf32, #tpu.memory_space<vmem>>, vector<1x1x96xf32>,
    %get3A_1362 = arith.constant 2 : index
    %get3A_1363 = arith.constant 12000 : index
    %get3A_1364 = vector.load %arg2[%get3A_1362, %get3A_1363] : memref<4x20000xf32, #tpu.memory_space<vmem>>, vector<1x4000xf32>
    %get3A_1365 = vector.shape_cast %get3A_1364 : vector<1x4000xf32> to vector<4000xf32>
    %swap3A_1366 = arith.constant 2 : index
    %swap3A_1367 = arith.constant 3 : index
    %swap3A_1368 = arith.constant 0 : index
    %swap3A_1369 = vector.load %arg8[%swap3A_1366, %swap3A_1367, %swap3A_1368] : memref<4x5x4096xf32, #tpu.memory_space<vmem>>, vector<1x1x4000xf32>
    %swap3A_1370 = vector.shape_cast %swap3A_1369 : vector<1x1x4000xf32> to vector<4000xf32>
    %swap3A_1371 = vector.shape_cast %get3A_1365 : vector<4000xf32> to vector<1x1x4000xf32>
    tpu.vector_store %arg8[%swap3A_1366, %swap3A_1367, %swap3A_1368], %swap3A_1371 {strides = array<i32>} : memref<4x5x4096xf32, #tpu.memory_space<vmem>>, vector<1x1x4000xf32>,
    %swap3A_1372 = arith.constant 2 : index
    %swap3A_1373 = arith.constant 3 : index
    %swap3A_1374 = arith.constant 4000 : index
    %swap3A_1375 = vector.load %arg8[%swap3A_1372, %swap3A_1373, %swap3A_1374] : memref<4x5x4096xf32, #tpu.memory_space<vmem>>, vector<1x1x96xf32>
    %swap3A_1376 = vector.shape_cast %swap3A_1375 : vector<1x1x96xf32> to vector<96xf32>
    %swap3A_1377 = vector.shape_cast %broadcast_in_dim3A_2 : vector<96xf32> to vector<1x1x96xf32>
    tpu.vector_store %arg8[%swap3A_1372, %swap3A_1373, %swap3A_1374], %swap3A_1377 {strides = array<i32>} : memref<4x5x4096xf32, #tpu.memory_space<vmem>>, vector<1x1x96xf32>,
    %get3A_1378 = arith.constant 2 : index
    %get3A_1379 = arith.constant 12000 : index
    %get3A_1380 = vector.load %arg3[%get3A_1378, %get3A_1379] : memref<4x20000xf32, #tpu.memory_space<vmem>>, vector<1x4000xf32>
    %get3A_1381 = vector.shape_cast %get3A_1380 : vector<1x4000xf32> to vector<4000xf32>
    %swap3A_1382 = arith.constant 2 : index
    %swap3A_1383 = arith.constant 3 : index
    %swap3A_1384 = arith.constant 0 : index
    %swap3A_1385 = vector.load %arg9[%swap3A_1382, %swap3A_1383, %swap3A_1384] : memref<4x5x4096xf32, #tpu.memory_space<vmem>>, vector<1x1x4000xf32>
    %swap3A_1386 = vector.shape_cast %swap3A_1385 : vector<1x1x4000xf32> to vector<4000xf32>
    %swap3A_1387 = vector.shape_cast %get3A_1381 : vector<4000xf32> to vector<1x1x4000xf32>
    tpu.vector_store %arg9[%swap3A_1382, %swap3A_1383, %swap3A_1384], %swap3A_1387 {strides = array<i32>} : memref<4x5x4096xf32, #tpu.memory_space<vmem>>, vector<1x1x4000xf32>,
    %swap3A_1388 = arith.constant 2 : index
    %swap3A_1389 = arith.constant 3 : index
    %swap3A_1390 = arith.constant 4000 : index
    %swap3A_1391 = vector.load %arg9[%swap3A_1388, %swap3A_1389, %swap3A_1390] : memref<4x5x4096xf32, #tpu.memory_space<vmem>>, vector<1x1x96xf32>
    %swap3A_1392 = vector.shape_cast %swap3A_1391 : vector<1x1x96xf32> to vector<96xf32>
    %swap3A_1393 = vector.shape_cast %broadcast_in_dim3A_2 : vector<96xf32> to vector<1x1x96xf32>
    tpu.vector_store %arg9[%swap3A_1388, %swap3A_1389, %swap3A_1390], %swap3A_1393 {strides = array<i32>} : memref<4x5x4096xf32, #tpu.memory_space<vmem>>, vector<1x1x96xf32>,
    %get3A_1394 = arith.constant 2 : index
    %get3A_1395 = arith.constant 12000 : index
    %get3A_1396 = vector.load %arg4[%get3A_1394, %get3A_1395] : memref<4x20000xf32, #tpu.memory_space<vmem>>, vector<1x4000xf32>
    %get3A_1397 = vector.shape_cast %get3A_1396 : vector<1x4000xf32> to vector<4000xf32>
    %swap3A_1398 = arith.constant 2 : index
    %swap3A_1399 = arith.constant 3 : index
    %swap3A_1400 = arith.constant 0 : index
    %swap3A_1401 = vector.load %arg10[%swap3A_1398, %swap3A_1399, %swap3A_1400] : memref<4x5x4096xf32, #tpu.memory_space<vmem>>, vector<1x1x4000xf32>
    %swap3A_1402 = vector.shape_cast %swap3A_1401 : vector<1x1x4000xf32> to vector<4000xf32>
    %swap3A_1403 = vector.shape_cast %get3A_1397 : vector<4000xf32> to vector<1x1x4000xf32>
    tpu.vector_store %arg10[%swap3A_1398, %swap3A_1399, %swap3A_1400], %swap3A_1403 {strides = array<i32>} : memref<4x5x4096xf32, #tpu.memory_space<vmem>>, vector<1x1x4000xf32>,
    %swap3A_1404 = arith.constant 2 : index
    %swap3A_1405 = arith.constant 3 : index
    %swap3A_1406 = arith.constant 4000 : index
    %swap3A_1407 = vector.load %arg10[%swap3A_1404, %swap3A_1405, %swap3A_1406] : memref<4x5x4096xf32, #tpu.memory_space<vmem>>, vector<1x1x96xf32>
    %swap3A_1408 = vector.shape_cast %swap3A_1407 : vector<1x1x96xf32> to vector<96xf32>
    %swap3A_1409 = vector.shape_cast %broadcast_in_dim3A_2 : vector<96xf32> to vector<1x1x96xf32>
    tpu.vector_store %arg10[%swap3A_1404, %swap3A_1405, %swap3A_1406], %swap3A_1409 {strides = array<i32>} : memref<4x5x4096xf32, #tpu.memory_space<vmem>>, vector<1x1x96xf32>,
    %get3A_1410 = arith.constant 2 : index
    %get3A_1411 = arith.constant 12000 : index
    %get3A_1412 = vector.load %arg5[%get3A_1410, %get3A_1411] : memref<4x20000xf32, #tpu.memory_space<vmem>>, vector<1x4000xf32>
    %get3A_1413 = vector.shape_cast %get3A_1412 : vector<1x4000xf32> to vector<4000xf32>
    %swap3A_1414 = arith.constant 2 : index
    %swap3A_1415 = arith.constant 3 : index
    %swap3A_1416 = arith.constant 0 : index
    %swap3A_1417 = vector.load %arg11[%swap3A_1414, %swap3A_1415, %swap3A_1416] : memref<4x5x4096xf32, #tpu.memory_space<vmem>>, vector<1x1x4000xf32>
    %swap3A_1418 = vector.shape_cast %swap3A_1417 : vector<1x1x4000xf32> to vector<4000xf32>
    %swap3A_1419 = vector.shape_cast %get3A_1413 : vector<4000xf32> to vector<1x1x4000xf32>
    tpu.vector_store %arg11[%swap3A_1414, %swap3A_1415, %swap3A_1416], %swap3A_1419 {strides = array<i32>} : memref<4x5x4096xf32, #tpu.memory_space<vmem>>, vector<1x1x4000xf32>,
    %swap3A_1420 = arith.constant 2 : index
    %swap3A_1421 = arith.constant 3 : index
    %swap3A_1422 = arith.constant 4000 : index
    %swap3A_1423 = vector.load %arg11[%swap3A_1420, %swap3A_1421, %swap3A_1422] : memref<4x5x4096xf32, #tpu.memory_space<vmem>>, vector<1x1x96xf32>
    %swap3A_1424 = vector.shape_cast %swap3A_1423 : vector<1x1x96xf32> to vector<96xf32>
    %swap3A_1425 = vector.shape_cast %broadcast_in_dim3A_2 : vector<96xf32> to vector<1x1x96xf32>
    tpu.vector_store %arg11[%swap3A_1420, %swap3A_1421, %swap3A_1422], %swap3A_1425 {strides = array<i32>} : memref<4x5x4096xf32, #tpu.memory_space<vmem>>, vector<1x1x96xf32>,
    %get3A_1426 = arith.constant 2 : index
    %get3A_1427 = arith.constant 16000 : index
    %get3A_1428 = vector.load %arg0[%get3A_1426, %get3A_1427] : memref<4x20000xf32, #tpu.memory_space<vmem>>, vector<1x4000xf32>
    %get3A_1429 = vector.shape_cast %get3A_1428 : vector<1x4000xf32> to vector<4000xf32>
    %gt3A_1430 = arith.constant 2.500000e-01 : f32
    %gt3A_1431 = vector.broadcast %gt3A_1430 : f32 to vector<4000xf32>
    %gt3A_1432 = arith.cmpf ogt, %get3A_1429, %gt3A_1431 : vector<4000xf32>
    %jit3A_1433 = arith.constant -1.000000e+00 : f32
    %broadcast_in_dim3A_1434 = vector.broadcast %jit3A_1433 : f32 to vector<4000xf32>
    %select_n3A_1435 = arith.select %gt3A_1432, %get3A_1429, %broadcast_in_dim3A_1434 : vector<4000xi1>, vector<4000xf32>
    %swap3A_1436 = arith.constant 2 : index
    %swap3A_1437 = arith.constant 4 : index
    %swap3A_1438 = arith.constant 0 : index
    %swap3A_1439 = vector.load %arg6[%swap3A_1436, %swap3A_1437, %swap3A_1438] : memref<4x5x4096xf32, #tpu.memory_space<vmem>>, vector<1x1x4000xf32>
    %swap3A_1440 = vector.shape_cast %swap3A_1439 : vector<1x1x4000xf32> to vector<4000xf32>
    %swap3A_1441 = vector.shape_cast %select_n3A_1435 : vector<4000xf32> to vector<1x1x4000xf32>
    tpu.vector_store %arg6[%swap3A_1436, %swap3A_1437, %swap3A_1438], %swap3A_1441 {strides = array<i32>} : memref<4x5x4096xf32, #tpu.memory_space<vmem>>, vector<1x1x4000xf32>,
    %swap3A_1442 = arith.constant 2 : index
    %swap3A_1443 = arith.constant 4 : index
    %swap3A_1444 = arith.constant 4000 : index
    %swap3A_1445 = vector.load %arg6[%swap3A_1442, %swap3A_1443, %swap3A_1444] : memref<4x5x4096xf32, #tpu.memory_space<vmem>>, vector<1x1x96xf32>
    %swap3A_1446 = vector.shape_cast %swap3A_1445 : vector<1x1x96xf32> to vector<96xf32>
    %swap3A_1447 = vector.shape_cast %broadcast_in_dim3A_0 : vector<96xf32> to vector<1x1x96xf32>
    tpu.vector_store %arg6[%swap3A_1442, %swap3A_1443, %swap3A_1444], %swap3A_1447 {strides = array<i32>} : memref<4x5x4096xf32, #tpu.memory_space<vmem>>, vector<1x1x96xf32>,
    %get3A_1448 = arith.constant 2 : index
    %get3A_1449 = arith.constant 16000 : index
    %get3A_1450 = vector.load %arg1[%get3A_1448, %get3A_1449] : memref<4x20000xf32, #tpu.memory_space<vmem>>, vector<1x4000xf32>
    %get3A_1451 = vector.shape_cast %get3A_1450 : vector<1x4000xf32> to vector<4000xf32>
    %swap3A_1452 = arith.constant 2 : index
    %swap3A_1453 = arith.constant 4 : index
    %swap3A_1454 = arith.constant 0 : index
    %swap3A_1455 = vector.load %arg7[%swap3A_1452, %swap3A_1453, %swap3A_1454] : memref<4x5x4096xf32, #tpu.memory_space<vmem>>, vector<1x1x4000xf32>
    %swap3A_1456 = vector.shape_cast %swap3A_1455 : vector<1x1x4000xf32> to vector<4000xf32>
    %swap3A_1457 = vector.shape_cast %get3A_1451 : vector<4000xf32> to vector<1x1x4000xf32>
    tpu.vector_store %arg7[%swap3A_1452, %swap3A_1453, %swap3A_1454], %swap3A_1457 {strides = array<i32>} : memref<4x5x4096xf32, #tpu.memory_space<vmem>>, vector<1x1x4000xf32>,
    %swap3A_1458 = arith.constant 2 : index
    %swap3A_1459 = arith.constant 4 : index
    %swap3A_1460 = arith.constant 4000 : index
    %swap3A_1461 = vector.load %arg7[%swap3A_1458, %swap3A_1459, %swap3A_1460] : memref<4x5x4096xf32, #tpu.memory_space<vmem>>, vector<1x1x96xf32>
    %swap3A_1462 = vector.shape_cast %swap3A_1461 : vector<1x1x96xf32> to vector<96xf32>
    %swap3A_1463 = vector.shape_cast %broadcast_in_dim3A_2 : vector<96xf32> to vector<1x1x96xf32>
    tpu.vector_store %arg7[%swap3A_1458, %swap3A_1459, %swap3A_1460], %swap3A_1463 {strides = array<i32>} : memref<4x5x4096xf32, #tpu.memory_space<vmem>>, vector<1x1x96xf32>,
    %get3A_1464 = arith.constant 2 : index
    %get3A_1465 = arith.constant 16000 : index
    %get3A_1466 = vector.load %arg2[%get3A_1464, %get3A_1465] : memref<4x20000xf32, #tpu.memory_space<vmem>>, vector<1x4000xf32>
    %get3A_1467 = vector.shape_cast %get3A_1466 : vector<1x4000xf32> to vector<4000xf32>
    %swap3A_1468 = arith.constant 2 : index
    %swap3A_1469 = arith.constant 4 : index
    %swap3A_1470 = arith.constant 0 : index
    %swap3A_1471 = vector.load %arg8[%swap3A_1468, %swap3A_1469, %swap3A_1470] : memref<4x5x4096xf32, #tpu.memory_space<vmem>>, vector<1x1x4000xf32>
    %swap3A_1472 = vector.shape_cast %swap3A_1471 : vector<1x1x4000xf32> to vector<4000xf32>
    %swap3A_1473 = vector.shape_cast %get3A_1467 : vector<4000xf32> to vector<1x1x4000xf32>
    tpu.vector_store %arg8[%swap3A_1468, %swap3A_1469, %swap3A_1470], %swap3A_1473 {strides = array<i32>} : memref<4x5x4096xf32, #tpu.memory_space<vmem>>, vector<1x1x4000xf32>,
    %swap3A_1474 = arith.constant 2 : index
    %swap3A_1475 = arith.constant 4 : index
    %swap3A_1476 = arith.constant 4000 : index
    %swap3A_1477 = vector.load %arg8[%swap3A_1474, %swap3A_1475, %swap3A_1476] : memref<4x5x4096xf32, #tpu.memory_space<vmem>>, vector<1x1x96xf32>
    %swap3A_1478 = vector.shape_cast %swap3A_1477 : vector<1x1x96xf32> to vector<96xf32>
    %swap3A_1479 = vector.shape_cast %broadcast_in_dim3A_2 : vector<96xf32> to vector<1x1x96xf32>
    tpu.vector_store %arg8[%swap3A_1474, %swap3A_1475, %swap3A_1476], %swap3A_1479 {strides = array<i32>} : memref<4x5x4096xf32, #tpu.memory_space<vmem>>, vector<1x1x96xf32>,
    %get3A_1480 = arith.constant 2 : index
    %get3A_1481 = arith.constant 16000 : index
    %get3A_1482 = vector.load %arg3[%get3A_1480, %get3A_1481] : memref<4x20000xf32, #tpu.memory_space<vmem>>, vector<1x4000xf32>
    %get3A_1483 = vector.shape_cast %get3A_1482 : vector<1x4000xf32> to vector<4000xf32>
    %swap3A_1484 = arith.constant 2 : index
    %swap3A_1485 = arith.constant 4 : index
    %swap3A_1486 = arith.constant 0 : index
    %swap3A_1487 = vector.load %arg9[%swap3A_1484, %swap3A_1485, %swap3A_1486] : memref<4x5x4096xf32, #tpu.memory_space<vmem>>, vector<1x1x4000xf32>
    %swap3A_1488 = vector.shape_cast %swap3A_1487 : vector<1x1x4000xf32> to vector<4000xf32>
    %swap3A_1489 = vector.shape_cast %get3A_1483 : vector<4000xf32> to vector<1x1x4000xf32>
    tpu.vector_store %arg9[%swap3A_1484, %swap3A_1485, %swap3A_1486], %swap3A_1489 {strides = array<i32>} : memref<4x5x4096xf32, #tpu.memory_space<vmem>>, vector<1x1x4000xf32>,
    %swap3A_1490 = arith.constant 2 : index
    %swap3A_1491 = arith.constant 4 : index
    %swap3A_1492 = arith.constant 4000 : index
    %swap3A_1493 = vector.load %arg9[%swap3A_1490, %swap3A_1491, %swap3A_1492] : memref<4x5x4096xf32, #tpu.memory_space<vmem>>, vector<1x1x96xf32>
    %swap3A_1494 = vector.shape_cast %swap3A_1493 : vector<1x1x96xf32> to vector<96xf32>
    %swap3A_1495 = vector.shape_cast %broadcast_in_dim3A_2 : vector<96xf32> to vector<1x1x96xf32>
    tpu.vector_store %arg9[%swap3A_1490, %swap3A_1491, %swap3A_1492], %swap3A_1495 {strides = array<i32>} : memref<4x5x4096xf32, #tpu.memory_space<vmem>>, vector<1x1x96xf32>,
    %get3A_1496 = arith.constant 2 : index
    %get3A_1497 = arith.constant 16000 : index
    %get3A_1498 = vector.load %arg4[%get3A_1496, %get3A_1497] : memref<4x20000xf32, #tpu.memory_space<vmem>>, vector<1x4000xf32>
    %get3A_1499 = vector.shape_cast %get3A_1498 : vector<1x4000xf32> to vector<4000xf32>
    %swap3A_1500 = arith.constant 2 : index
    %swap3A_1501 = arith.constant 4 : index
    %swap3A_1502 = arith.constant 0 : index
    %swap3A_1503 = vector.load %arg10[%swap3A_1500, %swap3A_1501, %swap3A_1502] : memref<4x5x4096xf32, #tpu.memory_space<vmem>>, vector<1x1x4000xf32>
    %swap3A_1504 = vector.shape_cast %swap3A_1503 : vector<1x1x4000xf32> to vector<4000xf32>
    %swap3A_1505 = vector.shape_cast %get3A_1499 : vector<4000xf32> to vector<1x1x4000xf32>
    tpu.vector_store %arg10[%swap3A_1500, %swap3A_1501, %swap3A_1502], %swap3A_1505 {strides = array<i32>} : memref<4x5x4096xf32, #tpu.memory_space<vmem>>, vector<1x1x4000xf32>,
    %swap3A_1506 = arith.constant 2 : index
    %swap3A_1507 = arith.constant 4 : index
    %swap3A_1508 = arith.constant 4000 : index
    %swap3A_1509 = vector.load %arg10[%swap3A_1506, %swap3A_1507, %swap3A_1508] : memref<4x5x4096xf32, #tpu.memory_space<vmem>>, vector<1x1x96xf32>
    %swap3A_1510 = vector.shape_cast %swap3A_1509 : vector<1x1x96xf32> to vector<96xf32>
    %swap3A_1511 = vector.shape_cast %broadcast_in_dim3A_2 : vector<96xf32> to vector<1x1x96xf32>
    tpu.vector_store %arg10[%swap3A_1506, %swap3A_1507, %swap3A_1508], %swap3A_1511 {strides = array<i32>} : memref<4x5x4096xf32, #tpu.memory_space<vmem>>, vector<1x1x96xf32>,
    %get3A_1512 = arith.constant 2 : index
    %get3A_1513 = arith.constant 16000 : index
    %get3A_1514 = vector.load %arg5[%get3A_1512, %get3A_1513] : memref<4x20000xf32, #tpu.memory_space<vmem>>, vector<1x4000xf32>
    %get3A_1515 = vector.shape_cast %get3A_1514 : vector<1x4000xf32> to vector<4000xf32>
    %swap3A_1516 = arith.constant 2 : index
    %swap3A_1517 = arith.constant 4 : index
    %swap3A_1518 = arith.constant 0 : index
    %swap3A_1519 = vector.load %arg11[%swap3A_1516, %swap3A_1517, %swap3A_1518] : memref<4x5x4096xf32, #tpu.memory_space<vmem>>, vector<1x1x4000xf32>
    %swap3A_1520 = vector.shape_cast %swap3A_1519 : vector<1x1x4000xf32> to vector<4000xf32>
    %swap3A_1521 = vector.shape_cast %get3A_1515 : vector<4000xf32> to vector<1x1x4000xf32>
    tpu.vector_store %arg11[%swap3A_1516, %swap3A_1517, %swap3A_1518], %swap3A_1521 {strides = array<i32>} : memref<4x5x4096xf32, #tpu.memory_space<vmem>>, vector<1x1x4000xf32>,
    %swap3A_1522 = arith.constant 2 : index
    %swap3A_1523 = arith.constant 4 : index
    %swap3A_1524 = arith.constant 4000 : index
    %swap3A_1525 = vector.load %arg11[%swap3A_1522, %swap3A_1523, %swap3A_1524] : memref<4x5x4096xf32, #tpu.memory_space<vmem>>, vector<1x1x96xf32>
    %swap3A_1526 = vector.shape_cast %swap3A_1525 : vector<1x1x96xf32> to vector<96xf32>
    %swap3A_1527 = vector.shape_cast %broadcast_in_dim3A_2 : vector<96xf32> to vector<1x1x96xf32>
    tpu.vector_store %arg11[%swap3A_1522, %swap3A_1523, %swap3A_1524], %swap3A_1527 {strides = array<i32>} : memref<4x5x4096xf32, #tpu.memory_space<vmem>>, vector<1x1x96xf32>,
    %get3A_1528 = arith.constant 3 : index
    %get3A_1529 = arith.constant 0 : index
    %get3A_1530 = vector.load %arg0[%get3A_1528, %get3A_1529] : memref<4x20000xf32, #tpu.memory_space<vmem>>, vector<1x4000xf32>
    %get3A_1531 = vector.shape_cast %get3A_1530 : vector<1x4000xf32> to vector<4000xf32>
    %gt3A_1532 = arith.constant 2.500000e-01 : f32
    %gt3A_1533 = vector.broadcast %gt3A_1532 : f32 to vector<4000xf32>
    %gt3A_1534 = arith.cmpf ogt, %get3A_1531, %gt3A_1533 : vector<4000xf32>
    %jit3A_1535 = arith.constant -1.000000e+00 : f32
    %broadcast_in_dim3A_1536 = vector.broadcast %jit3A_1535 : f32 to vector<4000xf32>
    %select_n3A_1537 = arith.select %gt3A_1534, %get3A_1531, %broadcast_in_dim3A_1536 : vector<4000xi1>, vector<4000xf32>
    %swap3A_1538 = arith.constant 3 : index
    %swap3A_1539 = arith.constant 0 : index
    %swap3A_1540 = arith.constant 0 : index
    %swap3A_1541 = vector.load %arg6[%swap3A_1538, %swap3A_1539, %swap3A_1540] : memref<4x5x4096xf32, #tpu.memory_space<vmem>>, vector<1x1x4000xf32>
    %swap3A_1542 = vector.shape_cast %swap3A_1541 : vector<1x1x4000xf32> to vector<4000xf32>
    %swap3A_1543 = vector.shape_cast %select_n3A_1537 : vector<4000xf32> to vector<1x1x4000xf32>
    tpu.vector_store %arg6[%swap3A_1538, %swap3A_1539, %swap3A_1540], %swap3A_1543 {strides = array<i32>} : memref<4x5x4096xf32, #tpu.memory_space<vmem>>, vector<1x1x4000xf32>,
    %swap3A_1544 = arith.constant 3 : index
    %swap3A_1545 = arith.constant 0 : index
    %swap3A_1546 = arith.constant 4000 : index
    %swap3A_1547 = vector.load %arg6[%swap3A_1544, %swap3A_1545, %swap3A_1546] : memref<4x5x4096xf32, #tpu.memory_space<vmem>>, vector<1x1x96xf32>
    %swap3A_1548 = vector.shape_cast %swap3A_1547 : vector<1x1x96xf32> to vector<96xf32>
    %swap3A_1549 = vector.shape_cast %broadcast_in_dim3A_0 : vector<96xf32> to vector<1x1x96xf32>
    tpu.vector_store %arg6[%swap3A_1544, %swap3A_1545, %swap3A_1546], %swap3A_1549 {strides = array<i32>} : memref<4x5x4096xf32, #tpu.memory_space<vmem>>, vector<1x1x96xf32>,
    %get3A_1550 = arith.constant 3 : index
    %get3A_1551 = arith.constant 0 : index
    %get3A_1552 = vector.load %arg1[%get3A_1550, %get3A_1551] : memref<4x20000xf32, #tpu.memory_space<vmem>>, vector<1x4000xf32>
    %get3A_1553 = vector.shape_cast %get3A_1552 : vector<1x4000xf32> to vector<4000xf32>
    %swap3A_1554 = arith.constant 3 : index
    %swap3A_1555 = arith.constant 0 : index
    %swap3A_1556 = arith.constant 0 : index
    %swap3A_1557 = vector.load %arg7[%swap3A_1554, %swap3A_1555, %swap3A_1556] : memref<4x5x4096xf32, #tpu.memory_space<vmem>>, vector<1x1x4000xf32>
    %swap3A_1558 = vector.shape_cast %swap3A_1557 : vector<1x1x4000xf32> to vector<4000xf32>
    %swap3A_1559 = vector.shape_cast %get3A_1553 : vector<4000xf32> to vector<1x1x4000xf32>
    tpu.vector_store %arg7[%swap3A_1554, %swap3A_1555, %swap3A_1556], %swap3A_1559 {strides = array<i32>} : memref<4x5x4096xf32, #tpu.memory_space<vmem>>, vector<1x1x4000xf32>,
    %swap3A_1560 = arith.constant 3 : index
    %swap3A_1561 = arith.constant 0 : index
    %swap3A_1562 = arith.constant 4000 : index
    %swap3A_1563 = vector.load %arg7[%swap3A_1560, %swap3A_1561, %swap3A_1562] : memref<4x5x4096xf32, #tpu.memory_space<vmem>>, vector<1x1x96xf32>
    %swap3A_1564 = vector.shape_cast %swap3A_1563 : vector<1x1x96xf32> to vector<96xf32>
    %swap3A_1565 = vector.shape_cast %broadcast_in_dim3A_2 : vector<96xf32> to vector<1x1x96xf32>
    tpu.vector_store %arg7[%swap3A_1560, %swap3A_1561, %swap3A_1562], %swap3A_1565 {strides = array<i32>} : memref<4x5x4096xf32, #tpu.memory_space<vmem>>, vector<1x1x96xf32>,
    %get3A_1566 = arith.constant 3 : index
    %get3A_1567 = arith.constant 0 : index
    %get3A_1568 = vector.load %arg2[%get3A_1566, %get3A_1567] : memref<4x20000xf32, #tpu.memory_space<vmem>>, vector<1x4000xf32>
    %get3A_1569 = vector.shape_cast %get3A_1568 : vector<1x4000xf32> to vector<4000xf32>
    %swap3A_1570 = arith.constant 3 : index
    %swap3A_1571 = arith.constant 0 : index
    %swap3A_1572 = arith.constant 0 : index
    %swap3A_1573 = vector.load %arg8[%swap3A_1570, %swap3A_1571, %swap3A_1572] : memref<4x5x4096xf32, #tpu.memory_space<vmem>>, vector<1x1x4000xf32>
    %swap3A_1574 = vector.shape_cast %swap3A_1573 : vector<1x1x4000xf32> to vector<4000xf32>
    %swap3A_1575 = vector.shape_cast %get3A_1569 : vector<4000xf32> to vector<1x1x4000xf32>
    tpu.vector_store %arg8[%swap3A_1570, %swap3A_1571, %swap3A_1572], %swap3A_1575 {strides = array<i32>} : memref<4x5x4096xf32, #tpu.memory_space<vmem>>, vector<1x1x4000xf32>,
    %swap3A_1576 = arith.constant 3 : index
    %swap3A_1577 = arith.constant 0 : index
    %swap3A_1578 = arith.constant 4000 : index
    %swap3A_1579 = vector.load %arg8[%swap3A_1576, %swap3A_1577, %swap3A_1578] : memref<4x5x4096xf32, #tpu.memory_space<vmem>>, vector<1x1x96xf32>
    %swap3A_1580 = vector.shape_cast %swap3A_1579 : vector<1x1x96xf32> to vector<96xf32>
    %swap3A_1581 = vector.shape_cast %broadcast_in_dim3A_2 : vector<96xf32> to vector<1x1x96xf32>
    tpu.vector_store %arg8[%swap3A_1576, %swap3A_1577, %swap3A_1578], %swap3A_1581 {strides = array<i32>} : memref<4x5x4096xf32, #tpu.memory_space<vmem>>, vector<1x1x96xf32>,
    %get3A_1582 = arith.constant 3 : index
    %get3A_1583 = arith.constant 0 : index
    %get3A_1584 = vector.load %arg3[%get3A_1582, %get3A_1583] : memref<4x20000xf32, #tpu.memory_space<vmem>>, vector<1x4000xf32>
    %get3A_1585 = vector.shape_cast %get3A_1584 : vector<1x4000xf32> to vector<4000xf32>
    %swap3A_1586 = arith.constant 3 : index
    %swap3A_1587 = arith.constant 0 : index
    %swap3A_1588 = arith.constant 0 : index
    %swap3A_1589 = vector.load %arg9[%swap3A_1586, %swap3A_1587, %swap3A_1588] : memref<4x5x4096xf32, #tpu.memory_space<vmem>>, vector<1x1x4000xf32>
    %swap3A_1590 = vector.shape_cast %swap3A_1589 : vector<1x1x4000xf32> to vector<4000xf32>
    %swap3A_1591 = vector.shape_cast %get3A_1585 : vector<4000xf32> to vector<1x1x4000xf32>
    tpu.vector_store %arg9[%swap3A_1586, %swap3A_1587, %swap3A_1588], %swap3A_1591 {strides = array<i32>} : memref<4x5x4096xf32, #tpu.memory_space<vmem>>, vector<1x1x4000xf32>,
    %swap3A_1592 = arith.constant 3 : index
    %swap3A_1593 = arith.constant 0 : index
    %swap3A_1594 = arith.constant 4000 : index
    %swap3A_1595 = vector.load %arg9[%swap3A_1592, %swap3A_1593, %swap3A_1594] : memref<4x5x4096xf32, #tpu.memory_space<vmem>>, vector<1x1x96xf32>
    %swap3A_1596 = vector.shape_cast %swap3A_1595 : vector<1x1x96xf32> to vector<96xf32>
    %swap3A_1597 = vector.shape_cast %broadcast_in_dim3A_2 : vector<96xf32> to vector<1x1x96xf32>
    tpu.vector_store %arg9[%swap3A_1592, %swap3A_1593, %swap3A_1594], %swap3A_1597 {strides = array<i32>} : memref<4x5x4096xf32, #tpu.memory_space<vmem>>, vector<1x1x96xf32>,
    %get3A_1598 = arith.constant 3 : index
    %get3A_1599 = arith.constant 0 : index
    %get3A_1600 = vector.load %arg4[%get3A_1598, %get3A_1599] : memref<4x20000xf32, #tpu.memory_space<vmem>>, vector<1x4000xf32>
    %get3A_1601 = vector.shape_cast %get3A_1600 : vector<1x4000xf32> to vector<4000xf32>
    %swap3A_1602 = arith.constant 3 : index
    %swap3A_1603 = arith.constant 0 : index
    %swap3A_1604 = arith.constant 0 : index
    %swap3A_1605 = vector.load %arg10[%swap3A_1602, %swap3A_1603, %swap3A_1604] : memref<4x5x4096xf32, #tpu.memory_space<vmem>>, vector<1x1x4000xf32>
    %swap3A_1606 = vector.shape_cast %swap3A_1605 : vector<1x1x4000xf32> to vector<4000xf32>
    %swap3A_1607 = vector.shape_cast %get3A_1601 : vector<4000xf32> to vector<1x1x4000xf32>
    tpu.vector_store %arg10[%swap3A_1602, %swap3A_1603, %swap3A_1604], %swap3A_1607 {strides = array<i32>} : memref<4x5x4096xf32, #tpu.memory_space<vmem>>, vector<1x1x4000xf32>,
    %swap3A_1608 = arith.constant 3 : index
    %swap3A_1609 = arith.constant 0 : index
    %swap3A_1610 = arith.constant 4000 : index
    %swap3A_1611 = vector.load %arg10[%swap3A_1608, %swap3A_1609, %swap3A_1610] : memref<4x5x4096xf32, #tpu.memory_space<vmem>>, vector<1x1x96xf32>
    %swap3A_1612 = vector.shape_cast %swap3A_1611 : vector<1x1x96xf32> to vector<96xf32>
    %swap3A_1613 = vector.shape_cast %broadcast_in_dim3A_2 : vector<96xf32> to vector<1x1x96xf32>
    tpu.vector_store %arg10[%swap3A_1608, %swap3A_1609, %swap3A_1610], %swap3A_1613 {strides = array<i32>} : memref<4x5x4096xf32, #tpu.memory_space<vmem>>, vector<1x1x96xf32>,
    %get3A_1614 = arith.constant 3 : index
    %get3A_1615 = arith.constant 0 : index
    %get3A_1616 = vector.load %arg5[%get3A_1614, %get3A_1615] : memref<4x20000xf32, #tpu.memory_space<vmem>>, vector<1x4000xf32>
    %get3A_1617 = vector.shape_cast %get3A_1616 : vector<1x4000xf32> to vector<4000xf32>
    %swap3A_1618 = arith.constant 3 : index
    %swap3A_1619 = arith.constant 0 : index
    %swap3A_1620 = arith.constant 0 : index
    %swap3A_1621 = vector.load %arg11[%swap3A_1618, %swap3A_1619, %swap3A_1620] : memref<4x5x4096xf32, #tpu.memory_space<vmem>>, vector<1x1x4000xf32>
    %swap3A_1622 = vector.shape_cast %swap3A_1621 : vector<1x1x4000xf32> to vector<4000xf32>
    %swap3A_1623 = vector.shape_cast %get3A_1617 : vector<4000xf32> to vector<1x1x4000xf32>
    tpu.vector_store %arg11[%swap3A_1618, %swap3A_1619, %swap3A_1620], %swap3A_1623 {strides = array<i32>} : memref<4x5x4096xf32, #tpu.memory_space<vmem>>, vector<1x1x4000xf32>,
    %swap3A_1624 = arith.constant 3 : index
    %swap3A_1625 = arith.constant 0 : index
    %swap3A_1626 = arith.constant 4000 : index
    %swap3A_1627 = vector.load %arg11[%swap3A_1624, %swap3A_1625, %swap3A_1626] : memref<4x5x4096xf32, #tpu.memory_space<vmem>>, vector<1x1x96xf32>
    %swap3A_1628 = vector.shape_cast %swap3A_1627 : vector<1x1x96xf32> to vector<96xf32>
    %swap3A_1629 = vector.shape_cast %broadcast_in_dim3A_2 : vector<96xf32> to vector<1x1x96xf32>
    tpu.vector_store %arg11[%swap3A_1624, %swap3A_1625, %swap3A_1626], %swap3A_1629 {strides = array<i32>} : memref<4x5x4096xf32, #tpu.memory_space<vmem>>, vector<1x1x96xf32>,
    %get3A_1630 = arith.constant 3 : index
    %get3A_1631 = arith.constant 4000 : index
    %get3A_1632 = vector.load %arg0[%get3A_1630, %get3A_1631] : memref<4x20000xf32, #tpu.memory_space<vmem>>, vector<1x4000xf32>
    %get3A_1633 = vector.shape_cast %get3A_1632 : vector<1x4000xf32> to vector<4000xf32>
    %gt3A_1634 = arith.constant 2.500000e-01 : f32
    %gt3A_1635 = vector.broadcast %gt3A_1634 : f32 to vector<4000xf32>
    %gt3A_1636 = arith.cmpf ogt, %get3A_1633, %gt3A_1635 : vector<4000xf32>
    %jit3A_1637 = arith.constant -1.000000e+00 : f32
    %broadcast_in_dim3A_1638 = vector.broadcast %jit3A_1637 : f32 to vector<4000xf32>
    %select_n3A_1639 = arith.select %gt3A_1636, %get3A_1633, %broadcast_in_dim3A_1638 : vector<4000xi1>, vector<4000xf32>
    %swap3A_1640 = arith.constant 3 : index
    %swap3A_1641 = arith.constant 1 : index
    %swap3A_1642 = arith.constant 0 : index
    %swap3A_1643 = vector.load %arg6[%swap3A_1640, %swap3A_1641, %swap3A_1642] : memref<4x5x4096xf32, #tpu.memory_space<vmem>>, vector<1x1x4000xf32>
    %swap3A_1644 = vector.shape_cast %swap3A_1643 : vector<1x1x4000xf32> to vector<4000xf32>
    %swap3A_1645 = vector.shape_cast %select_n3A_1639 : vector<4000xf32> to vector<1x1x4000xf32>
    tpu.vector_store %arg6[%swap3A_1640, %swap3A_1641, %swap3A_1642], %swap3A_1645 {strides = array<i32>} : memref<4x5x4096xf32, #tpu.memory_space<vmem>>, vector<1x1x4000xf32>,
    %swap3A_1646 = arith.constant 3 : index
    %swap3A_1647 = arith.constant 1 : index
    %swap3A_1648 = arith.constant 4000 : index
    %swap3A_1649 = vector.load %arg6[%swap3A_1646, %swap3A_1647, %swap3A_1648] : memref<4x5x4096xf32, #tpu.memory_space<vmem>>, vector<1x1x96xf32>
    %swap3A_1650 = vector.shape_cast %swap3A_1649 : vector<1x1x96xf32> to vector<96xf32>
    %swap3A_1651 = vector.shape_cast %broadcast_in_dim3A_0 : vector<96xf32> to vector<1x1x96xf32>
    tpu.vector_store %arg6[%swap3A_1646, %swap3A_1647, %swap3A_1648], %swap3A_1651 {strides = array<i32>} : memref<4x5x4096xf32, #tpu.memory_space<vmem>>, vector<1x1x96xf32>,
    %get3A_1652 = arith.constant 3 : index
    %get3A_1653 = arith.constant 4000 : index
    %get3A_1654 = vector.load %arg1[%get3A_1652, %get3A_1653] : memref<4x20000xf32, #tpu.memory_space<vmem>>, vector<1x4000xf32>
    %get3A_1655 = vector.shape_cast %get3A_1654 : vector<1x4000xf32> to vector<4000xf32>
    %swap3A_1656 = arith.constant 3 : index
    %swap3A_1657 = arith.constant 1 : index
    %swap3A_1658 = arith.constant 0 : index
    %swap3A_1659 = vector.load %arg7[%swap3A_1656, %swap3A_1657, %swap3A_1658] : memref<4x5x4096xf32, #tpu.memory_space<vmem>>, vector<1x1x4000xf32>
    %swap3A_1660 = vector.shape_cast %swap3A_1659 : vector<1x1x4000xf32> to vector<4000xf32>
    %swap3A_1661 = vector.shape_cast %get3A_1655 : vector<4000xf32> to vector<1x1x4000xf32>
    tpu.vector_store %arg7[%swap3A_1656, %swap3A_1657, %swap3A_1658], %swap3A_1661 {strides = array<i32>} : memref<4x5x4096xf32, #tpu.memory_space<vmem>>, vector<1x1x4000xf32>,
    %swap3A_1662 = arith.constant 3 : index
    %swap3A_1663 = arith.constant 1 : index
    %swap3A_1664 = arith.constant 4000 : index
    %swap3A_1665 = vector.load %arg7[%swap3A_1662, %swap3A_1663, %swap3A_1664] : memref<4x5x4096xf32, #tpu.memory_space<vmem>>, vector<1x1x96xf32>
    %swap3A_1666 = vector.shape_cast %swap3A_1665 : vector<1x1x96xf32> to vector<96xf32>
    %swap3A_1667 = vector.shape_cast %broadcast_in_dim3A_2 : vector<96xf32> to vector<1x1x96xf32>
    tpu.vector_store %arg7[%swap3A_1662, %swap3A_1663, %swap3A_1664], %swap3A_1667 {strides = array<i32>} : memref<4x5x4096xf32, #tpu.memory_space<vmem>>, vector<1x1x96xf32>,
    %get3A_1668 = arith.constant 3 : index
    %get3A_1669 = arith.constant 4000 : index
    %get3A_1670 = vector.load %arg2[%get3A_1668, %get3A_1669] : memref<4x20000xf32, #tpu.memory_space<vmem>>, vector<1x4000xf32>
    %get3A_1671 = vector.shape_cast %get3A_1670 : vector<1x4000xf32> to vector<4000xf32>
    %swap3A_1672 = arith.constant 3 : index
    %swap3A_1673 = arith.constant 1 : index
    %swap3A_1674 = arith.constant 0 : index
    %swap3A_1675 = vector.load %arg8[%swap3A_1672, %swap3A_1673, %swap3A_1674] : memref<4x5x4096xf32, #tpu.memory_space<vmem>>, vector<1x1x4000xf32>
    %swap3A_1676 = vector.shape_cast %swap3A_1675 : vector<1x1x4000xf32> to vector<4000xf32>
    %swap3A_1677 = vector.shape_cast %get3A_1671 : vector<4000xf32> to vector<1x1x4000xf32>
    tpu.vector_store %arg8[%swap3A_1672, %swap3A_1673, %swap3A_1674], %swap3A_1677 {strides = array<i32>} : memref<4x5x4096xf32, #tpu.memory_space<vmem>>, vector<1x1x4000xf32>,
    %swap3A_1678 = arith.constant 3 : index
    %swap3A_1679 = arith.constant 1 : index
    %swap3A_1680 = arith.constant 4000 : index
    %swap3A_1681 = vector.load %arg8[%swap3A_1678, %swap3A_1679, %swap3A_1680] : memref<4x5x4096xf32, #tpu.memory_space<vmem>>, vector<1x1x96xf32>
    %swap3A_1682 = vector.shape_cast %swap3A_1681 : vector<1x1x96xf32> to vector<96xf32>
    %swap3A_1683 = vector.shape_cast %broadcast_in_dim3A_2 : vector<96xf32> to vector<1x1x96xf32>
    tpu.vector_store %arg8[%swap3A_1678, %swap3A_1679, %swap3A_1680], %swap3A_1683 {strides = array<i32>} : memref<4x5x4096xf32, #tpu.memory_space<vmem>>, vector<1x1x96xf32>,
    %get3A_1684 = arith.constant 3 : index
    %get3A_1685 = arith.constant 4000 : index
    %get3A_1686 = vector.load %arg3[%get3A_1684, %get3A_1685] : memref<4x20000xf32, #tpu.memory_space<vmem>>, vector<1x4000xf32>
    %get3A_1687 = vector.shape_cast %get3A_1686 : vector<1x4000xf32> to vector<4000xf32>
    %swap3A_1688 = arith.constant 3 : index
    %swap3A_1689 = arith.constant 1 : index
    %swap3A_1690 = arith.constant 0 : index
    %swap3A_1691 = vector.load %arg9[%swap3A_1688, %swap3A_1689, %swap3A_1690] : memref<4x5x4096xf32, #tpu.memory_space<vmem>>, vector<1x1x4000xf32>
    %swap3A_1692 = vector.shape_cast %swap3A_1691 : vector<1x1x4000xf32> to vector<4000xf32>
    %swap3A_1693 = vector.shape_cast %get3A_1687 : vector<4000xf32> to vector<1x1x4000xf32>
    tpu.vector_store %arg9[%swap3A_1688, %swap3A_1689, %swap3A_1690], %swap3A_1693 {strides = array<i32>} : memref<4x5x4096xf32, #tpu.memory_space<vmem>>, vector<1x1x4000xf32>,
    %swap3A_1694 = arith.constant 3 : index
    %swap3A_1695 = arith.constant 1 : index
    %swap3A_1696 = arith.constant 4000 : index
    %swap3A_1697 = vector.load %arg9[%swap3A_1694, %swap3A_1695, %swap3A_1696] : memref<4x5x4096xf32, #tpu.memory_space<vmem>>, vector<1x1x96xf32>
    %swap3A_1698 = vector.shape_cast %swap3A_1697 : vector<1x1x96xf32> to vector<96xf32>
    %swap3A_1699 = vector.shape_cast %broadcast_in_dim3A_2 : vector<96xf32> to vector<1x1x96xf32>
    tpu.vector_store %arg9[%swap3A_1694, %swap3A_1695, %swap3A_1696], %swap3A_1699 {strides = array<i32>} : memref<4x5x4096xf32, #tpu.memory_space<vmem>>, vector<1x1x96xf32>,
    %get3A_1700 = arith.constant 3 : index
    %get3A_1701 = arith.constant 4000 : index
    %get3A_1702 = vector.load %arg4[%get3A_1700, %get3A_1701] : memref<4x20000xf32, #tpu.memory_space<vmem>>, vector<1x4000xf32>
    %get3A_1703 = vector.shape_cast %get3A_1702 : vector<1x4000xf32> to vector<4000xf32>
    %swap3A_1704 = arith.constant 3 : index
    %swap3A_1705 = arith.constant 1 : index
    %swap3A_1706 = arith.constant 0 : index
    %swap3A_1707 = vector.load %arg10[%swap3A_1704, %swap3A_1705, %swap3A_1706] : memref<4x5x4096xf32, #tpu.memory_space<vmem>>, vector<1x1x4000xf32>
    %swap3A_1708 = vector.shape_cast %swap3A_1707 : vector<1x1x4000xf32> to vector<4000xf32>
    %swap3A_1709 = vector.shape_cast %get3A_1703 : vector<4000xf32> to vector<1x1x4000xf32>
    tpu.vector_store %arg10[%swap3A_1704, %swap3A_1705, %swap3A_1706], %swap3A_1709 {strides = array<i32>} : memref<4x5x4096xf32, #tpu.memory_space<vmem>>, vector<1x1x4000xf32>,
    %swap3A_1710 = arith.constant 3 : index
    %swap3A_1711 = arith.constant 1 : index
    %swap3A_1712 = arith.constant 4000 : index
    %swap3A_1713 = vector.load %arg10[%swap3A_1710, %swap3A_1711, %swap3A_1712] : memref<4x5x4096xf32, #tpu.memory_space<vmem>>, vector<1x1x96xf32>
    %swap3A_1714 = vector.shape_cast %swap3A_1713 : vector<1x1x96xf32> to vector<96xf32>
    %swap3A_1715 = vector.shape_cast %broadcast_in_dim3A_2 : vector<96xf32> to vector<1x1x96xf32>
    tpu.vector_store %arg10[%swap3A_1710, %swap3A_1711, %swap3A_1712], %swap3A_1715 {strides = array<i32>} : memref<4x5x4096xf32, #tpu.memory_space<vmem>>, vector<1x1x96xf32>,
    %get3A_1716 = arith.constant 3 : index
    %get3A_1717 = arith.constant 4000 : index
    %get3A_1718 = vector.load %arg5[%get3A_1716, %get3A_1717] : memref<4x20000xf32, #tpu.memory_space<vmem>>, vector<1x4000xf32>
    %get3A_1719 = vector.shape_cast %get3A_1718 : vector<1x4000xf32> to vector<4000xf32>
    %swap3A_1720 = arith.constant 3 : index
    %swap3A_1721 = arith.constant 1 : index
    %swap3A_1722 = arith.constant 0 : index
    %swap3A_1723 = vector.load %arg11[%swap3A_1720, %swap3A_1721, %swap3A_1722] : memref<4x5x4096xf32, #tpu.memory_space<vmem>>, vector<1x1x4000xf32>
    %swap3A_1724 = vector.shape_cast %swap3A_1723 : vector<1x1x4000xf32> to vector<4000xf32>
    %swap3A_1725 = vector.shape_cast %get3A_1719 : vector<4000xf32> to vector<1x1x4000xf32>
    tpu.vector_store %arg11[%swap3A_1720, %swap3A_1721, %swap3A_1722], %swap3A_1725 {strides = array<i32>} : memref<4x5x4096xf32, #tpu.memory_space<vmem>>, vector<1x1x4000xf32>,
    %swap3A_1726 = arith.constant 3 : index
    %swap3A_1727 = arith.constant 1 : index
    %swap3A_1728 = arith.constant 4000 : index
    %swap3A_1729 = vector.load %arg11[%swap3A_1726, %swap3A_1727, %swap3A_1728] : memref<4x5x4096xf32, #tpu.memory_space<vmem>>, vector<1x1x96xf32>
    %swap3A_1730 = vector.shape_cast %swap3A_1729 : vector<1x1x96xf32> to vector<96xf32>
    %swap3A_1731 = vector.shape_cast %broadcast_in_dim3A_2 : vector<96xf32> to vector<1x1x96xf32>
    tpu.vector_store %arg11[%swap3A_1726, %swap3A_1727, %swap3A_1728], %swap3A_1731 {strides = array<i32>} : memref<4x5x4096xf32, #tpu.memory_space<vmem>>, vector<1x1x96xf32>,
    %get3A_1732 = arith.constant 3 : index
    %get3A_1733 = arith.constant 8000 : index
    %get3A_1734 = vector.load %arg0[%get3A_1732, %get3A_1733] : memref<4x20000xf32, #tpu.memory_space<vmem>>, vector<1x4000xf32>
    %get3A_1735 = vector.shape_cast %get3A_1734 : vector<1x4000xf32> to vector<4000xf32>
    %gt3A_1736 = arith.constant 2.500000e-01 : f32
    %gt3A_1737 = vector.broadcast %gt3A_1736 : f32 to vector<4000xf32>
    %gt3A_1738 = arith.cmpf ogt, %get3A_1735, %gt3A_1737 : vector<4000xf32>
    %jit3A_1739 = arith.constant -1.000000e+00 : f32
    %broadcast_in_dim3A_1740 = vector.broadcast %jit3A_1739 : f32 to vector<4000xf32>
    %select_n3A_1741 = arith.select %gt3A_1738, %get3A_1735, %broadcast_in_dim3A_1740 : vector<4000xi1>, vector<4000xf32>
    %swap3A_1742 = arith.constant 3 : index
    %swap3A_1743 = arith.constant 2 : index
    %swap3A_1744 = arith.constant 0 : index
    %swap3A_1745 = vector.load %arg6[%swap3A_1742, %swap3A_1743, %swap3A_1744] : memref<4x5x4096xf32, #tpu.memory_space<vmem>>, vector<1x1x4000xf32>
    %swap3A_1746 = vector.shape_cast %swap3A_1745 : vector<1x1x4000xf32> to vector<4000xf32>
    %swap3A_1747 = vector.shape_cast %select_n3A_1741 : vector<4000xf32> to vector<1x1x4000xf32>
    tpu.vector_store %arg6[%swap3A_1742, %swap3A_1743, %swap3A_1744], %swap3A_1747 {strides = array<i32>} : memref<4x5x4096xf32, #tpu.memory_space<vmem>>, vector<1x1x4000xf32>,
    %swap3A_1748 = arith.constant 3 : index
    %swap3A_1749 = arith.constant 2 : index
    %swap3A_1750 = arith.constant 4000 : index
    %swap3A_1751 = vector.load %arg6[%swap3A_1748, %swap3A_1749, %swap3A_1750] : memref<4x5x4096xf32, #tpu.memory_space<vmem>>, vector<1x1x96xf32>
    %swap3A_1752 = vector.shape_cast %swap3A_1751 : vector<1x1x96xf32> to vector<96xf32>
    %swap3A_1753 = vector.shape_cast %broadcast_in_dim3A_0 : vector<96xf32> to vector<1x1x96xf32>
    tpu.vector_store %arg6[%swap3A_1748, %swap3A_1749, %swap3A_1750], %swap3A_1753 {strides = array<i32>} : memref<4x5x4096xf32, #tpu.memory_space<vmem>>, vector<1x1x96xf32>,
    %get3A_1754 = arith.constant 3 : index
    %get3A_1755 = arith.constant 8000 : index
    %get3A_1756 = vector.load %arg1[%get3A_1754, %get3A_1755] : memref<4x20000xf32, #tpu.memory_space<vmem>>, vector<1x4000xf32>
    %get3A_1757 = vector.shape_cast %get3A_1756 : vector<1x4000xf32> to vector<4000xf32>
    %swap3A_1758 = arith.constant 3 : index
    %swap3A_1759 = arith.constant 2 : index
    %swap3A_1760 = arith.constant 0 : index
    %swap3A_1761 = vector.load %arg7[%swap3A_1758, %swap3A_1759, %swap3A_1760] : memref<4x5x4096xf32, #tpu.memory_space<vmem>>, vector<1x1x4000xf32>
    %swap3A_1762 = vector.shape_cast %swap3A_1761 : vector<1x1x4000xf32> to vector<4000xf32>
    %swap3A_1763 = vector.shape_cast %get3A_1757 : vector<4000xf32> to vector<1x1x4000xf32>
    tpu.vector_store %arg7[%swap3A_1758, %swap3A_1759, %swap3A_1760], %swap3A_1763 {strides = array<i32>} : memref<4x5x4096xf32, #tpu.memory_space<vmem>>, vector<1x1x4000xf32>,
    %swap3A_1764 = arith.constant 3 : index
    %swap3A_1765 = arith.constant 2 : index
    %swap3A_1766 = arith.constant 4000 : index
    %swap3A_1767 = vector.load %arg7[%swap3A_1764, %swap3A_1765, %swap3A_1766] : memref<4x5x4096xf32, #tpu.memory_space<vmem>>, vector<1x1x96xf32>
    %swap3A_1768 = vector.shape_cast %swap3A_1767 : vector<1x1x96xf32> to vector<96xf32>
    %swap3A_1769 = vector.shape_cast %broadcast_in_dim3A_2 : vector<96xf32> to vector<1x1x96xf32>
    tpu.vector_store %arg7[%swap3A_1764, %swap3A_1765, %swap3A_1766], %swap3A_1769 {strides = array<i32>} : memref<4x5x4096xf32, #tpu.memory_space<vmem>>, vector<1x1x96xf32>,
    %get3A_1770 = arith.constant 3 : index
    %get3A_1771 = arith.constant 8000 : index
    %get3A_1772 = vector.load %arg2[%get3A_1770, %get3A_1771] : memref<4x20000xf32, #tpu.memory_space<vmem>>, vector<1x4000xf32>
    %get3A_1773 = vector.shape_cast %get3A_1772 : vector<1x4000xf32> to vector<4000xf32>
    %swap3A_1774 = arith.constant 3 : index
    %swap3A_1775 = arith.constant 2 : index
    %swap3A_1776 = arith.constant 0 : index
    %swap3A_1777 = vector.load %arg8[%swap3A_1774, %swap3A_1775, %swap3A_1776] : memref<4x5x4096xf32, #tpu.memory_space<vmem>>, vector<1x1x4000xf32>
    %swap3A_1778 = vector.shape_cast %swap3A_1777 : vector<1x1x4000xf32> to vector<4000xf32>
    %swap3A_1779 = vector.shape_cast %get3A_1773 : vector<4000xf32> to vector<1x1x4000xf32>
    tpu.vector_store %arg8[%swap3A_1774, %swap3A_1775, %swap3A_1776], %swap3A_1779 {strides = array<i32>} : memref<4x5x4096xf32, #tpu.memory_space<vmem>>, vector<1x1x4000xf32>,
    %swap3A_1780 = arith.constant 3 : index
    %swap3A_1781 = arith.constant 2 : index
    %swap3A_1782 = arith.constant 4000 : index
    %swap3A_1783 = vector.load %arg8[%swap3A_1780, %swap3A_1781, %swap3A_1782] : memref<4x5x4096xf32, #tpu.memory_space<vmem>>, vector<1x1x96xf32>
    %swap3A_1784 = vector.shape_cast %swap3A_1783 : vector<1x1x96xf32> to vector<96xf32>
    %swap3A_1785 = vector.shape_cast %broadcast_in_dim3A_2 : vector<96xf32> to vector<1x1x96xf32>
    tpu.vector_store %arg8[%swap3A_1780, %swap3A_1781, %swap3A_1782], %swap3A_1785 {strides = array<i32>} : memref<4x5x4096xf32, #tpu.memory_space<vmem>>, vector<1x1x96xf32>,
    %get3A_1786 = arith.constant 3 : index
    %get3A_1787 = arith.constant 8000 : index
    %get3A_1788 = vector.load %arg3[%get3A_1786, %get3A_1787] : memref<4x20000xf32, #tpu.memory_space<vmem>>, vector<1x4000xf32>
    %get3A_1789 = vector.shape_cast %get3A_1788 : vector<1x4000xf32> to vector<4000xf32>
    %swap3A_1790 = arith.constant 3 : index
    %swap3A_1791 = arith.constant 2 : index
    %swap3A_1792 = arith.constant 0 : index
    %swap3A_1793 = vector.load %arg9[%swap3A_1790, %swap3A_1791, %swap3A_1792] : memref<4x5x4096xf32, #tpu.memory_space<vmem>>, vector<1x1x4000xf32>
    %swap3A_1794 = vector.shape_cast %swap3A_1793 : vector<1x1x4000xf32> to vector<4000xf32>
    %swap3A_1795 = vector.shape_cast %get3A_1789 : vector<4000xf32> to vector<1x1x4000xf32>
    tpu.vector_store %arg9[%swap3A_1790, %swap3A_1791, %swap3A_1792], %swap3A_1795 {strides = array<i32>} : memref<4x5x4096xf32, #tpu.memory_space<vmem>>, vector<1x1x4000xf32>,
    %swap3A_1796 = arith.constant 3 : index
    %swap3A_1797 = arith.constant 2 : index
    %swap3A_1798 = arith.constant 4000 : index
    %swap3A_1799 = vector.load %arg9[%swap3A_1796, %swap3A_1797, %swap3A_1798] : memref<4x5x4096xf32, #tpu.memory_space<vmem>>, vector<1x1x96xf32>
    %swap3A_1800 = vector.shape_cast %swap3A_1799 : vector<1x1x96xf32> to vector<96xf32>
    %swap3A_1801 = vector.shape_cast %broadcast_in_dim3A_2 : vector<96xf32> to vector<1x1x96xf32>
    tpu.vector_store %arg9[%swap3A_1796, %swap3A_1797, %swap3A_1798], %swap3A_1801 {strides = array<i32>} : memref<4x5x4096xf32, #tpu.memory_space<vmem>>, vector<1x1x96xf32>,
    %get3A_1802 = arith.constant 3 : index
    %get3A_1803 = arith.constant 8000 : index
    %get3A_1804 = vector.load %arg4[%get3A_1802, %get3A_1803] : memref<4x20000xf32, #tpu.memory_space<vmem>>, vector<1x4000xf32>
    %get3A_1805 = vector.shape_cast %get3A_1804 : vector<1x4000xf32> to vector<4000xf32>
    %swap3A_1806 = arith.constant 3 : index
    %swap3A_1807 = arith.constant 2 : index
    %swap3A_1808 = arith.constant 0 : index
    %swap3A_1809 = vector.load %arg10[%swap3A_1806, %swap3A_1807, %swap3A_1808] : memref<4x5x4096xf32, #tpu.memory_space<vmem>>, vector<1x1x4000xf32>
    %swap3A_1810 = vector.shape_cast %swap3A_1809 : vector<1x1x4000xf32> to vector<4000xf32>
    %swap3A_1811 = vector.shape_cast %get3A_1805 : vector<4000xf32> to vector<1x1x4000xf32>
    tpu.vector_store %arg10[%swap3A_1806, %swap3A_1807, %swap3A_1808], %swap3A_1811 {strides = array<i32>} : memref<4x5x4096xf32, #tpu.memory_space<vmem>>, vector<1x1x4000xf32>,
    %swap3A_1812 = arith.constant 3 : index
    %swap3A_1813 = arith.constant 2 : index
    %swap3A_1814 = arith.constant 4000 : index
    %swap3A_1815 = vector.load %arg10[%swap3A_1812, %swap3A_1813, %swap3A_1814] : memref<4x5x4096xf32, #tpu.memory_space<vmem>>, vector<1x1x96xf32>
    %swap3A_1816 = vector.shape_cast %swap3A_1815 : vector<1x1x96xf32> to vector<96xf32>
    %swap3A_1817 = vector.shape_cast %broadcast_in_dim3A_2 : vector<96xf32> to vector<1x1x96xf32>
    tpu.vector_store %arg10[%swap3A_1812, %swap3A_1813, %swap3A_1814], %swap3A_1817 {strides = array<i32>} : memref<4x5x4096xf32, #tpu.memory_space<vmem>>, vector<1x1x96xf32>,
    %get3A_1818 = arith.constant 3 : index
    %get3A_1819 = arith.constant 8000 : index
    %get3A_1820 = vector.load %arg5[%get3A_1818, %get3A_1819] : memref<4x20000xf32, #tpu.memory_space<vmem>>, vector<1x4000xf32>
    %get3A_1821 = vector.shape_cast %get3A_1820 : vector<1x4000xf32> to vector<4000xf32>
    %swap3A_1822 = arith.constant 3 : index
    %swap3A_1823 = arith.constant 2 : index
    %swap3A_1824 = arith.constant 0 : index
    %swap3A_1825 = vector.load %arg11[%swap3A_1822, %swap3A_1823, %swap3A_1824] : memref<4x5x4096xf32, #tpu.memory_space<vmem>>, vector<1x1x4000xf32>
    %swap3A_1826 = vector.shape_cast %swap3A_1825 : vector<1x1x4000xf32> to vector<4000xf32>
    %swap3A_1827 = vector.shape_cast %get3A_1821 : vector<4000xf32> to vector<1x1x4000xf32>
    tpu.vector_store %arg11[%swap3A_1822, %swap3A_1823, %swap3A_1824], %swap3A_1827 {strides = array<i32>} : memref<4x5x4096xf32, #tpu.memory_space<vmem>>, vector<1x1x4000xf32>,
    %swap3A_1828 = arith.constant 3 : index
    %swap3A_1829 = arith.constant 2 : index
    %swap3A_1830 = arith.constant 4000 : index
    %swap3A_1831 = vector.load %arg11[%swap3A_1828, %swap3A_1829, %swap3A_1830] : memref<4x5x4096xf32, #tpu.memory_space<vmem>>, vector<1x1x96xf32>
    %swap3A_1832 = vector.shape_cast %swap3A_1831 : vector<1x1x96xf32> to vector<96xf32>
    %swap3A_1833 = vector.shape_cast %broadcast_in_dim3A_2 : vector<96xf32> to vector<1x1x96xf32>
    tpu.vector_store %arg11[%swap3A_1828, %swap3A_1829, %swap3A_1830], %swap3A_1833 {strides = array<i32>} : memref<4x5x4096xf32, #tpu.memory_space<vmem>>, vector<1x1x96xf32>,
    %get3A_1834 = arith.constant 3 : index
    %get3A_1835 = arith.constant 12000 : index
    %get3A_1836 = vector.load %arg0[%get3A_1834, %get3A_1835] : memref<4x20000xf32, #tpu.memory_space<vmem>>, vector<1x4000xf32>
    %get3A_1837 = vector.shape_cast %get3A_1836 : vector<1x4000xf32> to vector<4000xf32>
    %gt3A_1838 = arith.constant 2.500000e-01 : f32
    %gt3A_1839 = vector.broadcast %gt3A_1838 : f32 to vector<4000xf32>
    %gt3A_1840 = arith.cmpf ogt, %get3A_1837, %gt3A_1839 : vector<4000xf32>
    %jit3A_1841 = arith.constant -1.000000e+00 : f32
    %broadcast_in_dim3A_1842 = vector.broadcast %jit3A_1841 : f32 to vector<4000xf32>
    %select_n3A_1843 = arith.select %gt3A_1840, %get3A_1837, %broadcast_in_dim3A_1842 : vector<4000xi1>, vector<4000xf32>
    %swap3A_1844 = arith.constant 3 : index
    %swap3A_1845 = arith.constant 3 : index
    %swap3A_1846 = arith.constant 0 : index
    %swap3A_1847 = vector.load %arg6[%swap3A_1844, %swap3A_1845, %swap3A_1846] : memref<4x5x4096xf32, #tpu.memory_space<vmem>>, vector<1x1x4000xf32>
    %swap3A_1848 = vector.shape_cast %swap3A_1847 : vector<1x1x4000xf32> to vector<4000xf32>
    %swap3A_1849 = vector.shape_cast %select_n3A_1843 : vector<4000xf32> to vector<1x1x4000xf32>
    tpu.vector_store %arg6[%swap3A_1844, %swap3A_1845, %swap3A_1846], %swap3A_1849 {strides = array<i32>} : memref<4x5x4096xf32, #tpu.memory_space<vmem>>, vector<1x1x4000xf32>,
    %swap3A_1850 = arith.constant 3 : index
    %swap3A_1851 = arith.constant 3 : index
    %swap3A_1852 = arith.constant 4000 : index
    %swap3A_1853 = vector.load %arg6[%swap3A_1850, %swap3A_1851, %swap3A_1852] : memref<4x5x4096xf32, #tpu.memory_space<vmem>>, vector<1x1x96xf32>
    %swap3A_1854 = vector.shape_cast %swap3A_1853 : vector<1x1x96xf32> to vector<96xf32>
    %swap3A_1855 = vector.shape_cast %broadcast_in_dim3A_0 : vector<96xf32> to vector<1x1x96xf32>
    tpu.vector_store %arg6[%swap3A_1850, %swap3A_1851, %swap3A_1852], %swap3A_1855 {strides = array<i32>} : memref<4x5x4096xf32, #tpu.memory_space<vmem>>, vector<1x1x96xf32>,
    %get3A_1856 = arith.constant 3 : index
    %get3A_1857 = arith.constant 12000 : index
    %get3A_1858 = vector.load %arg1[%get3A_1856, %get3A_1857] : memref<4x20000xf32, #tpu.memory_space<vmem>>, vector<1x4000xf32>
    %get3A_1859 = vector.shape_cast %get3A_1858 : vector<1x4000xf32> to vector<4000xf32>
    %swap3A_1860 = arith.constant 3 : index
    %swap3A_1861 = arith.constant 3 : index
    %swap3A_1862 = arith.constant 0 : index
    %swap3A_1863 = vector.load %arg7[%swap3A_1860, %swap3A_1861, %swap3A_1862] : memref<4x5x4096xf32, #tpu.memory_space<vmem>>, vector<1x1x4000xf32>
    %swap3A_1864 = vector.shape_cast %swap3A_1863 : vector<1x1x4000xf32> to vector<4000xf32>
    %swap3A_1865 = vector.shape_cast %get3A_1859 : vector<4000xf32> to vector<1x1x4000xf32>
    tpu.vector_store %arg7[%swap3A_1860, %swap3A_1861, %swap3A_1862], %swap3A_1865 {strides = array<i32>} : memref<4x5x4096xf32, #tpu.memory_space<vmem>>, vector<1x1x4000xf32>,
    %swap3A_1866 = arith.constant 3 : index
    %swap3A_1867 = arith.constant 3 : index
    %swap3A_1868 = arith.constant 4000 : index
    %swap3A_1869 = vector.load %arg7[%swap3A_1866, %swap3A_1867, %swap3A_1868] : memref<4x5x4096xf32, #tpu.memory_space<vmem>>, vector<1x1x96xf32>
    %swap3A_1870 = vector.shape_cast %swap3A_1869 : vector<1x1x96xf32> to vector<96xf32>
    %swap3A_1871 = vector.shape_cast %broadcast_in_dim3A_2 : vector<96xf32> to vector<1x1x96xf32>
    tpu.vector_store %arg7[%swap3A_1866, %swap3A_1867, %swap3A_1868], %swap3A_1871 {strides = array<i32>} : memref<4x5x4096xf32, #tpu.memory_space<vmem>>, vector<1x1x96xf32>,
    %get3A_1872 = arith.constant 3 : index
    %get3A_1873 = arith.constant 12000 : index
    %get3A_1874 = vector.load %arg2[%get3A_1872, %get3A_1873] : memref<4x20000xf32, #tpu.memory_space<vmem>>, vector<1x4000xf32>
    %get3A_1875 = vector.shape_cast %get3A_1874 : vector<1x4000xf32> to vector<4000xf32>
    %swap3A_1876 = arith.constant 3 : index
    %swap3A_1877 = arith.constant 3 : index
    %swap3A_1878 = arith.constant 0 : index
    %swap3A_1879 = vector.load %arg8[%swap3A_1876, %swap3A_1877, %swap3A_1878] : memref<4x5x4096xf32, #tpu.memory_space<vmem>>, vector<1x1x4000xf32>
    %swap3A_1880 = vector.shape_cast %swap3A_1879 : vector<1x1x4000xf32> to vector<4000xf32>
    %swap3A_1881 = vector.shape_cast %get3A_1875 : vector<4000xf32> to vector<1x1x4000xf32>
    tpu.vector_store %arg8[%swap3A_1876, %swap3A_1877, %swap3A_1878], %swap3A_1881 {strides = array<i32>} : memref<4x5x4096xf32, #tpu.memory_space<vmem>>, vector<1x1x4000xf32>,
    %swap3A_1882 = arith.constant 3 : index
    %swap3A_1883 = arith.constant 3 : index
    %swap3A_1884 = arith.constant 4000 : index
    %swap3A_1885 = vector.load %arg8[%swap3A_1882, %swap3A_1883, %swap3A_1884] : memref<4x5x4096xf32, #tpu.memory_space<vmem>>, vector<1x1x96xf32>
    %swap3A_1886 = vector.shape_cast %swap3A_1885 : vector<1x1x96xf32> to vector<96xf32>
    %swap3A_1887 = vector.shape_cast %broadcast_in_dim3A_2 : vector<96xf32> to vector<1x1x96xf32>
    tpu.vector_store %arg8[%swap3A_1882, %swap3A_1883, %swap3A_1884], %swap3A_1887 {strides = array<i32>} : memref<4x5x4096xf32, #tpu.memory_space<vmem>>, vector<1x1x96xf32>,
    %get3A_1888 = arith.constant 3 : index
    %get3A_1889 = arith.constant 12000 : index
    %get3A_1890 = vector.load %arg3[%get3A_1888, %get3A_1889] : memref<4x20000xf32, #tpu.memory_space<vmem>>, vector<1x4000xf32>
    %get3A_1891 = vector.shape_cast %get3A_1890 : vector<1x4000xf32> to vector<4000xf32>
    %swap3A_1892 = arith.constant 3 : index
    %swap3A_1893 = arith.constant 3 : index
    %swap3A_1894 = arith.constant 0 : index
    %swap3A_1895 = vector.load %arg9[%swap3A_1892, %swap3A_1893, %swap3A_1894] : memref<4x5x4096xf32, #tpu.memory_space<vmem>>, vector<1x1x4000xf32>
    %swap3A_1896 = vector.shape_cast %swap3A_1895 : vector<1x1x4000xf32> to vector<4000xf32>
    %swap3A_1897 = vector.shape_cast %get3A_1891 : vector<4000xf32> to vector<1x1x4000xf32>
    tpu.vector_store %arg9[%swap3A_1892, %swap3A_1893, %swap3A_1894], %swap3A_1897 {strides = array<i32>} : memref<4x5x4096xf32, #tpu.memory_space<vmem>>, vector<1x1x4000xf32>,
    %swap3A_1898 = arith.constant 3 : index
    %swap3A_1899 = arith.constant 3 : index
    %swap3A_1900 = arith.constant 4000 : index
    %swap3A_1901 = vector.load %arg9[%swap3A_1898, %swap3A_1899, %swap3A_1900] : memref<4x5x4096xf32, #tpu.memory_space<vmem>>, vector<1x1x96xf32>
    %swap3A_1902 = vector.shape_cast %swap3A_1901 : vector<1x1x96xf32> to vector<96xf32>
    %swap3A_1903 = vector.shape_cast %broadcast_in_dim3A_2 : vector<96xf32> to vector<1x1x96xf32>
    tpu.vector_store %arg9[%swap3A_1898, %swap3A_1899, %swap3A_1900], %swap3A_1903 {strides = array<i32>} : memref<4x5x4096xf32, #tpu.memory_space<vmem>>, vector<1x1x96xf32>,
    %get3A_1904 = arith.constant 3 : index
    %get3A_1905 = arith.constant 12000 : index
    %get3A_1906 = vector.load %arg4[%get3A_1904, %get3A_1905] : memref<4x20000xf32, #tpu.memory_space<vmem>>, vector<1x4000xf32>
    %get3A_1907 = vector.shape_cast %get3A_1906 : vector<1x4000xf32> to vector<4000xf32>
    %swap3A_1908 = arith.constant 3 : index
    %swap3A_1909 = arith.constant 3 : index
    %swap3A_1910 = arith.constant 0 : index
    %swap3A_1911 = vector.load %arg10[%swap3A_1908, %swap3A_1909, %swap3A_1910] : memref<4x5x4096xf32, #tpu.memory_space<vmem>>, vector<1x1x4000xf32>
    %swap3A_1912 = vector.shape_cast %swap3A_1911 : vector<1x1x4000xf32> to vector<4000xf32>
    %swap3A_1913 = vector.shape_cast %get3A_1907 : vector<4000xf32> to vector<1x1x4000xf32>
    tpu.vector_store %arg10[%swap3A_1908, %swap3A_1909, %swap3A_1910], %swap3A_1913 {strides = array<i32>} : memref<4x5x4096xf32, #tpu.memory_space<vmem>>, vector<1x1x4000xf32>,
    %swap3A_1914 = arith.constant 3 : index
    %swap3A_1915 = arith.constant 3 : index
    %swap3A_1916 = arith.constant 4000 : index
    %swap3A_1917 = vector.load %arg10[%swap3A_1914, %swap3A_1915, %swap3A_1916] : memref<4x5x4096xf32, #tpu.memory_space<vmem>>, vector<1x1x96xf32>
    %swap3A_1918 = vector.shape_cast %swap3A_1917 : vector<1x1x96xf32> to vector<96xf32>
    %swap3A_1919 = vector.shape_cast %broadcast_in_dim3A_2 : vector<96xf32> to vector<1x1x96xf32>
    tpu.vector_store %arg10[%swap3A_1914, %swap3A_1915, %swap3A_1916], %swap3A_1919 {strides = array<i32>} : memref<4x5x4096xf32, #tpu.memory_space<vmem>>, vector<1x1x96xf32>,
    %get3A_1920 = arith.constant 3 : index
    %get3A_1921 = arith.constant 12000 : index
    %get3A_1922 = vector.load %arg5[%get3A_1920, %get3A_1921] : memref<4x20000xf32, #tpu.memory_space<vmem>>, vector<1x4000xf32>
    %get3A_1923 = vector.shape_cast %get3A_1922 : vector<1x4000xf32> to vector<4000xf32>
    %swap3A_1924 = arith.constant 3 : index
    %swap3A_1925 = arith.constant 3 : index
    %swap3A_1926 = arith.constant 0 : index
    %swap3A_1927 = vector.load %arg11[%swap3A_1924, %swap3A_1925, %swap3A_1926] : memref<4x5x4096xf32, #tpu.memory_space<vmem>>, vector<1x1x4000xf32>
    %swap3A_1928 = vector.shape_cast %swap3A_1927 : vector<1x1x4000xf32> to vector<4000xf32>
    %swap3A_1929 = vector.shape_cast %get3A_1923 : vector<4000xf32> to vector<1x1x4000xf32>
    tpu.vector_store %arg11[%swap3A_1924, %swap3A_1925, %swap3A_1926], %swap3A_1929 {strides = array<i32>} : memref<4x5x4096xf32, #tpu.memory_space<vmem>>, vector<1x1x4000xf32>,
    %swap3A_1930 = arith.constant 3 : index
    %swap3A_1931 = arith.constant 3 : index
    %swap3A_1932 = arith.constant 4000 : index
    %swap3A_1933 = vector.load %arg11[%swap3A_1930, %swap3A_1931, %swap3A_1932] : memref<4x5x4096xf32, #tpu.memory_space<vmem>>, vector<1x1x96xf32>
    %swap3A_1934 = vector.shape_cast %swap3A_1933 : vector<1x1x96xf32> to vector<96xf32>
    %swap3A_1935 = vector.shape_cast %broadcast_in_dim3A_2 : vector<96xf32> to vector<1x1x96xf32>
    tpu.vector_store %arg11[%swap3A_1930, %swap3A_1931, %swap3A_1932], %swap3A_1935 {strides = array<i32>} : memref<4x5x4096xf32, #tpu.memory_space<vmem>>, vector<1x1x96xf32>,
    %get3A_1936 = arith.constant 3 : index
    %get3A_1937 = arith.constant 16000 : index
    %get3A_1938 = vector.load %arg0[%get3A_1936, %get3A_1937] : memref<4x20000xf32, #tpu.memory_space<vmem>>, vector<1x4000xf32>
    %get3A_1939 = vector.shape_cast %get3A_1938 : vector<1x4000xf32> to vector<4000xf32>
    %gt3A_1940 = arith.constant 2.500000e-01 : f32
    %gt3A_1941 = vector.broadcast %gt3A_1940 : f32 to vector<4000xf32>
    %gt3A_1942 = arith.cmpf ogt, %get3A_1939, %gt3A_1941 : vector<4000xf32>
    %jit3A_1943 = arith.constant -1.000000e+00 : f32
    %broadcast_in_dim3A_1944 = vector.broadcast %jit3A_1943 : f32 to vector<4000xf32>
    %select_n3A_1945 = arith.select %gt3A_1942, %get3A_1939, %broadcast_in_dim3A_1944 : vector<4000xi1>, vector<4000xf32>
    %swap3A_1946 = arith.constant 3 : index
    %swap3A_1947 = arith.constant 4 : index
    %swap3A_1948 = arith.constant 0 : index
    %swap3A_1949 = vector.load %arg6[%swap3A_1946, %swap3A_1947, %swap3A_1948] : memref<4x5x4096xf32, #tpu.memory_space<vmem>>, vector<1x1x4000xf32>
    %swap3A_1950 = vector.shape_cast %swap3A_1949 : vector<1x1x4000xf32> to vector<4000xf32>
    %swap3A_1951 = vector.shape_cast %select_n3A_1945 : vector<4000xf32> to vector<1x1x4000xf32>
    tpu.vector_store %arg6[%swap3A_1946, %swap3A_1947, %swap3A_1948], %swap3A_1951 {strides = array<i32>} : memref<4x5x4096xf32, #tpu.memory_space<vmem>>, vector<1x1x4000xf32>,
    %swap3A_1952 = arith.constant 3 : index
    %swap3A_1953 = arith.constant 4 : index
    %swap3A_1954 = arith.constant 4000 : index
    %swap3A_1955 = vector.load %arg6[%swap3A_1952, %swap3A_1953, %swap3A_1954] : memref<4x5x4096xf32, #tpu.memory_space<vmem>>, vector<1x1x96xf32>
    %swap3A_1956 = vector.shape_cast %swap3A_1955 : vector<1x1x96xf32> to vector<96xf32>
    %swap3A_1957 = vector.shape_cast %broadcast_in_dim3A_0 : vector<96xf32> to vector<1x1x96xf32>
    tpu.vector_store %arg6[%swap3A_1952, %swap3A_1953, %swap3A_1954], %swap3A_1957 {strides = array<i32>} : memref<4x5x4096xf32, #tpu.memory_space<vmem>>, vector<1x1x96xf32>,
    %get3A_1958 = arith.constant 3 : index
    %get3A_1959 = arith.constant 16000 : index
    %get3A_1960 = vector.load %arg1[%get3A_1958, %get3A_1959] : memref<4x20000xf32, #tpu.memory_space<vmem>>, vector<1x4000xf32>
    %get3A_1961 = vector.shape_cast %get3A_1960 : vector<1x4000xf32> to vector<4000xf32>
    %swap3A_1962 = arith.constant 3 : index
    %swap3A_1963 = arith.constant 4 : index
    %swap3A_1964 = arith.constant 0 : index
    %swap3A_1965 = vector.load %arg7[%swap3A_1962, %swap3A_1963, %swap3A_1964] : memref<4x5x4096xf32, #tpu.memory_space<vmem>>, vector<1x1x4000xf32>
    %swap3A_1966 = vector.shape_cast %swap3A_1965 : vector<1x1x4000xf32> to vector<4000xf32>
    %swap3A_1967 = vector.shape_cast %get3A_1961 : vector<4000xf32> to vector<1x1x4000xf32>
    tpu.vector_store %arg7[%swap3A_1962, %swap3A_1963, %swap3A_1964], %swap3A_1967 {strides = array<i32>} : memref<4x5x4096xf32, #tpu.memory_space<vmem>>, vector<1x1x4000xf32>,
    %swap3A_1968 = arith.constant 3 : index
    %swap3A_1969 = arith.constant 4 : index
    %swap3A_1970 = arith.constant 4000 : index
    %swap3A_1971 = vector.load %arg7[%swap3A_1968, %swap3A_1969, %swap3A_1970] : memref<4x5x4096xf32, #tpu.memory_space<vmem>>, vector<1x1x96xf32>
    %swap3A_1972 = vector.shape_cast %swap3A_1971 : vector<1x1x96xf32> to vector<96xf32>
    %swap3A_1973 = vector.shape_cast %broadcast_in_dim3A_2 : vector<96xf32> to vector<1x1x96xf32>
    tpu.vector_store %arg7[%swap3A_1968, %swap3A_1969, %swap3A_1970], %swap3A_1973 {strides = array<i32>} : memref<4x5x4096xf32, #tpu.memory_space<vmem>>, vector<1x1x96xf32>,
    %get3A_1974 = arith.constant 3 : index
    %get3A_1975 = arith.constant 16000 : index
    %get3A_1976 = vector.load %arg2[%get3A_1974, %get3A_1975] : memref<4x20000xf32, #tpu.memory_space<vmem>>, vector<1x4000xf32>
    %get3A_1977 = vector.shape_cast %get3A_1976 : vector<1x4000xf32> to vector<4000xf32>
    %swap3A_1978 = arith.constant 3 : index
    %swap3A_1979 = arith.constant 4 : index
    %swap3A_1980 = arith.constant 0 : index
    %swap3A_1981 = vector.load %arg8[%swap3A_1978, %swap3A_1979, %swap3A_1980] : memref<4x5x4096xf32, #tpu.memory_space<vmem>>, vector<1x1x4000xf32>
    %swap3A_1982 = vector.shape_cast %swap3A_1981 : vector<1x1x4000xf32> to vector<4000xf32>
    %swap3A_1983 = vector.shape_cast %get3A_1977 : vector<4000xf32> to vector<1x1x4000xf32>
    tpu.vector_store %arg8[%swap3A_1978, %swap3A_1979, %swap3A_1980], %swap3A_1983 {strides = array<i32>} : memref<4x5x4096xf32, #tpu.memory_space<vmem>>, vector<1x1x4000xf32>,
    %swap3A_1984 = arith.constant 3 : index
    %swap3A_1985 = arith.constant 4 : index
    %swap3A_1986 = arith.constant 4000 : index
    %swap3A_1987 = vector.load %arg8[%swap3A_1984, %swap3A_1985, %swap3A_1986] : memref<4x5x4096xf32, #tpu.memory_space<vmem>>, vector<1x1x96xf32>
    %swap3A_1988 = vector.shape_cast %swap3A_1987 : vector<1x1x96xf32> to vector<96xf32>
    %swap3A_1989 = vector.shape_cast %broadcast_in_dim3A_2 : vector<96xf32> to vector<1x1x96xf32>
    tpu.vector_store %arg8[%swap3A_1984, %swap3A_1985, %swap3A_1986], %swap3A_1989 {strides = array<i32>} : memref<4x5x4096xf32, #tpu.memory_space<vmem>>, vector<1x1x96xf32>,
    %get3A_1990 = arith.constant 3 : index
    %get3A_1991 = arith.constant 16000 : index
    %get3A_1992 = vector.load %arg3[%get3A_1990, %get3A_1991] : memref<4x20000xf32, #tpu.memory_space<vmem>>, vector<1x4000xf32>
    %get3A_1993 = vector.shape_cast %get3A_1992 : vector<1x4000xf32> to vector<4000xf32>
    %swap3A_1994 = arith.constant 3 : index
    %swap3A_1995 = arith.constant 4 : index
    %swap3A_1996 = arith.constant 0 : index
    %swap3A_1997 = vector.load %arg9[%swap3A_1994, %swap3A_1995, %swap3A_1996] : memref<4x5x4096xf32, #tpu.memory_space<vmem>>, vector<1x1x4000xf32>
    %swap3A_1998 = vector.shape_cast %swap3A_1997 : vector<1x1x4000xf32> to vector<4000xf32>
    %swap3A_1999 = vector.shape_cast %get3A_1993 : vector<4000xf32> to vector<1x1x4000xf32>
    tpu.vector_store %arg9[%swap3A_1994, %swap3A_1995, %swap3A_1996], %swap3A_1999 {strides = array<i32>} : memref<4x5x4096xf32, #tpu.memory_space<vmem>>, vector<1x1x4000xf32>,
    %swap3A_2000 = arith.constant 3 : index
    %swap3A_2001 = arith.constant 4 : index
    %swap3A_2002 = arith.constant 4000 : index
    %swap3A_2003 = vector.load %arg9[%swap3A_2000, %swap3A_2001, %swap3A_2002] : memref<4x5x4096xf32, #tpu.memory_space<vmem>>, vector<1x1x96xf32>
    %swap3A_2004 = vector.shape_cast %swap3A_2003 : vector<1x1x96xf32> to vector<96xf32>
    %swap3A_2005 = vector.shape_cast %broadcast_in_dim3A_2 : vector<96xf32> to vector<1x1x96xf32>
    tpu.vector_store %arg9[%swap3A_2000, %swap3A_2001, %swap3A_2002], %swap3A_2005 {strides = array<i32>} : memref<4x5x4096xf32, #tpu.memory_space<vmem>>, vector<1x1x96xf32>,
    %get3A_2006 = arith.constant 3 : index
    %get3A_2007 = arith.constant 16000 : index
    %get3A_2008 = vector.load %arg4[%get3A_2006, %get3A_2007] : memref<4x20000xf32, #tpu.memory_space<vmem>>, vector<1x4000xf32>
    %get3A_2009 = vector.shape_cast %get3A_2008 : vector<1x4000xf32> to vector<4000xf32>
    %swap3A_2010 = arith.constant 3 : index
    %swap3A_2011 = arith.constant 4 : index
    %swap3A_2012 = arith.constant 0 : index
    %swap3A_2013 = vector.load %arg10[%swap3A_2010, %swap3A_2011, %swap3A_2012] : memref<4x5x4096xf32, #tpu.memory_space<vmem>>, vector<1x1x4000xf32>
    %swap3A_2014 = vector.shape_cast %swap3A_2013 : vector<1x1x4000xf32> to vector<4000xf32>
    %swap3A_2015 = vector.shape_cast %get3A_2009 : vector<4000xf32> to vector<1x1x4000xf32>
    tpu.vector_store %arg10[%swap3A_2010, %swap3A_2011, %swap3A_2012], %swap3A_2015 {strides = array<i32>} : memref<4x5x4096xf32, #tpu.memory_space<vmem>>, vector<1x1x4000xf32>,
    %swap3A_2016 = arith.constant 3 : index
    %swap3A_2017 = arith.constant 4 : index
    %swap3A_2018 = arith.constant 4000 : index
    %swap3A_2019 = vector.load %arg10[%swap3A_2016, %swap3A_2017, %swap3A_2018] : memref<4x5x4096xf32, #tpu.memory_space<vmem>>, vector<1x1x96xf32>
    %swap3A_2020 = vector.shape_cast %swap3A_2019 : vector<1x1x96xf32> to vector<96xf32>
    %swap3A_2021 = vector.shape_cast %broadcast_in_dim3A_2 : vector<96xf32> to vector<1x1x96xf32>
    tpu.vector_store %arg10[%swap3A_2016, %swap3A_2017, %swap3A_2018], %swap3A_2021 {strides = array<i32>} : memref<4x5x4096xf32, #tpu.memory_space<vmem>>, vector<1x1x96xf32>,
    %get3A_2022 = arith.constant 3 : index
    %get3A_2023 = arith.constant 16000 : index
    %get3A_2024 = vector.load %arg5[%get3A_2022, %get3A_2023] : memref<4x20000xf32, #tpu.memory_space<vmem>>, vector<1x4000xf32>
    %get3A_2025 = vector.shape_cast %get3A_2024 : vector<1x4000xf32> to vector<4000xf32>
    %swap3A_2026 = arith.constant 3 : index
    %swap3A_2027 = arith.constant 4 : index
    %swap3A_2028 = arith.constant 0 : index
    %swap3A_2029 = vector.load %arg11[%swap3A_2026, %swap3A_2027, %swap3A_2028] : memref<4x5x4096xf32, #tpu.memory_space<vmem>>, vector<1x1x4000xf32>
    %swap3A_2030 = vector.shape_cast %swap3A_2029 : vector<1x1x4000xf32> to vector<4000xf32>
    %swap3A_2031 = vector.shape_cast %get3A_2025 : vector<4000xf32> to vector<1x1x4000xf32>
    tpu.vector_store %arg11[%swap3A_2026, %swap3A_2027, %swap3A_2028], %swap3A_2031 {strides = array<i32>} : memref<4x5x4096xf32, #tpu.memory_space<vmem>>, vector<1x1x4000xf32>,
    %swap3A_2032 = arith.constant 3 : index
    %swap3A_2033 = arith.constant 4 : index
    %swap3A_2034 = arith.constant 4000 : index
    %swap3A_2035 = vector.load %arg11[%swap3A_2032, %swap3A_2033, %swap3A_2034] : memref<4x5x4096xf32, #tpu.memory_space<vmem>>, vector<1x1x96xf32>
    %swap3A_2036 = vector.shape_cast %swap3A_2035 : vector<1x1x96xf32> to vector<96xf32>
    %swap3A_2037 = vector.shape_cast %broadcast_in_dim3A_2 : vector<96xf32> to vector<1x1x96xf32>
    tpu.vector_store %arg11[%swap3A_2032, %swap3A_2033, %swap3A_2034], %swap3A_2037 {strides = array<i32>} : memref<4x5x4096xf32, #tpu.memory_space<vmem>>, vector<1x1x96xf32>,
    return
  }
}

module attributes {stable_mosaic.version = 14 : i64} {
  func.func @_nms_body(%arg0: i32, %arg1: memref<1x6x1024xf32, #tpu.memory_space<vmem>>, %arg2: memref<1x512x8xf32, #tpu.memory_space<vmem>>) attributes {dimension_semantics = [#tpu.dimension_semantics<arbitrary>], iteration_bounds = array<i64: 4>, scalar_prefetch = 0 : i64, scratch_operands = 0 : i64, tpu.core_type = #tpu.core_type<tc>, window_params = [{transform_indices = @transform_0, window_bounds = array<i64: 1, 6, 1024>}, {transform_indices = @transform_1, window_bounds = array<i64: 1, 512, 8>}]} {
    %get3A = arith.constant 0 : index
    %get3A_0 = arith.constant 0 : index
    %get3A_1 = arith.constant 0 : index
    %get3A_2 = vector.load %arg1[%get3A, %get3A_0, %get3A_1] : memref<1x6x1024xf32, #tpu.memory_space<vmem>>, vector<1x6x1024xf32>
    %get3A_3 = vector.shape_cast %get3A_2 : vector<1x6x1024xf32> to vector<6x1024xf32>
    %iota3A = tpu.iota {dimensions = array<i32: 0>} : vector<1024x1024xi32>
    %iota3A_4 = tpu.iota {dimensions = array<i32: 1>} : vector<1024x1024xi32>
    %eq3A = arith.cmpi eq, %iota3A, %iota3A_4 : vector<1024x1024xi32>
    %slice3A = vector.extract_strided_slice %get3A_3 {offsets = [0, 0], sizes = [1, 1024], strides = [1, 1]} : vector<6x1024xf32> to vector<1x1024xf32>
    %slice3A_5 = vector.extract_strided_slice %get3A_3 {offsets = [1, 0], sizes = [1, 1024], strides = [1, 1]} : vector<6x1024xf32> to vector<1x1024xf32>
    %slice3A_6 = vector.extract_strided_slice %get3A_3 {offsets = [2, 0], sizes = [1, 1024], strides = [1, 1]} : vector<6x1024xf32> to vector<1x1024xf32>
    %slice3A_7 = vector.extract_strided_slice %get3A_3 {offsets = [3, 0], sizes = [1, 1024], strides = [1, 1]} : vector<6x1024xf32> to vector<1x1024xf32>
    %slice3A_8 = vector.extract_strided_slice %get3A_3 {offsets = [4, 0], sizes = [1, 1024], strides = [1, 1]} : vector<6x1024xf32> to vector<1x1024xf32>
    %slice3A_9 = vector.extract_strided_slice %get3A_3 {offsets = [5, 0], sizes = [1, 1024], strides = [1, 1]} : vector<6x1024xf32> to vector<1x1024xf32>
    %mul3A = arith.constant 4.096000e+03 : f32
    %mul3A_10 = vector.broadcast %mul3A : f32 to vector<1x1024xf32>
    %mul3A_11 = arith.mulf %slice3A_9, %mul3A_10 : vector<1x1024xf32>
    %div3A = arith.constant 2.000000e+00 : f32
    %div3A_12 = vector.broadcast %div3A : f32 to vector<1x1024xf32>
    %div3A_13 = arith.divf %slice3A_6, %div3A_12 : vector<1x1024xf32>
    %sub3A = arith.subf %slice3A, %div3A_13 : vector<1x1024xf32>
    %add3A = arith.addf %sub3A, %mul3A_11 : vector<1x1024xf32>
    %div3A_14 = arith.constant 2.000000e+00 : f32
    %div3A_15 = vector.broadcast %div3A_14 : f32 to vector<1x1024xf32>
    %div3A_16 = arith.divf %slice3A_7, %div3A_15 : vector<1x1024xf32>
    %sub3A_17 = arith.subf %slice3A_5, %div3A_16 : vector<1x1024xf32>
    %add3A_18 = arith.addf %sub3A_17, %mul3A_11 : vector<1x1024xf32>
    %div3A_19 = arith.constant 2.000000e+00 : f32
    %div3A_20 = vector.broadcast %div3A_19 : f32 to vector<1x1024xf32>
    %div3A_21 = arith.divf %slice3A_6, %div3A_20 : vector<1x1024xf32>
    %add3A_22 = arith.addf %slice3A, %div3A_21 : vector<1x1024xf32>
    %add3A_23 = arith.addf %add3A_22, %mul3A_11 : vector<1x1024xf32>
    %div3A_24 = arith.constant 2.000000e+00 : f32
    %div3A_25 = vector.broadcast %div3A_24 : f32 to vector<1x1024xf32>
    %div3A_26 = arith.divf %slice3A_7, %div3A_25 : vector<1x1024xf32>
    %add3A_27 = arith.addf %slice3A_5, %div3A_26 : vector<1x1024xf32>
    %add3A_28 = arith.addf %add3A_27, %mul3A_11 : vector<1x1024xf32>
    %sub3A_29 = arith.subf %add3A_23, %add3A : vector<1x1024xf32>
    %sub3A_30 = arith.subf %add3A_28, %add3A_18 : vector<1x1024xf32>
    %mul3A_31 = arith.mulf %sub3A_29, %sub3A_30 : vector<1x1024xf32>
    %jit3A = arith.constant 0.000000e+00 : f32
    %broadcast_in_dim3A = vector.shape_cast %slice3A : vector<1x1024xf32> to vector<1x1024xf32>
    %broadcast_in_dim3A_32 = vector.broadcast %broadcast_in_dim3A : vector<1x1024xf32> to vector<1024x1024xf32>
    %broadcast_in_dim3A_33 = vector.broadcast %jit3A : f32 to vector<1024x1024xf32>
    %select_n3A = arith.select %eq3A, %broadcast_in_dim3A_32, %broadcast_in_dim3A_33 : vector<1024x1024xi1>, vector<1024x1024xf32>
    %reduce_sum3A = arith.constant dense<0.000000e+00> : vector<1024xf32>
    %reduce_sum3A_34 = vector.multi_reduction <add>, %select_n3A, %reduce_sum3A [1] : vector<1024x1024xf32> to vector<1024xf32>
    %broadcast_in_dim3A_35 = vector.shape_cast %reduce_sum3A_34 : vector<1024xf32> to vector<1024x1xf32>
    %jit3A_36 = arith.constant 0.000000e+00 : f32
    %broadcast_in_dim3A_37 = vector.shape_cast %slice3A_5 : vector<1x1024xf32> to vector<1x1024xf32>
    %broadcast_in_dim3A_38 = vector.broadcast %broadcast_in_dim3A_37 : vector<1x1024xf32> to vector<1024x1024xf32>
    %broadcast_in_dim3A_39 = vector.broadcast %jit3A_36 : f32 to vector<1024x1024xf32>
    %select_n3A_40 = arith.select %eq3A, %broadcast_in_dim3A_38, %broadcast_in_dim3A_39 : vector<1024x1024xi1>, vector<1024x1024xf32>
    %reduce_sum3A_41 = arith.constant dense<0.000000e+00> : vector<1024xf32>
    %reduce_sum3A_42 = vector.multi_reduction <add>, %select_n3A_40, %reduce_sum3A_41 [1] : vector<1024x1024xf32> to vector<1024xf32>
    %broadcast_in_dim3A_43 = vector.shape_cast %reduce_sum3A_42 : vector<1024xf32> to vector<1024x1xf32>
    %jit3A_44 = arith.constant 0.000000e+00 : f32
    %broadcast_in_dim3A_45 = vector.shape_cast %slice3A_6 : vector<1x1024xf32> to vector<1x1024xf32>
    %broadcast_in_dim3A_46 = vector.broadcast %broadcast_in_dim3A_45 : vector<1x1024xf32> to vector<1024x1024xf32>
    %broadcast_in_dim3A_47 = vector.broadcast %jit3A_44 : f32 to vector<1024x1024xf32>
    %select_n3A_48 = arith.select %eq3A, %broadcast_in_dim3A_46, %broadcast_in_dim3A_47 : vector<1024x1024xi1>, vector<1024x1024xf32>
    %reduce_sum3A_49 = arith.constant dense<0.000000e+00> : vector<1024xf32>
    %reduce_sum3A_50 = vector.multi_reduction <add>, %select_n3A_48, %reduce_sum3A_49 [1] : vector<1024x1024xf32> to vector<1024xf32>
    %broadcast_in_dim3A_51 = vector.shape_cast %reduce_sum3A_50 : vector<1024xf32> to vector<1024x1xf32>
    %jit3A_52 = arith.constant 0.000000e+00 : f32
    %broadcast_in_dim3A_53 = vector.shape_cast %slice3A_7 : vector<1x1024xf32> to vector<1x1024xf32>
    %broadcast_in_dim3A_54 = vector.broadcast %broadcast_in_dim3A_53 : vector<1x1024xf32> to vector<1024x1024xf32>
    %broadcast_in_dim3A_55 = vector.broadcast %jit3A_52 : f32 to vector<1024x1024xf32>
    %select_n3A_56 = arith.select %eq3A, %broadcast_in_dim3A_54, %broadcast_in_dim3A_55 : vector<1024x1024xi1>, vector<1024x1024xf32>
    %reduce_sum3A_57 = arith.constant dense<0.000000e+00> : vector<1024xf32>
    %reduce_sum3A_58 = vector.multi_reduction <add>, %select_n3A_56, %reduce_sum3A_57 [1] : vector<1024x1024xf32> to vector<1024xf32>
    %broadcast_in_dim3A_59 = vector.shape_cast %reduce_sum3A_58 : vector<1024xf32> to vector<1024x1xf32>
    %jit3A_60 = arith.constant 0.000000e+00 : f32
    %broadcast_in_dim3A_61 = vector.shape_cast %slice3A_8 : vector<1x1024xf32> to vector<1x1024xf32>
    %broadcast_in_dim3A_62 = vector.broadcast %broadcast_in_dim3A_61 : vector<1x1024xf32> to vector<1024x1024xf32>
    %broadcast_in_dim3A_63 = vector.broadcast %jit3A_60 : f32 to vector<1024x1024xf32>
    %select_n3A_64 = arith.select %eq3A, %broadcast_in_dim3A_62, %broadcast_in_dim3A_63 : vector<1024x1024xi1>, vector<1024x1024xf32>
    %reduce_sum3A_65 = arith.constant dense<0.000000e+00> : vector<1024xf32>
    %reduce_sum3A_66 = vector.multi_reduction <add>, %select_n3A_64, %reduce_sum3A_65 [1] : vector<1024x1024xf32> to vector<1024xf32>
    %broadcast_in_dim3A_67 = vector.shape_cast %reduce_sum3A_66 : vector<1024xf32> to vector<1024x1xf32>
    %jit3A_68 = arith.constant 0.000000e+00 : f32
    %broadcast_in_dim3A_69 = vector.shape_cast %slice3A_9 : vector<1x1024xf32> to vector<1x1024xf32>
    %broadcast_in_dim3A_70 = vector.broadcast %broadcast_in_dim3A_69 : vector<1x1024xf32> to vector<1024x1024xf32>
    %broadcast_in_dim3A_71 = vector.broadcast %jit3A_68 : f32 to vector<1024x1024xf32>
    %select_n3A_72 = arith.select %eq3A, %broadcast_in_dim3A_70, %broadcast_in_dim3A_71 : vector<1024x1024xi1>, vector<1024x1024xf32>
    %reduce_sum3A_73 = arith.constant dense<0.000000e+00> : vector<1024xf32>
    %reduce_sum3A_74 = vector.multi_reduction <add>, %select_n3A_72, %reduce_sum3A_73 [1] : vector<1024x1024xf32> to vector<1024xf32>
    %broadcast_in_dim3A_75 = vector.shape_cast %reduce_sum3A_74 : vector<1024xf32> to vector<1024x1xf32>
    %mul3A_76 = arith.constant 4.096000e+03 : f32
    %mul3A_77 = vector.broadcast %mul3A_76 : f32 to vector<1024x1xf32>
    %mul3A_78 = arith.mulf %broadcast_in_dim3A_75, %mul3A_77 : vector<1024x1xf32>
    %div3A_79 = arith.constant 2.000000e+00 : f32
    %div3A_80 = vector.broadcast %div3A_79 : f32 to vector<1024x1xf32>
    %div3A_81 = arith.divf %broadcast_in_dim3A_51, %div3A_80 : vector<1024x1xf32>
    %sub3A_82 = arith.subf %broadcast_in_dim3A_35, %div3A_81 : vector<1024x1xf32>
    %add3A_83 = arith.addf %sub3A_82, %mul3A_78 : vector<1024x1xf32>
    %div3A_84 = arith.constant 2.000000e+00 : f32
    %div3A_85 = vector.broadcast %div3A_84 : f32 to vector<1024x1xf32>
    %div3A_86 = arith.divf %broadcast_in_dim3A_59, %div3A_85 : vector<1024x1xf32>
    %sub3A_87 = arith.subf %broadcast_in_dim3A_43, %div3A_86 : vector<1024x1xf32>
    %add3A_88 = arith.addf %sub3A_87, %mul3A_78 : vector<1024x1xf32>
    %div3A_89 = arith.constant 2.000000e+00 : f32
    %div3A_90 = vector.broadcast %div3A_89 : f32 to vector<1024x1xf32>
    %div3A_91 = arith.divf %broadcast_in_dim3A_51, %div3A_90 : vector<1024x1xf32>
    %add3A_92 = arith.addf %broadcast_in_dim3A_35, %div3A_91 : vector<1024x1xf32>
    %add3A_93 = arith.addf %add3A_92, %mul3A_78 : vector<1024x1xf32>
    %div3A_94 = arith.constant 2.000000e+00 : f32
    %div3A_95 = vector.broadcast %div3A_94 : f32 to vector<1024x1xf32>
    %div3A_96 = arith.divf %broadcast_in_dim3A_59, %div3A_95 : vector<1024x1xf32>
    %add3A_97 = arith.addf %broadcast_in_dim3A_43, %div3A_96 : vector<1024x1xf32>
    %add3A_98 = arith.addf %add3A_97, %mul3A_78 : vector<1024x1xf32>
    %sub3A_99 = arith.subf %add3A_93, %add3A_83 : vector<1024x1xf32>
    %sub3A_100 = arith.subf %add3A_98, %add3A_88 : vector<1024x1xf32>
    %mul3A_101 = arith.mulf %sub3A_99, %sub3A_100 : vector<1024x1xf32>
    %min3A = vector.broadcast %add3A_93 : vector<1024x1xf32> to vector<1024x1024xf32>
    %min3A_102 = vector.broadcast %add3A_23 : vector<1x1024xf32> to vector<1024x1024xf32>
    %min3A_103 = arith.minimumf %min3A, %min3A_102 : vector<1024x1024xf32>
    %max3A = vector.broadcast %add3A_83 : vector<1024x1xf32> to vector<1024x1024xf32>
    %max3A_104 = vector.broadcast %add3A : vector<1x1024xf32> to vector<1024x1024xf32>
    %max3A_105 = arith.maximumf %max3A, %max3A_104 : vector<1024x1024xf32>
    %sub3A_106 = arith.subf %min3A_103, %max3A_105 : vector<1024x1024xf32>
    %jit3A_107 = arith.constant 0.000000e+00 : f32
    %max3A_108 = vector.broadcast %jit3A_107 : f32 to vector<1024x1024xf32>
    %max3A_109 = arith.maximumf %max3A_108, %sub3A_106 : vector<1024x1024xf32>
    %min3A_110 = vector.broadcast %add3A_98 : vector<1024x1xf32> to vector<1024x1024xf32>
    %min3A_111 = vector.broadcast %add3A_28 : vector<1x1024xf32> to vector<1024x1024xf32>
    %min3A_112 = arith.minimumf %min3A_110, %min3A_111 : vector<1024x1024xf32>
    %max3A_113 = vector.broadcast %add3A_88 : vector<1024x1xf32> to vector<1024x1024xf32>
    %max3A_114 = vector.broadcast %add3A_18 : vector<1x1024xf32> to vector<1024x1024xf32>
    %max3A_115 = arith.maximumf %max3A_113, %max3A_114 : vector<1024x1024xf32>
    %sub3A_116 = arith.subf %min3A_112, %max3A_115 : vector<1024x1024xf32>
    %jit3A_117 = arith.constant 0.000000e+00 : f32
    %max3A_118 = vector.broadcast %jit3A_117 : f32 to vector<1024x1024xf32>
    %max3A_119 = arith.maximumf %max3A_118, %sub3A_116 : vector<1024x1024xf32>
    %mul3A_120 = arith.mulf %max3A_109, %max3A_119 : vector<1024x1024xf32>
    %add3A_121 = vector.broadcast %mul3A_101 : vector<1024x1xf32> to vector<1024x1024xf32>
    %add3A_122 = vector.broadcast %mul3A_31 : vector<1x1024xf32> to vector<1024x1024xf32>
    %add3A_123 = arith.addf %add3A_121, %add3A_122 : vector<1024x1024xf32>
    %sub3A_124 = arith.subf %add3A_123, %mul3A_120 : vector<1024x1024xf32>
    %add3A_125 = arith.constant 9.99999971E-10 : f32
    %add3A_126 = vector.broadcast %add3A_125 : f32 to vector<1024x1024xf32>
    %add3A_127 = arith.addf %sub3A_124, %add3A_126 : vector<1024x1024xf32>
    %div3A_128 = arith.divf %mul3A_120, %add3A_127 : vector<1024x1024xf32>
    %lt3A = arith.cmpi slt, %iota3A, %iota3A_4 : vector<1024x1024xi32>
    %gt3A = arith.constant 4.500000e-01 : f32
    %gt3A_129 = vector.broadcast %gt3A : f32 to vector<1024x1024xf32>
    %gt3A_130 = arith.cmpf ogt, %div3A_128, %gt3A_129 : vector<1024x1024xf32>
    %and3A = arith.andi %lt3A, %gt3A_130 : vector<1024x1024xi1>
    %jit3A_131 = arith.constant 1.000000e+00 : f32
    %jit3A_132 = arith.constant 0.000000e+00 : f32
    %broadcast_in_dim3A_133 = vector.broadcast %jit3A_131 : f32 to vector<1024x1024xf32>
    %broadcast_in_dim3A_134 = vector.broadcast %jit3A_132 : f32 to vector<1024x1024xf32>
    %select_n3A_135 = arith.select %and3A, %broadcast_in_dim3A_133, %broadcast_in_dim3A_134 : vector<1024x1024xi1>, vector<1024x1024xf32>
    %gt3A_136 = arith.constant 2.500000e-01 : f32
    %gt3A_137 = vector.broadcast %gt3A_136 : f32 to vector<1x1024xf32>
    %gt3A_138 = arith.cmpf ogt, %slice3A_8, %gt3A_137 : vector<1x1024xf32>
    %jit3A_139 = arith.constant 1.000000e+00 : f32
    %jit3A_140 = arith.constant 0.000000e+00 : f32
    %broadcast_in_dim3A_141 = vector.broadcast %jit3A_139 : f32 to vector<1x1024xf32>
    %broadcast_in_dim3A_142 = vector.broadcast %jit3A_140 : f32 to vector<1x1024xf32>
    %select_n3A_143 = arith.select %gt3A_138, %broadcast_in_dim3A_141, %broadcast_in_dim3A_142 : vector<1x1024xi1>, vector<1x1024xf32>
    %while3A = arith.constant true
    %while3A_144:2 = scf.while (%while3A_189 = %select_n3A_143, %while3A_190 = %while3A) : (vector<1x1024xf32>, i1) -> (vector<1x1024xf32>, i1) {
      scf.condition(%while3A_190) %while3A_189, %while3A_190 : vector<1x1024xf32>, i1
    } do {
    ^bb0(%while3A_189: vector<1x1024xf32>, %while3A_190: i1):
      %dot_general3A_191 = arith.constant dense<0.000000e+00> : vector<1x1024xf32>
      %dot_general3A_192 = tpu.matmul %while3A_189, %select_n3A_135, %dot_general3A_191 {dimension_numbers = #tpu.dot_dimension_numbers<[1], [0], [0], [1], [0, 0, 1, 1], [], []>, transpose_lhs_hint = false} : vector<1x1024xf32>, vector<1024x1024xf32>, vector<1x1024xf32> -> vector<1x1024xf32>
      %lt3A_193 = arith.constant 5.000000e-01 : f32
      %lt3A_194 = vector.broadcast %lt3A_193 : f32 to vector<1x1024xf32>
      %lt3A_195 = arith.cmpf olt, %dot_general3A_192, %lt3A_194 : vector<1x1024xf32>
      %jit3A_196 = arith.constant 1.000000e+00 : f32
      %jit3A_197 = arith.constant 0.000000e+00 : f32
      %broadcast_in_dim3A_198 = vector.broadcast %jit3A_196 : f32 to vector<1x1024xf32>
      %broadcast_in_dim3A_199 = vector.broadcast %jit3A_197 : f32 to vector<1x1024xf32>
      %select_n3A_200 = arith.select %lt3A_195, %broadcast_in_dim3A_198, %broadcast_in_dim3A_199 : vector<1x1024xi1>, vector<1x1024xf32>
      %mul3A_201 = arith.mulf %select_n3A_143, %select_n3A_200 : vector<1x1024xf32>
      %ne3A = arith.cmpf one, %mul3A_201, %while3A_189 : vector<1x1024xf32>
      %reduce_or3A = arith.constant 1.000000e+00 : f32
      %reduce_or3A_202 = arith.constant 0.000000e+00 : f32
      %reduce_or3A_203 = vector.broadcast %reduce_or3A : f32 to vector<1x1024xf32>
      %reduce_or3A_204 = vector.broadcast %reduce_or3A_202 : f32 to vector<1x1024xf32>
      %reduce_or3A_205 = arith.select %ne3A, %reduce_or3A_203, %reduce_or3A_204 : vector<1x1024xi1>, vector<1x1024xf32>
      %reduce_or3A_206 = vector.shape_cast %reduce_or3A_205 : vector<1x1024xf32> to vector<1x1x1024xf32>
      %reduce_or3A_207 = arith.constant dense<0xFF800000> : vector<1xf32>
      %reduce_or3A_208 = vector.multi_reduction <maximumf>, %reduce_or3A_206, %reduce_or3A_207 [1, 2] : vector<1x1x1024xf32> to vector<1xf32>
      %reduce_or3A_209 = vector.shape_cast %reduce_or3A_208 : vector<1xf32> to vector<1x1x1xf32>
      %reduce_or3A_210 = vector.extract %reduce_or3A_209[0, 0, 0] : f32 from vector<1x1x1xf32>
      %reduce_or3A_211 = arith.constant 0.000000e+00 : f32
      %reduce_or3A_212 = arith.cmpf ogt, %reduce_or3A_210, %reduce_or3A_211 : f32
      scf.yield %mul3A_201, %reduce_or3A_212 : vector<1x1024xf32>, i1
    }
    %jit3A_145 = arith.constant 1.000000e+00 : f32
    %jit3A_146 = arith.constant 0.000000e+00 : f32
    %broadcast_in_dim3A_147 = vector.broadcast %jit3A_145 : f32 to vector<1024x1024xf32>
    %broadcast_in_dim3A_148 = vector.broadcast %jit3A_146 : f32 to vector<1024x1024xf32>
    %select_n3A_149 = arith.select %lt3A, %broadcast_in_dim3A_147, %broadcast_in_dim3A_148 : vector<1024x1024xi1>, vector<1024x1024xf32>
    %dot_general3A = arith.constant dense<0.000000e+00> : vector<1x1024xf32>
    %dot_general3A_150 = tpu.matmul %while3A_144#0, %select_n3A_149, %dot_general3A {dimension_numbers = #tpu.dot_dimension_numbers<[1], [0], [0], [1], [0, 0, 1, 1], [], []>, transpose_lhs_hint = false} : vector<1x1024xf32>, vector<1024x1024xf32>, vector<1x1024xf32> -> vector<1x1024xf32>
    %iota3A_151 = tpu.iota {dimensions = array<i32: 0>} : vector<512x1024xi32>
    %convert_element_type3A = arith.fptosi %dot_general3A_150 : vector<1x1024xf32> to vector<1x1024xi32>
    %eq3A_152 = vector.broadcast %convert_element_type3A : vector<1x1024xi32> to vector<512x1024xi32>
    %eq3A_153 = arith.cmpi eq, %eq3A_152, %iota3A_151 : vector<512x1024xi32>
    %gt3A_154 = arith.constant 5.000000e-01 : f32
    %gt3A_155 = vector.broadcast %gt3A_154 : f32 to vector<1x1024xf32>
    %gt3A_156 = arith.cmpf ogt, %while3A_144#0, %gt3A_155 : vector<1x1024xf32>
    %and3A_157 = vector.broadcast %gt3A_156 : vector<1x1024xi1> to vector<512x1024xi1>
    %and3A_158 = arith.andi %eq3A_153, %and3A_157 : vector<512x1024xi1>
    %jit3A_159 = arith.constant 1.000000e+00 : f32
    %jit3A_160 = arith.constant 0.000000e+00 : f32
    %broadcast_in_dim3A_161 = vector.broadcast %jit3A_159 : f32 to vector<512x1024xf32>
    %broadcast_in_dim3A_162 = vector.broadcast %jit3A_160 : f32 to vector<512x1024xf32>
    %select_n3A_163 = arith.select %and3A_158, %broadcast_in_dim3A_161, %broadcast_in_dim3A_162 : vector<512x1024xi1>, vector<512x1024xf32>
    %broadcast_in_dim3A_164 = arith.constant 0.000000e+00 : f32
    %broadcast_in_dim3A_165 = vector.broadcast %broadcast_in_dim3A_164 : f32 to vector<1024x1xf32>
    %div3A_166 = arith.constant 2.000000e+00 : f32
    %div3A_167 = vector.broadcast %div3A_166 : f32 to vector<1024x1xf32>
    %div3A_168 = arith.divf %broadcast_in_dim3A_51, %div3A_167 : vector<1024x1xf32>
    %sub3A_169 = arith.subf %broadcast_in_dim3A_35, %div3A_168 : vector<1024x1xf32>
    %div3A_170 = arith.constant 2.000000e+00 : f32
    %div3A_171 = vector.broadcast %div3A_170 : f32 to vector<1024x1xf32>
    %div3A_172 = arith.divf %broadcast_in_dim3A_59, %div3A_171 : vector<1024x1xf32>
    %sub3A_173 = arith.subf %broadcast_in_dim3A_43, %div3A_172 : vector<1024x1xf32>
    %div3A_174 = arith.constant 2.000000e+00 : f32
    %div3A_175 = vector.broadcast %div3A_174 : f32 to vector<1024x1xf32>
    %div3A_176 = arith.divf %broadcast_in_dim3A_51, %div3A_175 : vector<1024x1xf32>
    %add3A_177 = arith.addf %broadcast_in_dim3A_35, %div3A_176 : vector<1024x1xf32>
    %div3A_178 = arith.constant 2.000000e+00 : f32
    %div3A_179 = vector.broadcast %div3A_178 : f32 to vector<1024x1xf32>
    %div3A_180 = arith.divf %broadcast_in_dim3A_59, %div3A_179 : vector<1024x1xf32>
    %add3A_181 = arith.addf %broadcast_in_dim3A_43, %div3A_180 : vector<1024x1xf32>
    %concatenate3A = tpu.concatenate %sub3A_169, %sub3A_173, %add3A_177, %add3A_181, %broadcast_in_dim3A_67, %broadcast_in_dim3A_75, %broadcast_in_dim3A_165, %broadcast_in_dim3A_165 in 1 : vector<1024x1xf32>, vector<1024x1xf32>, vector<1024x1xf32>, vector<1024x1xf32>, vector<1024x1xf32>, vector<1024x1xf32>, vector<1024x1xf32>, vector<1024x1xf32> -> vector<1024x8xf32>
    %dot_general3A_182 = arith.constant dense<0.000000e+00> : vector<512x8xf32>
    %dot_general3A_183 = tpu.matmul %select_n3A_163, %concatenate3A, %dot_general3A_182 {dimension_numbers = #tpu.dot_dimension_numbers<[1], [0], [0], [1], [0, 0, 1, 1], [], []>, transpose_lhs_hint = false} : vector<512x1024xf32>, vector<1024x8xf32>, vector<512x8xf32> -> vector<512x8xf32>
    %swap3A = arith.constant 0 : index
    %swap3A_184 = arith.constant 0 : index
    %swap3A_185 = arith.constant 0 : index
    %swap3A_186 = vector.load %arg2[%swap3A, %swap3A_184, %swap3A_185] : memref<1x512x8xf32, #tpu.memory_space<vmem>>, vector<1x512x8xf32>
    %swap3A_187 = vector.shape_cast %swap3A_186 : vector<1x512x8xf32> to vector<512x8xf32>
    %swap3A_188 = vector.shape_cast %dot_general3A_183 : vector<512x8xf32> to vector<1x512x8xf32>
    tpu.vector_store %arg2[%swap3A, %swap3A_184, %swap3A_185], %swap3A_188 {strides = array<i32>} : memref<1x512x8xf32, #tpu.memory_space<vmem>>, vector<1x512x8xf32>,
    return
  }
  func.func @transform_0(%arg0: i32) -> (i32, i32, i32) {
    %c0_i32 = arith.constant 0 : i32
    %c0_i32_0 = arith.constant 0 : i32
    %c0_i32_1 = arith.constant 0 : i32
    return %arg0, %c0_i32, %c0_i32_0 : i32, i32, i32
  }
  func.func @transform_1(%arg0: i32) -> (i32, i32, i32) {
    %c0_i32 = arith.constant 0 : i32
    %c0_i32_0 = arith.constant 0 : i32
    %c0_i32_1 = arith.constant 0 : i32
    return %arg0, %c0_i32, %c0_i32_0 : i32, i32, i32
  }
}

</mosaic_0001>

<sc_bundles>
// kernel: gather_offload_async_start.1
scs
__scs_entry_jumppad:
0x0: {  	(pc) =	sbr.rel $0x88, $3  }
0x1: {  	(tag) =	ssettag $0x0;
	lr =	simm.s32 $0x1  }
0x2: {  	[smem:$0x3FA0] =	sst lr;
	_ =	strace $0xD0000000  }
0x3: {  	_ = 	snop  }
0x4: {  	_ = 	snop  }
0x5: {  	_ = 	snop  }
0x6: {  	_ = 	snop  }
0x7: {  	_ = 	snop  }
__scs_overlays_trampoline_lowered:
0x8: {  	[smem:$0x3FAF] =	sst s0  }
0x9: {  	[smem:$0x3FB0] =	sst s1  }
0xa: {  	[smem:$0x3FB1] =	sst s2  }
0xb: {  	[smem:$0x3FB2] =	sst s3  }
0xc: {  	[smem:$0x3FB3] =	sst s4  }
0xd: {  	[smem:$0x3FB4] =	sst s5  }
0xe: {  	[smem:$0x3FB5] =	sst s6  }
0xf: {  	[smem:$0x3FB6] =	sst s7  }
0x10: {  	[smem:$0x3FB7] =	sst s8  }
0x11: {  	[smem:$0x3FB8] =	sst s9;
	s0 =	simm.s32 @!p0 $0x0  }
0x12: {  	s1 =	sld [smem:$0x3F9E];
	s0 =	simm.s32 @p0 $0x1  }
0x13: {  	[smem:$0x3FB9] =	sst s0;
	s0 =	simm.s32 @!p1 $0x0  }
0x14: {  	s2 =	sld [smem:$0x3F9D];
	s0 =	simm.s32 @p1 $0x1  }
0x15: {  	[smem:$0x3FBA] =	sst s0;
	s0 =	simm.s32 @!p2 $0x0  }
0x16: {  	s3 =	sld [smem:$0x3FDB];
	s0 =	simm.s32 @p2 $0x1  }
0x17: {  	s4 =	simm.s32 $0x1BF5;
	[smem:$0x3FBC] =	sst s0  }
0x18: {  	s0 =	sld [smem:$0x3F9F];
	_ =	swait.ge [sflag:s4], $0x0  }
0x19: {  	s7 =	sld [smem:$0x3FA0]  }
0x1a: {  	s8 =	sadd.s32 $0xFFFFE003, lr  }
0x1b: {  	s9 =	sadd.s32 $0xFFFFFEF7, lr;
	s5 =	simm.s32 $0xFFFFFFFF;
	p2 =	slt.u32 s8, $0xFFFFF086  }
0x1c: {  	p1 =	slt.u32 s9, $0xF7A;
	s5 =	simm.s32 @!p2 $0x0  }
0x1d: {  	s5 =	simm.s32 @p1 $0x1;
	p0 =	seq.s32 s7, s2  }
0x1e: {  	s7 =	smul.u32 @!p0 $0xF7A, s2;
	p2 =	seq.s32 @!p0 s5, $0x0  }
0x1f: {  	s9 =	smul.u32 $0xF7A, s1;
	s8 =	simm.s32 @!p0 $0x1BF5;
	p2 =	por !p2, p0  }
0x20: {  	[sflag:s8] =	ssyncset.s32 @!p0 $0xFFFFF086;
	s6 =	sadd.s32 @!p0 s3, s7;
	s7 =	simm.s32 @!p0 $0x108  }
0x21: {  	s3 =	sadd.s32 s3, s9;
	s6 =	sadd.s32 @!p0 $0x88, s6;
	s7 =	simm.s32 @p2 $0x1082  }
0x22: {  	[simem:s7], [sflag:s8] =	dma.local @!p0 [hbm:s6], $0xF7A  }
0x23: {  	s9 =	sor.u32 $0xD0000000, s2;
	s6 =	simm.s32 $0x108;
	_ =	swait.ge @!p0 [sflag:s8], $0x0  }
0x24: {  	s3 =	sadd.s32 $0x88, s3;
	s6 =	simm.s32 @!p1 $0x1082;
	[sflag:s4] =	ssyncset.s32 $0xFFFFF086  }
0x25: {  	[simem:s6], [sflag:s4] =	dma.local [hbm:s3], $0xF7A  }
0x26: {  	[smem:$0x3FA0] =	sst s1;
	(tag) =	ssettag s2;
	_ =	strace s9  }
0x27: {  	s1 =	sld [smem:$0x3FB0]  }
0x28: {  	s2 =	sld [smem:$0x3FB1]  }
0x29: {  	s4 =	sld [smem:$0x3FB3]  }
0x2a: {  	p0 =	seq.s32 s5, $0x0;
	s5 =	sld [smem:$0x3FB4]  }
0x2b: {  	s6 =	sld [smem:$0x3FB5]  }
0x2c: {  	s7 =	sld [smem:$0x3FB6]  }
0x2d: {  	s3 =	simm.s32 $0x108;
	s8 =	sld [smem:$0x3FB7]  }
0x2e: {  	s3 =	simm.s32 @!p0 $0x1082;
	s9 =	sld [smem:$0x3FB8]  }
0x2f: {  	lr =	sadd.s32 s0, s3;
	s0 =	sld [smem:$0x3FAF]  }
0x30: {  	s3 =	sld [smem:$0x3FB2]  }
0x31: {  	[smem:$0x3FBB] =	sst s10  }
0x32: {  	s10 =	sld [smem:$0x3FB9];
	_ =	sdelay $0x3  }
0x33: {  	p0 =	seq.s32 s10, $0x1;
	s10 =	sld [smem:$0x3FBB];
	_ =	sdelay $0x3  }
0x34: {  	[smem:$0x3FBB] =	sst s10  }
0x35: {  	s10 =	sld [smem:$0x3FBA];
	_ =	sdelay $0x3  }
0x36: {  	p1 =	seq.s32 s10, $0x1;
	s10 =	sld [smem:$0x3FBB];
	_ =	sdelay $0x3  }
0x37: {  	[smem:$0x3FBB] =	sst s10  }
0x38: {  	s10 =	sld [smem:$0x3FBC]  }
0x39: {  	_ = 	snop;
	(pc) =	sbr.ind lr, $3  }
0x3a: {  	_ = 	snop  }
0x3b: {  	_ = 	snop  }
0x3c: {  	p2 =	seq.s32 s10, $0x1;
	s10 =	sld [smem:$0x3FBB]  }
0x3d: {  	_ =	shalt  }
0x3e: {  	_ =	shalt  }
0x3f: {  	_ =	shalt  }
0x40: {  	_ =	shalt  }
0x41: {  	_ =	shalt  }
0x42: {  	_ =	shalt  }
0x43: {  	_ =	shalt  }
0x44: {  	_ =	shalt  }
0x45: {  	_ =	shalt  }
0x46: {  	_ =	shalt  }
0x47: {  	_ =	shalt  }
0x48: {  	_ =	shalt  }
0x49: {  	_ =	shalt  }
0x4a: {  	_ =	shalt  }
0x4b: {  	_ =	shalt  }
0x4c: {  	_ =	shalt  }
0x4d: {  	_ =	shalt  }
0x4e: {  	_ =	shalt  }
0x4f: {  	_ =	shalt  }
0x50: {  	_ =	shalt  }
0x51: {  	_ =	shalt  }
0x52: {  	_ =	shalt  }
0x53: {  	_ =	shalt  }
0x54: {  	_ =	shalt  }
0x55: {  	_ =	shalt  }
0x56: {  	_ =	shalt  }
0x57: {  	_ =	shalt  }
0x58: {  	_ =	shalt  }
0x59: {  	_ =	shalt  }
0x5a: {  	_ =	shalt  }
0x5b: {  	_ =	shalt  }
0x5c: {  	_ =	shalt  }
0x5d: {  	_ =	shalt  }
0x5e: {  	_ =	shalt  }
0x5f: {  	_ =	shalt  }
0x60: {  	_ =	shalt  }
0x61: {  	_ =	shalt  }
0x62: {  	_ =	shalt  }
0x63: {  	_ =	shalt  }
0x64: {  	_ =	shalt  }
0x65: {  	_ =	shalt  }
0x66: {  	_ =	shalt  }
0x67: {  	_ =	shalt  }
0x68: {  	_ =	shalt  }
0x69: {  	_ =	shalt  }
0x6a: {  	_ =	shalt  }
0x6b: {  	_ =	shalt  }
0x6c: {  	_ =	shalt  }
0x6d: {  	_ =	shalt  }
0x6e: {  	_ =	shalt  }
0x6f: {  	_ =	shalt  }
0x70: {  	_ =	shalt  }
0x71: {  	_ =	shalt  }
0x72: {  	_ =	shalt  }
0x73: {  	_ =	shalt  }
0x74: {  	_ =	shalt  }
0x75: {  	_ =	shalt  }
0x76: {  	_ =	shalt  }
0x77: {  	_ =	shalt  }
0x78: {  	_ =	shalt  }
0x79: {  	_ =	shalt  }
0x7a: {  	_ =	shalt  }
0x7b: {  	_ =	shalt  }
0x7c: {  	_ =	shalt  }
0x7d: {  	_ =	shalt  }
0x7e: {  	_ =	shalt  }
0x7f: {  	_ =	shalt  }
0x80: {  	_ =	shalt  }
0x81: {  	_ =	shalt  }
0x82: {  	_ =	shalt  }
0x83: {  	_ =	shalt  }
0x84: {  	_ =	shalt  }
0x85: {  	_ =	shalt  }
0x86: {  	_ =	shalt  }
0x87: {  	_ =	shalt  }
.Lfunc_end0:
.L_simem_size_0:
called_computation.1_lowered:
.L_overlay_start_0:
0x88: {  	s2 =	sld [smem:$0x3FD9]  }
0x89: {  	s3 =	sld [smem:$0x3FFE];
	_ =	sdelay $0x1  }
0x8a: {  	s1 =	srdreg.scid  }
0x8b: {  	s0 =	sand.u32 $0x1, s1  }
0x8c: {  	s17 =	sshll.u32 s0, $0xA;
	s2 =	sadd.s32 s3, s2  }
0x8d: {  	s2 =	sadd.s32 s2, s17  }
0x8e: {  	[smem:$0x3FC7] =	sst s2  }
0x8f: {  	_ = 	snop  }
0x90: {  	s2 =	sld [smem:$0x3FD0];
	(tm) =	ssettm $0x1  }
0x91: {  	s18 =	sld [smem:$0x3FFB];
	_ =	sdelay $0x3  }
0x92: {  	_ =	strace s18  }
0x93: {  	s3 =	sld [smem:$0x3FFC];
	_ =	sdelay $0x3  }
0x94: {  	_ =	strace s3  }
0x95: {  	s3 =	sld [smem:$0x3FFD];
	_ =	sdelay $0x3  }
0x96: {  	_ =	strace s3  }
0x97: {  	_ =	strace $0x8FFFFFFF  }
0x98: {  	s19 =	sld [smem:$0x3FDB];
	_ =	sdelay $0x1  }
0x99: {  	s4 =	simm.s32 $_scs_section_size  }
0x9a: {  	s5 =	simm.s32 $_size__tile_overlayer_lowered;
	s6 =	simm.s32 $_tile_overlayer_lowered  }
0x9b: {  	s22 =	simm.s32 $0x1BFF;
	s21 =	sshll.u32 s6, $0x1;
	s3 =	sadd.s32 s4, s19  }
0x9c: {  	s7 =	simm.s32 $0x0;
	s20 =	sshll.u32 s5, $0x1;
	s5 =	sadd.s32 s21, s3  }
0x9d: {  	[timem:s7], [sflag:s22] =	dma.local [hbm:s5], s20  }
0x9e: {  	_ =	swait.ge [sflag:s22], s20  }
0x9f: {  	s4 =	ssub.s32 $0x0, s20;
	[sflag:s22] =	ssyncset.done $0x0  }
0xa0: {  	[sflag:s22] =	ssyncadd.s32 s4;
	_ =	sdelay $0x1  }
0xa1: {  	s23 =	simm.s32 $0x1B8B  }
0xa2: {  	_ =	swait.ge [sflag:s23], $0x1  }
0xa3: {  	[sflag:s23] =	ssyncset.done $0x0  }
0xa4: {  	s25 =	simm.s32 $0x1B8E;
	s24 =	sld [smem:$0x3FFE];
	[sflag:s23] =	ssyncadd.s32 $0xFFFFFFFF  }
0xa5: {  	s26 =	simm.s32 $execute0_lowered;
	[smem:$0x3FD2] =	sst s25  }
0xa6: {  	s5 =	sshll.u32 s26, $0x1;
	_ =	strace $0x8000004C;
	[dreg:$0x1] =	wrdreg $0xFFFFFFFF  }
0xa7: {  	s28 =	simm.s32 $_size_execute0_lowered;
	s3 =	sadd.s32 s3, s5;
	[dreg:$0x0] =	wrdreg $0x0  }
0xa8: {  	s5 =	sshll.u32 s28, $0x1;
	[dreg:$0x2] =	wrdreg s3  }
0xa9: {  	[dreg:$0x3] =	wrdreg s5  }
0xaa: {  	[dreg:$0x4] =	wrdreg $0xC0  }
0xab: {  	_ =	task [dreg:s7], $0x5FFFF  }
0xac: {  	[dreg:$0x1] =	wrdreg $0xFFFFFFFF  }
0xad: {  	[dreg:$0x0] =	wrdreg $0x60  }
0xae: {  	[dreg:$0x2] =	wrdreg s24  }
0xaf: {  	[dreg:$0x3] =	wrdreg s2  }
0xb0: {  	[dreg:$0x4] =	wrdreg $0x9  }
0xb1: {  	_ =	task.clear_ibuf [dreg:s7], $0x5FFFF;
	_ =	strace $0x9000004C  }
0xb2: {  	s29 =	simm.s32 $0x9;
	_ =	strace $0x8000004E  }
0xb3: {  	_ =	swait.ge [sflag:s29], $0x1  }
0xb4: {  	[sflag:s29] =	ssyncadd.s32 $0xFFFFFFFF  }
0xb5: {  	_ =	strace $0x9000004E  }
0xb6: {  	_ =	sfence  }
0xb7: {  	s30 =	sld [smem:$0x0];
	_ =	sdelay $0x2  }
0xb8: {  	s31 =	sshll.u32 s1, $0xD;
	s1 =	sshrl.u32 s1, $0x2  }
0xb9: {  	s3 =	sand.u32 $0x4000, s31;
	s1 =	sadd.s32 s1, s30  }
0xba: {  	s0 =	sor.u32 s3, s0;
	s1 =	sshll.u32 s1, $0x11  }
0xbb: {  	s0 =	sor.u32 s1, s0  }
0xbc: {  	s0 =	sadd.s32 $0x8F2B, s0  }
0xbd: {  	[sflag:s0] =	ssyncadd.remote.s32 $0x1  }
0xbe: {  	_ =	sfence.sel $0xFFFF  }
0xbf: {  	[dreg:$0x0] =	wrdreg $0xFFFFFFFF;
	(pc) =	sbr.abs _section_cstart, $3  }
0xc0: {  	[dreg:$0x1] =	wrdreg $0xFFFFFFFF  }
0xc1: {  	_ =	task.clear_ibuf [dreg:s7], $0x2FFFF;
	_ =	strace $0x9FFFFFFF  }
0xc2: {  	(tm) =	ssettm $0x7FFFFFFF  }
0xc3: {  	_ =	shalt  }
tec
execute0_lowered:
.L_overlay_start_1:
0x0: {  	(tag) =	ssettag $0x1  }
0x1: {  	s2 =	rddreg [dreg:$0x0]  }
0x2: {  	s0 =	stileid.u32;
	s1 =	srdreg.scid  }
0x3: {  	s3 =	rddreg [dreg:$0x1];
	s8 =	simm.s32 $0x1;
	s9 =	simm.s32 $0x3  }
0x4: {  	s10 =	simm.s32 $0x0;
	s4 =	sand.u32 $0x1, s1;
	s5 =	sshll.u32 s0, $0x1  }
0x5: {  	s13 =	simm.s32 $0x0;
	s12 =	simm.s32 $0x0;
	s6 =	sor.u32 s5, s4  }
0x6: {  	s1 =	rddreg [dreg:$0x2];
	_ =	strace $0x8000004D;
	s4 =	smul.u32 $0x50, s6  }
0x7: {  	s5 =	simm.s32 $0x1;
	p0 =	slt.u32 s6, $0x13;
	s6 =	simm.s32 $0xA00  }
.Ltmp0:
0x8: {  	s6 =	simm.s32 @!p0 $0x0;
	s7 =	ssub.s32 $0xFA0, s4;
	(pc) =	sbr.rel .LBB2_1-.Ltmp0, $4  }
0x9: {  	s8 =	simm.s32 @!p0 $0x0;
	p0 =	sne.s32 s7, s6;
	s7 =	simm.s32 $0x1  }
0xa: {  	[sflag:s5] =	ssyncpa.u1 $0x0;
	s6 =	simm.s32 $0x2;
	s7 =	simm.s32 @!p0 $0x0  }
0xb: {  	s11 =	smov.u32 s4;
	[sflag:s6] =	ssyncpa.u1 $0x0;
	s7 =	sadd.s32 s8, s7  }
0xc: {  	vm0 =	vmmov $0xffff;
	s8 =	sadd.s32 $0xA000, s2;
	[sflag:s9] =	ssyncpa.u1 $0x0;
	s9 =	sadd.s32 $0x1, s7  }
.LBB2_4:
0xd: {  	vm1 =	veq.s32 v4, $0x80000000;
	v56 =	vand.u32 $0x3, v4;
	v6 =	vand.u32 $0x7FFF, v6  }
0xe: {  	v2 =	vor.u32 v2, v5;
	v59 =	vshrl.u32 v1, $0x2;
	v60 =	vand.u32 $0x3, v1  }
0xf: {  	v4 =	vsel vm1, $0xFFFFFFFF, v56;
	v6 =	vsel vm1, $0xFFFFFFFF, v6;
	v2 =	vor.u32 v3, v2  }
0x10: {  	vm1 =	veq.s32 v1, $0x80000000;
	v5 =	vand.u32 $0x7FFF, v59;
	v7 =	vshrl.u32 v4, $0x2  }
0x11: {  	v57 =	vshll.u32 v6, $0x2;
	v4 =	vshll.u32 v4, $0x7;
	v1 =	vsel vm1, $0xFFFFFFFF, v60  }
0x12: {  	v5 =	vsel vm1, $0xFFFFFFFF, v5;
	v6 =	vand.u32 $0x7F, v6;
	v7 =	vmul.u32 $0x14000, v7  }
0x13: {  	v58 =	vand.u32 $0xFFFFFE00, v57;
	v4 =	vand.u32 $0x180, v4;
	v61 =	vshrl.u32 v1, $0x2  }
0x14: {  	v62 =	vshll.u32 v5, $0x2;
	v3 =	vadd.s32 v7, v58;
	v7 =	vmul.u32 $0x14000, v61  }
0x15: {  	v1 =	vshll.u32 v1, $0x7;
	v3 =	vor.u32 v4, v3;
	v4 =	vand.u32 $0xFFFFFE00, v62  }
0x16: {  	v1 =	vand.u32 $0x180, v1;
	v3 =	vor.u32 v6, v3;
	v4 =	vadd.s32 v7, v4  }
0x17: {  	[tilespmem:s16], [sflag:$0x1] =	stream.indirect_vreg.gather [hbm4b:s2+s10], $0x1, v0, vm0, $0x4038;
	v63 =	vand.u32 $0x7F, v5;
	v1 =	vor.u32 v1, v4;
	[tilespmem:$0x140] =	vst v63  }
0x18: {  	s15 =	sadd.s32 $0x10, s15;
	(ifvalue) =	ssetifvalue $0x7FFFFFFF;
	v0 =	vor.u32 v63, v1  }
0x19: {  	[tilespmem:s15], [sflag:$0x1] =	stream.indirect_vreg.gather [hbm4b:s2+s10], $0x1, v2, vm0, $0x4038;
	[tilespmem:$0x140] =	vst v63  }
0x1a: {  	s15 =	sadd.s32 $0x10, s15;
	(ifvalue) =	ssetifvalue $0x7FFFFFFF  }
0x1b: {  	[tilespmem:s15], [sflag:$0x1] =	stream.indirect_vreg.gather [hbm4b:s2+s10], $0x1, v3, vm0, $0x4038;
	[tilespmem:$0x140] =	vst v63  }
0x1c: {  	s15 =	sadd.s32 $0x10, s15;
	(ifvalue) =	ssetifvalue $0x7FFFFFFF  }
0x1d: {  	[tilespmem:s15], [sflag:$0x1] =	stream.indirect_vreg.gather [hbm4b:s2+s10], $0x1, v0, vm0, $0x4038;
	[tilespmem:$0x140] =	vst v63  }
0x1e: {  	_ =	swait.ge [sflag:s5], $0x50  }
0x1f: {  	s30 =	sshrl.u32 s13, $0x3;
	[sflag:s5] =	ssyncset.done $0x0  }
0x20: {  	s31 =	sand.u32 $0x7, s13;
	s15 =	sadd.s32 s8, s30;
	[sflag:s5] =	ssyncadd.s32 $0xFFFFFFB0  }
0x21: {  	[hbm4b:s15+s31] =	stream.linear.scatter [tilespmem:s14], [sflag:$0x3], $0x50, $0x38;
	[tilespmem:$0x140] =	vst v63  }
.LBB2_5:
0x22: {  	s15 =	sadd.s32 $0xA00, s11  }
0x23: {  	p1 =	sgt.s32 s15, $0xF9F  }
0x24: {  	s15 =	smov.u32 @p1 s4;
	p1 =	sne.s32 s12, s9  }
.Ltmp1:
0x25: {  	p0 =	slt.u32 s12, $0x2;
	(pc) =	sbr.rel @!p1 .LBB2_6-.Ltmp1, $4  }
0x26: {  	s14 =	simm.s32 @!p0 $0x3  }
0x27: {  	_ =	swait.ge @!p0 [sflag:s14], $0x50  }
0x28: {  	s16 =	sadd.s32 $0x1, s12;
	s13 =	smov.u32 s11;
	[sflag:s14] =	ssyncset.done @!p0 $0x0  }
0x29: {  	s12 =	smov.u32 s16;
	s11 =	smov.u32 s15;
	[sflag:s14] =	ssyncadd.s32 @!p0 $0xFFFFFFB0  }
.LBB2_1:
0x2a: {  	p0 =	sge.u32 s12, s7  }
0x2b: {  	s14 =	sxor.u32 @!p0 $0x1, s12  }
0x2c: {  	s14 =	smul.u32 @!p0 $0x140, s14  }
0x2d: {  	s31 =	sadd.s32 $0xFFFFFFFF, s12;
	s15 =	sshrl.u32 @!p0 s11, $0x3  }
0x2e: {  	s16 =	sand.u32 @!p0 $0x7, s11;
	s15 =	sadd.s32 @!p0 s3, s15;
	s14 =	sshra.s32 @!p0 s14, $0x2  }
0x2f: {  	[tilespmem:s14], [sflag:$0x2] =	stream.linear.gather @!p0 [hbm4b:s15+s16], $0x50, $0x38;
	[tilespmem:$0x140] =	vst v63  }
0x30: {  	p0 =	sge.u32 s31, s7  }
.Ltmp2:
0x31: {  	_ = 	snop;
	(pc) =	sbr.rel @p0 .LBB2_5-.Ltmp2, $1  }
0x32: {  	_ =	sdelay $0x3  }
0x33: {  	s14 =	sand.u32 $0x1, s12  }
0x34: {  	_ =	swait.ge [sflag:s6], $0x50;
	p0 =	seq.s32 s14, $0x1;
	s14 =	simm.s32 $0x50  }
0x35: {  	[sflag:s6] =	ssyncset.done $0x0;
	s14 =	simm.s32 @!p0 $0x0  }
0x36: {  	[sflag:s6] =	ssyncadd.s32 $0xFFFFFFB0;
	(ifvalue) =	ssetifvalue $0x7FFFFFFF;
	v0 =	vld.msk [tilespmem:s14+$0x0 ss:$0x1], $0xffff  }
0x37: {  	s15 =	sadd.s32 $0x10, s14  }
0x38: {  	v1 =	vld.msk [tilespmem:s15+$0x0 ss:$0x1], $0xffff;
	_ =	sdelay $0x2  }
0x39: {  	v2 =	vshrl.u32 v0, $0x2  }
0x3a: {  	vm1 =	veq.s32 v0, $0x80000000;
	v0 =	vand.u32 $0x3, v0;
	v2 =	vand.u32 $0x7FFF, v2  }
0x3b: {  	v0 =	vsel vm1, $0xFFFFFFFF, v0;
	v6 =	vshrl.u32 v1, $0x2;
	v2 =	vsel vm1, $0xFFFFFFFF, v2  }
0x3c: {  	v3 =	vshrl.u32 v0, $0x2;
	v0 =	vshll.u32 v0, $0x7;
	vm1 =	veq.s32 v1, $0x80000000  }
0x3d: {  	s15 =	sadd.s32 $0x10, s15;
	v1 =	vand.u32 $0x3, v1;
	v4 =	vshll.u32 v2, $0x2;
	v3 =	vmul.u32 $0x14000, v3  }
0x3e: {  	v0 =	vand.u32 $0x180, v0;
	v7 =	vand.u32 $0x7F, v2;
	v5 =	vand.u32 $0xFFFFFE00, v4;
	v4 =	vld.msk [tilespmem:s15+$0x0 ss:$0x1], $0xffff  }
0x3f: {  	v1 =	vsel vm1, $0xFFFFFFFF, v1;
	v2 =	vadd.s32 v3, v5;
	v3 =	vand.u32 $0x7FFF, v6  }
0x40: {  	v3 =	vsel vm1, $0xFFFFFFFF, v3;
	v0 =	vor.u32 v0, v2;
	v2 =	vshrl.u32 v1, $0x2  }
0x41: {  	v1 =	vshll.u32 v1, $0x7;
	v5 =	vshll.u32 v3, $0x2;
	v8 =	vmul.u32 $0x14000, v2  }
0x42: {  	s18 =	simm.s32 $0x30;
	s14 =	sor.u32 $0xA0, s14;
	s17 =	sadd.s32 $0x10, s15;
	v2 =	vand.u32 $0x180, v1;
	v0 =	vor.u32 v7, v0;
	v5 =	vand.u32 $0xFFFFFE00, v5  }
0x43: {  	s16 =	smov.u32 s14;
	s15 =	smov.u32 s14;
	v1 =	vld.msk [tilespmem:s17+$0x0 ss:$0x1], $0xffff;
	v3 =	vand.u32 $0x7F, v3;
	(ifvalue) =	ssetifvalue $0x7FFFFFFF;
	v6 =	vshrl.u32 v4, $0x2;
	v5 =	vadd.s32 v8, v5  }
.LBB2_3:
0x44: {  	s18 =	sadd.s32 $0x10, s18  }
0x45: {  	vm1 =	veq.s32 v4, $0x80000000;
	v4 =	vand.u32 $0x3, v4;
	v6 =	vand.u32 $0x7FFF, v6;
	s15 =	sadd.s32 $0x10, s15;
	p0 =	slt.u32 s18, $0x40  }
.Ltmp3:
0x46: {  	v5 =	vor.u32 v2, v5;
	v4 =	vsel vm1, $0xFFFFFFFF, v4;
	v7 =	vsel vm1, $0xFFFFFFFF, v6;
	(pc) =	sbr.rel @p0 .LBB2_3-.Ltmp3, $4  }
0x47: {  	v2 =	vshrl.u32 v4, $0x2;
	v6 =	vshll.u32 v7, $0x2;
	v4 =	vshll.u32 v4, $0x7;
	[tilespmem:s16], [sflag:$0x1] =	stream.indirect_vreg.gather [hbm4b:s2+s10], $0x1, v0, vm0, $0x4038;
	[tilespmem:$0x140] =	vst v63  }
0x48: {  	v0 =	vor.u32 v3, v5;
	s16 =	smov.u32 s15;
	v8 =	vmul.u32 $0x14000, v2;
	v2 =	vand.u32 $0x180, v4  }
0x49: {  	s17 =	sadd.s32 $0x10, s17;
	v9 =	vand.u32 $0xFFFFFE00, v6  }
0x4a: {  	v3 =	vand.u32 $0x7F, v7;
	v6 =	vshrl.u32 v1, $0x2;
	v5 =	vadd.s32 v8, v9;
	(ifvalue) =	ssetifvalue $0x7FFFFFFF;
	v4 =	vmovc v1;
	v1 =	vld.msk [tilespmem:s17+$0x0 ss:$0x1], $0xffff  }
.Ltmp4:
0x4b: {  	_ = 	snop;
	(pc) =	sbr.rel .LBB2_4-.Ltmp4, $1  }
0x4c: {  	_ =	sdelay $0x3  }
.LBB2_6:
0x4d: {  	_ =	sfence.sel $0x180000  }
0x4e: {  	s2 =	simm.s32 $0x2;
	[bflag:$0x0] =	sbarrier.arrive $0xFFFF  }
0x4f: {  	s30 =	simm.s32 $0x3;
	[sflag:s2] =	ssyncpa.u1 $0x1  }
0x50: {  	s31 =	simm.s32 $0x1;
	[sflag:s30] =	ssyncpa.u1 $0x1  }
0x51: {  	[sflag:s31] =	ssyncpa.u1 $0x1  }
0x52: {  	p0 =	sne.s32 s0, $0x0;
	_ =	strace $0x9000004D  }
0x53: {  	s0 =	sadd.s32 @!p0 $0x100000, s1;
	[bflag:$0x2] =	sbarrier.arrive $0xFFFF  }
0x54: {  	[sflag:s0] =	ssyncadd.tile.s32 @!p0 $0x1;
	_ =	shalt  }
.Lfunc_end2:
_tile_overlayer_lowered:
.L_overlay_start_2:
0x55: {  	(tag) =	ssettag $0x2  }
0x56: {  	s0 =	rddreg [dreg:$0x0];
	s2 =	stileid.u32  }
0x57: {  	s1 =	rddreg [dreg:$0x1];
	p0 =	sne.s32 s2, $0x0  }
0x58: {  	s3 =	rddreg [dreg:$0x2];
	[bflag:$0x3] =	sbarrier.arrive $0xFFFF;
	s2 =	simm.s32 @!p0 $0x1C01  }
0x59: {  	[timem:s3], [sflag:s2] =	dma.local @!p0 [hbm:s0], s1  }
0x5a: {  	s0 =	simm.s32 @!p0 $0x1  }
0x5b: {  	_ =	swait.ge @!p0 [sflag:s0], s1  }
0x5c: {  	s1 =	ssub.s32 @!p0 $0x0, s1;
	[sflag:s0] =	ssyncset.done @!p0 $0x0  }
0x5d: {  	[sflag:s0] =	ssyncadd.s32 @!p0 s1  }
0x5e: {  	[bflag:$0x3] =	sbarrier.arrive $0xFFFF  }
0x5f: {  	_ =	shalt  }

// kernel: gather_offload_async_start.2
scs
__scs_entry_jumppad:
0x0: {  	(pc) =	sbr.rel $0x88, $3  }
0x1: {  	(tag) =	ssettag $0x0;
	lr =	simm.s32 $0x1  }
0x2: {  	[smem:$0x3FA0] =	sst lr;
	_ =	strace $0xD0000000  }
0x3: {  	_ = 	snop  }
0x4: {  	_ = 	snop  }
0x5: {  	_ = 	snop  }
0x6: {  	_ = 	snop  }
0x7: {  	_ = 	snop  }
__scs_overlays_trampoline_lowered:
0x8: {  	[smem:$0x3FAF] =	sst s0  }
0x9: {  	[smem:$0x3FB0] =	sst s1  }
0xa: {  	[smem:$0x3FB1] =	sst s2  }
0xb: {  	[smem:$0x3FB2] =	sst s3  }
0xc: {  	[smem:$0x3FB3] =	sst s4  }
0xd: {  	[smem:$0x3FB4] =	sst s5  }
0xe: {  	[smem:$0x3FB5] =	sst s6  }
0xf: {  	[smem:$0x3FB6] =	sst s7  }
0x10: {  	[smem:$0x3FB7] =	sst s8  }
0x11: {  	[smem:$0x3FB8] =	sst s9;
	s0 =	simm.s32 @!p0 $0x0  }
0x12: {  	s1 =	sld [smem:$0x3F9E];
	s0 =	simm.s32 @p0 $0x1  }
0x13: {  	[smem:$0x3FB9] =	sst s0;
	s0 =	simm.s32 @!p1 $0x0  }
0x14: {  	s2 =	sld [smem:$0x3F9D];
	s0 =	simm.s32 @p1 $0x1  }
0x15: {  	[smem:$0x3FBA] =	sst s0;
	s0 =	simm.s32 @!p2 $0x0  }
0x16: {  	s3 =	sld [smem:$0x3FDB];
	s0 =	simm.s32 @p2 $0x1  }
0x17: {  	s4 =	simm.s32 $0x1BF5;
	[smem:$0x3FBC] =	sst s0  }
0x18: {  	s0 =	sld [smem:$0x3F9F];
	_ =	swait.ge [sflag:s4], $0x0  }
0x19: {  	s7 =	sld [smem:$0x3FA0]  }
0x1a: {  	s8 =	sadd.s32 $0xFFFFE003, lr  }
0x1b: {  	s9 =	sadd.s32 $0xFFFFFEF7, lr;
	s5 =	simm.s32 $0xFFFFFFFF;
	p2 =	slt.u32 s8, $0xFFFFF086  }
0x1c: {  	p1 =	slt.u32 s9, $0xF7A;
	s5 =	simm.s32 @!p2 $0x0  }
0x1d: {  	s5 =	simm.s32 @p1 $0x1;
	p0 =	seq.s32 s7, s2  }
0x1e: {  	s7 =	smul.u32 @!p0 $0xF7A, s2;
	p2 =	seq.s32 @!p0 s5, $0x0  }
0x1f: {  	s9 =	smul.u32 $0xF7A, s1;
	s8 =	simm.s32 @!p0 $0x1BF5;
	p2 =	por !p2, p0  }
0x20: {  	[sflag:s8] =	ssyncset.s32 @!p0 $0xFFFFF086;
	s6 =	sadd.s32 @!p0 s3, s7;
	s7 =	simm.s32 @!p0 $0x108  }
0x21: {  	s3 =	sadd.s32 s3, s9;
	s6 =	sadd.s32 @!p0 $0x88, s6;
	s7 =	simm.s32 @p2 $0x1082  }
0x22: {  	[simem:s7], [sflag:s8] =	dma.local @!p0 [hbm:s6], $0xF7A  }
0x23: {  	s9 =	sor.u32 $0xD0000000, s2;
	s6 =	simm.s32 $0x108;
	_ =	swait.ge @!p0 [sflag:s8], $0x0  }
0x24: {  	s3 =	sadd.s32 $0x88, s3;
	s6 =	simm.s32 @!p1 $0x1082;
	[sflag:s4] =	ssyncset.s32 $0xFFFFF086  }
0x25: {  	[simem:s6], [sflag:s4] =	dma.local [hbm:s3], $0xF7A  }
0x26: {  	[smem:$0x3FA0] =	sst s1;
	(tag) =	ssettag s2;
	_ =	strace s9  }
0x27: {  	s1 =	sld [smem:$0x3FB0]  }
0x28: {  	s2 =	sld [smem:$0x3FB1]  }
0x29: {  	s4 =	sld [smem:$0x3FB3]  }
0x2a: {  	p0 =	seq.s32 s5, $0x0;
	s5 =	sld [smem:$0x3FB4]  }
0x2b: {  	s6 =	sld [smem:$0x3FB5]  }
0x2c: {  	s7 =	sld [smem:$0x3FB6]  }
0x2d: {  	s3 =	simm.s32 $0x108;
	s8 =	sld [smem:$0x3FB7]  }
0x2e: {  	s3 =	simm.s32 @!p0 $0x1082;
	s9 =	sld [smem:$0x3FB8]  }
0x2f: {  	lr =	sadd.s32 s0, s3;
	s0 =	sld [smem:$0x3FAF]  }
0x30: {  	s3 =	sld [smem:$0x3FB2]  }
0x31: {  	[smem:$0x3FBB] =	sst s10  }
0x32: {  	s10 =	sld [smem:$0x3FB9];
	_ =	sdelay $0x3  }
0x33: {  	p0 =	seq.s32 s10, $0x1;
	s10 =	sld [smem:$0x3FBB];
	_ =	sdelay $0x3  }
0x34: {  	[smem:$0x3FBB] =	sst s10  }
0x35: {  	s10 =	sld [smem:$0x3FBA];
	_ =	sdelay $0x3  }
0x36: {  	p1 =	seq.s32 s10, $0x1;
	s10 =	sld [smem:$0x3FBB];
	_ =	sdelay $0x3  }
0x37: {  	[smem:$0x3FBB] =	sst s10  }
0x38: {  	s10 =	sld [smem:$0x3FBC]  }
0x39: {  	_ = 	snop;
	(pc) =	sbr.ind lr, $3  }
0x3a: {  	_ = 	snop  }
0x3b: {  	_ = 	snop  }
0x3c: {  	p2 =	seq.s32 s10, $0x1;
	s10 =	sld [smem:$0x3FBB]  }
0x3d: {  	_ =	shalt  }
0x3e: {  	_ =	shalt  }
0x3f: {  	_ =	shalt  }
0x40: {  	_ =	shalt  }
0x41: {  	_ =	shalt  }
0x42: {  	_ =	shalt  }
0x43: {  	_ =	shalt  }
0x44: {  	_ =	shalt  }
0x45: {  	_ =	shalt  }
0x46: {  	_ =	shalt  }
0x47: {  	_ =	shalt  }
0x48: {  	_ =	shalt  }
0x49: {  	_ =	shalt  }
0x4a: {  	_ =	shalt  }
0x4b: {  	_ =	shalt  }
0x4c: {  	_ =	shalt  }
0x4d: {  	_ =	shalt  }
0x4e: {  	_ =	shalt  }
0x4f: {  	_ =	shalt  }
0x50: {  	_ =	shalt  }
0x51: {  	_ =	shalt  }
0x52: {  	_ =	shalt  }
0x53: {  	_ =	shalt  }
0x54: {  	_ =	shalt  }
0x55: {  	_ =	shalt  }
0x56: {  	_ =	shalt  }
0x57: {  	_ =	shalt  }
0x58: {  	_ =	shalt  }
0x59: {  	_ =	shalt  }
0x5a: {  	_ =	shalt  }
0x5b: {  	_ =	shalt  }
0x5c: {  	_ =	shalt  }
0x5d: {  	_ =	shalt  }
0x5e: {  	_ =	shalt  }
0x5f: {  	_ =	shalt  }
0x60: {  	_ =	shalt  }
0x61: {  	_ =	shalt  }
0x62: {  	_ =	shalt  }
0x63: {  	_ =	shalt  }
0x64: {  	_ =	shalt  }
0x65: {  	_ =	shalt  }
0x66: {  	_ =	shalt  }
0x67: {  	_ =	shalt  }
0x68: {  	_ =	shalt  }
0x69: {  	_ =	shalt  }
0x6a: {  	_ =	shalt  }
0x6b: {  	_ =	shalt  }
0x6c: {  	_ =	shalt  }
0x6d: {  	_ =	shalt  }
0x6e: {  	_ =	shalt  }
0x6f: {  	_ =	shalt  }
0x70: {  	_ =	shalt  }
0x71: {  	_ =	shalt  }
0x72: {  	_ =	shalt  }
0x73: {  	_ =	shalt  }
0x74: {  	_ =	shalt  }
0x75: {  	_ =	shalt  }
0x76: {  	_ =	shalt  }
0x77: {  	_ =	shalt  }
0x78: {  	_ =	shalt  }
0x79: {  	_ =	shalt  }
0x7a: {  	_ =	shalt  }
0x7b: {  	_ =	shalt  }
0x7c: {  	_ =	shalt  }
0x7d: {  	_ =	shalt  }
0x7e: {  	_ =	shalt  }
0x7f: {  	_ =	shalt  }
0x80: {  	_ =	shalt  }
0x81: {  	_ =	shalt  }
0x82: {  	_ =	shalt  }
0x83: {  	_ =	shalt  }
0x84: {  	_ =	shalt  }
0x85: {  	_ =	shalt  }
0x86: {  	_ =	shalt  }
0x87: {  	_ =	shalt  }
.Lfunc_end0:
.L_simem_size_0:
called_computation.2_lowered:
.L_overlay_start_0:
0x88: {  	s2 =	sld [smem:$0x3FD9]  }
0x89: {  	s3 =	sld [smem:$0x3FFE];
	_ =	sdelay $0x1  }
0x8a: {  	s1 =	srdreg.scid  }
0x8b: {  	s0 =	sand.u32 $0x1, s1  }
0x8c: {  	s17 =	sshll.u32 s0, $0xA;
	s2 =	sadd.s32 s3, s2  }
0x8d: {  	s2 =	sadd.s32 s2, s17  }
0x8e: {  	[smem:$0x3FC7] =	sst s2  }
0x8f: {  	_ = 	snop  }
0x90: {  	s18 =	sld [smem:$0x3FD0];
	(tm) =	ssettm $0x1  }
0x91: {  	s19 =	sld [smem:$0x3FFB];
	_ =	sdelay $0x3  }
0x92: {  	_ =	strace s19  }
0x93: {  	s2 =	sld [smem:$0x3FFC];
	_ =	sdelay $0x3  }
0x94: {  	_ =	strace s2  }
0x95: {  	s2 =	sld [smem:$0x3FFD];
	_ =	sdelay $0x3  }
0x96: {  	_ =	strace s2  }
0x97: {  	_ =	strace $0x8FFFFFFF  }
0x98: {  	s20 =	sld [smem:$0x3FDB];
	_ =	sdelay $0x1  }
0x99: {  	s4 =	simm.s32 $_scs_section_size  }
0x9a: {  	s5 =	simm.s32 $_size__tile_overlayer_lowered;
	s6 =	simm.s32 $_tile_overlayer_lowered  }
0x9b: {  	s7 =	simm.s32 $0x1BFF;
	s21 =	sshll.u32 s6, $0x1;
	s4 =	sadd.s32 s4, s20  }
0x9c: {  	s22 =	simm.s32 $0x0;
	s5 =	sshll.u32 s5, $0x1;
	s6 =	sadd.s32 s21, s4  }
0x9d: {  	[timem:s22], [sflag:s7] =	dma.local [hbm:s6], s5  }
0x9e: {  	_ =	swait.ge [sflag:s7], s5  }
0x9f: {  	s5 =	ssub.s32 $0x0, s5;
	[sflag:s7] =	ssyncset.done $0x0  }
0xa0: {  	[sflag:s7] =	ssyncadd.s32 s5;
	_ =	sdelay $0x1  }
0xa1: {  	s23 =	simm.s32 $0x1B8B  }
0xa2: {  	_ =	swait.ge [sflag:s23], $0x1  }
0xa3: {  	[sflag:s23] =	ssyncset.done $0x0  }
0xa4: {  	[sflag:s23] =	ssyncadd.s32 $0xFFFFFFFF  }
0xa5: {  	s5 =	sld [smem:$0x0]  }
0xa6: {  	s6 =	sand.u32 $0xFFFFFFFE, s1  }
0xa7: {  	p0 =	sne.s32 s1, s6  }
0xa8: {  	s6 =	sshll.u32 @p0 s6, $0xE  }
0xa9: {  	s6 =	sadd.s32 @p0 $0x11B8D, s6;
	s7 =	sshll.u32 @p0 s5, $0x11  }
0xaa: {  	s6 =	sor.u32 @p0 s7, s6  }
0xab: {  	[sflag:s6] =	ssyncadd.remote.s32 @p0 $0x1;
	_ =	sdelay $0x1  }
0xac: {  	s6 =	simm.s32 @p0 $0x1B8D  }
0xad: {  	_ =	swait.eq @p0 [sflag:s6], $0x1  }
0xae: {  	[sflag:s6] =	ssyncadd.s32 @p0 $0xFFFFFFFF  }
0xaf: {  	s7 =	sshll.u32 @!p0 s1, $0xE  }
0xb0: {  	s7 =	sor.u32 @!p0 $0x4000, s7;
	s6 =	simm.s32 @!p0 $0x1B8D  }
0xb1: {  	s5 =	sshll.u32 @!p0 s5, $0x11;
	s7 =	sadd.s32 @!p0 $0x11B8D, s7;
	_ =	swait.eq @!p0 [sflag:s6], $0x1  }
0xb2: {  	s5 =	sor.u32 @!p0 s5, s7;
	[sflag:s6] =	ssyncadd.s32 @!p0 $0xFFFFFFFF  }
0xb3: {  	s25 =	simm.s32 $0x1B8E;
	s24 =	sld [smem:$0x3FFE];
	[sflag:s5] =	ssyncadd.remote.s32 @!p0 $0x1  }
0xb4: {  	s26 =	simm.s32 $execute0_lowered;
	[smem:$0x3FD2] =	sst s25  }
0xb5: {  	s6 =	sshll.u32 s26, $0x1;
	_ =	strace $0x8000004F;
	[dreg:$0x1] =	wrdreg $0xFFFFFFFF  }
0xb6: {  	s28 =	simm.s32 $_size_execute0_lowered;
	s4 =	sadd.s32 s4, s6;
	[dreg:$0x0] =	wrdreg $0x0  }
0xb7: {  	s6 =	sshll.u32 s28, $0x1;
	[dreg:$0x2] =	wrdreg s4  }
0xb8: {  	[dreg:$0x3] =	wrdreg s6  }
0xb9: {  	[dreg:$0x4] =	wrdreg $0xC0  }
0xba: {  	_ =	task [dreg:s22], $0x5FFFF  }
0xbb: {  	[dreg:$0x1] =	wrdreg $0xFFFFFFFF  }
0xbc: {  	[dreg:$0x0] =	wrdreg $0x60  }
0xbd: {  	[dreg:$0x2] =	wrdreg s24  }
0xbe: {  	[dreg:$0x3] =	wrdreg s18  }
0xbf: {  	[dreg:$0x4] =	wrdreg $0xA  }
0xc0: {  	_ =	task.clear_ibuf [dreg:s22], $0x5FFFF;
	_ =	strace $0x9000004F  }
0xc1: {  	s29 =	simm.s32 $0xA;
	_ =	strace $0x80000051  }
0xc2: {  	_ =	swait.ge [sflag:s29], $0x1  }
0xc3: {  	[sflag:s29] =	ssyncadd.s32 $0xFFFFFFFF  }
0xc4: {  	_ =	strace $0x90000051  }
0xc5: {  	_ =	sfence  }
0xc6: {  	s30 =	sld [smem:$0x0];
	_ =	sdelay $0x2  }
0xc7: {  	s31 =	sshll.u32 s1, $0xD;
	s1 =	sshrl.u32 s1, $0x2  }
0xc8: {  	s4 =	sand.u32 $0x4000, s31;
	s1 =	sadd.s32 s1, s30  }
0xc9: {  	s0 =	sor.u32 s4, s0;
	s1 =	sshll.u32 s1, $0x11  }
0xca: {  	s0 =	sor.u32 s1, s0  }
0xcb: {  	s0 =	sadd.s32 $0x8F2B, s0  }
0xcc: {  	[sflag:s0] =	ssyncadd.remote.s32 $0x1  }
0xcd: {  	_ =	sfence.sel $0xFFFF  }
0xce: {  	[dreg:$0x0] =	wrdreg $0xFFFFFFFF;
	(pc) =	sbr.abs _section_cstart, $3  }
0xcf: {  	[dreg:$0x1] =	wrdreg $0xFFFFFFFF  }
0xd0: {  	_ =	task.clear_ibuf [dreg:s22], $0x2FFFF;
	_ =	strace $0x9FFFFFFF  }
0xd1: {  	(tm) =	ssettm $0x7FFFFFFF  }
tec
execute0_lowered:
.L_overlay_start_1:
0x0: {  	(tag) =	ssettag $0x1  }
0x1: {  	s8 =	rddreg [dreg:$0x0];
	s0 =	stileid.u32  }
0x2: {  	s1 =	srdreg.scid;
	s2 =	rddreg [dreg:$0x1]  }
0x3: {  	s5 =	simm.s32 $0x1;
	s9 =	simm.s32 $0x1;
	s10 =	simm.s32 $0x3  }
0x4: {  	s13 =	simm.s32 $0x0;
	s3 =	sand.u32 $0x1, s1;
	s4 =	sshll.u32 s0, $0x1  }
0x5: {  	s12 =	simm.s32 $0x0;
	s1 =	rddreg [dreg:$0x2];
	s6 =	sor.u32 s4, s3  }
0x6: {  	_ =	strace $0x80000050;
	s3 =	sadd.s32 $0x2800, s8;
	s4 =	smul.u32 $0x50, s6  }
0x7: {  	[sflag:s5] =	ssyncpa.u1 $0x0;
	p0 =	slt.u32 s6, $0x13;
	s6 =	simm.s32 $0xA00  }
.Ltmp0:
0x8: {  	s6 =	simm.s32 @!p0 $0x0;
	s7 =	ssub.s32 $0xFA0, s4;
	(pc) =	sbr.rel .LBB2_1-.Ltmp0, $4  }
0x9: {  	s9 =	simm.s32 @!p0 $0x0;
	p0 =	sne.s32 s7, s6;
	s7 =	simm.s32 $0x1  }
0xa: {  	s8 =	sadd.s32 $0xA200, s8;
	s6 =	simm.s32 $0x2;
	s7 =	simm.s32 @!p0 $0x0  }
0xb: {  	s11 =	smov.u32 s4;
	[sflag:s6] =	ssyncpa.u1 $0x0;
	s7 =	sadd.s32 s9, s7  }
0xc: {  	vm0 =	vmmov $0xffff;
	[sflag:s10] =	ssyncpa.u1 $0x0;
	s10 =	simm.s32 $0x0;
	s9 =	sadd.s32 $0x1, s7  }
.LBB2_4:
0xd: {  	vm1 =	veq.s32 v4, $0x80000000;
	v56 =	vand.u32 $0x3, v4;
	v6 =	vand.u32 $0x7FFF, v6  }
0xe: {  	v2 =	vor.u32 v2, v5;
	v59 =	vshrl.u32 v1, $0x2;
	v60 =	vand.u32 $0x3, v1  }
0xf: {  	v4 =	vsel vm1, $0xFFFFFFFF, v56;
	v6 =	vsel vm1, $0xFFFFFFFF, v6;
	v2 =	vor.u32 v3, v2  }
0x10: {  	vm1 =	veq.s32 v1, $0x80000000;
	v5 =	vand.u32 $0x7FFF, v59;
	v7 =	vshrl.u32 v4, $0x2  }
0x11: {  	v57 =	vshll.u32 v6, $0x2;
	v4 =	vshll.u32 v4, $0x7;
	v1 =	vsel vm1, $0xFFFFFFFF, v60  }
0x12: {  	v5 =	vsel vm1, $0xFFFFFFFF, v5;
	v6 =	vand.u32 $0x7F, v6;
	v7 =	vmul.u32 $0x14000, v7  }
0x13: {  	v58 =	vand.u32 $0xFFFFFE00, v57;
	v4 =	vand.u32 $0x180, v4;
	v61 =	vshrl.u32 v1, $0x2  }
0x14: {  	v62 =	vshll.u32 v5, $0x2;
	v3 =	vadd.s32 v7, v58;
	v7 =	vmul.u32 $0x14000, v61  }
0x15: {  	v1 =	vshll.u32 v1, $0x7;
	v3 =	vor.u32 v4, v3;
	v4 =	vand.u32 $0xFFFFFE00, v62  }
0x16: {  	v1 =	vand.u32 $0x180, v1;
	v3 =	vor.u32 v6, v3;
	v4 =	vadd.s32 v7, v4  }
0x17: {  	[tilespmem:s16], [sflag:$0x1] =	stream.indirect_vreg.gather [hbm4b:s3+s10], $0x1, v0, vm0, $0x4038;
	v63 =	vand.u32 $0x7F, v5;
	v1 =	vor.u32 v1, v4;
	[tilespmem:$0x140] =	vst v63  }
0x18: {  	s15 =	sadd.s32 $0x10, s15;
	(ifvalue) =	ssetifvalue $0x7FFFFFFF;
	v0 =	vor.u32 v63, v1  }
0x19: {  	[tilespmem:s15], [sflag:$0x1] =	stream.indirect_vreg.gather [hbm4b:s3+s10], $0x1, v2, vm0, $0x4038;
	[tilespmem:$0x140] =	vst v63  }
0x1a: {  	s15 =	sadd.s32 $0x10, s15;
	(ifvalue) =	ssetifvalue $0x7FFFFFFF  }
0x1b: {  	[tilespmem:s15], [sflag:$0x1] =	stream.indirect_vreg.gather [hbm4b:s3+s10], $0x1, v3, vm0, $0x4038;
	[tilespmem:$0x140] =	vst v63  }
0x1c: {  	s15 =	sadd.s32 $0x10, s15;
	(ifvalue) =	ssetifvalue $0x7FFFFFFF  }
0x1d: {  	[tilespmem:s15], [sflag:$0x1] =	stream.indirect_vreg.gather [hbm4b:s3+s10], $0x1, v0, vm0, $0x4038;
	[tilespmem:$0x140] =	vst v63  }
0x1e: {  	_ =	swait.ge [sflag:s5], $0x50  }
0x1f: {  	s30 =	sshrl.u32 s13, $0x3;
	[sflag:s5] =	ssyncset.done $0x0  }
0x20: {  	s31 =	sand.u32 $0x7, s13;
	s15 =	sadd.s32 s8, s30;
	[sflag:s5] =	ssyncadd.s32 $0xFFFFFFB0  }
0x21: {  	[hbm4b:s15+s31] =	stream.linear.scatter [tilespmem:s14], [sflag:$0x3], $0x50, $0x38;
	[tilespmem:$0x140] =	vst v63  }
.LBB2_5:
0x22: {  	s15 =	sadd.s32 $0xA00, s11  }
0x23: {  	p1 =	sgt.s32 s15, $0xF9F  }
0x24: {  	s15 =	smov.u32 @p1 s4;
	p1 =	sne.s32 s12, s9  }
.Ltmp1:
0x25: {  	p0 =	slt.u32 s12, $0x2;
	(pc) =	sbr.rel @!p1 .LBB2_6-.Ltmp1, $4  }
0x26: {  	s14 =	simm.s32 @!p0 $0x3  }
0x27: {  	_ =	swait.ge @!p0 [sflag:s14], $0x50  }
0x28: {  	s16 =	sadd.s32 $0x1, s12;
	s13 =	smov.u32 s11;
	[sflag:s14] =	ssyncset.done @!p0 $0x0  }
0x29: {  	s12 =	smov.u32 s16;
	s11 =	smov.u32 s15;
	[sflag:s14] =	ssyncadd.s32 @!p0 $0xFFFFFFB0  }
.LBB2_1:
0x2a: {  	p0 =	sge.u32 s12, s7  }
0x2b: {  	s14 =	sxor.u32 @!p0 $0x1, s12  }
0x2c: {  	s14 =	smul.u32 @!p0 $0x140, s14  }
0x2d: {  	s31 =	sadd.s32 $0xFFFFFFFF, s12;
	s15 =	sshrl.u32 @!p0 s11, $0x3  }
0x2e: {  	s16 =	sand.u32 @!p0 $0x7, s11;
	s15 =	sadd.s32 @!p0 s2, s15;
	s14 =	sshra.s32 @!p0 s14, $0x2  }
0x2f: {  	[tilespmem:s14], [sflag:$0x2] =	stream.linear.gather @!p0 [hbm4b:s15+s16], $0x50, $0x38;
	[tilespmem:$0x140] =	vst v63  }
0x30: {  	p0 =	sge.u32 s31, s7  }
.Ltmp2:
0x31: {  	_ = 	snop;
	(pc) =	sbr.rel @p0 .LBB2_5-.Ltmp2, $1  }
0x32: {  	_ =	sdelay $0x3  }
0x33: {  	s14 =	sand.u32 $0x1, s12  }
0x34: {  	_ =	swait.ge [sflag:s6], $0x50;
	p0 =	seq.s32 s14, $0x1;
	s14 =	simm.s32 $0x50  }
0x35: {  	[sflag:s6] =	ssyncset.done $0x0;
	s14 =	simm.s32 @!p0 $0x0  }
0x36: {  	[sflag:s6] =	ssyncadd.s32 $0xFFFFFFB0;
	(ifvalue) =	ssetifvalue $0x7FFFFFFF;
	v0 =	vld.msk [tilespmem:s14+$0x0 ss:$0x1], $0xffff  }
0x37: {  	s15 =	sadd.s32 $0x10, s14  }
0x38: {  	v1 =	vld.msk [tilespmem:s15+$0x0 ss:$0x1], $0xffff;
	_ =	sdelay $0x2  }
0x39: {  	v2 =	vshrl.u32 v0, $0x2  }
0x3a: {  	vm1 =	veq.s32 v0, $0x80000000;
	v0 =	vand.u32 $0x3, v0;
	v2 =	vand.u32 $0x7FFF, v2  }
0x3b: {  	v0 =	vsel vm1, $0xFFFFFFFF, v0;
	v6 =	vshrl.u32 v1, $0x2;
	v2 =	vsel vm1, $0xFFFFFFFF, v2  }
0x3c: {  	v3 =	vshrl.u32 v0, $0x2;
	v0 =	vshll.u32 v0, $0x7;
	vm1 =	veq.s32 v1, $0x80000000  }
0x3d: {  	s15 =	sadd.s32 $0x10, s15;
	v1 =	vand.u32 $0x3, v1;
	v4 =	vshll.u32 v2, $0x2;
	v3 =	vmul.u32 $0x14000, v3  }
0x3e: {  	v0 =	vand.u32 $0x180, v0;
	v7 =	vand.u32 $0x7F, v2;
	v5 =	vand.u32 $0xFFFFFE00, v4;
	v4 =	vld.msk [tilespmem:s15+$0x0 ss:$0x1], $0xffff  }
0x3f: {  	v1 =	vsel vm1, $0xFFFFFFFF, v1;
	v2 =	vadd.s32 v3, v5;
	v3 =	vand.u32 $0x7FFF, v6  }
0x40: {  	v3 =	vsel vm1, $0xFFFFFFFF, v3;
	v0 =	vor.u32 v0, v2;
	v2 =	vshrl.u32 v1, $0x2  }
0x41: {  	v1 =	vshll.u32 v1, $0x7;
	v5 =	vshll.u32 v3, $0x2;
	v8 =	vmul.u32 $0x14000, v2  }
0x42: {  	s18 =	simm.s32 $0x30;
	s14 =	sor.u32 $0xA0, s14;
	s17 =	sadd.s32 $0x10, s15;
	v2 =	vand.u32 $0x180, v1;
	v0 =	vor.u32 v7, v0;
	v5 =	vand.u32 $0xFFFFFE00, v5  }
0x43: {  	s16 =	smov.u32 s14;
	s15 =	smov.u32 s14;
	v1 =	vld.msk [tilespmem:s17+$0x0 ss:$0x1], $0xffff;
	v3 =	vand.u32 $0x7F, v3;
	(ifvalue) =	ssetifvalue $0x7FFFFFFF;
	v6 =	vshrl.u32 v4, $0x2;
	v5 =	vadd.s32 v8, v5  }
.LBB2_3:
0x44: {  	s18 =	sadd.s32 $0x10, s18  }
0x45: {  	vm1 =	veq.s32 v4, $0x80000000;
	v4 =	vand.u32 $0x3, v4;
	v6 =	vand.u32 $0x7FFF, v6;
	s15 =	sadd.s32 $0x10, s15;
	p0 =	slt.u32 s18, $0x40  }
.Ltmp3:
0x46: {  	v5 =	vor.u32 v2, v5;
	v4 =	vsel vm1, $0xFFFFFFFF, v4;
	v7 =	vsel vm1, $0xFFFFFFFF, v6;
	(pc) =	sbr.rel @p0 .LBB2_3-.Ltmp3, $4  }
0x47: {  	v2 =	vshrl.u32 v4, $0x2;
	v6 =	vshll.u32 v7, $0x2;
	v4 =	vshll.u32 v4, $0x7;
	[tilespmem:s16], [sflag:$0x1] =	stream.indirect_vreg.gather [hbm4b:s3+s10], $0x1, v0, vm0, $0x4038;
	[tilespmem:$0x140] =	vst v63  }
0x48: {  	v0 =	vor.u32 v3, v5;
	s16 =	smov.u32 s15;
	v8 =	vmul.u32 $0x14000, v2;
	v2 =	vand.u32 $0x180, v4  }
0x49: {  	s17 =	sadd.s32 $0x10, s17;
	v9 =	vand.u32 $0xFFFFFE00, v6  }
0x4a: {  	v3 =	vand.u32 $0x7F, v7;
	v6 =	vshrl.u32 v1, $0x2;
	v5 =	vadd.s32 v8, v9;
	(ifvalue) =	ssetifvalue $0x7FFFFFFF;
	v4 =	vmovc v1;
	v1 =	vld.msk [tilespmem:s17+$0x0 ss:$0x1], $0xffff  }
.Ltmp4:
0x4b: {  	_ = 	snop;
	(pc) =	sbr.rel .LBB2_4-.Ltmp4, $1  }
0x4c: {  	_ =	sdelay $0x3  }
.LBB2_6:
0x4d: {  	_ =	sfence.sel $0x180000  }
0x4e: {  	s2 =	simm.s32 $0x2;
	[bflag:$0x0] =	sbarrier.arrive $0xFFFF  }
0x4f: {  	s30 =	simm.s32 $0x3;
	[sflag:s2] =	ssyncpa.u1 $0x1  }
0x50: {  	s31 =	simm.s32 $0x1;
	[sflag:s30] =	ssyncpa.u1 $0x1  }
0x51: {  	[sflag:s31] =	ssyncpa.u1 $0x1  }
0x52: {  	p0 =	sne.s32 s0, $0x0;
	_ =	strace $0x90000050  }
0x53: {  	s0 =	sadd.s32 @!p0 $0x100000, s1;
	[bflag:$0x2] =	sbarrier.arrive $0xFFFF  }
0x54: {  	[sflag:s0] =	ssyncadd.tile.s32 @!p0 $0x1;
	_ =	shalt  }
.Lfunc_end2:
_tile_overlayer_lowered:
.L_overlay_start_2:
0x55: {  	(tag) =	ssettag $0x2  }
0x56: {  	s0 =	rddreg [dreg:$0x0];
	s2 =	stileid.u32  }
0x57: {  	s1 =	rddreg [dreg:$0x1];
	p0 =	sne.s32 s2, $0x0  }
0x58: {  	s3 =	rddreg [dreg:$0x2];
	[bflag:$0x3] =	sbarrier.arrive $0xFFFF;
	s2 =	simm.s32 @!p0 $0x1C01  }
0x59: {  	[timem:s3], [sflag:s2] =	dma.local @!p0 [hbm:s0], s1  }
0x5a: {  	s0 =	simm.s32 @!p0 $0x1  }
0x5b: {  	_ =	swait.ge @!p0 [sflag:s0], s1  }
0x5c: {  	s1 =	ssub.s32 @!p0 $0x0, s1;
	[sflag:s0] =	ssyncset.done @!p0 $0x0  }
0x5d: {  	[sflag:s0] =	ssyncadd.s32 @!p0 s1  }
0x5e: {  	[bflag:$0x3] =	sbarrier.arrive $0xFFFF  }
0x5f: {  	_ =	shalt  }

// kernel: gather_offload_async_start.3
scs
__scs_entry_jumppad:
0x0: {  	(pc) =	sbr.rel $0x88, $3  }
0x1: {  	(tag) =	ssettag $0x0;
	lr =	simm.s32 $0x1  }
0x2: {  	[smem:$0x3FA0] =	sst lr;
	_ =	strace $0xD0000000  }
0x3: {  	_ = 	snop  }
0x4: {  	_ = 	snop  }
0x5: {  	_ = 	snop  }
0x6: {  	_ = 	snop  }
0x7: {  	_ = 	snop  }
__scs_overlays_trampoline_lowered:
0x8: {  	[smem:$0x3FAF] =	sst s0  }
0x9: {  	[smem:$0x3FB0] =	sst s1  }
0xa: {  	[smem:$0x3FB1] =	sst s2  }
0xb: {  	[smem:$0x3FB2] =	sst s3  }
0xc: {  	[smem:$0x3FB3] =	sst s4  }
0xd: {  	[smem:$0x3FB4] =	sst s5  }
0xe: {  	[smem:$0x3FB5] =	sst s6  }
0xf: {  	[smem:$0x3FB6] =	sst s7  }
0x10: {  	[smem:$0x3FB7] =	sst s8  }
0x11: {  	[smem:$0x3FB8] =	sst s9;
	s0 =	simm.s32 @!p0 $0x0  }
0x12: {  	s1 =	sld [smem:$0x3F9E];
	s0 =	simm.s32 @p0 $0x1  }
0x13: {  	[smem:$0x3FB9] =	sst s0;
	s0 =	simm.s32 @!p1 $0x0  }
0x14: {  	s2 =	sld [smem:$0x3F9D];
	s0 =	simm.s32 @p1 $0x1  }
0x15: {  	[smem:$0x3FBA] =	sst s0;
	s0 =	simm.s32 @!p2 $0x0  }
0x16: {  	s3 =	sld [smem:$0x3FDB];
	s0 =	simm.s32 @p2 $0x1  }
0x17: {  	s4 =	simm.s32 $0x1BF5;
	[smem:$0x3FBC] =	sst s0  }
0x18: {  	s0 =	sld [smem:$0x3F9F];
	_ =	swait.ge [sflag:s4], $0x0  }
0x19: {  	s7 =	sld [smem:$0x3FA0]  }
0x1a: {  	s8 =	sadd.s32 $0xFFFFE003, lr  }
0x1b: {  	s9 =	sadd.s32 $0xFFFFFEF7, lr;
	s5 =	simm.s32 $0xFFFFFFFF;
	p2 =	slt.u32 s8, $0xFFFFF086  }
0x1c: {  	p1 =	slt.u32 s9, $0xF7A;
	s5 =	simm.s32 @!p2 $0x0  }
0x1d: {  	s5 =	simm.s32 @p1 $0x1;
	p0 =	seq.s32 s7, s2  }
0x1e: {  	s7 =	smul.u32 @!p0 $0xF7A, s2;
	p2 =	seq.s32 @!p0 s5, $0x0  }
0x1f: {  	s9 =	smul.u32 $0xF7A, s1;
	s8 =	simm.s32 @!p0 $0x1BF5;
	p2 =	por !p2, p0  }
0x20: {  	[sflag:s8] =	ssyncset.s32 @!p0 $0xFFFFF086;
	s6 =	sadd.s32 @!p0 s3, s7;
	s7 =	simm.s32 @!p0 $0x108  }
0x21: {  	s3 =	sadd.s32 s3, s9;
	s6 =	sadd.s32 @!p0 $0x88, s6;
	s7 =	simm.s32 @p2 $0x1082  }
0x22: {  	[simem:s7], [sflag:s8] =	dma.local @!p0 [hbm:s6], $0xF7A  }
0x23: {  	s9 =	sor.u32 $0xD0000000, s2;
	s6 =	simm.s32 $0x108;
	_ =	swait.ge @!p0 [sflag:s8], $0x0  }
0x24: {  	s3 =	sadd.s32 $0x88, s3;
	s6 =	simm.s32 @!p1 $0x1082;
	[sflag:s4] =	ssyncset.s32 $0xFFFFF086  }
0x25: {  	[simem:s6], [sflag:s4] =	dma.local [hbm:s3], $0xF7A  }
0x26: {  	[smem:$0x3FA0] =	sst s1;
	(tag) =	ssettag s2;
	_ =	strace s9  }
0x27: {  	s1 =	sld [smem:$0x3FB0]  }
0x28: {  	s2 =	sld [smem:$0x3FB1]  }
0x29: {  	s4 =	sld [smem:$0x3FB3]  }
0x2a: {  	p0 =	seq.s32 s5, $0x0;
	s5 =	sld [smem:$0x3FB4]  }
0x2b: {  	s6 =	sld [smem:$0x3FB5]  }
0x2c: {  	s7 =	sld [smem:$0x3FB6]  }
0x2d: {  	s3 =	simm.s32 $0x108;
	s8 =	sld [smem:$0x3FB7]  }
0x2e: {  	s3 =	simm.s32 @!p0 $0x1082;
	s9 =	sld [smem:$0x3FB8]  }
0x2f: {  	lr =	sadd.s32 s0, s3;
	s0 =	sld [smem:$0x3FAF]  }
0x30: {  	s3 =	sld [smem:$0x3FB2]  }
0x31: {  	[smem:$0x3FBB] =	sst s10  }
0x32: {  	s10 =	sld [smem:$0x3FB9];
	_ =	sdelay $0x3  }
0x33: {  	p0 =	seq.s32 s10, $0x1;
	s10 =	sld [smem:$0x3FBB];
	_ =	sdelay $0x3  }
0x34: {  	[smem:$0x3FBB] =	sst s10  }
0x35: {  	s10 =	sld [smem:$0x3FBA];
	_ =	sdelay $0x3  }
0x36: {  	p1 =	seq.s32 s10, $0x1;
	s10 =	sld [smem:$0x3FBB];
	_ =	sdelay $0x3  }
0x37: {  	[smem:$0x3FBB] =	sst s10  }
0x38: {  	s10 =	sld [smem:$0x3FBC]  }
0x39: {  	_ = 	snop;
	(pc) =	sbr.ind lr, $3  }
0x3a: {  	_ = 	snop  }
0x3b: {  	_ = 	snop  }
0x3c: {  	p2 =	seq.s32 s10, $0x1;
	s10 =	sld [smem:$0x3FBB]  }
0x3d: {  	_ =	shalt  }
0x3e: {  	_ =	shalt  }
0x3f: {  	_ =	shalt  }
0x40: {  	_ =	shalt  }
0x41: {  	_ =	shalt  }
0x42: {  	_ =	shalt  }
0x43: {  	_ =	shalt  }
0x44: {  	_ =	shalt  }
0x45: {  	_ =	shalt  }
0x46: {  	_ =	shalt  }
0x47: {  	_ =	shalt  }
0x48: {  	_ =	shalt  }
0x49: {  	_ =	shalt  }
0x4a: {  	_ =	shalt  }
0x4b: {  	_ =	shalt  }
0x4c: {  	_ =	shalt  }
0x4d: {  	_ =	shalt  }
0x4e: {  	_ =	shalt  }
0x4f: {  	_ =	shalt  }
0x50: {  	_ =	shalt  }
0x51: {  	_ =	shalt  }
0x52: {  	_ =	shalt  }
0x53: {  	_ =	shalt  }
0x54: {  	_ =	shalt  }
0x55: {  	_ =	shalt  }
0x56: {  	_ =	shalt  }
0x57: {  	_ =	shalt  }
0x58: {  	_ =	shalt  }
0x59: {  	_ =	shalt  }
0x5a: {  	_ =	shalt  }
0x5b: {  	_ =	shalt  }
0x5c: {  	_ =	shalt  }
0x5d: {  	_ =	shalt  }
0x5e: {  	_ =	shalt  }
0x5f: {  	_ =	shalt  }
0x60: {  	_ =	shalt  }
0x61: {  	_ =	shalt  }
0x62: {  	_ =	shalt  }
0x63: {  	_ =	shalt  }
0x64: {  	_ =	shalt  }
0x65: {  	_ =	shalt  }
0x66: {  	_ =	shalt  }
0x67: {  	_ =	shalt  }
0x68: {  	_ =	shalt  }
0x69: {  	_ =	shalt  }
0x6a: {  	_ =	shalt  }
0x6b: {  	_ =	shalt  }
0x6c: {  	_ =	shalt  }
0x6d: {  	_ =	shalt  }
0x6e: {  	_ =	shalt  }
0x6f: {  	_ =	shalt  }
0x70: {  	_ =	shalt  }
0x71: {  	_ =	shalt  }
0x72: {  	_ =	shalt  }
0x73: {  	_ =	shalt  }
0x74: {  	_ =	shalt  }
0x75: {  	_ =	shalt  }
0x76: {  	_ =	shalt  }
0x77: {  	_ =	shalt  }
0x78: {  	_ =	shalt  }
0x79: {  	_ =	shalt  }
0x7a: {  	_ =	shalt  }
0x7b: {  	_ =	shalt  }
0x7c: {  	_ =	shalt  }
0x7d: {  	_ =	shalt  }
0x7e: {  	_ =	shalt  }
0x7f: {  	_ =	shalt  }
0x80: {  	_ =	shalt  }
0x81: {  	_ =	shalt  }
0x82: {  	_ =	shalt  }
0x83: {  	_ =	shalt  }
0x84: {  	_ =	shalt  }
0x85: {  	_ =	shalt  }
0x86: {  	_ =	shalt  }
0x87: {  	_ =	shalt  }
.Lfunc_end0:
.L_simem_size_0:
called_computation.3_lowered:
.L_overlay_start_0:
0x88: {  	s2 =	sld [smem:$0x3FD9]  }
0x89: {  	s3 =	sld [smem:$0x3FFE];
	_ =	sdelay $0x1  }
0x8a: {  	s1 =	srdreg.scid  }
0x8b: {  	s0 =	sand.u32 $0x1, s1  }
0x8c: {  	s17 =	sshll.u32 s0, $0xA;
	s2 =	sadd.s32 s3, s2  }
0x8d: {  	s2 =	sadd.s32 s2, s17  }
0x8e: {  	[smem:$0x3FC7] =	sst s2  }
0x8f: {  	_ = 	snop  }
0x90: {  	s2 =	sld [smem:$0x3FD0];
	(tm) =	ssettm $0x1  }
0x91: {  	s18 =	sld [smem:$0x3FFB];
	_ =	sdelay $0x3  }
0x92: {  	_ =	strace s18  }
0x93: {  	s3 =	sld [smem:$0x3FFC];
	_ =	sdelay $0x3  }
0x94: {  	_ =	strace s3  }
0x95: {  	s3 =	sld [smem:$0x3FFD];
	_ =	sdelay $0x3  }
0x96: {  	_ =	strace s3  }
0x97: {  	_ =	strace $0x8FFFFFFF  }
0x98: {  	s19 =	sld [smem:$0x3FDB];
	_ =	sdelay $0x1  }
0x99: {  	s4 =	simm.s32 $_scs_section_size  }
0x9a: {  	s5 =	simm.s32 $_size__tile_overlayer_lowered;
	s6 =	simm.s32 $_tile_overlayer_lowered  }
0x9b: {  	s22 =	simm.s32 $0x1BFF;
	s21 =	sshll.u32 s6, $0x1;
	s3 =	sadd.s32 s4, s19  }
0x9c: {  	s7 =	simm.s32 $0x0;
	s20 =	sshll.u32 s5, $0x1;
	s5 =	sadd.s32 s21, s3  }
0x9d: {  	[timem:s7], [sflag:s22] =	dma.local [hbm:s5], s20  }
0x9e: {  	_ =	swait.ge [sflag:s22], s20  }
0x9f: {  	s4 =	ssub.s32 $0x0, s20;
	[sflag:s22] =	ssyncset.done $0x0  }
0xa0: {  	[sflag:s22] =	ssyncadd.s32 s4;
	_ =	sdelay $0x1  }
0xa1: {  	s23 =	simm.s32 $0x1B8B  }
0xa2: {  	_ =	swait.ge [sflag:s23], $0x1  }
0xa3: {  	[sflag:s23] =	ssyncset.done $0x0  }
0xa4: {  	s25 =	simm.s32 $0x1B8E;
	s24 =	sld [smem:$0x3FFE];
	[sflag:s23] =	ssyncadd.s32 $0xFFFFFFFF  }
0xa5: {  	s26 =	simm.s32 $execute0_lowered;
	[smem:$0x3FD2] =	sst s25  }
0xa6: {  	s5 =	sshll.u32 s26, $0x1;
	_ =	strace $0x80000052;
	[dreg:$0x1] =	wrdreg $0xFFFFFFFF  }
0xa7: {  	s28 =	simm.s32 $_size_execute0_lowered;
	s3 =	sadd.s32 s3, s5;
	[dreg:$0x0] =	wrdreg $0x0  }
0xa8: {  	s5 =	sshll.u32 s28, $0x1;
	[dreg:$0x2] =	wrdreg s3  }
0xa9: {  	[dreg:$0x3] =	wrdreg s5  }
0xaa: {  	[dreg:$0x4] =	wrdreg $0xC0  }
0xab: {  	_ =	task [dreg:s7], $0x5FFFF  }
0xac: {  	[dreg:$0x1] =	wrdreg $0xFFFFFFFF  }
0xad: {  	[dreg:$0x0] =	wrdreg $0x60  }
0xae: {  	[dreg:$0x2] =	wrdreg s24  }
0xaf: {  	[dreg:$0x3] =	wrdreg s2  }
0xb0: {  	[dreg:$0x4] =	wrdreg $0x9  }
0xb1: {  	_ =	task.clear_ibuf [dreg:s7], $0x5FFFF;
	_ =	strace $0x90000052  }
0xb2: {  	s29 =	simm.s32 $0x9;
	_ =	strace $0x80000054  }
0xb3: {  	_ =	swait.ge [sflag:s29], $0x1  }
0xb4: {  	[sflag:s29] =	ssyncadd.s32 $0xFFFFFFFF  }
0xb5: {  	_ =	strace $0x90000054  }
0xb6: {  	_ =	sfence  }
0xb7: {  	s30 =	sld [smem:$0x0];
	_ =	sdelay $0x2  }
0xb8: {  	s31 =	sshll.u32 s1, $0xD;
	s1 =	sshrl.u32 s1, $0x2  }
0xb9: {  	s3 =	sand.u32 $0x4000, s31;
	s1 =	sadd.s32 s1, s30  }
0xba: {  	s0 =	sor.u32 s3, s0;
	s1 =	sshll.u32 s1, $0x11  }
0xbb: {  	s0 =	sor.u32 s1, s0  }
0xbc: {  	s0 =	sadd.s32 $0x8F2B, s0  }
0xbd: {  	[sflag:s0] =	ssyncadd.remote.s32 $0x1  }
0xbe: {  	_ =	sfence.sel $0xFFFF  }
0xbf: {  	[dreg:$0x0] =	wrdreg $0xFFFFFFFF;
	(pc) =	sbr.abs _section_cstart, $3  }
0xc0: {  	[dreg:$0x1] =	wrdreg $0xFFFFFFFF  }
0xc1: {  	_ =	task.clear_ibuf [dreg:s7], $0x2FFFF;
	_ =	strace $0x9FFFFFFF  }
0xc2: {  	(tm) =	ssettm $0x7FFFFFFF  }
0xc3: {  	_ =	shalt  }
tec
execute0_lowered:
.L_overlay_start_1:
0x0: {  	(tag) =	ssettag $0x1  }
0x1: {  	s2 =	rddreg [dreg:$0x0]  }
0x2: {  	s0 =	stileid.u32;
	s1 =	srdreg.scid  }
0x3: {  	s3 =	rddreg [dreg:$0x1];
	s8 =	simm.s32 $0x1;
	s9 =	simm.s32 $0x3  }
0x4: {  	s10 =	simm.s32 $0x0;
	s4 =	sand.u32 $0x1, s1;
	s5 =	sshll.u32 s0, $0x1  }
0x5: {  	s13 =	simm.s32 $0x0;
	s12 =	simm.s32 $0x0;
	s6 =	sor.u32 s5, s4  }
0x6: {  	s1 =	rddreg [dreg:$0x2];
	_ =	strace $0x80000053;
	s4 =	smul.u32 $0x50, s6  }
0x7: {  	s5 =	simm.s32 $0x1;
	p0 =	slt.u32 s6, $0x13;
	s6 =	simm.s32 $0xA00  }
.Ltmp0:
0x8: {  	s6 =	simm.s32 @!p0 $0x0;
	s7 =	ssub.s32 $0xFA0, s4;
	(pc) =	sbr.rel .LBB2_1-.Ltmp0, $4  }
0x9: {  	s8 =	simm.s32 @!p0 $0x0;
	p0 =	sne.s32 s7, s6;
	s7 =	simm.s32 $0x1  }
0xa: {  	[sflag:s5] =	ssyncpa.u1 $0x0;
	s6 =	simm.s32 $0x2;
	s7 =	simm.s32 @!p0 $0x0  }
0xb: {  	s11 =	smov.u32 s4;
	[sflag:s6] =	ssyncpa.u1 $0x0;
	s7 =	sadd.s32 s8, s7  }
0xc: {  	vm0 =	vmmov $0xffff;
	s8 =	sadd.s32 $0x5000, s2;
	[sflag:s9] =	ssyncpa.u1 $0x0;
	s9 =	sadd.s32 $0x1, s7  }
.LBB2_4:
0xd: {  	vm1 =	veq.s32 v4, $0x80000000;
	v56 =	vand.u32 $0x3, v4;
	v6 =	vand.u32 $0x7FFF, v6  }
0xe: {  	v2 =	vor.u32 v2, v5;
	v59 =	vshrl.u32 v1, $0x2;
	v60 =	vand.u32 $0x3, v1  }
0xf: {  	v4 =	vsel vm1, $0xFFFFFFFF, v56;
	v6 =	vsel vm1, $0xFFFFFFFF, v6;
	v2 =	vor.u32 v3, v2  }
0x10: {  	vm1 =	veq.s32 v1, $0x80000000;
	v5 =	vand.u32 $0x7FFF, v59;
	v7 =	vshrl.u32 v4, $0x2  }
0x11: {  	v57 =	vshll.u32 v6, $0x2;
	v4 =	vshll.u32 v4, $0x7;
	v1 =	vsel vm1, $0xFFFFFFFF, v60  }
0x12: {  	v5 =	vsel vm1, $0xFFFFFFFF, v5;
	v6 =	vand.u32 $0x7F, v6;
	v7 =	vmul.u32 $0x14000, v7  }
0x13: {  	v58 =	vand.u32 $0xFFFFFE00, v57;
	v4 =	vand.u32 $0x180, v4;
	v61 =	vshrl.u32 v1, $0x2  }
0x14: {  	v62 =	vshll.u32 v5, $0x2;
	v3 =	vadd.s32 v7, v58;
	v7 =	vmul.u32 $0x14000, v61  }
0x15: {  	v1 =	vshll.u32 v1, $0x7;
	v3 =	vor.u32 v4, v3;
	v4 =	vand.u32 $0xFFFFFE00, v62  }
0x16: {  	v1 =	vand.u32 $0x180, v1;
	v3 =	vor.u32 v6, v3;
	v4 =	vadd.s32 v7, v4  }
0x17: {  	[tilespmem:s16], [sflag:$0x1] =	stream.indirect_vreg.gather [hbm4b:s8+s10], $0x1, v0, vm0, $0x4038;
	v63 =	vand.u32 $0x7F, v5;
	v1 =	vor.u32 v1, v4;
	[tilespmem:$0x140] =	vst v63  }
0x18: {  	s15 =	sadd.s32 $0x10, s15;
	(ifvalue) =	ssetifvalue $0x7FFFFFFF;
	v0 =	vor.u32 v63, v1  }
0x19: {  	[tilespmem:s15], [sflag:$0x1] =	stream.indirect_vreg.gather [hbm4b:s8+s10], $0x1, v2, vm0, $0x4038;
	[tilespmem:$0x140] =	vst v63  }
0x1a: {  	s15 =	sadd.s32 $0x10, s15;
	(ifvalue) =	ssetifvalue $0x7FFFFFFF  }
0x1b: {  	[tilespmem:s15], [sflag:$0x1] =	stream.indirect_vreg.gather [hbm4b:s8+s10], $0x1, v3, vm0, $0x4038;
	[tilespmem:$0x140] =	vst v63  }
0x1c: {  	s15 =	sadd.s32 $0x10, s15;
	(ifvalue) =	ssetifvalue $0x7FFFFFFF  }
0x1d: {  	[tilespmem:s15], [sflag:$0x1] =	stream.indirect_vreg.gather [hbm4b:s8+s10], $0x1, v0, vm0, $0x4038;
	[tilespmem:$0x140] =	vst v63  }
0x1e: {  	_ =	swait.ge [sflag:s5], $0x50  }
0x1f: {  	s30 =	sshrl.u32 s13, $0x3;
	[sflag:s5] =	ssyncset.done $0x0  }
0x20: {  	s31 =	sand.u32 $0x7, s13;
	s15 =	sadd.s32 s2, s30;
	[sflag:s5] =	ssyncadd.s32 $0xFFFFFFB0  }
0x21: {  	[hbm4b:s15+s31] =	stream.linear.scatter [tilespmem:s14], [sflag:$0x3], $0x50, $0x38;
	[tilespmem:$0x140] =	vst v63  }
.LBB2_5:
0x22: {  	s15 =	sadd.s32 $0xA00, s11  }
0x23: {  	p1 =	sgt.s32 s15, $0xF9F  }
0x24: {  	s15 =	smov.u32 @p1 s4;
	p1 =	sne.s32 s12, s9  }
.Ltmp1:
0x25: {  	p0 =	slt.u32 s12, $0x2;
	(pc) =	sbr.rel @!p1 .LBB2_6-.Ltmp1, $4  }
0x26: {  	s14 =	simm.s32 @!p0 $0x3  }
0x27: {  	_ =	swait.ge @!p0 [sflag:s14], $0x50  }
0x28: {  	s16 =	sadd.s32 $0x1, s12;
	s13 =	smov.u32 s11;
	[sflag:s14] =	ssyncset.done @!p0 $0x0  }
0x29: {  	s12 =	smov.u32 s16;
	s11 =	smov.u32 s15;
	[sflag:s14] =	ssyncadd.s32 @!p0 $0xFFFFFFB0  }
.LBB2_1:
0x2a: {  	p0 =	sge.u32 s12, s7  }
0x2b: {  	s14 =	sxor.u32 @!p0 $0x1, s12  }
0x2c: {  	s14 =	smul.u32 @!p0 $0x140, s14  }
0x2d: {  	s31 =	sadd.s32 $0xFFFFFFFF, s12;
	s15 =	sshrl.u32 @!p0 s11, $0x3  }
0x2e: {  	s16 =	sand.u32 @!p0 $0x7, s11;
	s15 =	sadd.s32 @!p0 s3, s15;
	s14 =	sshra.s32 @!p0 s14, $0x2  }
0x2f: {  	[tilespmem:s14], [sflag:$0x2] =	stream.linear.gather @!p0 [hbm4b:s15+s16], $0x50, $0x38;
	[tilespmem:$0x140] =	vst v63  }
0x30: {  	p0 =	sge.u32 s31, s7  }
.Ltmp2:
0x31: {  	_ = 	snop;
	(pc) =	sbr.rel @p0 .LBB2_5-.Ltmp2, $1  }
0x32: {  	_ =	sdelay $0x3  }
0x33: {  	s14 =	sand.u32 $0x1, s12  }
0x34: {  	_ =	swait.ge [sflag:s6], $0x50;
	p0 =	seq.s32 s14, $0x1;
	s14 =	simm.s32 $0x50  }
0x35: {  	[sflag:s6] =	ssyncset.done $0x0;
	s14 =	simm.s32 @!p0 $0x0  }
0x36: {  	[sflag:s6] =	ssyncadd.s32 $0xFFFFFFB0;
	(ifvalue) =	ssetifvalue $0x7FFFFFFF;
	v0 =	vld.msk [tilespmem:s14+$0x0 ss:$0x1], $0xffff  }
0x37: {  	s15 =	sadd.s32 $0x10, s14  }
0x38: {  	v1 =	vld.msk [tilespmem:s15+$0x0 ss:$0x1], $0xffff;
	_ =	sdelay $0x2  }
0x39: {  	v2 =	vshrl.u32 v0, $0x2  }
0x3a: {  	vm1 =	veq.s32 v0, $0x80000000;
	v0 =	vand.u32 $0x3, v0;
	v2 =	vand.u32 $0x7FFF, v2  }
0x3b: {  	v0 =	vsel vm1, $0xFFFFFFFF, v0;
	v6 =	vshrl.u32 v1, $0x2;
	v2 =	vsel vm1, $0xFFFFFFFF, v2  }
0x3c: {  	v3 =	vshrl.u32 v0, $0x2;
	v0 =	vshll.u32 v0, $0x7;
	vm1 =	veq.s32 v1, $0x80000000  }
0x3d: {  	s15 =	sadd.s32 $0x10, s15;
	v1 =	vand.u32 $0x3, v1;
	v4 =	vshll.u32 v2, $0x2;
	v3 =	vmul.u32 $0x14000, v3  }
0x3e: {  	v0 =	vand.u32 $0x180, v0;
	v7 =	vand.u32 $0x7F, v2;
	v5 =	vand.u32 $0xFFFFFE00, v4;
	v4 =	vld.msk [tilespmem:s15+$0x0 ss:$0x1], $0xffff  }
0x3f: {  	v1 =	vsel vm1, $0xFFFFFFFF, v1;
	v2 =	vadd.s32 v3, v5;
	v3 =	vand.u32 $0x7FFF, v6  }
0x40: {  	v3 =	vsel vm1, $0xFFFFFFFF, v3;
	v0 =	vor.u32 v0, v2;
	v2 =	vshrl.u32 v1, $0x2  }
0x41: {  	v1 =	vshll.u32 v1, $0x7;
	v5 =	vshll.u32 v3, $0x2;
	v8 =	vmul.u32 $0x14000, v2  }
0x42: {  	s18 =	simm.s32 $0x30;
	s14 =	sor.u32 $0xA0, s14;
	s17 =	sadd.s32 $0x10, s15;
	v2 =	vand.u32 $0x180, v1;
	v0 =	vor.u32 v7, v0;
	v5 =	vand.u32 $0xFFFFFE00, v5  }
0x43: {  	s16 =	smov.u32 s14;
	s15 =	smov.u32 s14;
	v1 =	vld.msk [tilespmem:s17+$0x0 ss:$0x1], $0xffff;
	v3 =	vand.u32 $0x7F, v3;
	(ifvalue) =	ssetifvalue $0x7FFFFFFF;
	v6 =	vshrl.u32 v4, $0x2;
	v5 =	vadd.s32 v8, v5  }
.LBB2_3:
0x44: {  	s18 =	sadd.s32 $0x10, s18  }
0x45: {  	vm1 =	veq.s32 v4, $0x80000000;
	v4 =	vand.u32 $0x3, v4;
	v6 =	vand.u32 $0x7FFF, v6;
	s15 =	sadd.s32 $0x10, s15;
	p0 =	slt.u32 s18, $0x40  }
.Ltmp3:
0x46: {  	v5 =	vor.u32 v2, v5;
	v4 =	vsel vm1, $0xFFFFFFFF, v4;
	v7 =	vsel vm1, $0xFFFFFFFF, v6;
	(pc) =	sbr.rel @p0 .LBB2_3-.Ltmp3, $4  }
0x47: {  	v2 =	vshrl.u32 v4, $0x2;
	v6 =	vshll.u32 v7, $0x2;
	v4 =	vshll.u32 v4, $0x7;
	[tilespmem:s16], [sflag:$0x1] =	stream.indirect_vreg.gather [hbm4b:s8+s10], $0x1, v0, vm0, $0x4038;
	[tilespmem:$0x140] =	vst v63  }
0x48: {  	v0 =	vor.u32 v3, v5;
	s16 =	smov.u32 s15;
	v8 =	vmul.u32 $0x14000, v2;
	v2 =	vand.u32 $0x180, v4  }
0x49: {  	s17 =	sadd.s32 $0x10, s17;
	v9 =	vand.u32 $0xFFFFFE00, v6  }
0x4a: {  	v3 =	vand.u32 $0x7F, v7;
	v6 =	vshrl.u32 v1, $0x2;
	v5 =	vadd.s32 v8, v9;
	(ifvalue) =	ssetifvalue $0x7FFFFFFF;
	v4 =	vmovc v1;
	v1 =	vld.msk [tilespmem:s17+$0x0 ss:$0x1], $0xffff  }
.Ltmp4:
0x4b: {  	_ = 	snop;
	(pc) =	sbr.rel .LBB2_4-.Ltmp4, $1  }
0x4c: {  	_ =	sdelay $0x3  }
.LBB2_6:
0x4d: {  	_ =	sfence.sel $0x180000  }
0x4e: {  	s2 =	simm.s32 $0x2;
	[bflag:$0x0] =	sbarrier.arrive $0xFFFF  }
0x4f: {  	s30 =	simm.s32 $0x3;
	[sflag:s2] =	ssyncpa.u1 $0x1  }
0x50: {  	s31 =	simm.s32 $0x1;
	[sflag:s30] =	ssyncpa.u1 $0x1  }
0x51: {  	[sflag:s31] =	ssyncpa.u1 $0x1  }
0x52: {  	p0 =	sne.s32 s0, $0x0;
	_ =	strace $0x90000053  }
0x53: {  	s0 =	sadd.s32 @!p0 $0x100000, s1;
	[bflag:$0x2] =	sbarrier.arrive $0xFFFF  }
0x54: {  	[sflag:s0] =	ssyncadd.tile.s32 @!p0 $0x1;
	_ =	shalt  }
.Lfunc_end2:
_tile_overlayer_lowered:
.L_overlay_start_2:
0x55: {  	(tag) =	ssettag $0x2  }
0x56: {  	s0 =	rddreg [dreg:$0x0];
	s2 =	stileid.u32  }
0x57: {  	s1 =	rddreg [dreg:$0x1];
	p0 =	sne.s32 s2, $0x0  }
0x58: {  	s3 =	rddreg [dreg:$0x2];
	[bflag:$0x3] =	sbarrier.arrive $0xFFFF;
	s2 =	simm.s32 @!p0 $0x1C01  }
0x59: {  	[timem:s3], [sflag:s2] =	dma.local @!p0 [hbm:s0], s1  }
0x5a: {  	s0 =	simm.s32 @!p0 $0x1  }
0x5b: {  	_ =	swait.ge @!p0 [sflag:s0], s1  }
0x5c: {  	s1 =	ssub.s32 @!p0 $0x0, s1;
	[sflag:s0] =	ssyncset.done @!p0 $0x0  }
0x5d: {  	[sflag:s0] =	ssyncadd.s32 @!p0 s1  }
0x5e: {  	[bflag:$0x3] =	sbarrier.arrive $0xFFFF  }
0x5f: {  	_ =	shalt  }

// kernel: gather_offload_async_start.4
scs
__scs_entry_jumppad:
0x0: {  	(pc) =	sbr.rel $0x88, $3  }
0x1: {  	(tag) =	ssettag $0x0;
	lr =	simm.s32 $0x1  }
0x2: {  	[smem:$0x3FA0] =	sst lr;
	_ =	strace $0xD0000000  }
0x3: {  	_ = 	snop  }
0x4: {  	_ = 	snop  }
0x5: {  	_ = 	snop  }
0x6: {  	_ = 	snop  }
0x7: {  	_ = 	snop  }
__scs_overlays_trampoline_lowered:
0x8: {  	[smem:$0x3FAF] =	sst s0  }
0x9: {  	[smem:$0x3FB0] =	sst s1  }
0xa: {  	[smem:$0x3FB1] =	sst s2  }
0xb: {  	[smem:$0x3FB2] =	sst s3  }
0xc: {  	[smem:$0x3FB3] =	sst s4  }
0xd: {  	[smem:$0x3FB4] =	sst s5  }
0xe: {  	[smem:$0x3FB5] =	sst s6  }
0xf: {  	[smem:$0x3FB6] =	sst s7  }
0x10: {  	[smem:$0x3FB7] =	sst s8  }
0x11: {  	[smem:$0x3FB8] =	sst s9;
	s0 =	simm.s32 @!p0 $0x0  }
0x12: {  	s1 =	sld [smem:$0x3F9E];
	s0 =	simm.s32 @p0 $0x1  }
0x13: {  	[smem:$0x3FB9] =	sst s0;
	s0 =	simm.s32 @!p1 $0x0  }
0x14: {  	s2 =	sld [smem:$0x3F9D];
	s0 =	simm.s32 @p1 $0x1  }
0x15: {  	[smem:$0x3FBA] =	sst s0;
	s0 =	simm.s32 @!p2 $0x0  }
0x16: {  	s3 =	sld [smem:$0x3FDB];
	s0 =	simm.s32 @p2 $0x1  }
0x17: {  	s4 =	simm.s32 $0x1BF5;
	[smem:$0x3FBC] =	sst s0  }
0x18: {  	s0 =	sld [smem:$0x3F9F];
	_ =	swait.ge [sflag:s4], $0x0  }
0x19: {  	s7 =	sld [smem:$0x3FA0]  }
0x1a: {  	s8 =	sadd.s32 $0xFFFFE003, lr  }
0x1b: {  	s9 =	sadd.s32 $0xFFFFFEF7, lr;
	s5 =	simm.s32 $0xFFFFFFFF;
	p2 =	slt.u32 s8, $0xFFFFF086  }
0x1c: {  	p1 =	slt.u32 s9, $0xF7A;
	s5 =	simm.s32 @!p2 $0x0  }
0x1d: {  	s5 =	simm.s32 @p1 $0x1;
	p0 =	seq.s32 s7, s2  }
0x1e: {  	s7 =	smul.u32 @!p0 $0xF7A, s2;
	p2 =	seq.s32 @!p0 s5, $0x0  }
0x1f: {  	s9 =	smul.u32 $0xF7A, s1;
	s8 =	simm.s32 @!p0 $0x1BF5;
	p2 =	por !p2, p0  }
0x20: {  	[sflag:s8] =	ssyncset.s32 @!p0 $0xFFFFF086;
	s6 =	sadd.s32 @!p0 s3, s7;
	s7 =	simm.s32 @!p0 $0x108  }
0x21: {  	s3 =	sadd.s32 s3, s9;
	s6 =	sadd.s32 @!p0 $0x88, s6;
	s7 =	simm.s32 @p2 $0x1082  }
0x22: {  	[simem:s7], [sflag:s8] =	dma.local @!p0 [hbm:s6], $0xF7A  }
0x23: {  	s9 =	sor.u32 $0xD0000000, s2;
	s6 =	simm.s32 $0x108;
	_ =	swait.ge @!p0 [sflag:s8], $0x0  }
0x24: {  	s3 =	sadd.s32 $0x88, s3;
	s6 =	simm.s32 @!p1 $0x1082;
	[sflag:s4] =	ssyncset.s32 $0xFFFFF086  }
0x25: {  	[simem:s6], [sflag:s4] =	dma.local [hbm:s3], $0xF7A  }
0x26: {  	[smem:$0x3FA0] =	sst s1;
	(tag) =	ssettag s2;
	_ =	strace s9  }
0x27: {  	s1 =	sld [smem:$0x3FB0]  }
0x28: {  	s2 =	sld [smem:$0x3FB1]  }
0x29: {  	s4 =	sld [smem:$0x3FB3]  }
0x2a: {  	p0 =	seq.s32 s5, $0x0;
	s5 =	sld [smem:$0x3FB4]  }
0x2b: {  	s6 =	sld [smem:$0x3FB5]  }
0x2c: {  	s7 =	sld [smem:$0x3FB6]  }
0x2d: {  	s3 =	simm.s32 $0x108;
	s8 =	sld [smem:$0x3FB7]  }
0x2e: {  	s3 =	simm.s32 @!p0 $0x1082;
	s9 =	sld [smem:$0x3FB8]  }
0x2f: {  	lr =	sadd.s32 s0, s3;
	s0 =	sld [smem:$0x3FAF]  }
0x30: {  	s3 =	sld [smem:$0x3FB2]  }
0x31: {  	[smem:$0x3FBB] =	sst s10  }
0x32: {  	s10 =	sld [smem:$0x3FB9];
	_ =	sdelay $0x3  }
0x33: {  	p0 =	seq.s32 s10, $0x1;
	s10 =	sld [smem:$0x3FBB];
	_ =	sdelay $0x3  }
0x34: {  	[smem:$0x3FBB] =	sst s10  }
0x35: {  	s10 =	sld [smem:$0x3FBA];
	_ =	sdelay $0x3  }
0x36: {  	p1 =	seq.s32 s10, $0x1;
	s10 =	sld [smem:$0x3FBB];
	_ =	sdelay $0x3  }
0x37: {  	[smem:$0x3FBB] =	sst s10  }
0x38: {  	s10 =	sld [smem:$0x3FBC]  }
0x39: {  	_ = 	snop;
	(pc) =	sbr.ind lr, $3  }
0x3a: {  	_ = 	snop  }
0x3b: {  	_ = 	snop  }
0x3c: {  	p2 =	seq.s32 s10, $0x1;
	s10 =	sld [smem:$0x3FBB]  }
0x3d: {  	_ =	shalt  }
0x3e: {  	_ =	shalt  }
0x3f: {  	_ =	shalt  }
0x40: {  	_ =	shalt  }
0x41: {  	_ =	shalt  }
0x42: {  	_ =	shalt  }
0x43: {  	_ =	shalt  }
0x44: {  	_ =	shalt  }
0x45: {  	_ =	shalt  }
0x46: {  	_ =	shalt  }
0x47: {  	_ =	shalt  }
0x48: {  	_ =	shalt  }
0x49: {  	_ =	shalt  }
0x4a: {  	_ =	shalt  }
0x4b: {  	_ =	shalt  }
0x4c: {  	_ =	shalt  }
0x4d: {  	_ =	shalt  }
0x4e: {  	_ =	shalt  }
0x4f: {  	_ =	shalt  }
0x50: {  	_ =	shalt  }
0x51: {  	_ =	shalt  }
0x52: {  	_ =	shalt  }
0x53: {  	_ =	shalt  }
0x54: {  	_ =	shalt  }
0x55: {  	_ =	shalt  }
0x56: {  	_ =	shalt  }
0x57: {  	_ =	shalt  }
0x58: {  	_ =	shalt  }
0x59: {  	_ =	shalt  }
0x5a: {  	_ =	shalt  }
0x5b: {  	_ =	shalt  }
0x5c: {  	_ =	shalt  }
0x5d: {  	_ =	shalt  }
0x5e: {  	_ =	shalt  }
0x5f: {  	_ =	shalt  }
0x60: {  	_ =	shalt  }
0x61: {  	_ =	shalt  }
0x62: {  	_ =	shalt  }
0x63: {  	_ =	shalt  }
0x64: {  	_ =	shalt  }
0x65: {  	_ =	shalt  }
0x66: {  	_ =	shalt  }
0x67: {  	_ =	shalt  }
0x68: {  	_ =	shalt  }
0x69: {  	_ =	shalt  }
0x6a: {  	_ =	shalt  }
0x6b: {  	_ =	shalt  }
0x6c: {  	_ =	shalt  }
0x6d: {  	_ =	shalt  }
0x6e: {  	_ =	shalt  }
0x6f: {  	_ =	shalt  }
0x70: {  	_ =	shalt  }
0x71: {  	_ =	shalt  }
0x72: {  	_ =	shalt  }
0x73: {  	_ =	shalt  }
0x74: {  	_ =	shalt  }
0x75: {  	_ =	shalt  }
0x76: {  	_ =	shalt  }
0x77: {  	_ =	shalt  }
0x78: {  	_ =	shalt  }
0x79: {  	_ =	shalt  }
0x7a: {  	_ =	shalt  }
0x7b: {  	_ =	shalt  }
0x7c: {  	_ =	shalt  }
0x7d: {  	_ =	shalt  }
0x7e: {  	_ =	shalt  }
0x7f: {  	_ =	shalt  }
0x80: {  	_ =	shalt  }
0x81: {  	_ =	shalt  }
0x82: {  	_ =	shalt  }
0x83: {  	_ =	shalt  }
0x84: {  	_ =	shalt  }
0x85: {  	_ =	shalt  }
0x86: {  	_ =	shalt  }
0x87: {  	_ =	shalt  }
.Lfunc_end0:
.L_simem_size_0:
called_computation.4_lowered:
.L_overlay_start_0:
0x88: {  	s2 =	sld [smem:$0x3FD9]  }
0x89: {  	s3 =	sld [smem:$0x3FFE];
	_ =	sdelay $0x1  }
0x8a: {  	s1 =	srdreg.scid  }
0x8b: {  	s0 =	sand.u32 $0x1, s1  }
0x8c: {  	s17 =	sshll.u32 s0, $0xA;
	s2 =	sadd.s32 s3, s2  }
0x8d: {  	s2 =	sadd.s32 s2, s17  }
0x8e: {  	[smem:$0x3FC7] =	sst s2  }
0x8f: {  	_ = 	snop  }
0x90: {  	s18 =	sld [smem:$0x3FD0];
	(tm) =	ssettm $0x1  }
0x91: {  	s19 =	sld [smem:$0x3FFB];
	_ =	sdelay $0x3  }
0x92: {  	_ =	strace s19  }
0x93: {  	s2 =	sld [smem:$0x3FFC];
	_ =	sdelay $0x3  }
0x94: {  	_ =	strace s2  }
0x95: {  	s2 =	sld [smem:$0x3FFD];
	_ =	sdelay $0x3  }
0x96: {  	_ =	strace s2  }
0x97: {  	_ =	strace $0x8FFFFFFF  }
0x98: {  	s20 =	sld [smem:$0x3FDB];
	_ =	sdelay $0x1  }
0x99: {  	s4 =	simm.s32 $_scs_section_size  }
0x9a: {  	s5 =	simm.s32 $_size__tile_overlayer_lowered;
	s6 =	simm.s32 $_tile_overlayer_lowered  }
0x9b: {  	s7 =	simm.s32 $0x1BFF;
	s21 =	sshll.u32 s6, $0x1;
	s4 =	sadd.s32 s4, s20  }
0x9c: {  	s22 =	simm.s32 $0x0;
	s5 =	sshll.u32 s5, $0x1;
	s6 =	sadd.s32 s21, s4  }
0x9d: {  	[timem:s22], [sflag:s7] =	dma.local [hbm:s6], s5  }
0x9e: {  	_ =	swait.ge [sflag:s7], s5  }
0x9f: {  	s5 =	ssub.s32 $0x0, s5;
	[sflag:s7] =	ssyncset.done $0x0  }
0xa0: {  	[sflag:s7] =	ssyncadd.s32 s5;
	_ =	sdelay $0x1  }
0xa1: {  	s23 =	simm.s32 $0x1B8B  }
0xa2: {  	_ =	swait.ge [sflag:s23], $0x1  }
0xa3: {  	[sflag:s23] =	ssyncset.done $0x0  }
0xa4: {  	[sflag:s23] =	ssyncadd.s32 $0xFFFFFFFF  }
0xa5: {  	s5 =	sld [smem:$0x0]  }
0xa6: {  	s6 =	sand.u32 $0xFFFFFFFE, s1  }
0xa7: {  	p0 =	sne.s32 s1, s6  }
0xa8: {  	s6 =	sshll.u32 @p0 s6, $0xE  }
0xa9: {  	s6 =	sadd.s32 @p0 $0x11B8D, s6;
	s7 =	sshll.u32 @p0 s5, $0x11  }
0xaa: {  	s6 =	sor.u32 @p0 s7, s6  }
0xab: {  	[sflag:s6] =	ssyncadd.remote.s32 @p0 $0x1;
	_ =	sdelay $0x1  }
0xac: {  	s6 =	simm.s32 @p0 $0x1B8D  }
0xad: {  	_ =	swait.eq @p0 [sflag:s6], $0x1  }
0xae: {  	[sflag:s6] =	ssyncadd.s32 @p0 $0xFFFFFFFF  }
0xaf: {  	s7 =	sshll.u32 @!p0 s1, $0xE  }
0xb0: {  	s7 =	sor.u32 @!p0 $0x4000, s7;
	s6 =	simm.s32 @!p0 $0x1B8D  }
0xb1: {  	s5 =	sshll.u32 @!p0 s5, $0x11;
	s7 =	sadd.s32 @!p0 $0x11B8D, s7;
	_ =	swait.eq @!p0 [sflag:s6], $0x1  }
0xb2: {  	s5 =	sor.u32 @!p0 s5, s7;
	[sflag:s6] =	ssyncadd.s32 @!p0 $0xFFFFFFFF  }
0xb3: {  	s25 =	simm.s32 $0x1B8E;
	s24 =	sld [smem:$0x3FFE];
	[sflag:s5] =	ssyncadd.remote.s32 @!p0 $0x1  }
0xb4: {  	s26 =	simm.s32 $execute0_lowered;
	[smem:$0x3FD2] =	sst s25  }
0xb5: {  	s6 =	sshll.u32 s26, $0x1;
	_ =	strace $0x80000055;
	[dreg:$0x1] =	wrdreg $0xFFFFFFFF  }
0xb6: {  	s28 =	simm.s32 $_size_execute0_lowered;
	s4 =	sadd.s32 s4, s6;
	[dreg:$0x0] =	wrdreg $0x0  }
0xb7: {  	s6 =	sshll.u32 s28, $0x1;
	[dreg:$0x2] =	wrdreg s4  }
0xb8: {  	[dreg:$0x3] =	wrdreg s6  }
0xb9: {  	[dreg:$0x4] =	wrdreg $0xC0  }
0xba: {  	_ =	task [dreg:s22], $0x5FFFF  }
0xbb: {  	[dreg:$0x1] =	wrdreg $0xFFFFFFFF  }
0xbc: {  	[dreg:$0x0] =	wrdreg $0x60  }
0xbd: {  	[dreg:$0x2] =	wrdreg s24  }
0xbe: {  	[dreg:$0x3] =	wrdreg s18  }
0xbf: {  	[dreg:$0x4] =	wrdreg $0xA  }
0xc0: {  	_ =	task.clear_ibuf [dreg:s22], $0x5FFFF;
	_ =	strace $0x90000055  }
0xc1: {  	s29 =	simm.s32 $0xA;
	_ =	strace $0x80000057  }
0xc2: {  	_ =	swait.ge [sflag:s29], $0x1  }
0xc3: {  	[sflag:s29] =	ssyncadd.s32 $0xFFFFFFFF  }
0xc4: {  	_ =	strace $0x90000057  }
0xc5: {  	_ =	sfence  }
0xc6: {  	s30 =	sld [smem:$0x0];
	_ =	sdelay $0x2  }
0xc7: {  	s31 =	sshll.u32 s1, $0xD;
	s1 =	sshrl.u32 s1, $0x2  }
0xc8: {  	s4 =	sand.u32 $0x4000, s31;
	s1 =	sadd.s32 s1, s30  }
0xc9: {  	s0 =	sor.u32 s4, s0;
	s1 =	sshll.u32 s1, $0x11  }
0xca: {  	s0 =	sor.u32 s1, s0  }
0xcb: {  	s0 =	sadd.s32 $0x8F2B, s0  }
0xcc: {  	[sflag:s0] =	ssyncadd.remote.s32 $0x1  }
0xcd: {  	_ =	sfence.sel $0xFFFF  }
0xce: {  	[dreg:$0x0] =	wrdreg $0xFFFFFFFF;
	(pc) =	sbr.abs _section_cstart, $3  }
0xcf: {  	[dreg:$0x1] =	wrdreg $0xFFFFFFFF  }
0xd0: {  	_ =	task.clear_ibuf [dreg:s22], $0x2FFFF;
	_ =	strace $0x9FFFFFFF  }
0xd1: {  	(tm) =	ssettm $0x7FFFFFFF  }
tec
execute0_lowered:
.L_overlay_start_1:
0x0: {  	(tag) =	ssettag $0x1  }
0x1: {  	s8 =	rddreg [dreg:$0x0];
	s0 =	stileid.u32  }
0x2: {  	s1 =	srdreg.scid;
	s2 =	rddreg [dreg:$0x1]  }
0x3: {  	s5 =	simm.s32 $0x1;
	s9 =	simm.s32 $0x1;
	s10 =	simm.s32 $0x3  }
0x4: {  	s13 =	simm.s32 $0x0;
	s3 =	sand.u32 $0x1, s1;
	s4 =	sshll.u32 s0, $0x1  }
0x5: {  	s12 =	simm.s32 $0x0;
	s1 =	rddreg [dreg:$0x2];
	s6 =	sor.u32 s4, s3  }
0x6: {  	_ =	strace $0x80000056;
	s3 =	sadd.s32 $0x7800, s8;
	s4 =	smul.u32 $0x50, s6  }
0x7: {  	[sflag:s5] =	ssyncpa.u1 $0x0;
	p0 =	slt.u32 s6, $0x13;
	s6 =	simm.s32 $0xA00  }
.Ltmp0:
0x8: {  	s6 =	simm.s32 @!p0 $0x0;
	s7 =	ssub.s32 $0xFA0, s4;
	(pc) =	sbr.rel .LBB2_1-.Ltmp0, $4  }
0x9: {  	s9 =	simm.s32 @!p0 $0x0;
	p0 =	sne.s32 s7, s6;
	s7 =	simm.s32 $0x1  }
0xa: {  	s8 =	sadd.s32 $0x200, s8;
	s6 =	simm.s32 $0x2;
	s7 =	simm.s32 @!p0 $0x0  }
0xb: {  	s11 =	smov.u32 s4;
	[sflag:s6] =	ssyncpa.u1 $0x0;
	s7 =	sadd.s32 s9, s7  }
0xc: {  	vm0 =	vmmov $0xffff;
	[sflag:s10] =	ssyncpa.u1 $0x0;
	s10 =	simm.s32 $0x0;
	s9 =	sadd.s32 $0x1, s7  }
.LBB2_4:
0xd: {  	vm1 =	veq.s32 v4, $0x80000000;
	v56 =	vand.u32 $0x3, v4;
	v6 =	vand.u32 $0x7FFF, v6  }
0xe: {  	v2 =	vor.u32 v2, v5;
	v59 =	vshrl.u32 v1, $0x2;
	v60 =	vand.u32 $0x3, v1  }
0xf: {  	v4 =	vsel vm1, $0xFFFFFFFF, v56;
	v6 =	vsel vm1, $0xFFFFFFFF, v6;
	v2 =	vor.u32 v3, v2  }
0x10: {  	vm1 =	veq.s32 v1, $0x80000000;
	v5 =	vand.u32 $0x7FFF, v59;
	v7 =	vshrl.u32 v4, $0x2  }
0x11: {  	v57 =	vshll.u32 v6, $0x2;
	v4 =	vshll.u32 v4, $0x7;
	v1 =	vsel vm1, $0xFFFFFFFF, v60  }
0x12: {  	v5 =	vsel vm1, $0xFFFFFFFF, v5;
	v6 =	vand.u32 $0x7F, v6;
	v7 =	vmul.u32 $0x14000, v7  }
0x13: {  	v58 =	vand.u32 $0xFFFFFE00, v57;
	v4 =	vand.u32 $0x180, v4;
	v61 =	vshrl.u32 v1, $0x2  }
0x14: {  	v62 =	vshll.u32 v5, $0x2;
	v3 =	vadd.s32 v7, v58;
	v7 =	vmul.u32 $0x14000, v61  }
0x15: {  	v1 =	vshll.u32 v1, $0x7;
	v3 =	vor.u32 v4, v3;
	v4 =	vand.u32 $0xFFFFFE00, v62  }
0x16: {  	v1 =	vand.u32 $0x180, v1;
	v3 =	vor.u32 v6, v3;
	v4 =	vadd.s32 v7, v4  }
0x17: {  	[tilespmem:s16], [sflag:$0x1] =	stream.indirect_vreg.gather [hbm4b:s3+s10], $0x1, v0, vm0, $0x4038;
	v63 =	vand.u32 $0x7F, v5;
	v1 =	vor.u32 v1, v4;
	[tilespmem:$0x140] =	vst v63  }
0x18: {  	s15 =	sadd.s32 $0x10, s15;
	(ifvalue) =	ssetifvalue $0x7FFFFFFF;
	v0 =	vor.u32 v63, v1  }
0x19: {  	[tilespmem:s15], [sflag:$0x1] =	stream.indirect_vreg.gather [hbm4b:s3+s10], $0x1, v2, vm0, $0x4038;
	[tilespmem:$0x140] =	vst v63  }
0x1a: {  	s15 =	sadd.s32 $0x10, s15;
	(ifvalue) =	ssetifvalue $0x7FFFFFFF  }
0x1b: {  	[tilespmem:s15], [sflag:$0x1] =	stream.indirect_vreg.gather [hbm4b:s3+s10], $0x1, v3, vm0, $0x4038;
	[tilespmem:$0x140] =	vst v63  }
0x1c: {  	s15 =	sadd.s32 $0x10, s15;
	(ifvalue) =	ssetifvalue $0x7FFFFFFF  }
0x1d: {  	[tilespmem:s15], [sflag:$0x1] =	stream.indirect_vreg.gather [hbm4b:s3+s10], $0x1, v0, vm0, $0x4038;
	[tilespmem:$0x140] =	vst v63  }
0x1e: {  	_ =	swait.ge [sflag:s5], $0x50  }
0x1f: {  	s30 =	sshrl.u32 s13, $0x3;
	[sflag:s5] =	ssyncset.done $0x0  }
0x20: {  	s31 =	sand.u32 $0x7, s13;
	s15 =	sadd.s32 s8, s30;
	[sflag:s5] =	ssyncadd.s32 $0xFFFFFFB0  }
0x21: {  	[hbm4b:s15+s31] =	stream.linear.scatter [tilespmem:s14], [sflag:$0x3], $0x50, $0x38;
	[tilespmem:$0x140] =	vst v63  }
.LBB2_5:
0x22: {  	s15 =	sadd.s32 $0xA00, s11  }
0x23: {  	p1 =	sgt.s32 s15, $0xF9F  }
0x24: {  	s15 =	smov.u32 @p1 s4;
	p1 =	sne.s32 s12, s9  }
.Ltmp1:
0x25: {  	p0 =	slt.u32 s12, $0x2;
	(pc) =	sbr.rel @!p1 .LBB2_6-.Ltmp1, $4  }
0x26: {  	s14 =	simm.s32 @!p0 $0x3  }
0x27: {  	_ =	swait.ge @!p0 [sflag:s14], $0x50  }
0x28: {  	s16 =	sadd.s32 $0x1, s12;
	s13 =	smov.u32 s11;
	[sflag:s14] =	ssyncset.done @!p0 $0x0  }
0x29: {  	s12 =	smov.u32 s16;
	s11 =	smov.u32 s15;
	[sflag:s14] =	ssyncadd.s32 @!p0 $0xFFFFFFB0  }
.LBB2_1:
0x2a: {  	p0 =	sge.u32 s12, s7  }
0x2b: {  	s14 =	sxor.u32 @!p0 $0x1, s12  }
0x2c: {  	s14 =	smul.u32 @!p0 $0x140, s14  }
0x2d: {  	s31 =	sadd.s32 $0xFFFFFFFF, s12;
	s15 =	sshrl.u32 @!p0 s11, $0x3  }
0x2e: {  	s16 =	sand.u32 @!p0 $0x7, s11;
	s15 =	sadd.s32 @!p0 s2, s15;
	s14 =	sshra.s32 @!p0 s14, $0x2  }
0x2f: {  	[tilespmem:s14], [sflag:$0x2] =	stream.linear.gather @!p0 [hbm4b:s15+s16], $0x50, $0x38;
	[tilespmem:$0x140] =	vst v63  }
0x30: {  	p0 =	sge.u32 s31, s7  }
.Ltmp2:
0x31: {  	_ = 	snop;
	(pc) =	sbr.rel @p0 .LBB2_5-.Ltmp2, $1  }
0x32: {  	_ =	sdelay $0x3  }
0x33: {  	s14 =	sand.u32 $0x1, s12  }
0x34: {  	_ =	swait.ge [sflag:s6], $0x50;
	p0 =	seq.s32 s14, $0x1;
	s14 =	simm.s32 $0x50  }
0x35: {  	[sflag:s6] =	ssyncset.done $0x0;
	s14 =	simm.s32 @!p0 $0x0  }
0x36: {  	[sflag:s6] =	ssyncadd.s32 $0xFFFFFFB0;
	(ifvalue) =	ssetifvalue $0x7FFFFFFF;
	v0 =	vld.msk [tilespmem:s14+$0x0 ss:$0x1], $0xffff  }
0x37: {  	s15 =	sadd.s32 $0x10, s14  }
0x38: {  	v1 =	vld.msk [tilespmem:s15+$0x0 ss:$0x1], $0xffff;
	_ =	sdelay $0x2  }
0x39: {  	v2 =	vshrl.u32 v0, $0x2  }
0x3a: {  	vm1 =	veq.s32 v0, $0x80000000;
	v0 =	vand.u32 $0x3, v0;
	v2 =	vand.u32 $0x7FFF, v2  }
0x3b: {  	v0 =	vsel vm1, $0xFFFFFFFF, v0;
	v6 =	vshrl.u32 v1, $0x2;
	v2 =	vsel vm1, $0xFFFFFFFF, v2  }
0x3c: {  	v3 =	vshrl.u32 v0, $0x2;
	v0 =	vshll.u32 v0, $0x7;
	vm1 =	veq.s32 v1, $0x80000000  }
0x3d: {  	s15 =	sadd.s32 $0x10, s15;
	v1 =	vand.u32 $0x3, v1;
	v4 =	vshll.u32 v2, $0x2;
	v3 =	vmul.u32 $0x14000, v3  }
0x3e: {  	v0 =	vand.u32 $0x180, v0;
	v7 =	vand.u32 $0x7F, v2;
	v5 =	vand.u32 $0xFFFFFE00, v4;
	v4 =	vld.msk [tilespmem:s15+$0x0 ss:$0x1], $0xffff  }
0x3f: {  	v1 =	vsel vm1, $0xFFFFFFFF, v1;
	v2 =	vadd.s32 v3, v5;
	v3 =	vand.u32 $0x7FFF, v6  }
0x40: {  	v3 =	vsel vm1, $0xFFFFFFFF, v3;
	v0 =	vor.u32 v0, v2;
	v2 =	vshrl.u32 v1, $0x2  }
0x41: {  	v1 =	vshll.u32 v1, $0x7;
	v5 =	vshll.u32 v3, $0x2;
	v8 =	vmul.u32 $0x14000, v2  }
0x42: {  	s18 =	simm.s32 $0x30;
	s14 =	sor.u32 $0xA0, s14;
	s17 =	sadd.s32 $0x10, s15;
	v2 =	vand.u32 $0x180, v1;
	v0 =	vor.u32 v7, v0;
	v5 =	vand.u32 $0xFFFFFE00, v5  }
0x43: {  	s16 =	smov.u32 s14;
	s15 =	smov.u32 s14;
	v1 =	vld.msk [tilespmem:s17+$0x0 ss:$0x1], $0xffff;
	v3 =	vand.u32 $0x7F, v3;
	(ifvalue) =	ssetifvalue $0x7FFFFFFF;
	v6 =	vshrl.u32 v4, $0x2;
	v5 =	vadd.s32 v8, v5  }
.LBB2_3:
0x44: {  	s18 =	sadd.s32 $0x10, s18  }
0x45: {  	vm1 =	veq.s32 v4, $0x80000000;
	v4 =	vand.u32 $0x3, v4;
	v6 =	vand.u32 $0x7FFF, v6;
	s15 =	sadd.s32 $0x10, s15;
	p0 =	slt.u32 s18, $0x40  }
.Ltmp3:
0x46: {  	v5 =	vor.u32 v2, v5;
	v4 =	vsel vm1, $0xFFFFFFFF, v4;
	v7 =	vsel vm1, $0xFFFFFFFF, v6;
	(pc) =	sbr.rel @p0 .LBB2_3-.Ltmp3, $4  }
0x47: {  	v2 =	vshrl.u32 v4, $0x2;
	v6 =	vshll.u32 v7, $0x2;
	v4 =	vshll.u32 v4, $0x7;
	[tilespmem:s16], [sflag:$0x1] =	stream.indirect_vreg.gather [hbm4b:s3+s10], $0x1, v0, vm0, $0x4038;
	[tilespmem:$0x140] =	vst v63  }
0x48: {  	v0 =	vor.u32 v3, v5;
	s16 =	smov.u32 s15;
	v8 =	vmul.u32 $0x14000, v2;
	v2 =	vand.u32 $0x180, v4  }
0x49: {  	s17 =	sadd.s32 $0x10, s17;
	v9 =	vand.u32 $0xFFFFFE00, v6  }
0x4a: {  	v3 =	vand.u32 $0x7F, v7;
	v6 =	vshrl.u32 v1, $0x2;
	v5 =	vadd.s32 v8, v9;
	(ifvalue) =	ssetifvalue $0x7FFFFFFF;
	v4 =	vmovc v1;
	v1 =	vld.msk [tilespmem:s17+$0x0 ss:$0x1], $0xffff  }
.Ltmp4:
0x4b: {  	_ = 	snop;
	(pc) =	sbr.rel .LBB2_4-.Ltmp4, $1  }
0x4c: {  	_ =	sdelay $0x3  }
.LBB2_6:
0x4d: {  	_ =	sfence.sel $0x180000  }
0x4e: {  	s2 =	simm.s32 $0x2;
	[bflag:$0x0] =	sbarrier.arrive $0xFFFF  }
0x4f: {  	s30 =	simm.s32 $0x3;
	[sflag:s2] =	ssyncpa.u1 $0x1  }
0x50: {  	s31 =	simm.s32 $0x1;
	[sflag:s30] =	ssyncpa.u1 $0x1  }
0x51: {  	[sflag:s31] =	ssyncpa.u1 $0x1  }
0x52: {  	p0 =	sne.s32 s0, $0x0;
	_ =	strace $0x90000056  }
0x53: {  	s0 =	sadd.s32 @!p0 $0x100000, s1;
	[bflag:$0x2] =	sbarrier.arrive $0xFFFF  }
0x54: {  	[sflag:s0] =	ssyncadd.tile.s32 @!p0 $0x1;
	_ =	shalt  }
.Lfunc_end2:
_tile_overlayer_lowered:
.L_overlay_start_2:
0x55: {  	(tag) =	ssettag $0x2  }
0x56: {  	s0 =	rddreg [dreg:$0x0];
	s2 =	stileid.u32  }
0x57: {  	s1 =	rddreg [dreg:$0x1];
	p0 =	sne.s32 s2, $0x0  }
0x58: {  	s3 =	rddreg [dreg:$0x2];
	[bflag:$0x3] =	sbarrier.arrive $0xFFFF;
	s2 =	simm.s32 @!p0 $0x1C01  }
0x59: {  	[timem:s3], [sflag:s2] =	dma.local @!p0 [hbm:s0], s1  }
0x5a: {  	s0 =	simm.s32 @!p0 $0x1  }
0x5b: {  	_ =	swait.ge @!p0 [sflag:s0], s1  }
0x5c: {  	s1 =	ssub.s32 @!p0 $0x0, s1;
	[sflag:s0] =	ssyncset.done @!p0 $0x0  }
0x5d: {  	[sflag:s0] =	ssyncadd.s32 @!p0 s1  }
0x5e: {  	[bflag:$0x3] =	sbarrier.arrive $0xFFFF  }
0x5f: {  	_ =	shalt  }

// kernel: gather_offload_async_start.5
scs
__scs_entry_jumppad:
0x0: {  	(pc) =	sbr.rel $0x88, $3  }
0x1: {  	(tag) =	ssettag $0x0;
	lr =	simm.s32 $0x1  }
0x2: {  	[smem:$0x3FA0] =	sst lr;
	_ =	strace $0xD0000000  }
0x3: {  	_ = 	snop  }
0x4: {  	_ = 	snop  }
0x5: {  	_ = 	snop  }
0x6: {  	_ = 	snop  }
0x7: {  	_ = 	snop  }
__scs_overlays_trampoline_lowered:
0x8: {  	[smem:$0x3FAF] =	sst s0  }
0x9: {  	[smem:$0x3FB0] =	sst s1  }
0xa: {  	[smem:$0x3FB1] =	sst s2  }
0xb: {  	[smem:$0x3FB2] =	sst s3  }
0xc: {  	[smem:$0x3FB3] =	sst s4  }
0xd: {  	[smem:$0x3FB4] =	sst s5  }
0xe: {  	[smem:$0x3FB5] =	sst s6  }
0xf: {  	[smem:$0x3FB6] =	sst s7  }
0x10: {  	[smem:$0x3FB7] =	sst s8  }
0x11: {  	[smem:$0x3FB8] =	sst s9;
	s0 =	simm.s32 @!p0 $0x0  }
0x12: {  	s1 =	sld [smem:$0x3F9E];
	s0 =	simm.s32 @p0 $0x1  }
0x13: {  	[smem:$0x3FB9] =	sst s0;
	s0 =	simm.s32 @!p1 $0x0  }
0x14: {  	s2 =	sld [smem:$0x3F9D];
	s0 =	simm.s32 @p1 $0x1  }
0x15: {  	[smem:$0x3FBA] =	sst s0;
	s0 =	simm.s32 @!p2 $0x0  }
0x16: {  	s3 =	sld [smem:$0x3FDB];
	s0 =	simm.s32 @p2 $0x1  }
0x17: {  	s4 =	simm.s32 $0x1BF5;
	[smem:$0x3FBC] =	sst s0  }
0x18: {  	s0 =	sld [smem:$0x3F9F];
	_ =	swait.ge [sflag:s4], $0x0  }
0x19: {  	s7 =	sld [smem:$0x3FA0]  }
0x1a: {  	s8 =	sadd.s32 $0xFFFFE003, lr  }
0x1b: {  	s9 =	sadd.s32 $0xFFFFFEF7, lr;
	s5 =	simm.s32 $0xFFFFFFFF;
	p2 =	slt.u32 s8, $0xFFFFF086  }
0x1c: {  	p1 =	slt.u32 s9, $0xF7A;
	s5 =	simm.s32 @!p2 $0x0  }
0x1d: {  	s5 =	simm.s32 @p1 $0x1;
	p0 =	seq.s32 s7, s2  }
0x1e: {  	s7 =	smul.u32 @!p0 $0xF7A, s2;
	p2 =	seq.s32 @!p0 s5, $0x0  }
0x1f: {  	s9 =	smul.u32 $0xF7A, s1;
	s8 =	simm.s32 @!p0 $0x1BF5;
	p2 =	por !p2, p0  }
0x20: {  	[sflag:s8] =	ssyncset.s32 @!p0 $0xFFFFF086;
	s6 =	sadd.s32 @!p0 s3, s7;
	s7 =	simm.s32 @!p0 $0x108  }
0x21: {  	s3 =	sadd.s32 s3, s9;
	s6 =	sadd.s32 @!p0 $0x88, s6;
	s7 =	simm.s32 @p2 $0x1082  }
0x22: {  	[simem:s7], [sflag:s8] =	dma.local @!p0 [hbm:s6], $0xF7A  }
0x23: {  	s9 =	sor.u32 $0xD0000000, s2;
	s6 =	simm.s32 $0x108;
	_ =	swait.ge @!p0 [sflag:s8], $0x0  }
0x24: {  	s3 =	sadd.s32 $0x88, s3;
	s6 =	simm.s32 @!p1 $0x1082;
	[sflag:s4] =	ssyncset.s32 $0xFFFFF086  }
0x25: {  	[simem:s6], [sflag:s4] =	dma.local [hbm:s3], $0xF7A  }
0x26: {  	[smem:$0x3FA0] =	sst s1;
	(tag) =	ssettag s2;
	_ =	strace s9  }
0x27: {  	s1 =	sld [smem:$0x3FB0]  }
0x28: {  	s2 =	sld [smem:$0x3FB1]  }
0x29: {  	s4 =	sld [smem:$0x3FB3]  }
0x2a: {  	p0 =	seq.s32 s5, $0x0;
	s5 =	sld [smem:$0x3FB4]  }
0x2b: {  	s6 =	sld [smem:$0x3FB5]  }
0x2c: {  	s7 =	sld [smem:$0x3FB6]  }
0x2d: {  	s3 =	simm.s32 $0x108;
	s8 =	sld [smem:$0x3FB7]  }
0x2e: {  	s3 =	simm.s32 @!p0 $0x1082;
	s9 =	sld [smem:$0x3FB8]  }
0x2f: {  	lr =	sadd.s32 s0, s3;
	s0 =	sld [smem:$0x3FAF]  }
0x30: {  	s3 =	sld [smem:$0x3FB2]  }
0x31: {  	[smem:$0x3FBB] =	sst s10  }
0x32: {  	s10 =	sld [smem:$0x3FB9];
	_ =	sdelay $0x3  }
0x33: {  	p0 =	seq.s32 s10, $0x1;
	s10 =	sld [smem:$0x3FBB];
	_ =	sdelay $0x3  }
0x34: {  	[smem:$0x3FBB] =	sst s10  }
0x35: {  	s10 =	sld [smem:$0x3FBA];
	_ =	sdelay $0x3  }
0x36: {  	p1 =	seq.s32 s10, $0x1;
	s10 =	sld [smem:$0x3FBB];
	_ =	sdelay $0x3  }
0x37: {  	[smem:$0x3FBB] =	sst s10  }
0x38: {  	s10 =	sld [smem:$0x3FBC]  }
0x39: {  	_ = 	snop;
	(pc) =	sbr.ind lr, $3  }
0x3a: {  	_ = 	snop  }
0x3b: {  	_ = 	snop  }
0x3c: {  	p2 =	seq.s32 s10, $0x1;
	s10 =	sld [smem:$0x3FBB]  }
0x3d: {  	_ =	shalt  }
0x3e: {  	_ =	shalt  }
0x3f: {  	_ =	shalt  }
0x40: {  	_ =	shalt  }
0x41: {  	_ =	shalt  }
0x42: {  	_ =	shalt  }
0x43: {  	_ =	shalt  }
0x44: {  	_ =	shalt  }
0x45: {  	_ =	shalt  }
0x46: {  	_ =	shalt  }
0x47: {  	_ =	shalt  }
0x48: {  	_ =	shalt  }
0x49: {  	_ =	shalt  }
0x4a: {  	_ =	shalt  }
0x4b: {  	_ =	shalt  }
0x4c: {  	_ =	shalt  }
0x4d: {  	_ =	shalt  }
0x4e: {  	_ =	shalt  }
0x4f: {  	_ =	shalt  }
0x50: {  	_ =	shalt  }
0x51: {  	_ =	shalt  }
0x52: {  	_ =	shalt  }
0x53: {  	_ =	shalt  }
0x54: {  	_ =	shalt  }
0x55: {  	_ =	shalt  }
0x56: {  	_ =	shalt  }
0x57: {  	_ =	shalt  }
0x58: {  	_ =	shalt  }
0x59: {  	_ =	shalt  }
0x5a: {  	_ =	shalt  }
0x5b: {  	_ =	shalt  }
0x5c: {  	_ =	shalt  }
0x5d: {  	_ =	shalt  }
0x5e: {  	_ =	shalt  }
0x5f: {  	_ =	shalt  }
0x60: {  	_ =	shalt  }
0x61: {  	_ =	shalt  }
0x62: {  	_ =	shalt  }
0x63: {  	_ =	shalt  }
0x64: {  	_ =	shalt  }
0x65: {  	_ =	shalt  }
0x66: {  	_ =	shalt  }
0x67: {  	_ =	shalt  }
0x68: {  	_ =	shalt  }
0x69: {  	_ =	shalt  }
0x6a: {  	_ =	shalt  }
0x6b: {  	_ =	shalt  }
0x6c: {  	_ =	shalt  }
0x6d: {  	_ =	shalt  }
0x6e: {  	_ =	shalt  }
0x6f: {  	_ =	shalt  }
0x70: {  	_ =	shalt  }
0x71: {  	_ =	shalt  }
0x72: {  	_ =	shalt  }
0x73: {  	_ =	shalt  }
0x74: {  	_ =	shalt  }
0x75: {  	_ =	shalt  }
0x76: {  	_ =	shalt  }
0x77: {  	_ =	shalt  }
0x78: {  	_ =	shalt  }
0x79: {  	_ =	shalt  }
0x7a: {  	_ =	shalt  }
0x7b: {  	_ =	shalt  }
0x7c: {  	_ =	shalt  }
0x7d: {  	_ =	shalt  }
0x7e: {  	_ =	shalt  }
0x7f: {  	_ =	shalt  }
0x80: {  	_ =	shalt  }
0x81: {  	_ =	shalt  }
0x82: {  	_ =	shalt  }
0x83: {  	_ =	shalt  }
0x84: {  	_ =	shalt  }
0x85: {  	_ =	shalt  }
0x86: {  	_ =	shalt  }
0x87: {  	_ =	shalt  }
.Lfunc_end0:
.L_simem_size_0:
called_computation.5_lowered:
.L_overlay_start_0:
0x88: {  	s2 =	sld [smem:$0x3FD9]  }
0x89: {  	s3 =	sld [smem:$0x3FFE];
	_ =	sdelay $0x1  }
0x8a: {  	s1 =	srdreg.scid  }
0x8b: {  	s0 =	sand.u32 $0x1, s1  }
0x8c: {  	s17 =	sshll.u32 s0, $0xA;
	s2 =	sadd.s32 s3, s2  }
0x8d: {  	s2 =	sadd.s32 s2, s17  }
0x8e: {  	[smem:$0x3FC7] =	sst s2  }
0x8f: {  	_ = 	snop  }
0x90: {  	s2 =	sld [smem:$0x3FD0];
	(tm) =	ssettm $0x1  }
0x91: {  	s18 =	sld [smem:$0x3FFB];
	_ =	sdelay $0x3  }
0x92: {  	_ =	strace s18  }
0x93: {  	s3 =	sld [smem:$0x3FFC];
	_ =	sdelay $0x3  }
0x94: {  	_ =	strace s3  }
0x95: {  	s3 =	sld [smem:$0x3FFD];
	_ =	sdelay $0x3  }
0x96: {  	_ =	strace s3  }
0x97: {  	_ =	strace $0x8FFFFFFF  }
0x98: {  	s19 =	sld [smem:$0x3FDB];
	_ =	sdelay $0x1  }
0x99: {  	s4 =	simm.s32 $_scs_section_size  }
0x9a: {  	s5 =	simm.s32 $_size__tile_overlayer_lowered;
	s6 =	simm.s32 $_tile_overlayer_lowered  }
0x9b: {  	s22 =	simm.s32 $0x1BFF;
	s21 =	sshll.u32 s6, $0x1;
	s3 =	sadd.s32 s4, s19  }
0x9c: {  	s7 =	simm.s32 $0x0;
	s20 =	sshll.u32 s5, $0x1;
	s5 =	sadd.s32 s21, s3  }
0x9d: {  	[timem:s7], [sflag:s22] =	dma.local [hbm:s5], s20  }
0x9e: {  	_ =	swait.ge [sflag:s22], s20  }
0x9f: {  	s4 =	ssub.s32 $0x0, s20;
	[sflag:s22] =	ssyncset.done $0x0  }
0xa0: {  	[sflag:s22] =	ssyncadd.s32 s4;
	_ =	sdelay $0x1  }
0xa1: {  	s23 =	simm.s32 $0x1B8B  }
0xa2: {  	_ =	swait.ge [sflag:s23], $0x1  }
0xa3: {  	[sflag:s23] =	ssyncset.done $0x0  }
0xa4: {  	s25 =	simm.s32 $0x1B8E;
	s24 =	sld [smem:$0x3FFE];
	[sflag:s23] =	ssyncadd.s32 $0xFFFFFFFF  }
0xa5: {  	s26 =	simm.s32 $execute0_lowered;
	[smem:$0x3FD2] =	sst s25  }
0xa6: {  	s5 =	sshll.u32 s26, $0x1;
	_ =	strace $0x80000049;
	[dreg:$0x1] =	wrdreg $0xFFFFFFFF  }
0xa7: {  	s28 =	simm.s32 $_size_execute0_lowered;
	s3 =	sadd.s32 s3, s5;
	[dreg:$0x0] =	wrdreg $0x0  }
0xa8: {  	s5 =	sshll.u32 s28, $0x1;
	[dreg:$0x2] =	wrdreg s3  }
0xa9: {  	[dreg:$0x3] =	wrdreg s5  }
0xaa: {  	[dreg:$0x4] =	wrdreg $0xC0  }
0xab: {  	_ =	task [dreg:s7], $0x5FFFF  }
0xac: {  	[dreg:$0x1] =	wrdreg $0xFFFFFFFF  }
0xad: {  	[dreg:$0x0] =	wrdreg $0x60  }
0xae: {  	[dreg:$0x2] =	wrdreg s24  }
0xaf: {  	[dreg:$0x3] =	wrdreg s2  }
0xb0: {  	[dreg:$0x4] =	wrdreg $0x9  }
0xb1: {  	_ =	task.clear_ibuf [dreg:s7], $0x5FFFF;
	_ =	strace $0x90000049  }
0xb2: {  	s29 =	simm.s32 $0x9;
	_ =	strace $0x8000004B  }
0xb3: {  	_ =	swait.ge [sflag:s29], $0x1  }
0xb4: {  	[sflag:s29] =	ssyncadd.s32 $0xFFFFFFFF  }
0xb5: {  	_ =	strace $0x9000004B  }
0xb6: {  	_ =	sfence  }
0xb7: {  	s30 =	sld [smem:$0x0];
	_ =	sdelay $0x2  }
0xb8: {  	s31 =	sshll.u32 s1, $0xD;
	s1 =	sshrl.u32 s1, $0x2  }
0xb9: {  	s3 =	sand.u32 $0x4000, s31;
	s1 =	sadd.s32 s1, s30  }
0xba: {  	s0 =	sor.u32 s3, s0;
	s1 =	sshll.u32 s1, $0x11  }
0xbb: {  	s0 =	sor.u32 s1, s0  }
0xbc: {  	s0 =	sadd.s32 $0x8F2B, s0  }
0xbd: {  	[sflag:s0] =	ssyncadd.remote.s32 $0x1  }
0xbe: {  	_ =	sfence.sel $0xFFFF  }
0xbf: {  	[dreg:$0x0] =	wrdreg $0xFFFFFFFF;
	(pc) =	sbr.abs _section_cstart, $3  }
0xc0: {  	[dreg:$0x1] =	wrdreg $0xFFFFFFFF  }
0xc1: {  	_ =	task.clear_ibuf [dreg:s7], $0x2FFFF;
	_ =	strace $0x9FFFFFFF  }
0xc2: {  	(tm) =	ssettm $0x7FFFFFFF  }
0xc3: {  	_ =	shalt  }
tec
execute0_lowered:
.L_overlay_start_1:
0x0: {  	(tag) =	ssettag $0x1  }
0x1: {  	s8 =	rddreg [dreg:$0x0];
	s0 =	stileid.u32  }
0x2: {  	s1 =	srdreg.scid;
	s2 =	rddreg [dreg:$0x1]  }
0x3: {  	s5 =	simm.s32 $0x1;
	s9 =	simm.s32 $0x1;
	s10 =	simm.s32 $0x3  }
0x4: {  	s13 =	simm.s32 $0x0;
	s3 =	sand.u32 $0x1, s1;
	s4 =	sshll.u32 s0, $0x1  }
0x5: {  	s12 =	simm.s32 $0x0;
	s1 =	rddreg [dreg:$0x2];
	s6 =	sor.u32 s4, s3  }
0x6: {  	_ =	strace $0x8000004A;
	s3 =	sadd.s32 $0xA000, s8;
	s4 =	smul.u32 $0x50, s6  }
0x7: {  	[sflag:s5] =	ssyncpa.u1 $0x0;
	p0 =	slt.u32 s6, $0x13;
	s6 =	simm.s32 $0xA00  }
.Ltmp0:
0x8: {  	s6 =	simm.s32 @!p0 $0x0;
	s7 =	ssub.s32 $0xFA0, s4;
	(pc) =	sbr.rel .LBB2_1-.Ltmp0, $4  }
0x9: {  	s9 =	simm.s32 @!p0 $0x0;
	p0 =	sne.s32 s7, s6;
	s7 =	simm.s32 $0x1  }
0xa: {  	s8 =	sadd.s32 $0xC800, s8;
	s6 =	simm.s32 $0x2;
	s7 =	simm.s32 @!p0 $0x0  }
0xb: {  	s11 =	smov.u32 s4;
	[sflag:s6] =	ssyncpa.u1 $0x0;
	s7 =	sadd.s32 s9, s7  }
0xc: {  	vm0 =	vmmov $0xffff;
	[sflag:s10] =	ssyncpa.u1 $0x0;
	s10 =	simm.s32 $0x0;
	s9 =	sadd.s32 $0x1, s7  }
.LBB2_4:
0xd: {  	vm1 =	veq.s32 v4, $0x80000000;
	v56 =	vand.u32 $0x3, v4;
	v6 =	vand.u32 $0x7FFF, v6  }
0xe: {  	v2 =	vor.u32 v2, v5;
	v59 =	vshrl.u32 v1, $0x2;
	v60 =	vand.u32 $0x3, v1  }
0xf: {  	v4 =	vsel vm1, $0xFFFFFFFF, v56;
	v6 =	vsel vm1, $0xFFFFFFFF, v6;
	v2 =	vor.u32 v3, v2  }
0x10: {  	vm1 =	veq.s32 v1, $0x80000000;
	v5 =	vand.u32 $0x7FFF, v59;
	v7 =	vshrl.u32 v4, $0x2  }
0x11: {  	v57 =	vshll.u32 v6, $0x2;
	v4 =	vshll.u32 v4, $0x7;
	v1 =	vsel vm1, $0xFFFFFFFF, v60  }
0x12: {  	v5 =	vsel vm1, $0xFFFFFFFF, v5;
	v6 =	vand.u32 $0x7F, v6;
	v7 =	vmul.u32 $0x14000, v7  }
0x13: {  	v58 =	vand.u32 $0xFFFFFE00, v57;
	v4 =	vand.u32 $0x180, v4;
	v61 =	vshrl.u32 v1, $0x2  }
0x14: {  	v62 =	vshll.u32 v5, $0x2;
	v3 =	vadd.s32 v7, v58;
	v7 =	vmul.u32 $0x14000, v61  }
0x15: {  	v1 =	vshll.u32 v1, $0x7;
	v3 =	vor.u32 v4, v3;
	v4 =	vand.u32 $0xFFFFFE00, v62  }
0x16: {  	v1 =	vand.u32 $0x180, v1;
	v3 =	vor.u32 v6, v3;
	v4 =	vadd.s32 v7, v4  }
0x17: {  	[tilespmem:s16], [sflag:$0x1] =	stream.indirect_vreg.gather [hbm4b:s3+s10], $0x1, v0, vm0, $0x4038;
	v63 =	vand.u32 $0x7F, v5;
	v1 =	vor.u32 v1, v4;
	[tilespmem:$0x140] =	vst v63  }
0x18: {  	s15 =	sadd.s32 $0x10, s15;
	(ifvalue) =	ssetifvalue $0x7FFFFFFF;
	v0 =	vor.u32 v63, v1  }
0x19: {  	[tilespmem:s15], [sflag:$0x1] =	stream.indirect_vreg.gather [hbm4b:s3+s10], $0x1, v2, vm0, $0x4038;
	[tilespmem:$0x140] =	vst v63  }
0x1a: {  	s15 =	sadd.s32 $0x10, s15;
	(ifvalue) =	ssetifvalue $0x7FFFFFFF  }
0x1b: {  	[tilespmem:s15], [sflag:$0x1] =	stream.indirect_vreg.gather [hbm4b:s3+s10], $0x1, v3, vm0, $0x4038;
	[tilespmem:$0x140] =	vst v63  }
0x1c: {  	s15 =	sadd.s32 $0x10, s15;
	(ifvalue) =	ssetifvalue $0x7FFFFFFF  }
0x1d: {  	[tilespmem:s15], [sflag:$0x1] =	stream.indirect_vreg.gather [hbm4b:s3+s10], $0x1, v0, vm0, $0x4038;
	[tilespmem:$0x140] =	vst v63  }
0x1e: {  	_ =	swait.ge [sflag:s5], $0x50  }
0x1f: {  	s30 =	sshrl.u32 s13, $0x3;
	[sflag:s5] =	ssyncset.done $0x0  }
0x20: {  	s31 =	sand.u32 $0x7, s13;
	s15 =	sadd.s32 s8, s30;
	[sflag:s5] =	ssyncadd.s32 $0xFFFFFFB0  }
0x21: {  	[hbm4b:s15+s31] =	stream.linear.scatter [tilespmem:s14], [sflag:$0x3], $0x50, $0x38;
	[tilespmem:$0x140] =	vst v63  }
.LBB2_5:
0x22: {  	s15 =	sadd.s32 $0xA00, s11  }
0x23: {  	p1 =	sgt.s32 s15, $0xF9F  }
0x24: {  	s15 =	smov.u32 @p1 s4;
	p1 =	sne.s32 s12, s9  }
.Ltmp1:
0x25: {  	p0 =	slt.u32 s12, $0x2;
	(pc) =	sbr.rel @!p1 .LBB2_6-.Ltmp1, $4  }
0x26: {  	s14 =	simm.s32 @!p0 $0x3  }
0x27: {  	_ =	swait.ge @!p0 [sflag:s14], $0x50  }
0x28: {  	s16 =	sadd.s32 $0x1, s12;
	s13 =	smov.u32 s11;
	[sflag:s14] =	ssyncset.done @!p0 $0x0  }
0x29: {  	s12 =	smov.u32 s16;
	s11 =	smov.u32 s15;
	[sflag:s14] =	ssyncadd.s32 @!p0 $0xFFFFFFB0  }
.LBB2_1:
0x2a: {  	p0 =	sge.u32 s12, s7  }
0x2b: {  	s14 =	sxor.u32 @!p0 $0x1, s12  }
0x2c: {  	s14 =	smul.u32 @!p0 $0x140, s14  }
0x2d: {  	s31 =	sadd.s32 $0xFFFFFFFF, s12;
	s15 =	sshrl.u32 @!p0 s11, $0x3  }
0x2e: {  	s16 =	sand.u32 @!p0 $0x7, s11;
	s15 =	sadd.s32 @!p0 s2, s15;
	s14 =	sshra.s32 @!p0 s14, $0x2  }
0x2f: {  	[tilespmem:s14], [sflag:$0x2] =	stream.linear.gather @!p0 [hbm4b:s15+s16], $0x50, $0x38;
	[tilespmem:$0x140] =	vst v63  }
0x30: {  	p0 =	sge.u32 s31, s7  }
.Ltmp2:
0x31: {  	_ = 	snop;
	(pc) =	sbr.rel @p0 .LBB2_5-.Ltmp2, $1  }
0x32: {  	_ =	sdelay $0x3  }
0x33: {  	s14 =	sand.u32 $0x1, s12  }
0x34: {  	_ =	swait.ge [sflag:s6], $0x50;
	p0 =	seq.s32 s14, $0x1;
	s14 =	simm.s32 $0x50  }
0x35: {  	[sflag:s6] =	ssyncset.done $0x0;
	s14 =	simm.s32 @!p0 $0x0  }
0x36: {  	[sflag:s6] =	ssyncadd.s32 $0xFFFFFFB0;
	(ifvalue) =	ssetifvalue $0x7FFFFFFF;
	v0 =	vld.msk [tilespmem:s14+$0x0 ss:$0x1], $0xffff  }
0x37: {  	s15 =	sadd.s32 $0x10, s14  }
0x38: {  	v1 =	vld.msk [tilespmem:s15+$0x0 ss:$0x1], $0xffff;
	_ =	sdelay $0x2  }
0x39: {  	v2 =	vshrl.u32 v0, $0x2  }
0x3a: {  	vm1 =	veq.s32 v0, $0x80000000;
	v0 =	vand.u32 $0x3, v0;
	v2 =	vand.u32 $0x7FFF, v2  }
0x3b: {  	v0 =	vsel vm1, $0xFFFFFFFF, v0;
	v6 =	vshrl.u32 v1, $0x2;
	v2 =	vsel vm1, $0xFFFFFFFF, v2  }
0x3c: {  	v3 =	vshrl.u32 v0, $0x2;
	v0 =	vshll.u32 v0, $0x7;
	vm1 =	veq.s32 v1, $0x80000000  }
0x3d: {  	s15 =	sadd.s32 $0x10, s15;
	v1 =	vand.u32 $0x3, v1;
	v4 =	vshll.u32 v2, $0x2;
	v3 =	vmul.u32 $0x14000, v3  }
0x3e: {  	v0 =	vand.u32 $0x180, v0;
	v7 =	vand.u32 $0x7F, v2;
	v5 =	vand.u32 $0xFFFFFE00, v4;
	v4 =	vld.msk [tilespmem:s15+$0x0 ss:$0x1], $0xffff  }
0x3f: {  	v1 =	vsel vm1, $0xFFFFFFFF, v1;
	v2 =	vadd.s32 v3, v5;
	v3 =	vand.u32 $0x7FFF, v6  }
0x40: {  	v3 =	vsel vm1, $0xFFFFFFFF, v3;
	v0 =	vor.u32 v0, v2;
	v2 =	vshrl.u32 v1, $0x2  }
0x41: {  	v1 =	vshll.u32 v1, $0x7;
	v5 =	vshll.u32 v3, $0x2;
	v8 =	vmul.u32 $0x14000, v2  }
0x42: {  	s18 =	simm.s32 $0x30;
	s14 =	sor.u32 $0xA0, s14;
	s17 =	sadd.s32 $0x10, s15;
	v2 =	vand.u32 $0x180, v1;
	v0 =	vor.u32 v7, v0;
	v5 =	vand.u32 $0xFFFFFE00, v5  }
0x43: {  	s16 =	smov.u32 s14;
	s15 =	smov.u32 s14;
	v1 =	vld.msk [tilespmem:s17+$0x0 ss:$0x1], $0xffff;
	v3 =	vand.u32 $0x7F, v3;
	(ifvalue) =	ssetifvalue $0x7FFFFFFF;
	v6 =	vshrl.u32 v4, $0x2;
	v5 =	vadd.s32 v8, v5  }
.LBB2_3:
0x44: {  	s18 =	sadd.s32 $0x10, s18  }
0x45: {  	vm1 =	veq.s32 v4, $0x80000000;
	v4 =	vand.u32 $0x3, v4;
	v6 =	vand.u32 $0x7FFF, v6;
	s15 =	sadd.s32 $0x10, s15;
	p0 =	slt.u32 s18, $0x40  }
.Ltmp3:
0x46: {  	v5 =	vor.u32 v2, v5;
	v4 =	vsel vm1, $0xFFFFFFFF, v4;
	v7 =	vsel vm1, $0xFFFFFFFF, v6;
	(pc) =	sbr.rel @p0 .LBB2_3-.Ltmp3, $4  }
0x47: {  	v2 =	vshrl.u32 v4, $0x2;
	v6 =	vshll.u32 v7, $0x2;
	v4 =	vshll.u32 v4, $0x7;
	[tilespmem:s16], [sflag:$0x1] =	stream.indirect_vreg.gather [hbm4b:s3+s10], $0x1, v0, vm0, $0x4038;
	[tilespmem:$0x140] =	vst v63  }
0x48: {  	v0 =	vor.u32 v3, v5;
	s16 =	smov.u32 s15;
	v8 =	vmul.u32 $0x14000, v2;
	v2 =	vand.u32 $0x180, v4  }
0x49: {  	s17 =	sadd.s32 $0x10, s17;
	v9 =	vand.u32 $0xFFFFFE00, v6  }
0x4a: {  	v3 =	vand.u32 $0x7F, v7;
	v6 =	vshrl.u32 v1, $0x2;
	v5 =	vadd.s32 v8, v9;
	(ifvalue) =	ssetifvalue $0x7FFFFFFF;
	v4 =	vmovc v1;
	v1 =	vld.msk [tilespmem:s17+$0x0 ss:$0x1], $0xffff  }
.Ltmp4:
0x4b: {  	_ = 	snop;
	(pc) =	sbr.rel .LBB2_4-.Ltmp4, $1  }
0x4c: {  	_ =	sdelay $0x3  }
.LBB2_6:
0x4d: {  	_ =	sfence.sel $0x180000  }
0x4e: {  	s2 =	simm.s32 $0x2;
	[bflag:$0x0] =	sbarrier.arrive $0xFFFF  }
0x4f: {  	s30 =	simm.s32 $0x3;
	[sflag:s2] =	ssyncpa.u1 $0x1  }
0x50: {  	s31 =	simm.s32 $0x1;
	[sflag:s30] =	ssyncpa.u1 $0x1  }
0x51: {  	[sflag:s31] =	ssyncpa.u1 $0x1  }
0x52: {  	p0 =	sne.s32 s0, $0x0;
	_ =	strace $0x9000004A  }
0x53: {  	s0 =	sadd.s32 @!p0 $0x100000, s1;
	[bflag:$0x2] =	sbarrier.arrive $0xFFFF  }
0x54: {  	[sflag:s0] =	ssyncadd.tile.s32 @!p0 $0x1;
	_ =	shalt  }
.Lfunc_end2:
_tile_overlayer_lowered:
.L_overlay_start_2:
0x55: {  	(tag) =	ssettag $0x2  }
0x56: {  	s0 =	rddreg [dreg:$0x0];
	s2 =	stileid.u32  }
0x57: {  	s1 =	rddreg [dreg:$0x1];
	p0 =	sne.s32 s2, $0x0  }
0x58: {  	s3 =	rddreg [dreg:$0x2];
	[bflag:$0x3] =	sbarrier.arrive $0xFFFF;
	s2 =	simm.s32 @!p0 $0x1C01  }
0x59: {  	[timem:s3], [sflag:s2] =	dma.local @!p0 [hbm:s0], s1  }
0x5a: {  	s0 =	simm.s32 @!p0 $0x1  }
0x5b: {  	_ =	swait.ge @!p0 [sflag:s0], s1  }
0x5c: {  	s1 =	ssub.s32 @!p0 $0x0, s1;
	[sflag:s0] =	ssyncset.done @!p0 $0x0  }
0x5d: {  	[sflag:s0] =	ssyncadd.s32 @!p0 s1  }
0x5e: {  	[bflag:$0x3] =	sbarrier.arrive $0xFFFF  }
0x5f: {  	_ =	shalt  }

// kernel: gather_offload_async_start
scs
__scs_entry_jumppad:
0x0: {  	(pc) =	sbr.rel $0x88, $3  }
0x1: {  	(tag) =	ssettag $0x0;
	lr =	simm.s32 $0x1  }
0x2: {  	[smem:$0x3FA0] =	sst lr;
	_ =	strace $0xD0000000  }
0x3: {  	_ = 	snop  }
0x4: {  	_ = 	snop  }
0x5: {  	_ = 	snop  }
0x6: {  	_ = 	snop  }
0x7: {  	_ = 	snop  }
__scs_overlays_trampoline_lowered:
0x8: {  	[smem:$0x3FAF] =	sst s0  }
0x9: {  	[smem:$0x3FB0] =	sst s1  }
0xa: {  	[smem:$0x3FB1] =	sst s2  }
0xb: {  	[smem:$0x3FB2] =	sst s3  }
0xc: {  	[smem:$0x3FB3] =	sst s4  }
0xd: {  	[smem:$0x3FB4] =	sst s5  }
0xe: {  	[smem:$0x3FB5] =	sst s6  }
0xf: {  	[smem:$0x3FB6] =	sst s7  }
0x10: {  	[smem:$0x3FB7] =	sst s8  }
0x11: {  	[smem:$0x3FB8] =	sst s9;
	s0 =	simm.s32 @!p0 $0x0  }
0x12: {  	s1 =	sld [smem:$0x3F9E];
	s0 =	simm.s32 @p0 $0x1  }
0x13: {  	[smem:$0x3FB9] =	sst s0;
	s0 =	simm.s32 @!p1 $0x0  }
0x14: {  	s2 =	sld [smem:$0x3F9D];
	s0 =	simm.s32 @p1 $0x1  }
0x15: {  	[smem:$0x3FBA] =	sst s0;
	s0 =	simm.s32 @!p2 $0x0  }
0x16: {  	s3 =	sld [smem:$0x3FDB];
	s0 =	simm.s32 @p2 $0x1  }
0x17: {  	s4 =	simm.s32 $0x1BF5;
	[smem:$0x3FBC] =	sst s0  }
0x18: {  	s0 =	sld [smem:$0x3F9F];
	_ =	swait.ge [sflag:s4], $0x0  }
0x19: {  	s7 =	sld [smem:$0x3FA0]  }
0x1a: {  	s8 =	sadd.s32 $0xFFFFE003, lr  }
0x1b: {  	s9 =	sadd.s32 $0xFFFFFEF7, lr;
	s5 =	simm.s32 $0xFFFFFFFF;
	p2 =	slt.u32 s8, $0xFFFFF086  }
0x1c: {  	p1 =	slt.u32 s9, $0xF7A;
	s5 =	simm.s32 @!p2 $0x0  }
0x1d: {  	s5 =	simm.s32 @p1 $0x1;
	p0 =	seq.s32 s7, s2  }
0x1e: {  	s7 =	smul.u32 @!p0 $0xF7A, s2;
	p2 =	seq.s32 @!p0 s5, $0x0  }
0x1f: {  	s9 =	smul.u32 $0xF7A, s1;
	s8 =	simm.s32 @!p0 $0x1BF5;
	p2 =	por !p2, p0  }
0x20: {  	[sflag:s8] =	ssyncset.s32 @!p0 $0xFFFFF086;
	s6 =	sadd.s32 @!p0 s3, s7;
	s7 =	simm.s32 @!p0 $0x108  }
0x21: {  	s3 =	sadd.s32 s3, s9;
	s6 =	sadd.s32 @!p0 $0x88, s6;
	s7 =	simm.s32 @p2 $0x1082  }
0x22: {  	[simem:s7], [sflag:s8] =	dma.local @!p0 [hbm:s6], $0xF7A  }
0x23: {  	s9 =	sor.u32 $0xD0000000, s2;
	s6 =	simm.s32 $0x108;
	_ =	swait.ge @!p0 [sflag:s8], $0x0  }
0x24: {  	s3 =	sadd.s32 $0x88, s3;
	s6 =	simm.s32 @!p1 $0x1082;
	[sflag:s4] =	ssyncset.s32 $0xFFFFF086  }
0x25: {  	[simem:s6], [sflag:s4] =	dma.local [hbm:s3], $0xF7A  }
0x26: {  	[smem:$0x3FA0] =	sst s1;
	(tag) =	ssettag s2;
	_ =	strace s9  }
0x27: {  	s1 =	sld [smem:$0x3FB0]  }
0x28: {  	s2 =	sld [smem:$0x3FB1]  }
0x29: {  	s4 =	sld [smem:$0x3FB3]  }
0x2a: {  	p0 =	seq.s32 s5, $0x0;
	s5 =	sld [smem:$0x3FB4]  }
0x2b: {  	s6 =	sld [smem:$0x3FB5]  }
0x2c: {  	s7 =	sld [smem:$0x3FB6]  }
0x2d: {  	s3 =	simm.s32 $0x108;
	s8 =	sld [smem:$0x3FB7]  }
0x2e: {  	s3 =	simm.s32 @!p0 $0x1082;
	s9 =	sld [smem:$0x3FB8]  }
0x2f: {  	lr =	sadd.s32 s0, s3;
	s0 =	sld [smem:$0x3FAF]  }
0x30: {  	s3 =	sld [smem:$0x3FB2]  }
0x31: {  	[smem:$0x3FBB] =	sst s10  }
0x32: {  	s10 =	sld [smem:$0x3FB9];
	_ =	sdelay $0x3  }
0x33: {  	p0 =	seq.s32 s10, $0x1;
	s10 =	sld [smem:$0x3FBB];
	_ =	sdelay $0x3  }
0x34: {  	[smem:$0x3FBB] =	sst s10  }
0x35: {  	s10 =	sld [smem:$0x3FBA];
	_ =	sdelay $0x3  }
0x36: {  	p1 =	seq.s32 s10, $0x1;
	s10 =	sld [smem:$0x3FBB];
	_ =	sdelay $0x3  }
0x37: {  	[smem:$0x3FBB] =	sst s10  }
0x38: {  	s10 =	sld [smem:$0x3FBC]  }
0x39: {  	_ = 	snop;
	(pc) =	sbr.ind lr, $3  }
0x3a: {  	_ = 	snop  }
0x3b: {  	_ = 	snop  }
0x3c: {  	p2 =	seq.s32 s10, $0x1;
	s10 =	sld [smem:$0x3FBB]  }
0x3d: {  	_ =	shalt  }
0x3e: {  	_ =	shalt  }
0x3f: {  	_ =	shalt  }
0x40: {  	_ =	shalt  }
0x41: {  	_ =	shalt  }
0x42: {  	_ =	shalt  }
0x43: {  	_ =	shalt  }
0x44: {  	_ =	shalt  }
0x45: {  	_ =	shalt  }
0x46: {  	_ =	shalt  }
0x47: {  	_ =	shalt  }
0x48: {  	_ =	shalt  }
0x49: {  	_ =	shalt  }
0x4a: {  	_ =	shalt  }
0x4b: {  	_ =	shalt  }
0x4c: {  	_ =	shalt  }
0x4d: {  	_ =	shalt  }
0x4e: {  	_ =	shalt  }
0x4f: {  	_ =	shalt  }
0x50: {  	_ =	shalt  }
0x51: {  	_ =	shalt  }
0x52: {  	_ =	shalt  }
0x53: {  	_ =	shalt  }
0x54: {  	_ =	shalt  }
0x55: {  	_ =	shalt  }
0x56: {  	_ =	shalt  }
0x57: {  	_ =	shalt  }
0x58: {  	_ =	shalt  }
0x59: {  	_ =	shalt  }
0x5a: {  	_ =	shalt  }
0x5b: {  	_ =	shalt  }
0x5c: {  	_ =	shalt  }
0x5d: {  	_ =	shalt  }
0x5e: {  	_ =	shalt  }
0x5f: {  	_ =	shalt  }
0x60: {  	_ =	shalt  }
0x61: {  	_ =	shalt  }
0x62: {  	_ =	shalt  }
0x63: {  	_ =	shalt  }
0x64: {  	_ =	shalt  }
0x65: {  	_ =	shalt  }
0x66: {  	_ =	shalt  }
0x67: {  	_ =	shalt  }
0x68: {  	_ =	shalt  }
0x69: {  	_ =	shalt  }
0x6a: {  	_ =	shalt  }
0x6b: {  	_ =	shalt  }
0x6c: {  	_ =	shalt  }
0x6d: {  	_ =	shalt  }
0x6e: {  	_ =	shalt  }
0x6f: {  	_ =	shalt  }
0x70: {  	_ =	shalt  }
0x71: {  	_ =	shalt  }
0x72: {  	_ =	shalt  }
0x73: {  	_ =	shalt  }
0x74: {  	_ =	shalt  }
0x75: {  	_ =	shalt  }
0x76: {  	_ =	shalt  }
0x77: {  	_ =	shalt  }
0x78: {  	_ =	shalt  }
0x79: {  	_ =	shalt  }
0x7a: {  	_ =	shalt  }
0x7b: {  	_ =	shalt  }
0x7c: {  	_ =	shalt  }
0x7d: {  	_ =	shalt  }
0x7e: {  	_ =	shalt  }
0x7f: {  	_ =	shalt  }
0x80: {  	_ =	shalt  }
0x81: {  	_ =	shalt  }
0x82: {  	_ =	shalt  }
0x83: {  	_ =	shalt  }
0x84: {  	_ =	shalt  }
0x85: {  	_ =	shalt  }
0x86: {  	_ =	shalt  }
0x87: {  	_ =	shalt  }
.Lfunc_end0:
.L_simem_size_0:
called_computation_lowered:
.L_overlay_start_0:
0x88: {  	s2 =	sld [smem:$0x3FD9]  }
0x89: {  	s3 =	sld [smem:$0x3FFE];
	_ =	sdelay $0x1  }
0x8a: {  	s1 =	srdreg.scid  }
0x8b: {  	s0 =	sand.u32 $0x1, s1  }
0x8c: {  	s17 =	sshll.u32 s0, $0xA;
	s2 =	sadd.s32 s3, s2  }
0x8d: {  	s2 =	sadd.s32 s2, s17  }
0x8e: {  	[smem:$0x3FC7] =	sst s2  }
0x8f: {  	_ = 	snop  }
0x90: {  	s2 =	sld [smem:$0x3FD0];
	(tm) =	ssettm $0x1  }
0x91: {  	s18 =	sld [smem:$0x3FFB];
	_ =	sdelay $0x3  }
0x92: {  	_ =	strace s18  }
0x93: {  	s3 =	sld [smem:$0x3FFC];
	_ =	sdelay $0x3  }
0x94: {  	_ =	strace s3  }
0x95: {  	s3 =	sld [smem:$0x3FFD];
	_ =	sdelay $0x3  }
0x96: {  	_ =	strace s3  }
0x97: {  	_ =	strace $0x8FFFFFFF  }
0x98: {  	s19 =	sld [smem:$0x3FDB];
	_ =	sdelay $0x1  }
0x99: {  	s4 =	simm.s32 $_scs_section_size  }
0x9a: {  	s5 =	simm.s32 $_size__tile_overlayer_lowered;
	s6 =	simm.s32 $_tile_overlayer_lowered  }
0x9b: {  	s22 =	simm.s32 $0x1BFF;
	s21 =	sshll.u32 s6, $0x1;
	s3 =	sadd.s32 s4, s19  }
0x9c: {  	s7 =	simm.s32 $0x0;
	s20 =	sshll.u32 s5, $0x1;
	s5 =	sadd.s32 s21, s3  }
0x9d: {  	[timem:s7], [sflag:s22] =	dma.local [hbm:s5], s20  }
0x9e: {  	_ =	swait.ge [sflag:s22], s20  }
0x9f: {  	s4 =	ssub.s32 $0x0, s20;
	[sflag:s22] =	ssyncset.done $0x0  }
0xa0: {  	[sflag:s22] =	ssyncadd.s32 s4;
	_ =	sdelay $0x1  }
0xa1: {  	s23 =	simm.s32 $0x1B8B  }
0xa2: {  	_ =	swait.ge [sflag:s23], $0x1  }
0xa3: {  	[sflag:s23] =	ssyncset.done $0x0  }
0xa4: {  	s25 =	simm.s32 $0x1B8E;
	s24 =	sld [smem:$0x3FFE];
	[sflag:s23] =	ssyncadd.s32 $0xFFFFFFFF  }
0xa5: {  	s26 =	simm.s32 $execute0_lowered;
	[smem:$0x3FD2] =	sst s25  }
0xa6: {  	s5 =	sshll.u32 s26, $0x1;
	_ =	strace $0x80000046;
	[dreg:$0x1] =	wrdreg $0xFFFFFFFF  }
0xa7: {  	s28 =	simm.s32 $_size_execute0_lowered;
	s3 =	sadd.s32 s3, s5;
	[dreg:$0x0] =	wrdreg $0x0  }
0xa8: {  	s5 =	sshll.u32 s28, $0x1;
	[dreg:$0x2] =	wrdreg s3  }
0xa9: {  	[dreg:$0x3] =	wrdreg s5  }
0xaa: {  	[dreg:$0x4] =	wrdreg $0xC0  }
0xab: {  	_ =	task [dreg:s7], $0x5FFFF  }
0xac: {  	[dreg:$0x1] =	wrdreg $0xFFFFFFFF  }
0xad: {  	[dreg:$0x0] =	wrdreg $0x60  }
0xae: {  	[dreg:$0x2] =	wrdreg s24  }
0xaf: {  	[dreg:$0x3] =	wrdreg s2  }
0xb0: {  	[dreg:$0x4] =	wrdreg $0x9  }
0xb1: {  	_ =	task.clear_ibuf [dreg:s7], $0x5FFFF;
	_ =	strace $0x90000046  }
0xb2: {  	s29 =	simm.s32 $0x9;
	_ =	strace $0x80000048  }
0xb3: {  	_ =	swait.ge [sflag:s29], $0x1  }
0xb4: {  	[sflag:s29] =	ssyncadd.s32 $0xFFFFFFFF  }
0xb5: {  	_ =	strace $0x90000048  }
0xb6: {  	_ =	sfence  }
0xb7: {  	s30 =	sld [smem:$0x0];
	_ =	sdelay $0x2  }
0xb8: {  	s31 =	sshll.u32 s1, $0xD;
	s1 =	sshrl.u32 s1, $0x2  }
0xb9: {  	s3 =	sand.u32 $0x4000, s31;
	s1 =	sadd.s32 s1, s30  }
0xba: {  	s0 =	sor.u32 s3, s0;
	s1 =	sshll.u32 s1, $0x11  }
0xbb: {  	s0 =	sor.u32 s1, s0  }
0xbc: {  	s0 =	sadd.s32 $0x8F2B, s0  }
0xbd: {  	[sflag:s0] =	ssyncadd.remote.s32 $0x1  }
0xbe: {  	_ =	sfence.sel $0xFFFF  }
0xbf: {  	[dreg:$0x0] =	wrdreg $0xFFFFFFFF;
	(pc) =	sbr.abs _section_cstart, $3  }
0xc0: {  	[dreg:$0x1] =	wrdreg $0xFFFFFFFF  }
0xc1: {  	_ =	task.clear_ibuf [dreg:s7], $0x2FFFF;
	_ =	strace $0x9FFFFFFF  }
0xc2: {  	(tm) =	ssettm $0x7FFFFFFF  }
0xc3: {  	_ =	shalt  }
tec
execute0_lowered:
.L_overlay_start_1:
0x0: {  	(tag) =	ssettag $0x1  }
0x1: {  	s8 =	rddreg [dreg:$0x0];
	s0 =	stileid.u32  }
0x2: {  	s1 =	srdreg.scid;
	s2 =	rddreg [dreg:$0x1]  }
0x3: {  	s5 =	simm.s32 $0x1;
	s9 =	simm.s32 $0x1;
	s10 =	simm.s32 $0x3  }
0x4: {  	s13 =	simm.s32 $0x0;
	s3 =	sand.u32 $0x1, s1;
	s4 =	sshll.u32 s0, $0x1  }
0x5: {  	s12 =	simm.s32 $0x0;
	s1 =	rddreg [dreg:$0x2];
	s6 =	sor.u32 s4, s3  }
0x6: {  	_ =	strace $0x80000047;
	s3 =	sadd.s32 $0xC800, s8;
	s4 =	smul.u32 $0x50, s6  }
0x7: {  	[sflag:s5] =	ssyncpa.u1 $0x0;
	p0 =	slt.u32 s6, $0x13;
	s6 =	simm.s32 $0xA00  }
.Ltmp0:
0x8: {  	s6 =	simm.s32 @!p0 $0x0;
	s7 =	ssub.s32 $0xFA0, s4;
	(pc) =	sbr.rel .LBB2_1-.Ltmp0, $4  }
0x9: {  	s9 =	simm.s32 @!p0 $0x0;
	p0 =	sne.s32 s7, s6;
	s7 =	simm.s32 $0x1  }
0xa: {  	s8 =	sadd.s32 $0xD200, s8;
	s6 =	simm.s32 $0x2;
	s7 =	simm.s32 @!p0 $0x0  }
0xb: {  	s11 =	smov.u32 s4;
	[sflag:s6] =	ssyncpa.u1 $0x0;
	s7 =	sadd.s32 s9, s7  }
0xc: {  	vm0 =	vmmov $0xffff;
	[sflag:s10] =	ssyncpa.u1 $0x0;
	s10 =	simm.s32 $0x0;
	s9 =	sadd.s32 $0x1, s7  }
.LBB2_4:
0xd: {  	vm1 =	veq.s32 v4, $0x80000000;
	v56 =	vand.u32 $0x3, v4;
	v6 =	vand.u32 $0x1FFF, v6  }
0xe: {  	v2 =	vor.u32 v2, v5;
	v59 =	vshrl.u32 v1, $0x2;
	v60 =	vand.u32 $0x3, v1  }
0xf: {  	v4 =	vsel vm1, $0xFFFFFFFF, v56;
	v6 =	vsel vm1, $0xFFFFFFFF, v6;
	v2 =	vor.u32 v3, v2  }
0x10: {  	vm1 =	veq.s32 v1, $0x80000000;
	v5 =	vand.u32 $0x1FFF, v59;
	v7 =	vshrl.u32 v4, $0x2  }
0x11: {  	v57 =	vshll.u32 v6, $0x2;
	v4 =	vshll.u32 v4, $0x7;
	v1 =	vsel vm1, $0xFFFFFFFF, v60  }
0x12: {  	v5 =	vsel vm1, $0xFFFFFFFF, v5;
	v6 =	vand.u32 $0x7F, v6;
	v7 =	vmul.u32 $0x5000, v7  }
0x13: {  	v58 =	vand.u32 $0xFFFFFE00, v57;
	v4 =	vand.u32 $0x180, v4;
	v61 =	vshrl.u32 v1, $0x2  }
0x14: {  	v62 =	vshll.u32 v5, $0x2;
	v3 =	vadd.s32 v7, v58;
	v7 =	vmul.u32 $0x5000, v61  }
0x15: {  	v1 =	vshll.u32 v1, $0x7;
	v3 =	vor.u32 v4, v3;
	v4 =	vand.u32 $0xFFFFFE00, v62  }
0x16: {  	v1 =	vand.u32 $0x180, v1;
	v3 =	vor.u32 v6, v3;
	v4 =	vadd.s32 v7, v4  }
0x17: {  	[tilespmem:s16], [sflag:$0x1] =	stream.indirect_vreg.gather [hbm4b:s3+s10], $0x1, v0, vm0, $0x4038;
	v63 =	vand.u32 $0x7F, v5;
	v1 =	vor.u32 v1, v4;
	[tilespmem:$0x140] =	vst v63  }
0x18: {  	s15 =	sadd.s32 $0x10, s15;
	(ifvalue) =	ssetifvalue $0x7FFFFFFF;
	v0 =	vor.u32 v63, v1  }
0x19: {  	[tilespmem:s15], [sflag:$0x1] =	stream.indirect_vreg.gather [hbm4b:s3+s10], $0x1, v2, vm0, $0x4038;
	[tilespmem:$0x140] =	vst v63  }
0x1a: {  	s15 =	sadd.s32 $0x10, s15;
	(ifvalue) =	ssetifvalue $0x7FFFFFFF  }
0x1b: {  	[tilespmem:s15], [sflag:$0x1] =	stream.indirect_vreg.gather [hbm4b:s3+s10], $0x1, v3, vm0, $0x4038;
	[tilespmem:$0x140] =	vst v63  }
0x1c: {  	s15 =	sadd.s32 $0x10, s15;
	(ifvalue) =	ssetifvalue $0x7FFFFFFF  }
0x1d: {  	[tilespmem:s15], [sflag:$0x1] =	stream.indirect_vreg.gather [hbm4b:s3+s10], $0x1, v0, vm0, $0x4038;
	[tilespmem:$0x140] =	vst v63  }
0x1e: {  	_ =	swait.ge [sflag:s5], $0x50  }
0x1f: {  	s30 =	sshrl.u32 s13, $0x3;
	[sflag:s5] =	ssyncset.done $0x0  }
0x20: {  	s31 =	sand.u32 $0x7, s13;
	s15 =	sadd.s32 s8, s30;
	[sflag:s5] =	ssyncadd.s32 $0xFFFFFFB0  }
0x21: {  	[hbm4b:s15+s31] =	stream.linear.scatter [tilespmem:s14], [sflag:$0x3], $0x50, $0x38;
	[tilespmem:$0x140] =	vst v63  }
.LBB2_5:
0x22: {  	s15 =	sadd.s32 $0xA00, s11  }
0x23: {  	p1 =	sgt.s32 s15, $0xF9F  }
0x24: {  	s15 =	smov.u32 @p1 s4;
	p1 =	sne.s32 s12, s9  }
.Ltmp1:
0x25: {  	p0 =	slt.u32 s12, $0x2;
	(pc) =	sbr.rel @!p1 .LBB2_6-.Ltmp1, $4  }
0x26: {  	s14 =	simm.s32 @!p0 $0x3  }
0x27: {  	_ =	swait.ge @!p0 [sflag:s14], $0x50  }
0x28: {  	s16 =	sadd.s32 $0x1, s12;
	s13 =	smov.u32 s11;
	[sflag:s14] =	ssyncset.done @!p0 $0x0  }
0x29: {  	s12 =	smov.u32 s16;
	s11 =	smov.u32 s15;
	[sflag:s14] =	ssyncadd.s32 @!p0 $0xFFFFFFB0  }
.LBB2_1:
0x2a: {  	p0 =	sge.u32 s12, s7  }
0x2b: {  	s14 =	sxor.u32 @!p0 $0x1, s12  }
0x2c: {  	s14 =	smul.u32 @!p0 $0x140, s14  }
0x2d: {  	s31 =	sadd.s32 $0xFFFFFFFF, s12;
	s15 =	sshrl.u32 @!p0 s11, $0x3  }
0x2e: {  	s16 =	sand.u32 @!p0 $0x7, s11;
	s15 =	sadd.s32 @!p0 s2, s15;
	s14 =	sshra.s32 @!p0 s14, $0x2  }
0x2f: {  	[tilespmem:s14], [sflag:$0x2] =	stream.linear.gather @!p0 [hbm4b:s15+s16], $0x50, $0x38;
	[tilespmem:$0x140] =	vst v63  }
0x30: {  	p0 =	sge.u32 s31, s7  }
.Ltmp2:
0x31: {  	_ = 	snop;
	(pc) =	sbr.rel @p0 .LBB2_5-.Ltmp2, $1  }
0x32: {  	_ =	sdelay $0x3  }
0x33: {  	s14 =	sand.u32 $0x1, s12  }
0x34: {  	_ =	swait.ge [sflag:s6], $0x50;
	p0 =	seq.s32 s14, $0x1;
	s14 =	simm.s32 $0x50  }
0x35: {  	[sflag:s6] =	ssyncset.done $0x0;
	s14 =	simm.s32 @!p0 $0x0  }
0x36: {  	[sflag:s6] =	ssyncadd.s32 $0xFFFFFFB0;
	(ifvalue) =	ssetifvalue $0x7FFFFFFF;
	v0 =	vld.msk [tilespmem:s14+$0x0 ss:$0x1], $0xffff  }
0x37: {  	s15 =	sadd.s32 $0x10, s14  }
0x38: {  	v1 =	vld.msk [tilespmem:s15+$0x0 ss:$0x1], $0xffff;
	_ =	sdelay $0x2  }
0x39: {  	v2 =	vshrl.u32 v0, $0x2  }
0x3a: {  	vm1 =	veq.s32 v0, $0x80000000;
	v0 =	vand.u32 $0x3, v0;
	v2 =	vand.u32 $0x1FFF, v2  }
0x3b: {  	v0 =	vsel vm1, $0xFFFFFFFF, v0;
	v6 =	vshrl.u32 v1, $0x2;
	v2 =	vsel vm1, $0xFFFFFFFF, v2  }
0x3c: {  	v3 =	vshrl.u32 v0, $0x2;
	v0 =	vshll.u32 v0, $0x7;
	vm1 =	veq.s32 v1, $0x80000000  }
0x3d: {  	s15 =	sadd.s32 $0x10, s15;
	v1 =	vand.u32 $0x3, v1;
	v4 =	vshll.u32 v2, $0x2;
	v3 =	vmul.u32 $0x5000, v3  }
0x3e: {  	v0 =	vand.u32 $0x180, v0;
	v7 =	vand.u32 $0x7F, v2;
	v5 =	vand.u32 $0xFFFFFE00, v4;
	v4 =	vld.msk [tilespmem:s15+$0x0 ss:$0x1], $0xffff  }
0x3f: {  	v1 =	vsel vm1, $0xFFFFFFFF, v1;
	v2 =	vadd.s32 v3, v5;
	v3 =	vand.u32 $0x1FFF, v6  }
0x40: {  	v3 =	vsel vm1, $0xFFFFFFFF, v3;
	v0 =	vor.u32 v0, v2;
	v2 =	vshrl.u32 v1, $0x2  }
0x41: {  	v1 =	vshll.u32 v1, $0x7;
	v5 =	vshll.u32 v3, $0x2;
	v8 =	vmul.u32 $0x5000, v2  }
0x42: {  	s18 =	simm.s32 $0x30;
	s14 =	sor.u32 $0xA0, s14;
	s17 =	sadd.s32 $0x10, s15;
	v2 =	vand.u32 $0x180, v1;
	v0 =	vor.u32 v7, v0;
	v5 =	vand.u32 $0xFFFFFE00, v5  }
0x43: {  	s16 =	smov.u32 s14;
	s15 =	smov.u32 s14;
	v1 =	vld.msk [tilespmem:s17+$0x0 ss:$0x1], $0xffff;
	v3 =	vand.u32 $0x7F, v3;
	(ifvalue) =	ssetifvalue $0x7FFFFFFF;
	v6 =	vshrl.u32 v4, $0x2;
	v5 =	vadd.s32 v8, v5  }
.LBB2_3:
0x44: {  	s18 =	sadd.s32 $0x10, s18  }
0x45: {  	vm1 =	veq.s32 v4, $0x80000000;
	v4 =	vand.u32 $0x3, v4;
	v6 =	vand.u32 $0x1FFF, v6;
	s15 =	sadd.s32 $0x10, s15;
	p0 =	slt.u32 s18, $0x40  }
.Ltmp3:
0x46: {  	v5 =	vor.u32 v2, v5;
	v4 =	vsel vm1, $0xFFFFFFFF, v4;
	v7 =	vsel vm1, $0xFFFFFFFF, v6;
	(pc) =	sbr.rel @p0 .LBB2_3-.Ltmp3, $4  }
0x47: {  	v2 =	vshrl.u32 v4, $0x2;
	v6 =	vshll.u32 v7, $0x2;
	v4 =	vshll.u32 v4, $0x7;
	[tilespmem:s16], [sflag:$0x1] =	stream.indirect_vreg.gather [hbm4b:s3+s10], $0x1, v0, vm0, $0x4038;
	[tilespmem:$0x140] =	vst v63  }
0x48: {  	v0 =	vor.u32 v3, v5;
	s16 =	smov.u32 s15;
	v8 =	vmul.u32 $0x5000, v2;
	v2 =	vand.u32 $0x180, v4  }
0x49: {  	s17 =	sadd.s32 $0x10, s17;
	v9 =	vand.u32 $0xFFFFFE00, v6  }
0x4a: {  	v3 =	vand.u32 $0x7F, v7;
	v6 =	vshrl.u32 v1, $0x2;
	v5 =	vadd.s32 v8, v9;
	(ifvalue) =	ssetifvalue $0x7FFFFFFF;
	v4 =	vmovc v1;
	v1 =	vld.msk [tilespmem:s17+$0x0 ss:$0x1], $0xffff  }
.Ltmp4:
0x4b: {  	_ = 	snop;
	(pc) =	sbr.rel .LBB2_4-.Ltmp4, $1  }
0x4c: {  	_ =	sdelay $0x3  }
.LBB2_6:
0x4d: {  	_ =	sfence.sel $0x180000  }
0x4e: {  	s2 =	simm.s32 $0x2;
	[bflag:$0x0] =	sbarrier.arrive $0xFFFF  }
0x4f: {  	s30 =	simm.s32 $0x3;
	[sflag:s2] =	ssyncpa.u1 $0x1  }
0x50: {  	s31 =	simm.s32 $0x1;
	[sflag:s30] =	ssyncpa.u1 $0x1  }
0x51: {  	[sflag:s31] =	ssyncpa.u1 $0x1  }
0x52: {  	p0 =	sne.s32 s0, $0x0;
	_ =	strace $0x90000047  }
0x53: {  	s0 =	sadd.s32 @!p0 $0x100000, s1;
	[bflag:$0x2] =	sbarrier.arrive $0xFFFF  }
0x54: {  	[sflag:s0] =	ssyncadd.tile.s32 @!p0 $0x1;
	_ =	shalt  }
.Lfunc_end2:
_tile_overlayer_lowered:
.L_overlay_start_2:
0x55: {  	(tag) =	ssettag $0x2  }
0x56: {  	s0 =	rddreg [dreg:$0x0];
	s2 =	stileid.u32  }
0x57: {  	s1 =	rddreg [dreg:$0x1];
	p0 =	sne.s32 s2, $0x0  }
0x58: {  	s3 =	rddreg [dreg:$0x2];
	[bflag:$0x3] =	sbarrier.arrive $0xFFFF;
	s2 =	simm.s32 @!p0 $0x1C01  }
0x59: {  	[timem:s3], [sflag:s2] =	dma.local @!p0 [hbm:s0], s1  }
0x5a: {  	s0 =	simm.s32 @!p0 $0x1  }
0x5b: {  	_ =	swait.ge @!p0 [sflag:s0], s1  }
0x5c: {  	s1 =	ssub.s32 @!p0 $0x0, s1;
	[sflag:s0] =	ssyncset.done @!p0 $0x0  }
0x5d: {  	[sflag:s0] =	ssyncadd.s32 @!p0 s1  }
0x5e: {  	[bflag:$0x3] =	sbarrier.arrive $0xFFFF  }
0x5f: {  	_ =	shalt  }

</sc_bundles>
